<compile_context>
chip_gen: v7x
topology: tpu7x:2x2x1
jax: 0.10.2.dev20260603
libtpu: 0.0.44.dev20260713+nightly
codegen_flags: <defaults>
</compile_context>

<pallas_src>
import functools

import jax
import jax.numpy as jnp
from jax import lax
from jax.experimental import pallas as pl
from jax.experimental.pallas import tpu as pltpu
from jax.experimental.pallas import tpu_sc as plsc

B, L, D = 16384, 200, 128
NC, NS = 2, 16
NW = NC * NS
RPW = B // NW
XBLK = 64
ROW_W = D * L
NDCH = D // 16


N_LG = 13


def _compute_row(xbuf, xoff, w0v, dwv, obuf, obase):
    w0s = tuple(w0v[pl.ds(k * 16, 16)] for k in range(NDCH))
    dws = tuple(dwv[pl.ds(k * 16, 16)] for k in range(NDCH))

    @plsc.parallel_loop(0, N_LG, step=1, unroll=4, carry=(w0s, dws))
    def gbody(lg, c):
        w0c, dwc = c
        lstart = jnp.minimum(lg * 16, L - 16)
        xc = xbuf[pl.ds(xoff + lstart, 16)].astype(jnp.float32)
        ob = obase + lstart * D
        for j in range(16):
            xf = jnp.full((16,), xc[j], jnp.float32)
            o = ob + j * D
            for k in range(NDCH):
                obuf[pl.ds(o + k * 16, 16)] = w0c[k] + dwc[k] * xf
        return c


NSLOT = 2
RPS = 1
RPI = NSLOT * RPS
QUADS_PER_XBLK = XBLK // RPI
assert RPW % RPI == 0 and XBLK % RPI == 0 and RPW % XBLK == 0


NXB = RPW // XBLK


def _sc_body(x_hbm, w0_hbm, dw_hbm, out_hbm, xbuf, obuf, w0v, dwv,
             xsem0, xsem1, *sems):
    wid = lax.axis_index("s") * NC + lax.axis_index("c")
    base_row = wid * RPW
    pltpu.sync_copy(w0_hbm, w0v)
    pltpu.sync_copy(dw_hbm, dwv)
    xsems = (xsem0, xsem1)

    def _x_dma(blk, slot):
        return pltpu.make_async_copy(
            x_hbm.at[pl.ds((base_row + blk * XBLK) * L, XBLK * L)],
            xbuf.at[pl.ds(slot * XBLK * L, XBLK * L)], xsems[slot])

    _x_dma(0, 0).start()

    def quad_body(q, _):
        row0 = base_row + RPI * q
        blk = q // QUADS_PER_XBLK
        xslot = blk % 2

        @pl.when(q % QUADS_PER_XBLK == 0)
        def _stage_x():
            for s in (0, 1):
                @pl.when((blk + 1 < NXB) & (xslot == 1 - s))
                def _refill(s=s):
                    _x_dma(blk + 1, s).start()

                @pl.when(xslot == s)
                def _wait_x(s=s):
                    _x_dma(blk, s).wait()

        xoff0 = (xslot * XBLK + (q % QUADS_PER_XBLK) * RPI) * L
        for s in range(NSLOT):
            @pl.when(q >= 1)
            def _wait(s=s):
                pltpu.make_async_copy(
                    obuf.at[pl.ds(s * RPS * ROW_W, RPS * ROW_W)],
                    out_hbm.at[pl.ds((row0 + s * RPS - RPI) * ROW_W,
                                     RPS * ROW_W)],
                    sems[s]).wait()

            for r in range(RPS):
                _compute_row(xbuf, xoff0 + (s * RPS + r) * L, w0v, dwv,
                             obuf, (s * RPS + r) * ROW_W)
            pltpu.make_async_copy(
                obuf.at[pl.ds(s * RPS * ROW_W, RPS * ROW_W)],
                out_hbm.at[pl.ds((row0 + s * RPS) * ROW_W, RPS * ROW_W)],
                sems[s]).start()
        return 0

    lax.fori_loop(0, RPW // RPI, quad_body, 0)
    last = base_row + RPW
    for s in range(NSLOT):
        pltpu.make_async_copy(
            obuf.at[pl.ds(s * RPS * ROW_W, RPS * ROW_W)],
            out_hbm.at[pl.ds((last + s * RPS - RPI) * ROW_W, RPS * ROW_W)],
            sems[s]).wait()


_sc_call = functools.partial(
    pl.kernel,
    out_type=jax.ShapeDtypeStruct((B * ROW_W,), jnp.float32),
    mesh=plsc.VectorSubcoreMesh(core_axis_name="c", subcore_axis_name="s"),
    scratch_types=[
        pltpu.VMEM((2 * XBLK * L,), jnp.int32),
        pltpu.VMEM((NSLOT * RPS * ROW_W,), jnp.float32),
        pltpu.VMEM((D,), jnp.float32),
        pltpu.VMEM((D,), jnp.float32),
    ] + [pltpu.SemaphoreType.DMA] * (2 + NSLOT),
)(_sc_body)


def kernel(x, embedding_weight):
    x = x.astype(jnp.int32).reshape(-1)
    w0 = embedding_weight[0]
    dw = embedding_weight[1] - embedding_weight[0]
    out = _sc_call(x, w0, dw)
    return jnp.transpose(out.reshape(B, L, D), (0, 2, 1))

# --- scband reference (transcript-rebuilt; emitter-appended) ---
"""Pipeline reference for scband-parity-backbone-45698452029876 (READ-ONLY COPY).

The authoritative reference and input builder live on the scoring server;
editing this copy changes nothing except your own understanding.
"""

import jax, jax.numpy as jnp
import numpy as np


def setup_inputs(seed: int = 0) -> dict:
    key = jax.random.key(seed)
    k1, k2 = jax.random.split(key)
    # x takes values in {0, 1}; module semantics: (x == 1) -> index 1 else 0
    x = jax.random.randint(k1, (16384, 200), 0, 2).astype(jnp.int64)
    embedding_weight = jax.random.normal(k2, (2, 128), dtype=jnp.float32)
    return {"x": x, "embedding_weight": embedding_weight}


def reference(x, embedding_weight):
    # ParityBackbone.forward: maps -1 (negative parity) to 0 and 1 (positive) to 1
    idx = (x == 1).astype(jnp.int32)
    out = jnp.take(embedding_weight, idx, axis=0)  # [B, L, d_embedding]
    return jnp.transpose(out, (0, 2, 1))  # [B, d_embedding, L]

if __name__ == "__main__":
    import jax
    _d = setup_inputs()
    print(jax.jit(kernel)(*tuple(_d.values())))

</pallas_src>

<mosaic_0001>
#map = affine_map<(d0, d1) -> (0)>
module attributes {stable_mosaic.version = 14 : i64} {
  func.func @_sc_body(%arg0: i32, %arg1: i32, %arg2: memref<3276800xi32, #tpu.memory_space<hbm>>, %arg3: memref<128xf32, #tpu.memory_space<hbm>>, %arg4: memref<128xf32, #tpu.memory_space<hbm>>, %arg5: memref<419430400xf32, #tpu.memory_space<hbm>>, %arg6: memref<25600xi32, #tpu.memory_space<vmem>>, %arg7: memref<51200xf32, #tpu.memory_space<vmem>>, %arg8: memref<128xf32, #tpu.memory_space<vmem>>, %arg9: memref<128xf32, #tpu.memory_space<vmem>>, %arg10: memref<!tpu.dma_semaphore, #tpu.memory_space<semaphore_mem>>, %arg11: memref<!tpu.dma_semaphore, #tpu.memory_space<semaphore_mem>>, %arg12: memref<!tpu.dma_semaphore, #tpu.memory_space<semaphore_mem>>, %arg13: memref<!tpu.dma_semaphore, #tpu.memory_space<semaphore_mem>>) attributes {dimension_semantics = [#tpu.dimension_semantics<core_parallel>, #tpu.dimension_semantics<subcore_parallel>], iteration_bounds = array<i64: 2, 16>, scalar_prefetch = 0 : i64, scratch_operands = 8 : i64, tpu.core_type = #tpu.core_type<sc_vector_subcore>, window_params = [{transform_indices = #map}, {transform_indices = #map}, {transform_indices = #map}, {transform_indices = #map}]} {
    %mul3A = arith.constant 2 : i32
    %mul3A_0 = arith.muli %arg1, %mul3A : i32
    %add3A = arith.addi %mul3A_0, %arg0 : i32
    %mul3A_1 = arith.constant 512 : i32
    %mul3A_2 = arith.muli %add3A, %mul3A_1 : i32
    "tpu.region"() ({
      %run_scoped3A = tpu.sem_alloc : memref<!tpu.dma_semaphore, #tpu.memory_space<semaphore_mem>>
      tpu.enqueue_dma source(%arg3 : memref<128xf32, #tpu.memory_space<hbm>>) target(%arg8 : memref<128xf32, #tpu.memory_space<vmem>>) target_semaphore(%run_scoped3A : memref<!tpu.dma_semaphore, #tpu.memory_space<semaphore_mem>>)
      tpu.wait_dma2 semaphore(%run_scoped3A : memref<!tpu.dma_semaphore, #tpu.memory_space<semaphore_mem>>) src(%arg3 : memref<128xf32, #tpu.memory_space<hbm>>) dst(%arg8 : memref<128xf32, #tpu.memory_space<vmem>>)
      tpu.yield
    }) : () -> ()
    "tpu.region"() ({
      %run_scoped3A = tpu.sem_alloc : memref<!tpu.dma_semaphore, #tpu.memory_space<semaphore_mem>>
      tpu.enqueue_dma source(%arg4 : memref<128xf32, #tpu.memory_space<hbm>>) target(%arg9 : memref<128xf32, #tpu.memory_space<vmem>>) target_semaphore(%run_scoped3A : memref<!tpu.dma_semaphore, #tpu.memory_space<semaphore_mem>>)
      tpu.wait_dma2 semaphore(%run_scoped3A : memref<!tpu.dma_semaphore, #tpu.memory_space<semaphore_mem>>) src(%arg4 : memref<128xf32, #tpu.memory_space<hbm>>) dst(%arg9 : memref<128xf32, #tpu.memory_space<vmem>>)
      tpu.yield
    }) : () -> ()
    %add3A_3 = arith.constant 0 : i32
    %add3A_4 = arith.addi %mul3A_2, %add3A_3 : i32
    %mul3A_5 = arith.constant 200 : i32
    %mul3A_6 = arith.muli %add3A_4, %mul3A_5 : i32
    %dma_start3A = arith.constant 0 : i32
    %dma_start3A_7 = tpu.memref_slice %arg6[%dma_start3A] : memref<25600xi32, #tpu.memory_space<vmem>> -> memref<12800xi32, #tpu.memory_space<vmem>>
    %dma_start3A_8 = tpu.memref_slice %arg2[%mul3A_6] : memref<3276800xi32, #tpu.memory_space<hbm>> -> memref<12800xi32, #tpu.memory_space<hbm>>
    %dma_start3A_9 = arith.constant 0 : i32
    %dma_start3A_10 = tpu.memref_slice %arg6[%dma_start3A_9] : memref<25600xi32, #tpu.memory_space<vmem>> -> memref<12800xi32, #tpu.memory_space<vmem>>
    %dma_start3A_11 = tpu.memref_slice %arg2[%mul3A_6] : memref<3276800xi32, #tpu.memory_space<hbm>> -> memref<12800xi32, #tpu.memory_space<hbm>>
    tpu.enqueue_dma source(%dma_start3A_11 : memref<12800xi32, #tpu.memory_space<hbm>>) target(%dma_start3A_10 : memref<12800xi32, #tpu.memory_space<vmem>>) target_semaphore(%arg10 : memref<!tpu.dma_semaphore, #tpu.memory_space<semaphore_mem>>)
    %scan3A = arith.constant 0 : i32
    %scan3A_12 = arith.constant 0 : i32
    %scan3A_13 = arith.constant 256 : i32
    %scan3A_14 = arith.addi %scan3A_12, %scan3A_13 : i32
    %scan3A_15 = arith.constant 1 : i32
    %scan3A_16 = scf.for %scan3A_42 = %scan3A_12 to %scan3A_14 step %scan3A_15 iter_args(%scan3A_43 = %scan3A) -> (i32)  : i32 {
      %mul3A_44 = arith.constant 2 : i32
      %mul3A_45 = arith.muli %mul3A_44, %scan3A_42 : i32
      %add3A_46 = arith.addi %mul3A_2, %mul3A_45 : i32
      %jit3A = arith.constant 32 : i32
      %div3A = arith.divsi %scan3A_42, %jit3A : i32
      %sign3A = arith.constant 0 : i32
      %sign3A_47 = arith.cmpi sgt, %scan3A_42, %sign3A : i32
      %sign3A_48 = arith.extui %sign3A_47 : i1 to i32
      %sign3A_49 = arith.constant 0 : i32
      %sign3A_50 = arith.cmpi slt, %scan3A_42, %sign3A_49 : i32
      %sign3A_51 = arith.extui %sign3A_50 : i1 to i32
      %sign3A_52 = arith.subi %sign3A_48, %sign3A_51 : i32
      %sign3A_53 = arith.constant 0 : i32
      %sign3A_54 = arith.cmpi sgt, %jit3A, %sign3A_53 : i32
      %sign3A_55 = arith.extui %sign3A_54 : i1 to i32
      %sign3A_56 = arith.constant 0 : i32
      %sign3A_57 = arith.cmpi slt, %jit3A, %sign3A_56 : i32
      %sign3A_58 = arith.extui %sign3A_57 : i1 to i32
      %sign3A_59 = arith.subi %sign3A_55, %sign3A_58 : i32
      %ne3A = arith.cmpi ne, %sign3A_52, %sign3A_59 : i32
      %rem3A = arith.remsi %scan3A_42, %jit3A : i32
      %ne3A_60 = arith.constant 0 : i32
      %ne3A_61 = arith.cmpi ne, %rem3A, %ne3A_60 : i32
      %and3A = arith.andi %ne3A, %ne3A_61 : i1
      %sub3A_62 = arith.constant 1 : i32
      %sub3A_63 = arith.subi %div3A, %sub3A_62 : i32
      %select_n3A = arith.select %and3A, %sub3A_63, %div3A : i32
      %jit3A_64 = arith.constant 2 : i32
      %eq3A = arith.constant 0 : i32
      %eq3A_65 = arith.cmpi eq, %jit3A_64, %eq3A : i32
      %jit3A_66 = arith.constant 1 : i32
      %select_n3A_67 = arith.select %eq3A_65, %jit3A_66, %jit3A_64 : i32
      %rem3A_68 = arith.remsi %select_n3A, %select_n3A_67 : i32
      %ne3A_69 = arith.constant 0 : i32
      %ne3A_70 = arith.cmpi ne, %rem3A_68, %ne3A_69 : i32
      %lt3A = arith.constant 0 : i32
      %lt3A_71 = arith.cmpi slt, %rem3A_68, %lt3A : i32
      %lt3A_72 = arith.constant 0 : i32
      %lt3A_73 = arith.cmpi slt, %select_n3A_67, %lt3A_72 : i32
      %ne3A_74 = arith.xori %lt3A_71, %lt3A_73 : i1
      %and3A_75 = arith.andi %ne3A_74, %ne3A_70 : i1
      %add3A_76 = arith.addi %rem3A_68, %select_n3A_67 : i32
      %select_n3A_77 = arith.select %and3A_75, %add3A_76, %rem3A_68 : i32
      %jit3A_78 = arith.constant 32 : i32
      %eq3A_79 = arith.constant 0 : i32
      %eq3A_80 = arith.cmpi eq, %jit3A_78, %eq3A_79 : i32
      %jit3A_81 = arith.constant 1 : i32
      %select_n3A_82 = arith.select %eq3A_80, %jit3A_81, %jit3A_78 : i32
      %rem3A_83 = arith.remsi %scan3A_42, %select_n3A_82 : i32
      %ne3A_84 = arith.constant 0 : i32
      %ne3A_85 = arith.cmpi ne, %rem3A_83, %ne3A_84 : i32
      %lt3A_86 = arith.constant 0 : i32
      %lt3A_87 = arith.cmpi slt, %rem3A_83, %lt3A_86 : i32
      %lt3A_88 = arith.constant 0 : i32
      %lt3A_89 = arith.cmpi slt, %select_n3A_82, %lt3A_88 : i32
      %ne3A_90 = arith.xori %lt3A_87, %lt3A_89 : i1
      %and3A_91 = arith.andi %ne3A_90, %ne3A_85 : i1
      %add3A_92 = arith.addi %rem3A_83, %select_n3A_82 : i32
      %select_n3A_93 = arith.select %and3A_91, %add3A_92, %rem3A_83 : i32
      %eq3A_94 = arith.constant 0 : i32
      %eq3A_95 = arith.cmpi eq, %select_n3A_93, %eq3A_94 : i32
      %convert_element_type3A = arith.extui %eq3A_95 : i1 to i32
      %cond3A = arith.constant 0 : i32
      %cond3A_96 = arith.cmpi ne, %convert_element_type3A, %cond3A : i32
      scf.if %cond3A_96 {
        %add3A_256 = arith.constant 1 : i32
        %add3A_257 = arith.addi %select_n3A, %add3A_256 : i32
        %lt3A_258 = arith.constant 8 : i32
        %lt3A_259 = arith.cmpi slt, %add3A_257, %lt3A_258 : i32
        %eq3A_260 = arith.constant 1 : i32
        %eq3A_261 = arith.cmpi eq, %select_n3A_77, %eq3A_260 : i32
        %and3A_262 = arith.andi %lt3A_259, %eq3A_261 : i1
        %convert_element_type3A_263 = arith.extui %and3A_262 : i1 to i32
        %cond3A_264 = arith.constant 0 : i32
        %cond3A_265 = arith.cmpi ne, %convert_element_type3A_263, %cond3A_264 : i32
        scf.if %cond3A_265 {
          %add3A_286 = arith.constant 1 : i32
          %add3A_287 = arith.addi %select_n3A, %add3A_286 : i32
          %mul3A_288 = arith.constant 64 : i32
          %mul3A_289 = arith.muli %add3A_287, %mul3A_288 : i32
          %add3A_290 = arith.addi %mul3A_2, %mul3A_289 : i32
          %mul3A_291 = arith.constant 200 : i32
          %mul3A_292 = arith.muli %add3A_290, %mul3A_291 : i32
          %dma_start3A_293 = arith.constant 0 : i32
          %dma_start3A_294 = tpu.memref_slice %arg6[%dma_start3A_293] : memref<25600xi32, #tpu.memory_space<vmem>> -> memref<12800xi32, #tpu.memory_space<vmem>>
          %dma_start3A_295 = tpu.memref_slice %arg2[%mul3A_292] : memref<3276800xi32, #tpu.memory_space<hbm>> -> memref<12800xi32, #tpu.memory_space<hbm>>
          %dma_start3A_296 = arith.constant 0 : i32
          %dma_start3A_297 = tpu.memref_slice %arg6[%dma_start3A_296] : memref<25600xi32, #tpu.memory_space<vmem>> -> memref<12800xi32, #tpu.memory_space<vmem>>
          %dma_start3A_298 = tpu.memref_slice %arg2[%mul3A_292] : memref<3276800xi32, #tpu.memory_space<hbm>> -> memref<12800xi32, #tpu.memory_space<hbm>>
          tpu.enqueue_dma source(%dma_start3A_298 : memref<12800xi32, #tpu.memory_space<hbm>>) target(%dma_start3A_297 : memref<12800xi32, #tpu.memory_space<vmem>>) target_semaphore(%arg10 : memref<!tpu.dma_semaphore, #tpu.memory_space<semaphore_mem>>)
        } else {
        }
        %eq3A_266 = arith.constant 0 : i32
        %eq3A_267 = arith.cmpi eq, %select_n3A_77, %eq3A_266 : i32
        %convert_element_type3A_268 = arith.extui %eq3A_267 : i1 to i32
        %cond3A_269 = arith.constant 0 : i32
        %cond3A_270 = arith.cmpi ne, %convert_element_type3A_268, %cond3A_269 : i32
        scf.if %cond3A_270 {
          %mul3A_286 = arith.constant 64 : i32
          %mul3A_287 = arith.muli %select_n3A, %mul3A_286 : i32
          %add3A_288 = arith.addi %mul3A_2, %mul3A_287 : i32
          %mul3A_289 = arith.constant 200 : i32
          %mul3A_290 = arith.muli %add3A_288, %mul3A_289 : i32
          %dma_wait3A_291 = arith.constant 0 : i32
          %dma_wait3A_292 = tpu.memref_slice %arg6[%dma_wait3A_291] : memref<25600xi32, #tpu.memory_space<vmem>> -> memref<12800xi32, #tpu.memory_space<vmem>>
          %dma_wait3A_293 = tpu.memref_slice %arg2[%mul3A_290] : memref<3276800xi32, #tpu.memory_space<hbm>> -> memref<12800xi32, #tpu.memory_space<hbm>>
          %dma_wait3A_294 = arith.constant 0 : i32
          %dma_wait3A_295 = tpu.memref_slice %arg6[%dma_wait3A_294] : memref<25600xi32, #tpu.memory_space<vmem>> -> memref<12800xi32, #tpu.memory_space<vmem>>
          %dma_wait3A_296 = tpu.memref_slice %arg2[%mul3A_290] : memref<3276800xi32, #tpu.memory_space<hbm>> -> memref<12800xi32, #tpu.memory_space<hbm>>
          tpu.wait_dma2 semaphore(%arg10 : memref<!tpu.dma_semaphore, #tpu.memory_space<semaphore_mem>>) src(%dma_wait3A_296 : memref<12800xi32, #tpu.memory_space<hbm>>) dst(%dma_wait3A_295 : memref<12800xi32, #tpu.memory_space<vmem>>)
        } else {
        }
        %add3A_271 = arith.constant 1 : i32
        %add3A_272 = arith.addi %select_n3A, %add3A_271 : i32
        %lt3A_273 = arith.constant 8 : i32
        %lt3A_274 = arith.cmpi slt, %add3A_272, %lt3A_273 : i32
        %eq3A_275 = arith.constant 0 : i32
        %eq3A_276 = arith.cmpi eq, %select_n3A_77, %eq3A_275 : i32
        %and3A_277 = arith.andi %lt3A_274, %eq3A_276 : i1
        %convert_element_type3A_278 = arith.extui %and3A_277 : i1 to i32
        %cond3A_279 = arith.constant 0 : i32
        %cond3A_280 = arith.cmpi ne, %convert_element_type3A_278, %cond3A_279 : i32
        scf.if %cond3A_280 {
          %add3A_286 = arith.constant 1 : i32
          %add3A_287 = arith.addi %select_n3A, %add3A_286 : i32
          %mul3A_288 = arith.constant 64 : i32
          %mul3A_289 = arith.muli %add3A_287, %mul3A_288 : i32
          %add3A_290 = arith.addi %mul3A_2, %mul3A_289 : i32
          %mul3A_291 = arith.constant 200 : i32
          %mul3A_292 = arith.muli %add3A_290, %mul3A_291 : i32
          %dma_start3A_293 = arith.constant 12800 : i32
          %dma_start3A_294 = tpu.memref_slice %arg6[%dma_start3A_293] : memref<25600xi32, #tpu.memory_space<vmem>> -> memref<12800xi32, #tpu.memory_space<vmem>>
          %dma_start3A_295 = tpu.memref_slice %arg2[%mul3A_292] : memref<3276800xi32, #tpu.memory_space<hbm>> -> memref<12800xi32, #tpu.memory_space<hbm>>
          %dma_start3A_296 = arith.constant 12800 : i32
          %dma_start3A_297 = tpu.memref_slice %arg6[%dma_start3A_296] : memref<25600xi32, #tpu.memory_space<vmem>> -> memref<12800xi32, #tpu.memory_space<vmem>>
          %dma_start3A_298 = tpu.memref_slice %arg2[%mul3A_292] : memref<3276800xi32, #tpu.memory_space<hbm>> -> memref<12800xi32, #tpu.memory_space<hbm>>
          tpu.enqueue_dma source(%dma_start3A_298 : memref<12800xi32, #tpu.memory_space<hbm>>) target(%dma_start3A_297 : memref<12800xi32, #tpu.memory_space<vmem>>) target_semaphore(%arg11 : memref<!tpu.dma_semaphore, #tpu.memory_space<semaphore_mem>>)
        } else {
        }
        %eq3A_281 = arith.constant 1 : i32
        %eq3A_282 = arith.cmpi eq, %select_n3A_77, %eq3A_281 : i32
        %convert_element_type3A_283 = arith.extui %eq3A_282 : i1 to i32
        %cond3A_284 = arith.constant 0 : i32
        %cond3A_285 = arith.cmpi ne, %convert_element_type3A_283, %cond3A_284 : i32
        scf.if %cond3A_285 {
          %mul3A_286 = arith.constant 64 : i32
          %mul3A_287 = arith.muli %select_n3A, %mul3A_286 : i32
          %add3A_288 = arith.addi %mul3A_2, %mul3A_287 : i32
          %mul3A_289 = arith.constant 200 : i32
          %mul3A_290 = arith.muli %add3A_288, %mul3A_289 : i32
          %dma_wait3A_291 = arith.constant 12800 : i32
          %dma_wait3A_292 = tpu.memref_slice %arg6[%dma_wait3A_291] : memref<25600xi32, #tpu.memory_space<vmem>> -> memref<12800xi32, #tpu.memory_space<vmem>>
          %dma_wait3A_293 = tpu.memref_slice %arg2[%mul3A_290] : memref<3276800xi32, #tpu.memory_space<hbm>> -> memref<12800xi32, #tpu.memory_space<hbm>>
          %dma_wait3A_294 = arith.constant 12800 : i32
          %dma_wait3A_295 = tpu.memref_slice %arg6[%dma_wait3A_294] : memref<25600xi32, #tpu.memory_space<vmem>> -> memref<12800xi32, #tpu.memory_space<vmem>>
          %dma_wait3A_296 = tpu.memref_slice %arg2[%mul3A_290] : memref<3276800xi32, #tpu.memory_space<hbm>> -> memref<12800xi32, #tpu.memory_space<hbm>>
          tpu.wait_dma2 semaphore(%arg11 : memref<!tpu.dma_semaphore, #tpu.memory_space<semaphore_mem>>) src(%dma_wait3A_296 : memref<12800xi32, #tpu.memory_space<hbm>>) dst(%dma_wait3A_295 : memref<12800xi32, #tpu.memory_space<vmem>>)
        } else {
        }
      } else {
      }
      %mul3A_97 = arith.constant 64 : i32
      %mul3A_98 = arith.muli %select_n3A_77, %mul3A_97 : i32
      %jit3A_99 = arith.constant 32 : i32
      %eq3A_100 = arith.constant 0 : i32
      %eq3A_101 = arith.cmpi eq, %jit3A_99, %eq3A_100 : i32
      %jit3A_102 = arith.constant 1 : i32
      %select_n3A_103 = arith.select %eq3A_101, %jit3A_102, %jit3A_99 : i32
      %rem3A_104 = arith.remsi %scan3A_42, %select_n3A_103 : i32
      %ne3A_105 = arith.constant 0 : i32
      %ne3A_106 = arith.cmpi ne, %rem3A_104, %ne3A_105 : i32
      %lt3A_107 = arith.constant 0 : i32
      %lt3A_108 = arith.cmpi slt, %rem3A_104, %lt3A_107 : i32
      %lt3A_109 = arith.constant 0 : i32
      %lt3A_110 = arith.cmpi slt, %select_n3A_103, %lt3A_109 : i32
      %ne3A_111 = arith.xori %lt3A_108, %lt3A_110 : i1
      %and3A_112 = arith.andi %ne3A_111, %ne3A_106 : i1
      %add3A_113 = arith.addi %rem3A_104, %select_n3A_103 : i32
      %select_n3A_114 = arith.select %and3A_112, %add3A_113, %rem3A_104 : i32
      %mul3A_115 = arith.constant 2 : i32
      %mul3A_116 = arith.muli %select_n3A_114, %mul3A_115 : i32
      %add3A_117 = arith.addi %mul3A_98, %mul3A_116 : i32
      %mul3A_118 = arith.constant 200 : i32
      %mul3A_119 = arith.muli %add3A_117, %mul3A_118 : i32
      %ge3A = arith.constant 1 : i32
      %ge3A_120 = arith.cmpi sge, %scan3A_42, %ge3A : i32
      %convert_element_type3A_121 = arith.extui %ge3A_120 : i1 to i32
      %cond3A_122 = arith.constant 0 : i32
      %cond3A_123 = arith.cmpi ne, %convert_element_type3A_121, %cond3A_122 : i32
      scf.if %cond3A_123 {
        %add3A_256 = arith.constant 0 : i32
        %add3A_257 = arith.addi %add3A_46, %add3A_256 : i32
        %sub3A_258 = arith.constant 2 : i32
        %sub3A_259 = arith.subi %add3A_257, %sub3A_258 : i32
        %mul3A_260 = arith.constant 25600 : i32
        %mul3A_261 = arith.muli %sub3A_259, %mul3A_260 : i32
        %dma_wait3A_262 = arith.constant 0 : i32
        %dma_wait3A_263 = tpu.memref_slice %arg7[%dma_wait3A_262] : memref<51200xf32, #tpu.memory_space<vmem>> -> memref<25600xf32, #tpu.memory_space<vmem>>
        %dma_wait3A_264 = tpu.memref_slice %arg5[%mul3A_261] : memref<419430400xf32, #tpu.memory_space<hbm>> -> memref<25600xf32, #tpu.memory_space<hbm>>
        %dma_wait3A_265 = tpu.memref_slice %arg5[%mul3A_261] : memref<419430400xf32, #tpu.memory_space<hbm>> -> memref<25600xf32, #tpu.memory_space<hbm>>
        %dma_wait3A_266 = arith.constant 0 : i32
        %dma_wait3A_267 = tpu.memref_slice %arg7[%dma_wait3A_266] : memref<51200xf32, #tpu.memory_space<vmem>> -> memref<25600xf32, #tpu.memory_space<vmem>>
        tpu.wait_dma2 semaphore(%arg12 : memref<!tpu.dma_semaphore, #tpu.memory_space<semaphore_mem>>) src(%dma_wait3A_267 : memref<25600xf32, #tpu.memory_space<vmem>>) dst(%dma_wait3A_265 : memref<25600xf32, #tpu.memory_space<hbm>>)
      } else {
      }
      %add3A_124 = arith.constant 0 : i32
      %add3A_125 = arith.addi %mul3A_119, %add3A_124 : i32
      %get3A = arith.constant 0 : index
      %get3A_126 = tpu.vector_load %arg8[%get3A] {strides = array<i32>} : memref<128xf32, #tpu.memory_space<vmem>>, vector<16xf32>,
      %get3A_127 = vector.shape_cast %get3A_126 : vector<16xf32> to vector<16xf32>
      %get3A_128 = arith.constant 16 : index
      %get3A_129 = tpu.vector_load %arg8[%get3A_128] {strides = array<i32>} : memref<128xf32, #tpu.memory_space<vmem>>, vector<16xf32>,
      %get3A_130 = vector.shape_cast %get3A_129 : vector<16xf32> to vector<16xf32>
      %get3A_131 = arith.constant 32 : index
      %get3A_132 = tpu.vector_load %arg8[%get3A_131] {strides = array<i32>} : memref<128xf32, #tpu.memory_space<vmem>>, vector<16xf32>,
      %get3A_133 = vector.shape_cast %get3A_132 : vector<16xf32> to vector<16xf32>
      %get3A_134 = arith.constant 48 : index
      %get3A_135 = tpu.vector_load %arg8[%get3A_134] {strides = array<i32>} : memref<128xf32, #tpu.memory_space<vmem>>, vector<16xf32>,
      %get3A_136 = vector.shape_cast %get3A_135 : vector<16xf32> to vector<16xf32>
      %get3A_137 = arith.constant 64 : index
      %get3A_138 = tpu.vector_load %arg8[%get3A_137] {strides = array<i32>} : memref<128xf32, #tpu.memory_space<vmem>>, vector<16xf32>,
      %get3A_139 = vector.shape_cast %get3A_138 : vector<16xf32> to vector<16xf32>
      %get3A_140 = arith.constant 80 : index
      %get3A_141 = tpu.vector_load %arg8[%get3A_140] {strides = array<i32>} : memref<128xf32, #tpu.memory_space<vmem>>, vector<16xf32>,
      %get3A_142 = vector.shape_cast %get3A_141 : vector<16xf32> to vector<16xf32>
      %get3A_143 = arith.constant 96 : index
      %get3A_144 = tpu.vector_load %arg8[%get3A_143] {strides = array<i32>} : memref<128xf32, #tpu.memory_space<vmem>>, vector<16xf32>,
      %get3A_145 = vector.shape_cast %get3A_144 : vector<16xf32> to vector<16xf32>
      %get3A_146 = arith.constant 112 : index
      %get3A_147 = tpu.vector_load %arg8[%get3A_146] {strides = array<i32>} : memref<128xf32, #tpu.memory_space<vmem>>, vector<16xf32>,
      %get3A_148 = vector.shape_cast %get3A_147 : vector<16xf32> to vector<16xf32>
      %get3A_149 = arith.constant 0 : index
      %get3A_150 = tpu.vector_load %arg9[%get3A_149] {strides = array<i32>} : memref<128xf32, #tpu.memory_space<vmem>>, vector<16xf32>,
      %get3A_151 = vector.shape_cast %get3A_150 : vector<16xf32> to vector<16xf32>
      %get3A_152 = arith.constant 16 : index
      %get3A_153 = tpu.vector_load %arg9[%get3A_152] {strides = array<i32>} : memref<128xf32, #tpu.memory_space<vmem>>, vector<16xf32>,
      %get3A_154 = vector.shape_cast %get3A_153 : vector<16xf32> to vector<16xf32>
      %get3A_155 = arith.constant 32 : index
      %get3A_156 = tpu.vector_load %arg9[%get3A_155] {strides = array<i32>} : memref<128xf32, #tpu.memory_space<vmem>>, vector<16xf32>,
      %get3A_157 = vector.shape_cast %get3A_156 : vector<16xf32> to vector<16xf32>
      %get3A_158 = arith.constant 48 : index
      %get3A_159 = tpu.vector_load %arg9[%get3A_158] {strides = array<i32>} : memref<128xf32, #tpu.memory_space<vmem>>, vector<16xf32>,
      %get3A_160 = vector.shape_cast %get3A_159 : vector<16xf32> to vector<16xf32>
      %get3A_161 = arith.constant 64 : index
      %get3A_162 = tpu.vector_load %arg9[%get3A_161] {strides = array<i32>} : memref<128xf32, #tpu.memory_space<vmem>>, vector<16xf32>,
      %get3A_163 = vector.shape_cast %get3A_162 : vector<16xf32> to vector<16xf32>
      %get3A_164 = arith.constant 80 : index
      %get3A_165 = tpu.vector_load %arg9[%get3A_164] {strides = array<i32>} : memref<128xf32, #tpu.memory_space<vmem>>, vector<16xf32>,
      %get3A_166 = vector.shape_cast %get3A_165 : vector<16xf32> to vector<16xf32>
      %get3A_167 = arith.constant 96 : index
      %get3A_168 = tpu.vector_load %arg9[%get3A_167] {strides = array<i32>} : memref<128xf32, #tpu.memory_space<vmem>>, vector<16xf32>,
      %get3A_169 = vector.shape_cast %get3A_168 : vector<16xf32> to vector<16xf32>
      %get3A_170 = arith.constant 112 : index
      %get3A_171 = tpu.vector_load %arg9[%get3A_170] {strides = array<i32>} : memref<128xf32, #tpu.memory_space<vmem>>, vector<16xf32>,
      %get3A_172 = vector.shape_cast %get3A_171 : vector<16xf32> to vector<16xf32>
      %parallel_loop3A = arith.constant 0 : i32
      %parallel_loop3A_173 = arith.constant 13 : i32
      %parallel_loop3A_174 = arith.constant 1 : i32
      %parallel_loop3A_175:16 = scf.for %parallel_loop3A_256 = %parallel_loop3A to %parallel_loop3A_173 step %parallel_loop3A_174 iter_args(%parallel_loop3A_257 = %get3A_127, %parallel_loop3A_258 = %get3A_130, %parallel_loop3A_259 = %get3A_133, %parallel_loop3A_260 = %get3A_136, %parallel_loop3A_261 = %get3A_139, %parallel_loop3A_262 = %get3A_142, %parallel_loop3A_263 = %get3A_145, %parallel_loop3A_264 = %get3A_148, %parallel_loop3A_265 = %get3A_151, %parallel_loop3A_266 = %get3A_154, %parallel_loop3A_267 = %get3A_157, %parallel_loop3A_268 = %get3A_160, %parallel_loop3A_269 = %get3A_163, %parallel_loop3A_270 = %get3A_166, %parallel_loop3A_271 = %get3A_169, %parallel_loop3A_272 = %get3A_172) -> (vector<16xf32>, vector<16xf32>, vector<16xf32>, vector<16xf32>, vector<16xf32>, vector<16xf32>, vector<16xf32>, vector<16xf32>, vector<16xf32>, vector<16xf32>, vector<16xf32>, vector<16xf32>, vector<16xf32>, vector<16xf32>, vector<16xf32>, vector<16xf32>)  : i32 {
        %parallel_loop3A_273 = arith.constant 16 : i32
        %parallel_loop3A_274 = arith.muli %parallel_loop3A_256, %parallel_loop3A_273 : i32
        %parallel_loop3A_275 = arith.constant 184 : i32
        %parallel_loop3A_276 = arith.minsi %parallel_loop3A_274, %parallel_loop3A_275 : i32
        %parallel_loop3A_277 = arith.addi %add3A_125, %parallel_loop3A_276 : i32
        %parallel_loop3A_278 = arith.index_cast %parallel_loop3A_277 : i32 to index
        %parallel_loop3A_279 = tpu.vector_load %arg6[%parallel_loop3A_278] {strides = array<i32>} : memref<25600xi32, #tpu.memory_space<vmem>>, vector<16xi32>,
        %parallel_loop3A_280 = vector.shape_cast %parallel_loop3A_279 : vector<16xi32> to vector<16xi32>
        %parallel_loop3A_281 = arith.sitofp %parallel_loop3A_280 : vector<16xi32> to vector<16xf32>
        %parallel_loop3A_282 = arith.constant 128 : i32
        %parallel_loop3A_283 = arith.muli %parallel_loop3A_276, %parallel_loop3A_282 : i32
        %parallel_loop3A_284 = arith.constant 0 : i32
        %parallel_loop3A_285 = arith.addi %parallel_loop3A_284, %parallel_loop3A_283 : i32
        %parallel_loop3A_286 = vector.extract_strided_slice %parallel_loop3A_281 {offsets = [0], sizes = [1], strides = [1]} : vector<16xf32> to vector<1xf32>
        %parallel_loop3A_287 = vector.extract %parallel_loop3A_286[0] : f32 from vector<1xf32>
        %parallel_loop3A_288 = vector.broadcast %parallel_loop3A_287 : f32 to vector<16xf32>
        %parallel_loop3A_289 = arith.constant 0 : i32
        %parallel_loop3A_290 = arith.addi %parallel_loop3A_285, %parallel_loop3A_289 : i32
        %parallel_loop3A_291 = arith.mulf %parallel_loop3A_265, %parallel_loop3A_288 : vector<16xf32>
        %parallel_loop3A_292 = arith.addf %parallel_loop3A_257, %parallel_loop3A_291 : vector<16xf32>
        %parallel_loop3A_293 = arith.constant 0 : i32
        %parallel_loop3A_294 = arith.addi %parallel_loop3A_290, %parallel_loop3A_293 : i32
        %parallel_loop3A_295 = arith.index_cast %parallel_loop3A_294 : i32 to index
        %parallel_loop3A_296 = tpu.vector_load %arg7[%parallel_loop3A_295] {strides = array<i32>} : memref<51200xf32, #tpu.memory_space<vmem>>, vector<16xf32>,
        %parallel_loop3A_297 = vector.shape_cast %parallel_loop3A_296 : vector<16xf32> to vector<16xf32>
        %parallel_loop3A_298 = vector.shape_cast %parallel_loop3A_292 : vector<16xf32> to vector<16xf32>
        tpu.vector_store %arg7[%parallel_loop3A_295], %parallel_loop3A_298 {strides = array<i32>} : memref<51200xf32, #tpu.memory_space<vmem>>, vector<16xf32>,
        %parallel_loop3A_299 = arith.mulf %parallel_loop3A_266, %parallel_loop3A_288 : vector<16xf32>
        %parallel_loop3A_300 = arith.addf %parallel_loop3A_258, %parallel_loop3A_299 : vector<16xf32>
        %parallel_loop3A_301 = arith.constant 16 : i32
        %parallel_loop3A_302 = arith.addi %parallel_loop3A_290, %parallel_loop3A_301 : i32
        %parallel_loop3A_303 = arith.index_cast %parallel_loop3A_302 : i32 to index
        %parallel_loop3A_304 = tpu.vector_load %arg7[%parallel_loop3A_303] {strides = array<i32>} : memref<51200xf32, #tpu.memory_space<vmem>>, vector<16xf32>,
        %parallel_loop3A_305 = vector.shape_cast %parallel_loop3A_304 : vector<16xf32> to vector<16xf32>
        %parallel_loop3A_306 = vector.shape_cast %parallel_loop3A_300 : vector<16xf32> to vector<16xf32>
        tpu.vector_store %arg7[%parallel_loop3A_303], %parallel_loop3A_306 {strides = array<i32>} : memref<51200xf32, #tpu.memory_space<vmem>>, vector<16xf32>,
        %parallel_loop3A_307 = arith.mulf %parallel_loop3A_267, %parallel_loop3A_288 : vector<16xf32>
        %parallel_loop3A_308 = arith.addf %parallel_loop3A_259, %parallel_loop3A_307 : vector<16xf32>
        %parallel_loop3A_309 = arith.constant 32 : i32
        %parallel_loop3A_310 = arith.addi %parallel_loop3A_290, %parallel_loop3A_309 : i32
        %parallel_loop3A_311 = arith.index_cast %parallel_loop3A_310 : i32 to index
        %parallel_loop3A_312 = tpu.vector_load %arg7[%parallel_loop3A_311] {strides = array<i32>} : memref<51200xf32, #tpu.memory_space<vmem>>, vector<16xf32>,
        %parallel_loop3A_313 = vector.shape_cast %parallel_loop3A_312 : vector<16xf32> to vector<16xf32>
        %parallel_loop3A_314 = vector.shape_cast %parallel_loop3A_308 : vector<16xf32> to vector<16xf32>
        tpu.vector_store %arg7[%parallel_loop3A_311], %parallel_loop3A_314 {strides = array<i32>} : memref<51200xf32, #tpu.memory_space<vmem>>, vector<16xf32>,
        %parallel_loop3A_315 = arith.mulf %parallel_loop3A_268, %parallel_loop3A_288 : vector<16xf32>
        %parallel_loop3A_316 = arith.addf %parallel_loop3A_260, %parallel_loop3A_315 : vector<16xf32>
        %parallel_loop3A_317 = arith.constant 48 : i32
        %parallel_loop3A_318 = arith.addi %parallel_loop3A_290, %parallel_loop3A_317 : i32
        %parallel_loop3A_319 = arith.index_cast %parallel_loop3A_318 : i32 to index
        %parallel_loop3A_320 = tpu.vector_load %arg7[%parallel_loop3A_319] {strides = array<i32>} : memref<51200xf32, #tpu.memory_space<vmem>>, vector<16xf32>,
        %parallel_loop3A_321 = vector.shape_cast %parallel_loop3A_320 : vector<16xf32> to vector<16xf32>
        %parallel_loop3A_322 = vector.shape_cast %parallel_loop3A_316 : vector<16xf32> to vector<16xf32>
        tpu.vector_store %arg7[%parallel_loop3A_319], %parallel_loop3A_322 {strides = array<i32>} : memref<51200xf32, #tpu.memory_space<vmem>>, vector<16xf32>,
        %parallel_loop3A_323 = arith.mulf %parallel_loop3A_269, %parallel_loop3A_288 : vector<16xf32>
        %parallel_loop3A_324 = arith.addf %parallel_loop3A_261, %parallel_loop3A_323 : vector<16xf32>
        %parallel_loop3A_325 = arith.constant 64 : i32
        %parallel_loop3A_326 = arith.addi %parallel_loop3A_290, %parallel_loop3A_325 : i32
        %parallel_loop3A_327 = arith.index_cast %parallel_loop3A_326 : i32 to index
        %parallel_loop3A_328 = tpu.vector_load %arg7[%parallel_loop3A_327] {strides = array<i32>} : memref<51200xf32, #tpu.memory_space<vmem>>, vector<16xf32>,
        %parallel_loop3A_329 = vector.shape_cast %parallel_loop3A_328 : vector<16xf32> to vector<16xf32>
        %parallel_loop3A_330 = vector.shape_cast %parallel_loop3A_324 : vector<16xf32> to vector<16xf32>
        tpu.vector_store %arg7[%parallel_loop3A_327], %parallel_loop3A_330 {strides = array<i32>} : memref<51200xf32, #tpu.memory_space<vmem>>, vector<16xf32>,
        %parallel_loop3A_331 = arith.mulf %parallel_loop3A_270, %parallel_loop3A_288 : vector<16xf32>
        %parallel_loop3A_332 = arith.addf %parallel_loop3A_262, %parallel_loop3A_331 : vector<16xf32>
        %parallel_loop3A_333 = arith.constant 80 : i32
        %parallel_loop3A_334 = arith.addi %parallel_loop3A_290, %parallel_loop3A_333 : i32
        %parallel_loop3A_335 = arith.index_cast %parallel_loop3A_334 : i32 to index
        %parallel_loop3A_336 = tpu.vector_load %arg7[%parallel_loop3A_335] {strides = array<i32>} : memref<51200xf32, #tpu.memory_space<vmem>>, vector<16xf32>,
        %parallel_loop3A_337 = vector.shape_cast %parallel_loop3A_336 : vector<16xf32> to vector<16xf32>
        %parallel_loop3A_338 = vector.shape_cast %parallel_loop3A_332 : vector<16xf32> to vector<16xf32>
        tpu.vector_store %arg7[%parallel_loop3A_335], %parallel_loop3A_338 {strides = array<i32>} : memref<51200xf32, #tpu.memory_space<vmem>>, vector<16xf32>,
        %parallel_loop3A_339 = arith.mulf %parallel_loop3A_271, %parallel_loop3A_288 : vector<16xf32>
        %parallel_loop3A_340 = arith.addf %parallel_loop3A_263, %parallel_loop3A_339 : vector<16xf32>
        %parallel_loop3A_341 = arith.constant 96 : i32
        %parallel_loop3A_342 = arith.addi %parallel_loop3A_290, %parallel_loop3A_341 : i32
        %parallel_loop3A_343 = arith.index_cast %parallel_loop3A_342 : i32 to index
        %parallel_loop3A_344 = tpu.vector_load %arg7[%parallel_loop3A_343] {strides = array<i32>} : memref<51200xf32, #tpu.memory_space<vmem>>, vector<16xf32>,
        %parallel_loop3A_345 = vector.shape_cast %parallel_loop3A_344 : vector<16xf32> to vector<16xf32>
        %parallel_loop3A_346 = vector.shape_cast %parallel_loop3A_340 : vector<16xf32> to vector<16xf32>
        tpu.vector_store %arg7[%parallel_loop3A_343], %parallel_loop3A_346 {strides = array<i32>} : memref<51200xf32, #tpu.memory_space<vmem>>, vector<16xf32>,
        %parallel_loop3A_347 = arith.mulf %parallel_loop3A_272, %parallel_loop3A_288 : vector<16xf32>
        %parallel_loop3A_348 = arith.addf %parallel_loop3A_264, %parallel_loop3A_347 : vector<16xf32>
        %parallel_loop3A_349 = arith.constant 112 : i32
        %parallel_loop3A_350 = arith.addi %parallel_loop3A_290, %parallel_loop3A_349 : i32
        %parallel_loop3A_351 = arith.index_cast %parallel_loop3A_350 : i32 to index
        %parallel_loop3A_352 = tpu.vector_load %arg7[%parallel_loop3A_351] {strides = array<i32>} : memref<51200xf32, #tpu.memory_space<vmem>>, vector<16xf32>,
        %parallel_loop3A_353 = vector.shape_cast %parallel_loop3A_352 : vector<16xf32> to vector<16xf32>
        %parallel_loop3A_354 = vector.shape_cast %parallel_loop3A_348 : vector<16xf32> to vector<16xf32>
        tpu.vector_store %arg7[%parallel_loop3A_351], %parallel_loop3A_354 {strides = array<i32>} : memref<51200xf32, #tpu.memory_space<vmem>>, vector<16xf32>,
        %parallel_loop3A_355 = vector.extract_strided_slice %parallel_loop3A_281 {offsets = [1], sizes = [1], strides = [1]} : vector<16xf32> to vector<1xf32>
        %parallel_loop3A_356 = vector.extract %parallel_loop3A_355[0] : f32 from vector<1xf32>
        %parallel_loop3A_357 = vector.broadcast %parallel_loop3A_356 : f32 to vector<16xf32>
        %parallel_loop3A_358 = arith.constant 128 : i32
        %parallel_loop3A_359 = arith.addi %parallel_loop3A_285, %parallel_loop3A_358 : i32
        %parallel_loop3A_360 = arith.mulf %parallel_loop3A_265, %parallel_loop3A_357 : vector<16xf32>
        %parallel_loop3A_361 = arith.addf %parallel_loop3A_257, %parallel_loop3A_360 : vector<16xf32>
        %parallel_loop3A_362 = arith.constant 0 : i32
        %parallel_loop3A_363 = arith.addi %parallel_loop3A_359, %parallel_loop3A_362 : i32
        %parallel_loop3A_364 = arith.index_cast %parallel_loop3A_363 : i32 to index
        %parallel_loop3A_365 = tpu.vector_load %arg7[%parallel_loop3A_364] {strides = array<i32>} : memref<51200xf32, #tpu.memory_space<vmem>>, vector<16xf32>,
        %parallel_loop3A_366 = vector.shape_cast %parallel_loop3A_365 : vector<16xf32> to vector<16xf32>
        %parallel_loop3A_367 = vector.shape_cast %parallel_loop3A_361 : vector<16xf32> to vector<16xf32>
        tpu.vector_store %arg7[%parallel_loop3A_364], %parallel_loop3A_367 {strides = array<i32>} : memref<51200xf32, #tpu.memory_space<vmem>>, vector<16xf32>,
        %parallel_loop3A_368 = arith.mulf %parallel_loop3A_266, %parallel_loop3A_357 : vector<16xf32>
        %parallel_loop3A_369 = arith.addf %parallel_loop3A_258, %parallel_loop3A_368 : vector<16xf32>
        %parallel_loop3A_370 = arith.constant 16 : i32
        %parallel_loop3A_371 = arith.addi %parallel_loop3A_359, %parallel_loop3A_370 : i32
        %parallel_loop3A_372 = arith.index_cast %parallel_loop3A_371 : i32 to index
        %parallel_loop3A_373 = tpu.vector_load %arg7[%parallel_loop3A_372] {strides = array<i32>} : memref<51200xf32, #tpu.memory_space<vmem>>, vector<16xf32>,
        %parallel_loop3A_374 = vector.shape_cast %parallel_loop3A_373 : vector<16xf32> to vector<16xf32>
        %parallel_loop3A_375 = vector.shape_cast %parallel_loop3A_369 : vector<16xf32> to vector<16xf32>
        tpu.vector_store %arg7[%parallel_loop3A_372], %parallel_loop3A_375 {strides = array<i32>} : memref<51200xf32, #tpu.memory_space<vmem>>, vector<16xf32>,
        %parallel_loop3A_376 = arith.mulf %parallel_loop3A_267, %parallel_loop3A_357 : vector<16xf32>
        %parallel_loop3A_377 = arith.addf %parallel_loop3A_259, %parallel_loop3A_376 : vector<16xf32>
        %parallel_loop3A_378 = arith.constant 32 : i32
        %parallel_loop3A_379 = arith.addi %parallel_loop3A_359, %parallel_loop3A_378 : i32
        %parallel_loop3A_380 = arith.index_cast %parallel_loop3A_379 : i32 to index
        %parallel_loop3A_381 = tpu.vector_load %arg7[%parallel_loop3A_380] {strides = array<i32>} : memref<51200xf32, #tpu.memory_space<vmem>>, vector<16xf32>,
        %parallel_loop3A_382 = vector.shape_cast %parallel_loop3A_381 : vector<16xf32> to vector<16xf32>
        %parallel_loop3A_383 = vector.shape_cast %parallel_loop3A_377 : vector<16xf32> to vector<16xf32>
        tpu.vector_store %arg7[%parallel_loop3A_380], %parallel_loop3A_383 {strides = array<i32>} : memref<51200xf32, #tpu.memory_space<vmem>>, vector<16xf32>,
        %parallel_loop3A_384 = arith.mulf %parallel_loop3A_268, %parallel_loop3A_357 : vector<16xf32>
        %parallel_loop3A_385 = arith.addf %parallel_loop3A_260, %parallel_loop3A_384 : vector<16xf32>
        %parallel_loop3A_386 = arith.constant 48 : i32
        %parallel_loop3A_387 = arith.addi %parallel_loop3A_359, %parallel_loop3A_386 : i32
        %parallel_loop3A_388 = arith.index_cast %parallel_loop3A_387 : i32 to index
        %parallel_loop3A_389 = tpu.vector_load %arg7[%parallel_loop3A_388] {strides = array<i32>} : memref<51200xf32, #tpu.memory_space<vmem>>, vector<16xf32>,
        %parallel_loop3A_390 = vector.shape_cast %parallel_loop3A_389 : vector<16xf32> to vector<16xf32>
        %parallel_loop3A_391 = vector.shape_cast %parallel_loop3A_385 : vector<16xf32> to vector<16xf32>
        tpu.vector_store %arg7[%parallel_loop3A_388], %parallel_loop3A_391 {strides = array<i32>} : memref<51200xf32, #tpu.memory_space<vmem>>, vector<16xf32>,
        %parallel_loop3A_392 = arith.mulf %parallel_loop3A_269, %parallel_loop3A_357 : vector<16xf32>
        %parallel_loop3A_393 = arith.addf %parallel_loop3A_261, %parallel_loop3A_392 : vector<16xf32>
        %parallel_loop3A_394 = arith.constant 64 : i32
        %parallel_loop3A_395 = arith.addi %parallel_loop3A_359, %parallel_loop3A_394 : i32
        %parallel_loop3A_396 = arith.index_cast %parallel_loop3A_395 : i32 to index
        %parallel_loop3A_397 = tpu.vector_load %arg7[%parallel_loop3A_396] {strides = array<i32>} : memref<51200xf32, #tpu.memory_space<vmem>>, vector<16xf32>,
        %parallel_loop3A_398 = vector.shape_cast %parallel_loop3A_397 : vector<16xf32> to vector<16xf32>
        %parallel_loop3A_399 = vector.shape_cast %parallel_loop3A_393 : vector<16xf32> to vector<16xf32>
        tpu.vector_store %arg7[%parallel_loop3A_396], %parallel_loop3A_399 {strides = array<i32>} : memref<51200xf32, #tpu.memory_space<vmem>>, vector<16xf32>,
        %parallel_loop3A_400 = arith.mulf %parallel_loop3A_270, %parallel_loop3A_357 : vector<16xf32>
        %parallel_loop3A_401 = arith.addf %parallel_loop3A_262, %parallel_loop3A_400 : vector<16xf32>
        %parallel_loop3A_402 = arith.constant 80 : i32
        %parallel_loop3A_403 = arith.addi %parallel_loop3A_359, %parallel_loop3A_402 : i32
        %parallel_loop3A_404 = arith.index_cast %parallel_loop3A_403 : i32 to index
        %parallel_loop3A_405 = tpu.vector_load %arg7[%parallel_loop3A_404] {strides = array<i32>} : memref<51200xf32, #tpu.memory_space<vmem>>, vector<16xf32>,
        %parallel_loop3A_406 = vector.shape_cast %parallel_loop3A_405 : vector<16xf32> to vector<16xf32>
        %parallel_loop3A_407 = vector.shape_cast %parallel_loop3A_401 : vector<16xf32> to vector<16xf32>
        tpu.vector_store %arg7[%parallel_loop3A_404], %parallel_loop3A_407 {strides = array<i32>} : memref<51200xf32, #tpu.memory_space<vmem>>, vector<16xf32>,
        %parallel_loop3A_408 = arith.mulf %parallel_loop3A_271, %parallel_loop3A_357 : vector<16xf32>
        %parallel_loop3A_409 = arith.addf %parallel_loop3A_263, %parallel_loop3A_408 : vector<16xf32>
        %parallel_loop3A_410 = arith.constant 96 : i32
        %parallel_loop3A_411 = arith.addi %parallel_loop3A_359, %parallel_loop3A_410 : i32
        %parallel_loop3A_412 = arith.index_cast %parallel_loop3A_411 : i32 to index
        %parallel_loop3A_413 = tpu.vector_load %arg7[%parallel_loop3A_412] {strides = array<i32>} : memref<51200xf32, #tpu.memory_space<vmem>>, vector<16xf32>,
        %parallel_loop3A_414 = vector.shape_cast %parallel_loop3A_413 : vector<16xf32> to vector<16xf32>
        %parallel_loop3A_415 = vector.shape_cast %parallel_loop3A_409 : vector<16xf32> to vector<16xf32>
        tpu.vector_store %arg7[%parallel_loop3A_412], %parallel_loop3A_415 {strides = array<i32>} : memref<51200xf32, #tpu.memory_space<vmem>>, vector<16xf32>,
        %parallel_loop3A_416 = arith.mulf %parallel_loop3A_272, %parallel_loop3A_357 : vector<16xf32>
        %parallel_loop3A_417 = arith.addf %parallel_loop3A_264, %parallel_loop3A_416 : vector<16xf32>
        %parallel_loop3A_418 = arith.constant 112 : i32
        %parallel_loop3A_419 = arith.addi %parallel_loop3A_359, %parallel_loop3A_418 : i32
        %parallel_loop3A_420 = arith.index_cast %parallel_loop3A_419 : i32 to index
        %parallel_loop3A_421 = tpu.vector_load %arg7[%parallel_loop3A_420] {strides = array<i32>} : memref<51200xf32, #tpu.memory_space<vmem>>, vector<16xf32>,
        %parallel_loop3A_422 = vector.shape_cast %parallel_loop3A_421 : vector<16xf32> to vector<16xf32>
        %parallel_loop3A_423 = vector.shape_cast %parallel_loop3A_417 : vector<16xf32> to vector<16xf32>
        tpu.vector_store %arg7[%parallel_loop3A_420], %parallel_loop3A_423 {strides = array<i32>} : memref<51200xf32, #tpu.memory_space<vmem>>, vector<16xf32>,
        %parallel_loop3A_424 = vector.extract_strided_slice %parallel_loop3A_281 {offsets = [2], sizes = [1], strides = [1]} : vector<16xf32> to vector<1xf32>
        %parallel_loop3A_425 = vector.extract %parallel_loop3A_424[0] : f32 from vector<1xf32>
        %parallel_loop3A_426 = vector.broadcast %parallel_loop3A_425 : f32 to vector<16xf32>
        %parallel_loop3A_427 = arith.constant 256 : i32
        %parallel_loop3A_428 = arith.addi %parallel_loop3A_285, %parallel_loop3A_427 : i32
        %parallel_loop3A_429 = arith.mulf %parallel_loop3A_265, %parallel_loop3A_426 : vector<16xf32>
        %parallel_loop3A_430 = arith.addf %parallel_loop3A_257, %parallel_loop3A_429 : vector<16xf32>
        %parallel_loop3A_431 = arith.constant 0 : i32
        %parallel_loop3A_432 = arith.addi %parallel_loop3A_428, %parallel_loop3A_431 : i32
        %parallel_loop3A_433 = arith.index_cast %parallel_loop3A_432 : i32 to index
        %parallel_loop3A_434 = tpu.vector_load %arg7[%parallel_loop3A_433] {strides = array<i32>} : memref<51200xf32, #tpu.memory_space<vmem>>, vector<16xf32>,
        %parallel_loop3A_435 = vector.shape_cast %parallel_loop3A_434 : vector<16xf32> to vector<16xf32>
        %parallel_loop3A_436 = vector.shape_cast %parallel_loop3A_430 : vector<16xf32> to vector<16xf32>
        tpu.vector_store %arg7[%parallel_loop3A_433], %parallel_loop3A_436 {strides = array<i32>} : memref<51200xf32, #tpu.memory_space<vmem>>, vector<16xf32>,
        %parallel_loop3A_437 = arith.mulf %parallel_loop3A_266, %parallel_loop3A_426 : vector<16xf32>
        %parallel_loop3A_438 = arith.addf %parallel_loop3A_258, %parallel_loop3A_437 : vector<16xf32>
        %parallel_loop3A_439 = arith.constant 16 : i32
        %parallel_loop3A_440 = arith.addi %parallel_loop3A_428, %parallel_loop3A_439 : i32
        %parallel_loop3A_441 = arith.index_cast %parallel_loop3A_440 : i32 to index
        %parallel_loop3A_442 = tpu.vector_load %arg7[%parallel_loop3A_441] {strides = array<i32>} : memref<51200xf32, #tpu.memory_space<vmem>>, vector<16xf32>,
        %parallel_loop3A_443 = vector.shape_cast %parallel_loop3A_442 : vector<16xf32> to vector<16xf32>
        %parallel_loop3A_444 = vector.shape_cast %parallel_loop3A_438 : vector<16xf32> to vector<16xf32>
        tpu.vector_store %arg7[%parallel_loop3A_441], %parallel_loop3A_444 {strides = array<i32>} : memref<51200xf32, #tpu.memory_space<vmem>>, vector<16xf32>,
        %parallel_loop3A_445 = arith.mulf %parallel_loop3A_267, %parallel_loop3A_426 : vector<16xf32>
        %parallel_loop3A_446 = arith.addf %parallel_loop3A_259, %parallel_loop3A_445 : vector<16xf32>
        %parallel_loop3A_447 = arith.constant 32 : i32
        %parallel_loop3A_448 = arith.addi %parallel_loop3A_428, %parallel_loop3A_447 : i32
        %parallel_loop3A_449 = arith.index_cast %parallel_loop3A_448 : i32 to index
        %parallel_loop3A_450 = tpu.vector_load %arg7[%parallel_loop3A_449] {strides = array<i32>} : memref<51200xf32, #tpu.memory_space<vmem>>, vector<16xf32>,
        %parallel_loop3A_451 = vector.shape_cast %parallel_loop3A_450 : vector<16xf32> to vector<16xf32>
        %parallel_loop3A_452 = vector.shape_cast %parallel_loop3A_446 : vector<16xf32> to vector<16xf32>
        tpu.vector_store %arg7[%parallel_loop3A_449], %parallel_loop3A_452 {strides = array<i32>} : memref<51200xf32, #tpu.memory_space<vmem>>, vector<16xf32>,
        %parallel_loop3A_453 = arith.mulf %parallel_loop3A_268, %parallel_loop3A_426 : vector<16xf32>
        %parallel_loop3A_454 = arith.addf %parallel_loop3A_260, %parallel_loop3A_453 : vector<16xf32>
        %parallel_loop3A_455 = arith.constant 48 : i32
        %parallel_loop3A_456 = arith.addi %parallel_loop3A_428, %parallel_loop3A_455 : i32
        %parallel_loop3A_457 = arith.index_cast %parallel_loop3A_456 : i32 to index
        %parallel_loop3A_458 = tpu.vector_load %arg7[%parallel_loop3A_457] {strides = array<i32>} : memref<51200xf32, #tpu.memory_space<vmem>>, vector<16xf32>,
        %parallel_loop3A_459 = vector.shape_cast %parallel_loop3A_458 : vector<16xf32> to vector<16xf32>
        %parallel_loop3A_460 = vector.shape_cast %parallel_loop3A_454 : vector<16xf32> to vector<16xf32>
        tpu.vector_store %arg7[%parallel_loop3A_457], %parallel_loop3A_460 {strides = array<i32>} : memref<51200xf32, #tpu.memory_space<vmem>>, vector<16xf32>,
        %parallel_loop3A_461 = arith.mulf %parallel_loop3A_269, %parallel_loop3A_426 : vector<16xf32>
        %parallel_loop3A_462 = arith.addf %parallel_loop3A_261, %parallel_loop3A_461 : vector<16xf32>
        %parallel_loop3A_463 = arith.constant 64 : i32
        %parallel_loop3A_464 = arith.addi %parallel_loop3A_428, %parallel_loop3A_463 : i32
        %parallel_loop3A_465 = arith.index_cast %parallel_loop3A_464 : i32 to index
        %parallel_loop3A_466 = tpu.vector_load %arg7[%parallel_loop3A_465] {strides = array<i32>} : memref<51200xf32, #tpu.memory_space<vmem>>, vector<16xf32>,
        %parallel_loop3A_467 = vector.shape_cast %parallel_loop3A_466 : vector<16xf32> to vector<16xf32>
        %parallel_loop3A_468 = vector.shape_cast %parallel_loop3A_462 : vector<16xf32> to vector<16xf32>
        tpu.vector_store %arg7[%parallel_loop3A_465], %parallel_loop3A_468 {strides = array<i32>} : memref<51200xf32, #tpu.memory_space<vmem>>, vector<16xf32>,
        %parallel_loop3A_469 = arith.mulf %parallel_loop3A_270, %parallel_loop3A_426 : vector<16xf32>
        %parallel_loop3A_470 = arith.addf %parallel_loop3A_262, %parallel_loop3A_469 : vector<16xf32>
        %parallel_loop3A_471 = arith.constant 80 : i32
        %parallel_loop3A_472 = arith.addi %parallel_loop3A_428, %parallel_loop3A_471 : i32
        %parallel_loop3A_473 = arith.index_cast %parallel_loop3A_472 : i32 to index
        %parallel_loop3A_474 = tpu.vector_load %arg7[%parallel_loop3A_473] {strides = array<i32>} : memref<51200xf32, #tpu.memory_space<vmem>>, vector<16xf32>,
        %parallel_loop3A_475 = vector.shape_cast %parallel_loop3A_474 : vector<16xf32> to vector<16xf32>
        %parallel_loop3A_476 = vector.shape_cast %parallel_loop3A_470 : vector<16xf32> to vector<16xf32>
        tpu.vector_store %arg7[%parallel_loop3A_473], %parallel_loop3A_476 {strides = array<i32>} : memref<51200xf32, #tpu.memory_space<vmem>>, vector<16xf32>,
        %parallel_loop3A_477 = arith.mulf %parallel_loop3A_271, %parallel_loop3A_426 : vector<16xf32>
        %parallel_loop3A_478 = arith.addf %parallel_loop3A_263, %parallel_loop3A_477 : vector<16xf32>
        %parallel_loop3A_479 = arith.constant 96 : i32
        %parallel_loop3A_480 = arith.addi %parallel_loop3A_428, %parallel_loop3A_479 : i32
        %parallel_loop3A_481 = arith.index_cast %parallel_loop3A_480 : i32 to index
        %parallel_loop3A_482 = tpu.vector_load %arg7[%parallel_loop3A_481] {strides = array<i32>} : memref<51200xf32, #tpu.memory_space<vmem>>, vector<16xf32>,
        %parallel_loop3A_483 = vector.shape_cast %parallel_loop3A_482 : vector<16xf32> to vector<16xf32>
        %parallel_loop3A_484 = vector.shape_cast %parallel_loop3A_478 : vector<16xf32> to vector<16xf32>
        tpu.vector_store %arg7[%parallel_loop3A_481], %parallel_loop3A_484 {strides = array<i32>} : memref<51200xf32, #tpu.memory_space<vmem>>, vector<16xf32>,
        %parallel_loop3A_485 = arith.mulf %parallel_loop3A_272, %parallel_loop3A_426 : vector<16xf32>
        %parallel_loop3A_486 = arith.addf %parallel_loop3A_264, %parallel_loop3A_485 : vector<16xf32>
        %parallel_loop3A_487 = arith.constant 112 : i32
        %parallel_loop3A_488 = arith.addi %parallel_loop3A_428, %parallel_loop3A_487 : i32
        %parallel_loop3A_489 = arith.index_cast %parallel_loop3A_488 : i32 to index
        %parallel_loop3A_490 = tpu.vector_load %arg7[%parallel_loop3A_489] {strides = array<i32>} : memref<51200xf32, #tpu.memory_space<vmem>>, vector<16xf32>,
        %parallel_loop3A_491 = vector.shape_cast %parallel_loop3A_490 : vector<16xf32> to vector<16xf32>
        %parallel_loop3A_492 = vector.shape_cast %parallel_loop3A_486 : vector<16xf32> to vector<16xf32>
        tpu.vector_store %arg7[%parallel_loop3A_489], %parallel_loop3A_492 {strides = array<i32>} : memref<51200xf32, #tpu.memory_space<vmem>>, vector<16xf32>,
        %parallel_loop3A_493 = vector.extract_strided_slice %parallel_loop3A_281 {offsets = [3], sizes = [1], strides = [1]} : vector<16xf32> to vector<1xf32>
        %parallel_loop3A_494 = vector.extract %parallel_loop3A_493[0] : f32 from vector<1xf32>
        %parallel_loop3A_495 = vector.broadcast %parallel_loop3A_494 : f32 to vector<16xf32>
        %parallel_loop3A_496 = arith.constant 384 : i32
        %parallel_loop3A_497 = arith.addi %parallel_loop3A_285, %parallel_loop3A_496 : i32
        %parallel_loop3A_498 = arith.mulf %parallel_loop3A_265, %parallel_loop3A_495 : vector<16xf32>
        %parallel_loop3A_499 = arith.addf %parallel_loop3A_257, %parallel_loop3A_498 : vector<16xf32>
        %parallel_loop3A_500 = arith.constant 0 : i32
        %parallel_loop3A_501 = arith.addi %parallel_loop3A_497, %parallel_loop3A_500 : i32
        %parallel_loop3A_502 = arith.index_cast %parallel_loop3A_501 : i32 to index
        %parallel_loop3A_503 = tpu.vector_load %arg7[%parallel_loop3A_502] {strides = array<i32>} : memref<51200xf32, #tpu.memory_space<vmem>>, vector<16xf32>,
        %parallel_loop3A_504 = vector.shape_cast %parallel_loop3A_503 : vector<16xf32> to vector<16xf32>
        %parallel_loop3A_505 = vector.shape_cast %parallel_loop3A_499 : vector<16xf32> to vector<16xf32>
        tpu.vector_store %arg7[%parallel_loop3A_502], %parallel_loop3A_505 {strides = array<i32>} : memref<51200xf32, #tpu.memory_space<vmem>>, vector<16xf32>,
        %parallel_loop3A_506 = arith.mulf %parallel_loop3A_266, %parallel_loop3A_495 : vector<16xf32>
        %parallel_loop3A_507 = arith.addf %parallel_loop3A_258, %parallel_loop3A_506 : vector<16xf32>
        %parallel_loop3A_508 = arith.constant 16 : i32
        %parallel_loop3A_509 = arith.addi %parallel_loop3A_497, %parallel_loop3A_508 : i32
        %parallel_loop3A_510 = arith.index_cast %parallel_loop3A_509 : i32 to index
        %parallel_loop3A_511 = tpu.vector_load %arg7[%parallel_loop3A_510] {strides = array<i32>} : memref<51200xf32, #tpu.memory_space<vmem>>, vector<16xf32>,
        %parallel_loop3A_512 = vector.shape_cast %parallel_loop3A_511 : vector<16xf32> to vector<16xf32>
        %parallel_loop3A_513 = vector.shape_cast %parallel_loop3A_507 : vector<16xf32> to vector<16xf32>
        tpu.vector_store %arg7[%parallel_loop3A_510], %parallel_loop3A_513 {strides = array<i32>} : memref<51200xf32, #tpu.memory_space<vmem>>, vector<16xf32>,
        %parallel_loop3A_514 = arith.mulf %parallel_loop3A_267, %parallel_loop3A_495 : vector<16xf32>
        %parallel_loop3A_515 = arith.addf %parallel_loop3A_259, %parallel_loop3A_514 : vector<16xf32>
        %parallel_loop3A_516 = arith.constant 32 : i32
        %parallel_loop3A_517 = arith.addi %parallel_loop3A_497, %parallel_loop3A_516 : i32
        %parallel_loop3A_518 = arith.index_cast %parallel_loop3A_517 : i32 to index
        %parallel_loop3A_519 = tpu.vector_load %arg7[%parallel_loop3A_518] {strides = array<i32>} : memref<51200xf32, #tpu.memory_space<vmem>>, vector<16xf32>,
        %parallel_loop3A_520 = vector.shape_cast %parallel_loop3A_519 : vector<16xf32> to vector<16xf32>
        %parallel_loop3A_521 = vector.shape_cast %parallel_loop3A_515 : vector<16xf32> to vector<16xf32>
        tpu.vector_store %arg7[%parallel_loop3A_518], %parallel_loop3A_521 {strides = array<i32>} : memref<51200xf32, #tpu.memory_space<vmem>>, vector<16xf32>,
        %parallel_loop3A_522 = arith.mulf %parallel_loop3A_268, %parallel_loop3A_495 : vector<16xf32>
        %parallel_loop3A_523 = arith.addf %parallel_loop3A_260, %parallel_loop3A_522 : vector<16xf32>
        %parallel_loop3A_524 = arith.constant 48 : i32
        %parallel_loop3A_525 = arith.addi %parallel_loop3A_497, %parallel_loop3A_524 : i32
        %parallel_loop3A_526 = arith.index_cast %parallel_loop3A_525 : i32 to index
        %parallel_loop3A_527 = tpu.vector_load %arg7[%parallel_loop3A_526] {strides = array<i32>} : memref<51200xf32, #tpu.memory_space<vmem>>, vector<16xf32>,
        %parallel_loop3A_528 = vector.shape_cast %parallel_loop3A_527 : vector<16xf32> to vector<16xf32>
        %parallel_loop3A_529 = vector.shape_cast %parallel_loop3A_523 : vector<16xf32> to vector<16xf32>
        tpu.vector_store %arg7[%parallel_loop3A_526], %parallel_loop3A_529 {strides = array<i32>} : memref<51200xf32, #tpu.memory_space<vmem>>, vector<16xf32>,
        %parallel_loop3A_530 = arith.mulf %parallel_loop3A_269, %parallel_loop3A_495 : vector<16xf32>
        %parallel_loop3A_531 = arith.addf %parallel_loop3A_261, %parallel_loop3A_530 : vector<16xf32>
        %parallel_loop3A_532 = arith.constant 64 : i32
        %parallel_loop3A_533 = arith.addi %parallel_loop3A_497, %parallel_loop3A_532 : i32
        %parallel_loop3A_534 = arith.index_cast %parallel_loop3A_533 : i32 to index
        %parallel_loop3A_535 = tpu.vector_load %arg7[%parallel_loop3A_534] {strides = array<i32>} : memref<51200xf32, #tpu.memory_space<vmem>>, vector<16xf32>,
        %parallel_loop3A_536 = vector.shape_cast %parallel_loop3A_535 : vector<16xf32> to vector<16xf32>
        %parallel_loop3A_537 = vector.shape_cast %parallel_loop3A_531 : vector<16xf32> to vector<16xf32>
        tpu.vector_store %arg7[%parallel_loop3A_534], %parallel_loop3A_537 {strides = array<i32>} : memref<51200xf32, #tpu.memory_space<vmem>>, vector<16xf32>,
        %parallel_loop3A_538 = arith.mulf %parallel_loop3A_270, %parallel_loop3A_495 : vector<16xf32>
        %parallel_loop3A_539 = arith.addf %parallel_loop3A_262, %parallel_loop3A_538 : vector<16xf32>
        %parallel_loop3A_540 = arith.constant 80 : i32
        %parallel_loop3A_541 = arith.addi %parallel_loop3A_497, %parallel_loop3A_540 : i32
        %parallel_loop3A_542 = arith.index_cast %parallel_loop3A_541 : i32 to index
        %parallel_loop3A_543 = tpu.vector_load %arg7[%parallel_loop3A_542] {strides = array<i32>} : memref<51200xf32, #tpu.memory_space<vmem>>, vector<16xf32>,
        %parallel_loop3A_544 = vector.shape_cast %parallel_loop3A_543 : vector<16xf32> to vector<16xf32>
        %parallel_loop3A_545 = vector.shape_cast %parallel_loop3A_539 : vector<16xf32> to vector<16xf32>
        tpu.vector_store %arg7[%parallel_loop3A_542], %parallel_loop3A_545 {strides = array<i32>} : memref<51200xf32, #tpu.memory_space<vmem>>, vector<16xf32>,
        %parallel_loop3A_546 = arith.mulf %parallel_loop3A_271, %parallel_loop3A_495 : vector<16xf32>
        %parallel_loop3A_547 = arith.addf %parallel_loop3A_263, %parallel_loop3A_546 : vector<16xf32>
        %parallel_loop3A_548 = arith.constant 96 : i32
        %parallel_loop3A_549 = arith.addi %parallel_loop3A_497, %parallel_loop3A_548 : i32
        %parallel_loop3A_550 = arith.index_cast %parallel_loop3A_549 : i32 to index
        %parallel_loop3A_551 = tpu.vector_load %arg7[%parallel_loop3A_550] {strides = array<i32>} : memref<51200xf32, #tpu.memory_space<vmem>>, vector<16xf32>,
        %parallel_loop3A_552 = vector.shape_cast %parallel_loop3A_551 : vector<16xf32> to vector<16xf32>
        %parallel_loop3A_553 = vector.shape_cast %parallel_loop3A_547 : vector<16xf32> to vector<16xf32>
        tpu.vector_store %arg7[%parallel_loop3A_550], %parallel_loop3A_553 {strides = array<i32>} : memref<51200xf32, #tpu.memory_space<vmem>>, vector<16xf32>,
        %parallel_loop3A_554 = arith.mulf %parallel_loop3A_272, %parallel_loop3A_495 : vector<16xf32>
        %parallel_loop3A_555 = arith.addf %parallel_loop3A_264, %parallel_loop3A_554 : vector<16xf32>
        %parallel_loop3A_556 = arith.constant 112 : i32
        %parallel_loop3A_557 = arith.addi %parallel_loop3A_497, %parallel_loop3A_556 : i32
        %parallel_loop3A_558 = arith.index_cast %parallel_loop3A_557 : i32 to index
        %parallel_loop3A_559 = tpu.vector_load %arg7[%parallel_loop3A_558] {strides = array<i32>} : memref<51200xf32, #tpu.memory_space<vmem>>, vector<16xf32>,
        %parallel_loop3A_560 = vector.shape_cast %parallel_loop3A_559 : vector<16xf32> to vector<16xf32>
        %parallel_loop3A_561 = vector.shape_cast %parallel_loop3A_555 : vector<16xf32> to vector<16xf32>
        tpu.vector_store %arg7[%parallel_loop3A_558], %parallel_loop3A_561 {strides = array<i32>} : memref<51200xf32, #tpu.memory_space<vmem>>, vector<16xf32>,
        %parallel_loop3A_562 = vector.extract_strided_slice %parallel_loop3A_281 {offsets = [4], sizes = [1], strides = [1]} : vector<16xf32> to vector<1xf32>
        %parallel_loop3A_563 = vector.extract %parallel_loop3A_562[0] : f32 from vector<1xf32>
        %parallel_loop3A_564 = vector.broadcast %parallel_loop3A_563 : f32 to vector<16xf32>
        %parallel_loop3A_565 = arith.constant 512 : i32
        %parallel_loop3A_566 = arith.addi %parallel_loop3A_285, %parallel_loop3A_565 : i32
        %parallel_loop3A_567 = arith.mulf %parallel_loop3A_265, %parallel_loop3A_564 : vector<16xf32>
        %parallel_loop3A_568 = arith.addf %parallel_loop3A_257, %parallel_loop3A_567 : vector<16xf32>
        %parallel_loop3A_569 = arith.constant 0 : i32
        %parallel_loop3A_570 = arith.addi %parallel_loop3A_566, %parallel_loop3A_569 : i32
        %parallel_loop3A_571 = arith.index_cast %parallel_loop3A_570 : i32 to index
        %parallel_loop3A_572 = tpu.vector_load %arg7[%parallel_loop3A_571] {strides = array<i32>} : memref<51200xf32, #tpu.memory_space<vmem>>, vector<16xf32>,
        %parallel_loop3A_573 = vector.shape_cast %parallel_loop3A_572 : vector<16xf32> to vector<16xf32>
        %parallel_loop3A_574 = vector.shape_cast %parallel_loop3A_568 : vector<16xf32> to vector<16xf32>
        tpu.vector_store %arg7[%parallel_loop3A_571], %parallel_loop3A_574 {strides = array<i32>} : memref<51200xf32, #tpu.memory_space<vmem>>, vector<16xf32>,
        %parallel_loop3A_575 = arith.mulf %parallel_loop3A_266, %parallel_loop3A_564 : vector<16xf32>
        %parallel_loop3A_576 = arith.addf %parallel_loop3A_258, %parallel_loop3A_575 : vector<16xf32>
        %parallel_loop3A_577 = arith.constant 16 : i32
        %parallel_loop3A_578 = arith.addi %parallel_loop3A_566, %parallel_loop3A_577 : i32
        %parallel_loop3A_579 = arith.index_cast %parallel_loop3A_578 : i32 to index
        %parallel_loop3A_580 = tpu.vector_load %arg7[%parallel_loop3A_579] {strides = array<i32>} : memref<51200xf32, #tpu.memory_space<vmem>>, vector<16xf32>,
        %parallel_loop3A_581 = vector.shape_cast %parallel_loop3A_580 : vector<16xf32> to vector<16xf32>
        %parallel_loop3A_582 = vector.shape_cast %parallel_loop3A_576 : vector<16xf32> to vector<16xf32>
        tpu.vector_store %arg7[%parallel_loop3A_579], %parallel_loop3A_582 {strides = array<i32>} : memref<51200xf32, #tpu.memory_space<vmem>>, vector<16xf32>,
        %parallel_loop3A_583 = arith.mulf %parallel_loop3A_267, %parallel_loop3A_564 : vector<16xf32>
        %parallel_loop3A_584 = arith.addf %parallel_loop3A_259, %parallel_loop3A_583 : vector<16xf32>
        %parallel_loop3A_585 = arith.constant 32 : i32
        %parallel_loop3A_586 = arith.addi %parallel_loop3A_566, %parallel_loop3A_585 : i32
        %parallel_loop3A_587 = arith.index_cast %parallel_loop3A_586 : i32 to index
        %parallel_loop3A_588 = tpu.vector_load %arg7[%parallel_loop3A_587] {strides = array<i32>} : memref<51200xf32, #tpu.memory_space<vmem>>, vector<16xf32>,
        %parallel_loop3A_589 = vector.shape_cast %parallel_loop3A_588 : vector<16xf32> to vector<16xf32>
        %parallel_loop3A_590 = vector.shape_cast %parallel_loop3A_584 : vector<16xf32> to vector<16xf32>
        tpu.vector_store %arg7[%parallel_loop3A_587], %parallel_loop3A_590 {strides = array<i32>} : memref<51200xf32, #tpu.memory_space<vmem>>, vector<16xf32>,
        %parallel_loop3A_591 = arith.mulf %parallel_loop3A_268, %parallel_loop3A_564 : vector<16xf32>
        %parallel_loop3A_592 = arith.addf %parallel_loop3A_260, %parallel_loop3A_591 : vector<16xf32>
        %parallel_loop3A_593 = arith.constant 48 : i32
        %parallel_loop3A_594 = arith.addi %parallel_loop3A_566, %parallel_loop3A_593 : i32
        %parallel_loop3A_595 = arith.index_cast %parallel_loop3A_594 : i32 to index
        %parallel_loop3A_596 = tpu.vector_load %arg7[%parallel_loop3A_595] {strides = array<i32>} : memref<51200xf32, #tpu.memory_space<vmem>>, vector<16xf32>,
        %parallel_loop3A_597 = vector.shape_cast %parallel_loop3A_596 : vector<16xf32> to vector<16xf32>
        %parallel_loop3A_598 = vector.shape_cast %parallel_loop3A_592 : vector<16xf32> to vector<16xf32>
        tpu.vector_store %arg7[%parallel_loop3A_595], %parallel_loop3A_598 {strides = array<i32>} : memref<51200xf32, #tpu.memory_space<vmem>>, vector<16xf32>,
        %parallel_loop3A_599 = arith.mulf %parallel_loop3A_269, %parallel_loop3A_564 : vector<16xf32>
        %parallel_loop3A_600 = arith.addf %parallel_loop3A_261, %parallel_loop3A_599 : vector<16xf32>
        %parallel_loop3A_601 = arith.constant 64 : i32
        %parallel_loop3A_602 = arith.addi %parallel_loop3A_566, %parallel_loop3A_601 : i32
        %parallel_loop3A_603 = arith.index_cast %parallel_loop3A_602 : i32 to index
        %parallel_loop3A_604 = tpu.vector_load %arg7[%parallel_loop3A_603] {strides = array<i32>} : memref<51200xf32, #tpu.memory_space<vmem>>, vector<16xf32>,
        %parallel_loop3A_605 = vector.shape_cast %parallel_loop3A_604 : vector<16xf32> to vector<16xf32>
        %parallel_loop3A_606 = vector.shape_cast %parallel_loop3A_600 : vector<16xf32> to vector<16xf32>
        tpu.vector_store %arg7[%parallel_loop3A_603], %parallel_loop3A_606 {strides = array<i32>} : memref<51200xf32, #tpu.memory_space<vmem>>, vector<16xf32>,
        %parallel_loop3A_607 = arith.mulf %parallel_loop3A_270, %parallel_loop3A_564 : vector<16xf32>
        %parallel_loop3A_608 = arith.addf %parallel_loop3A_262, %parallel_loop3A_607 : vector<16xf32>
        %parallel_loop3A_609 = arith.constant 80 : i32
        %parallel_loop3A_610 = arith.addi %parallel_loop3A_566, %parallel_loop3A_609 : i32
        %parallel_loop3A_611 = arith.index_cast %parallel_loop3A_610 : i32 to index
        %parallel_loop3A_612 = tpu.vector_load %arg7[%parallel_loop3A_611] {strides = array<i32>} : memref<51200xf32, #tpu.memory_space<vmem>>, vector<16xf32>,
        %parallel_loop3A_613 = vector.shape_cast %parallel_loop3A_612 : vector<16xf32> to vector<16xf32>
        %parallel_loop3A_614 = vector.shape_cast %parallel_loop3A_608 : vector<16xf32> to vector<16xf32>
        tpu.vector_store %arg7[%parallel_loop3A_611], %parallel_loop3A_614 {strides = array<i32>} : memref<51200xf32, #tpu.memory_space<vmem>>, vector<16xf32>,
        %parallel_loop3A_615 = arith.mulf %parallel_loop3A_271, %parallel_loop3A_564 : vector<16xf32>
        %parallel_loop3A_616 = arith.addf %parallel_loop3A_263, %parallel_loop3A_615 : vector<16xf32>
        %parallel_loop3A_617 = arith.constant 96 : i32
        %parallel_loop3A_618 = arith.addi %parallel_loop3A_566, %parallel_loop3A_617 : i32
        %parallel_loop3A_619 = arith.index_cast %parallel_loop3A_618 : i32 to index
        %parallel_loop3A_620 = tpu.vector_load %arg7[%parallel_loop3A_619] {strides = array<i32>} : memref<51200xf32, #tpu.memory_space<vmem>>, vector<16xf32>,
        %parallel_loop3A_621 = vector.shape_cast %parallel_loop3A_620 : vector<16xf32> to vector<16xf32>
        %parallel_loop3A_622 = vector.shape_cast %parallel_loop3A_616 : vector<16xf32> to vector<16xf32>
        tpu.vector_store %arg7[%parallel_loop3A_619], %parallel_loop3A_622 {strides = array<i32>} : memref<51200xf32, #tpu.memory_space<vmem>>, vector<16xf32>,
        %parallel_loop3A_623 = arith.mulf %parallel_loop3A_272, %parallel_loop3A_564 : vector<16xf32>
        %parallel_loop3A_624 = arith.addf %parallel_loop3A_264, %parallel_loop3A_623 : vector<16xf32>
        %parallel_loop3A_625 = arith.constant 112 : i32
        %parallel_loop3A_626 = arith.addi %parallel_loop3A_566, %parallel_loop3A_625 : i32
        %parallel_loop3A_627 = arith.index_cast %parallel_loop3A_626 : i32 to index
        %parallel_loop3A_628 = tpu.vector_load %arg7[%parallel_loop3A_627] {strides = array<i32>} : memref<51200xf32, #tpu.memory_space<vmem>>, vector<16xf32>,
        %parallel_loop3A_629 = vector.shape_cast %parallel_loop3A_628 : vector<16xf32> to vector<16xf32>
        %parallel_loop3A_630 = vector.shape_cast %parallel_loop3A_624 : vector<16xf32> to vector<16xf32>
        tpu.vector_store %arg7[%parallel_loop3A_627], %parallel_loop3A_630 {strides = array<i32>} : memref<51200xf32, #tpu.memory_space<vmem>>, vector<16xf32>,
        %parallel_loop3A_631 = vector.extract_strided_slice %parallel_loop3A_281 {offsets = [5], sizes = [1], strides = [1]} : vector<16xf32> to vector<1xf32>
        %parallel_loop3A_632 = vector.extract %parallel_loop3A_631[0] : f32 from vector<1xf32>
        %parallel_loop3A_633 = vector.broadcast %parallel_loop3A_632 : f32 to vector<16xf32>
        %parallel_loop3A_634 = arith.constant 640 : i32
        %parallel_loop3A_635 = arith.addi %parallel_loop3A_285, %parallel_loop3A_634 : i32
        %parallel_loop3A_636 = arith.mulf %parallel_loop3A_265, %parallel_loop3A_633 : vector<16xf32>
        %parallel_loop3A_637 = arith.addf %parallel_loop3A_257, %parallel_loop3A_636 : vector<16xf32>
        %parallel_loop3A_638 = arith.constant 0 : i32
        %parallel_loop3A_639 = arith.addi %parallel_loop3A_635, %parallel_loop3A_638 : i32
        %parallel_loop3A_640 = arith.index_cast %parallel_loop3A_639 : i32 to index
        %parallel_loop3A_641 = tpu.vector_load %arg7[%parallel_loop3A_640] {strides = array<i32>} : memref<51200xf32, #tpu.memory_space<vmem>>, vector<16xf32>,
        %parallel_loop3A_642 = vector.shape_cast %parallel_loop3A_641 : vector<16xf32> to vector<16xf32>
        %parallel_loop3A_643 = vector.shape_cast %parallel_loop3A_637 : vector<16xf32> to vector<16xf32>
        tpu.vector_store %arg7[%parallel_loop3A_640], %parallel_loop3A_643 {strides = array<i32>} : memref<51200xf32, #tpu.memory_space<vmem>>, vector<16xf32>,
        %parallel_loop3A_644 = arith.mulf %parallel_loop3A_266, %parallel_loop3A_633 : vector<16xf32>
        %parallel_loop3A_645 = arith.addf %parallel_loop3A_258, %parallel_loop3A_644 : vector<16xf32>
        %parallel_loop3A_646 = arith.constant 16 : i32
        %parallel_loop3A_647 = arith.addi %parallel_loop3A_635, %parallel_loop3A_646 : i32
        %parallel_loop3A_648 = arith.index_cast %parallel_loop3A_647 : i32 to index
        %parallel_loop3A_649 = tpu.vector_load %arg7[%parallel_loop3A_648] {strides = array<i32>} : memref<51200xf32, #tpu.memory_space<vmem>>, vector<16xf32>,
        %parallel_loop3A_650 = vector.shape_cast %parallel_loop3A_649 : vector<16xf32> to vector<16xf32>
        %parallel_loop3A_651 = vector.shape_cast %parallel_loop3A_645 : vector<16xf32> to vector<16xf32>
        tpu.vector_store %arg7[%parallel_loop3A_648], %parallel_loop3A_651 {strides = array<i32>} : memref<51200xf32, #tpu.memory_space<vmem>>, vector<16xf32>,
        %parallel_loop3A_652 = arith.mulf %parallel_loop3A_267, %parallel_loop3A_633 : vector<16xf32>
        %parallel_loop3A_653 = arith.addf %parallel_loop3A_259, %parallel_loop3A_652 : vector<16xf32>
        %parallel_loop3A_654 = arith.constant 32 : i32
        %parallel_loop3A_655 = arith.addi %parallel_loop3A_635, %parallel_loop3A_654 : i32
        %parallel_loop3A_656 = arith.index_cast %parallel_loop3A_655 : i32 to index
        %parallel_loop3A_657 = tpu.vector_load %arg7[%parallel_loop3A_656] {strides = array<i32>} : memref<51200xf32, #tpu.memory_space<vmem>>, vector<16xf32>,
        %parallel_loop3A_658 = vector.shape_cast %parallel_loop3A_657 : vector<16xf32> to vector<16xf32>
        %parallel_loop3A_659 = vector.shape_cast %parallel_loop3A_653 : vector<16xf32> to vector<16xf32>
        tpu.vector_store %arg7[%parallel_loop3A_656], %parallel_loop3A_659 {strides = array<i32>} : memref<51200xf32, #tpu.memory_space<vmem>>, vector<16xf32>,
        %parallel_loop3A_660 = arith.mulf %parallel_loop3A_268, %parallel_loop3A_633 : vector<16xf32>
        %parallel_loop3A_661 = arith.addf %parallel_loop3A_260, %parallel_loop3A_660 : vector<16xf32>
        %parallel_loop3A_662 = arith.constant 48 : i32
        %parallel_loop3A_663 = arith.addi %parallel_loop3A_635, %parallel_loop3A_662 : i32
        %parallel_loop3A_664 = arith.index_cast %parallel_loop3A_663 : i32 to index
        %parallel_loop3A_665 = tpu.vector_load %arg7[%parallel_loop3A_664] {strides = array<i32>} : memref<51200xf32, #tpu.memory_space<vmem>>, vector<16xf32>,
        %parallel_loop3A_666 = vector.shape_cast %parallel_loop3A_665 : vector<16xf32> to vector<16xf32>
        %parallel_loop3A_667 = vector.shape_cast %parallel_loop3A_661 : vector<16xf32> to vector<16xf32>
        tpu.vector_store %arg7[%parallel_loop3A_664], %parallel_loop3A_667 {strides = array<i32>} : memref<51200xf32, #tpu.memory_space<vmem>>, vector<16xf32>,
        %parallel_loop3A_668 = arith.mulf %parallel_loop3A_269, %parallel_loop3A_633 : vector<16xf32>
        %parallel_loop3A_669 = arith.addf %parallel_loop3A_261, %parallel_loop3A_668 : vector<16xf32>
        %parallel_loop3A_670 = arith.constant 64 : i32
        %parallel_loop3A_671 = arith.addi %parallel_loop3A_635, %parallel_loop3A_670 : i32
        %parallel_loop3A_672 = arith.index_cast %parallel_loop3A_671 : i32 to index
        %parallel_loop3A_673 = tpu.vector_load %arg7[%parallel_loop3A_672] {strides = array<i32>} : memref<51200xf32, #tpu.memory_space<vmem>>, vector<16xf32>,
        %parallel_loop3A_674 = vector.shape_cast %parallel_loop3A_673 : vector<16xf32> to vector<16xf32>
        %parallel_loop3A_675 = vector.shape_cast %parallel_loop3A_669 : vector<16xf32> to vector<16xf32>
        tpu.vector_store %arg7[%parallel_loop3A_672], %parallel_loop3A_675 {strides = array<i32>} : memref<51200xf32, #tpu.memory_space<vmem>>, vector<16xf32>,
        %parallel_loop3A_676 = arith.mulf %parallel_loop3A_270, %parallel_loop3A_633 : vector<16xf32>
        %parallel_loop3A_677 = arith.addf %parallel_loop3A_262, %parallel_loop3A_676 : vector<16xf32>
        %parallel_loop3A_678 = arith.constant 80 : i32
        %parallel_loop3A_679 = arith.addi %parallel_loop3A_635, %parallel_loop3A_678 : i32
        %parallel_loop3A_680 = arith.index_cast %parallel_loop3A_679 : i32 to index
        %parallel_loop3A_681 = tpu.vector_load %arg7[%parallel_loop3A_680] {strides = array<i32>} : memref<51200xf32, #tpu.memory_space<vmem>>, vector<16xf32>,
        %parallel_loop3A_682 = vector.shape_cast %parallel_loop3A_681 : vector<16xf32> to vector<16xf32>
        %parallel_loop3A_683 = vector.shape_cast %parallel_loop3A_677 : vector<16xf32> to vector<16xf32>
        tpu.vector_store %arg7[%parallel_loop3A_680], %parallel_loop3A_683 {strides = array<i32>} : memref<51200xf32, #tpu.memory_space<vmem>>, vector<16xf32>,
        %parallel_loop3A_684 = arith.mulf %parallel_loop3A_271, %parallel_loop3A_633 : vector<16xf32>
        %parallel_loop3A_685 = arith.addf %parallel_loop3A_263, %parallel_loop3A_684 : vector<16xf32>
        %parallel_loop3A_686 = arith.constant 96 : i32
        %parallel_loop3A_687 = arith.addi %parallel_loop3A_635, %parallel_loop3A_686 : i32
        %parallel_loop3A_688 = arith.index_cast %parallel_loop3A_687 : i32 to index
        %parallel_loop3A_689 = tpu.vector_load %arg7[%parallel_loop3A_688] {strides = array<i32>} : memref<51200xf32, #tpu.memory_space<vmem>>, vector<16xf32>,
        %parallel_loop3A_690 = vector.shape_cast %parallel_loop3A_689 : vector<16xf32> to vector<16xf32>
        %parallel_loop3A_691 = vector.shape_cast %parallel_loop3A_685 : vector<16xf32> to vector<16xf32>
        tpu.vector_store %arg7[%parallel_loop3A_688], %parallel_loop3A_691 {strides = array<i32>} : memref<51200xf32, #tpu.memory_space<vmem>>, vector<16xf32>,
        %parallel_loop3A_692 = arith.mulf %parallel_loop3A_272, %parallel_loop3A_633 : vector<16xf32>
        %parallel_loop3A_693 = arith.addf %parallel_loop3A_264, %parallel_loop3A_692 : vector<16xf32>
        %parallel_loop3A_694 = arith.constant 112 : i32
        %parallel_loop3A_695 = arith.addi %parallel_loop3A_635, %parallel_loop3A_694 : i32
        %parallel_loop3A_696 = arith.index_cast %parallel_loop3A_695 : i32 to index
        %parallel_loop3A_697 = tpu.vector_load %arg7[%parallel_loop3A_696] {strides = array<i32>} : memref<51200xf32, #tpu.memory_space<vmem>>, vector<16xf32>,
        %parallel_loop3A_698 = vector.shape_cast %parallel_loop3A_697 : vector<16xf32> to vector<16xf32>
        %parallel_loop3A_699 = vector.shape_cast %parallel_loop3A_693 : vector<16xf32> to vector<16xf32>
        tpu.vector_store %arg7[%parallel_loop3A_696], %parallel_loop3A_699 {strides = array<i32>} : memref<51200xf32, #tpu.memory_space<vmem>>, vector<16xf32>,
        %parallel_loop3A_700 = vector.extract_strided_slice %parallel_loop3A_281 {offsets = [6], sizes = [1], strides = [1]} : vector<16xf32> to vector<1xf32>
        %parallel_loop3A_701 = vector.extract %parallel_loop3A_700[0] : f32 from vector<1xf32>
        %parallel_loop3A_702 = vector.broadcast %parallel_loop3A_701 : f32 to vector<16xf32>
        %parallel_loop3A_703 = arith.constant 768 : i32
        %parallel_loop3A_704 = arith.addi %parallel_loop3A_285, %parallel_loop3A_703 : i32
        %parallel_loop3A_705 = arith.mulf %parallel_loop3A_265, %parallel_loop3A_702 : vector<16xf32>
        %parallel_loop3A_706 = arith.addf %parallel_loop3A_257, %parallel_loop3A_705 : vector<16xf32>
        %parallel_loop3A_707 = arith.constant 0 : i32
        %parallel_loop3A_708 = arith.addi %parallel_loop3A_704, %parallel_loop3A_707 : i32
        %parallel_loop3A_709 = arith.index_cast %parallel_loop3A_708 : i32 to index
        %parallel_loop3A_710 = tpu.vector_load %arg7[%parallel_loop3A_709] {strides = array<i32>} : memref<51200xf32, #tpu.memory_space<vmem>>, vector<16xf32>,
        %parallel_loop3A_711 = vector.shape_cast %parallel_loop3A_710 : vector<16xf32> to vector<16xf32>
        %parallel_loop3A_712 = vector.shape_cast %parallel_loop3A_706 : vector<16xf32> to vector<16xf32>
        tpu.vector_store %arg7[%parallel_loop3A_709], %parallel_loop3A_712 {strides = array<i32>} : memref<51200xf32, #tpu.memory_space<vmem>>, vector<16xf32>,
        %parallel_loop3A_713 = arith.mulf %parallel_loop3A_266, %parallel_loop3A_702 : vector<16xf32>
        %parallel_loop3A_714 = arith.addf %parallel_loop3A_258, %parallel_loop3A_713 : vector<16xf32>
        %parallel_loop3A_715 = arith.constant 16 : i32
        %parallel_loop3A_716 = arith.addi %parallel_loop3A_704, %parallel_loop3A_715 : i32
        %parallel_loop3A_717 = arith.index_cast %parallel_loop3A_716 : i32 to index
        %parallel_loop3A_718 = tpu.vector_load %arg7[%parallel_loop3A_717] {strides = array<i32>} : memref<51200xf32, #tpu.memory_space<vmem>>, vector<16xf32>,
        %parallel_loop3A_719 = vector.shape_cast %parallel_loop3A_718 : vector<16xf32> to vector<16xf32>
        %parallel_loop3A_720 = vector.shape_cast %parallel_loop3A_714 : vector<16xf32> to vector<16xf32>
        tpu.vector_store %arg7[%parallel_loop3A_717], %parallel_loop3A_720 {strides = array<i32>} : memref<51200xf32, #tpu.memory_space<vmem>>, vector<16xf32>,
        %parallel_loop3A_721 = arith.mulf %parallel_loop3A_267, %parallel_loop3A_702 : vector<16xf32>
        %parallel_loop3A_722 = arith.addf %parallel_loop3A_259, %parallel_loop3A_721 : vector<16xf32>
        %parallel_loop3A_723 = arith.constant 32 : i32
        %parallel_loop3A_724 = arith.addi %parallel_loop3A_704, %parallel_loop3A_723 : i32
        %parallel_loop3A_725 = arith.index_cast %parallel_loop3A_724 : i32 to index
        %parallel_loop3A_726 = tpu.vector_load %arg7[%parallel_loop3A_725] {strides = array<i32>} : memref<51200xf32, #tpu.memory_space<vmem>>, vector<16xf32>,
        %parallel_loop3A_727 = vector.shape_cast %parallel_loop3A_726 : vector<16xf32> to vector<16xf32>
        %parallel_loop3A_728 = vector.shape_cast %parallel_loop3A_722 : vector<16xf32> to vector<16xf32>
        tpu.vector_store %arg7[%parallel_loop3A_725], %parallel_loop3A_728 {strides = array<i32>} : memref<51200xf32, #tpu.memory_space<vmem>>, vector<16xf32>,
        %parallel_loop3A_729 = arith.mulf %parallel_loop3A_268, %parallel_loop3A_702 : vector<16xf32>
        %parallel_loop3A_730 = arith.addf %parallel_loop3A_260, %parallel_loop3A_729 : vector<16xf32>
        %parallel_loop3A_731 = arith.constant 48 : i32
        %parallel_loop3A_732 = arith.addi %parallel_loop3A_704, %parallel_loop3A_731 : i32
        %parallel_loop3A_733 = arith.index_cast %parallel_loop3A_732 : i32 to index
        %parallel_loop3A_734 = tpu.vector_load %arg7[%parallel_loop3A_733] {strides = array<i32>} : memref<51200xf32, #tpu.memory_space<vmem>>, vector<16xf32>,
        %parallel_loop3A_735 = vector.shape_cast %parallel_loop3A_734 : vector<16xf32> to vector<16xf32>
        %parallel_loop3A_736 = vector.shape_cast %parallel_loop3A_730 : vector<16xf32> to vector<16xf32>
        tpu.vector_store %arg7[%parallel_loop3A_733], %parallel_loop3A_736 {strides = array<i32>} : memref<51200xf32, #tpu.memory_space<vmem>>, vector<16xf32>,
        %parallel_loop3A_737 = arith.mulf %parallel_loop3A_269, %parallel_loop3A_702 : vector<16xf32>
        %parallel_loop3A_738 = arith.addf %parallel_loop3A_261, %parallel_loop3A_737 : vector<16xf32>
        %parallel_loop3A_739 = arith.constant 64 : i32
        %parallel_loop3A_740 = arith.addi %parallel_loop3A_704, %parallel_loop3A_739 : i32
        %parallel_loop3A_741 = arith.index_cast %parallel_loop3A_740 : i32 to index
        %parallel_loop3A_742 = tpu.vector_load %arg7[%parallel_loop3A_741] {strides = array<i32>} : memref<51200xf32, #tpu.memory_space<vmem>>, vector<16xf32>,
        %parallel_loop3A_743 = vector.shape_cast %parallel_loop3A_742 : vector<16xf32> to vector<16xf32>
        %parallel_loop3A_744 = vector.shape_cast %parallel_loop3A_738 : vector<16xf32> to vector<16xf32>
        tpu.vector_store %arg7[%parallel_loop3A_741], %parallel_loop3A_744 {strides = array<i32>} : memref<51200xf32, #tpu.memory_space<vmem>>, vector<16xf32>,
        %parallel_loop3A_745 = arith.mulf %parallel_loop3A_270, %parallel_loop3A_702 : vector<16xf32>
        %parallel_loop3A_746 = arith.addf %parallel_loop3A_262, %parallel_loop3A_745 : vector<16xf32>
        %parallel_loop3A_747 = arith.constant 80 : i32
        %parallel_loop3A_748 = arith.addi %parallel_loop3A_704, %parallel_loop3A_747 : i32
        %parallel_loop3A_749 = arith.index_cast %parallel_loop3A_748 : i32 to index
        %parallel_loop3A_750 = tpu.vector_load %arg7[%parallel_loop3A_749] {strides = array<i32>} : memref<51200xf32, #tpu.memory_space<vmem>>, vector<16xf32>,
        %parallel_loop3A_751 = vector.shape_cast %parallel_loop3A_750 : vector<16xf32> to vector<16xf32>
        %parallel_loop3A_752 = vector.shape_cast %parallel_loop3A_746 : vector<16xf32> to vector<16xf32>
        tpu.vector_store %arg7[%parallel_loop3A_749], %parallel_loop3A_752 {strides = array<i32>} : memref<51200xf32, #tpu.memory_space<vmem>>, vector<16xf32>,
        %parallel_loop3A_753 = arith.mulf %parallel_loop3A_271, %parallel_loop3A_702 : vector<16xf32>
        %parallel_loop3A_754 = arith.addf %parallel_loop3A_263, %parallel_loop3A_753 : vector<16xf32>
        %parallel_loop3A_755 = arith.constant 96 : i32
        %parallel_loop3A_756 = arith.addi %parallel_loop3A_704, %parallel_loop3A_755 : i32
        %parallel_loop3A_757 = arith.index_cast %parallel_loop3A_756 : i32 to index
        %parallel_loop3A_758 = tpu.vector_load %arg7[%parallel_loop3A_757] {strides = array<i32>} : memref<51200xf32, #tpu.memory_space<vmem>>, vector<16xf32>,
        %parallel_loop3A_759 = vector.shape_cast %parallel_loop3A_758 : vector<16xf32> to vector<16xf32>
        %parallel_loop3A_760 = vector.shape_cast %parallel_loop3A_754 : vector<16xf32> to vector<16xf32>
        tpu.vector_store %arg7[%parallel_loop3A_757], %parallel_loop3A_760 {strides = array<i32>} : memref<51200xf32, #tpu.memory_space<vmem>>, vector<16xf32>,
        %parallel_loop3A_761 = arith.mulf %parallel_loop3A_272, %parallel_loop3A_702 : vector<16xf32>
        %parallel_loop3A_762 = arith.addf %parallel_loop3A_264, %parallel_loop3A_761 : vector<16xf32>
        %parallel_loop3A_763 = arith.constant 112 : i32
        %parallel_loop3A_764 = arith.addi %parallel_loop3A_704, %parallel_loop3A_763 : i32
        %parallel_loop3A_765 = arith.index_cast %parallel_loop3A_764 : i32 to index
        %parallel_loop3A_766 = tpu.vector_load %arg7[%parallel_loop3A_765] {strides = array<i32>} : memref<51200xf32, #tpu.memory_space<vmem>>, vector<16xf32>,
        %parallel_loop3A_767 = vector.shape_cast %parallel_loop3A_766 : vector<16xf32> to vector<16xf32>
        %parallel_loop3A_768 = vector.shape_cast %parallel_loop3A_762 : vector<16xf32> to vector<16xf32>
        tpu.vector_store %arg7[%parallel_loop3A_765], %parallel_loop3A_768 {strides = array<i32>} : memref<51200xf32, #tpu.memory_space<vmem>>, vector<16xf32>,
        %parallel_loop3A_769 = vector.extract_strided_slice %parallel_loop3A_281 {offsets = [7], sizes = [1], strides = [1]} : vector<16xf32> to vector<1xf32>
        %parallel_loop3A_770 = vector.extract %parallel_loop3A_769[0] : f32 from vector<1xf32>
        %parallel_loop3A_771 = vector.broadcast %parallel_loop3A_770 : f32 to vector<16xf32>
        %parallel_loop3A_772 = arith.constant 896 : i32
        %parallel_loop3A_773 = arith.addi %parallel_loop3A_285, %parallel_loop3A_772 : i32
        %parallel_loop3A_774 = arith.mulf %parallel_loop3A_265, %parallel_loop3A_771 : vector<16xf32>
        %parallel_loop3A_775 = arith.addf %parallel_loop3A_257, %parallel_loop3A_774 : vector<16xf32>
        %parallel_loop3A_776 = arith.constant 0 : i32
        %parallel_loop3A_777 = arith.addi %parallel_loop3A_773, %parallel_loop3A_776 : i32
        %parallel_loop3A_778 = arith.index_cast %parallel_loop3A_777 : i32 to index
        %parallel_loop3A_779 = tpu.vector_load %arg7[%parallel_loop3A_778] {strides = array<i32>} : memref<51200xf32, #tpu.memory_space<vmem>>, vector<16xf32>,
        %parallel_loop3A_780 = vector.shape_cast %parallel_loop3A_779 : vector<16xf32> to vector<16xf32>
        %parallel_loop3A_781 = vector.shape_cast %parallel_loop3A_775 : vector<16xf32> to vector<16xf32>
        tpu.vector_store %arg7[%parallel_loop3A_778], %parallel_loop3A_781 {strides = array<i32>} : memref<51200xf32, #tpu.memory_space<vmem>>, vector<16xf32>,
        %parallel_loop3A_782 = arith.mulf %parallel_loop3A_266, %parallel_loop3A_771 : vector<16xf32>
        %parallel_loop3A_783 = arith.addf %parallel_loop3A_258, %parallel_loop3A_782 : vector<16xf32>
        %parallel_loop3A_784 = arith.constant 16 : i32
        %parallel_loop3A_785 = arith.addi %parallel_loop3A_773, %parallel_loop3A_784 : i32
        %parallel_loop3A_786 = arith.index_cast %parallel_loop3A_785 : i32 to index
        %parallel_loop3A_787 = tpu.vector_load %arg7[%parallel_loop3A_786] {strides = array<i32>} : memref<51200xf32, #tpu.memory_space<vmem>>, vector<16xf32>,
        %parallel_loop3A_788 = vector.shape_cast %parallel_loop3A_787 : vector<16xf32> to vector<16xf32>
        %parallel_loop3A_789 = vector.shape_cast %parallel_loop3A_783 : vector<16xf32> to vector<16xf32>
        tpu.vector_store %arg7[%parallel_loop3A_786], %parallel_loop3A_789 {strides = array<i32>} : memref<51200xf32, #tpu.memory_space<vmem>>, vector<16xf32>,
        %parallel_loop3A_790 = arith.mulf %parallel_loop3A_267, %parallel_loop3A_771 : vector<16xf32>
        %parallel_loop3A_791 = arith.addf %parallel_loop3A_259, %parallel_loop3A_790 : vector<16xf32>
        %parallel_loop3A_792 = arith.constant 32 : i32
        %parallel_loop3A_793 = arith.addi %parallel_loop3A_773, %parallel_loop3A_792 : i32
        %parallel_loop3A_794 = arith.index_cast %parallel_loop3A_793 : i32 to index
        %parallel_loop3A_795 = tpu.vector_load %arg7[%parallel_loop3A_794] {strides = array<i32>} : memref<51200xf32, #tpu.memory_space<vmem>>, vector<16xf32>,
        %parallel_loop3A_796 = vector.shape_cast %parallel_loop3A_795 : vector<16xf32> to vector<16xf32>
        %parallel_loop3A_797 = vector.shape_cast %parallel_loop3A_791 : vector<16xf32> to vector<16xf32>
        tpu.vector_store %arg7[%parallel_loop3A_794], %parallel_loop3A_797 {strides = array<i32>} : memref<51200xf32, #tpu.memory_space<vmem>>, vector<16xf32>,
        %parallel_loop3A_798 = arith.mulf %parallel_loop3A_268, %parallel_loop3A_771 : vector<16xf32>
        %parallel_loop3A_799 = arith.addf %parallel_loop3A_260, %parallel_loop3A_798 : vector<16xf32>
        %parallel_loop3A_800 = arith.constant 48 : i32
        %parallel_loop3A_801 = arith.addi %parallel_loop3A_773, %parallel_loop3A_800 : i32
        %parallel_loop3A_802 = arith.index_cast %parallel_loop3A_801 : i32 to index
        %parallel_loop3A_803 = tpu.vector_load %arg7[%parallel_loop3A_802] {strides = array<i32>} : memref<51200xf32, #tpu.memory_space<vmem>>, vector<16xf32>,
        %parallel_loop3A_804 = vector.shape_cast %parallel_loop3A_803 : vector<16xf32> to vector<16xf32>
        %parallel_loop3A_805 = vector.shape_cast %parallel_loop3A_799 : vector<16xf32> to vector<16xf32>
        tpu.vector_store %arg7[%parallel_loop3A_802], %parallel_loop3A_805 {strides = array<i32>} : memref<51200xf32, #tpu.memory_space<vmem>>, vector<16xf32>,
        %parallel_loop3A_806 = arith.mulf %parallel_loop3A_269, %parallel_loop3A_771 : vector<16xf32>
        %parallel_loop3A_807 = arith.addf %parallel_loop3A_261, %parallel_loop3A_806 : vector<16xf32>
        %parallel_loop3A_808 = arith.constant 64 : i32
        %parallel_loop3A_809 = arith.addi %parallel_loop3A_773, %parallel_loop3A_808 : i32
        %parallel_loop3A_810 = arith.index_cast %parallel_loop3A_809 : i32 to index
        %parallel_loop3A_811 = tpu.vector_load %arg7[%parallel_loop3A_810] {strides = array<i32>} : memref<51200xf32, #tpu.memory_space<vmem>>, vector<16xf32>,
        %parallel_loop3A_812 = vector.shape_cast %parallel_loop3A_811 : vector<16xf32> to vector<16xf32>
        %parallel_loop3A_813 = vector.shape_cast %parallel_loop3A_807 : vector<16xf32> to vector<16xf32>
        tpu.vector_store %arg7[%parallel_loop3A_810], %parallel_loop3A_813 {strides = array<i32>} : memref<51200xf32, #tpu.memory_space<vmem>>, vector<16xf32>,
        %parallel_loop3A_814 = arith.mulf %parallel_loop3A_270, %parallel_loop3A_771 : vector<16xf32>
        %parallel_loop3A_815 = arith.addf %parallel_loop3A_262, %parallel_loop3A_814 : vector<16xf32>
        %parallel_loop3A_816 = arith.constant 80 : i32
        %parallel_loop3A_817 = arith.addi %parallel_loop3A_773, %parallel_loop3A_816 : i32
        %parallel_loop3A_818 = arith.index_cast %parallel_loop3A_817 : i32 to index
        %parallel_loop3A_819 = tpu.vector_load %arg7[%parallel_loop3A_818] {strides = array<i32>} : memref<51200xf32, #tpu.memory_space<vmem>>, vector<16xf32>,
        %parallel_loop3A_820 = vector.shape_cast %parallel_loop3A_819 : vector<16xf32> to vector<16xf32>
        %parallel_loop3A_821 = vector.shape_cast %parallel_loop3A_815 : vector<16xf32> to vector<16xf32>
        tpu.vector_store %arg7[%parallel_loop3A_818], %parallel_loop3A_821 {strides = array<i32>} : memref<51200xf32, #tpu.memory_space<vmem>>, vector<16xf32>,
        %parallel_loop3A_822 = arith.mulf %parallel_loop3A_271, %parallel_loop3A_771 : vector<16xf32>
        %parallel_loop3A_823 = arith.addf %parallel_loop3A_263, %parallel_loop3A_822 : vector<16xf32>
        %parallel_loop3A_824 = arith.constant 96 : i32
        %parallel_loop3A_825 = arith.addi %parallel_loop3A_773, %parallel_loop3A_824 : i32
        %parallel_loop3A_826 = arith.index_cast %parallel_loop3A_825 : i32 to index
        %parallel_loop3A_827 = tpu.vector_load %arg7[%parallel_loop3A_826] {strides = array<i32>} : memref<51200xf32, #tpu.memory_space<vmem>>, vector<16xf32>,
        %parallel_loop3A_828 = vector.shape_cast %parallel_loop3A_827 : vector<16xf32> to vector<16xf32>
        %parallel_loop3A_829 = vector.shape_cast %parallel_loop3A_823 : vector<16xf32> to vector<16xf32>
        tpu.vector_store %arg7[%parallel_loop3A_826], %parallel_loop3A_829 {strides = array<i32>} : memref<51200xf32, #tpu.memory_space<vmem>>, vector<16xf32>,
        %parallel_loop3A_830 = arith.mulf %parallel_loop3A_272, %parallel_loop3A_771 : vector<16xf32>
        %parallel_loop3A_831 = arith.addf %parallel_loop3A_264, %parallel_loop3A_830 : vector<16xf32>
        %parallel_loop3A_832 = arith.constant 112 : i32
        %parallel_loop3A_833 = arith.addi %parallel_loop3A_773, %parallel_loop3A_832 : i32
        %parallel_loop3A_834 = arith.index_cast %parallel_loop3A_833 : i32 to index
        %parallel_loop3A_835 = tpu.vector_load %arg7[%parallel_loop3A_834] {strides = array<i32>} : memref<51200xf32, #tpu.memory_space<vmem>>, vector<16xf32>,
        %parallel_loop3A_836 = vector.shape_cast %parallel_loop3A_835 : vector<16xf32> to vector<16xf32>
        %parallel_loop3A_837 = vector.shape_cast %parallel_loop3A_831 : vector<16xf32> to vector<16xf32>
        tpu.vector_store %arg7[%parallel_loop3A_834], %parallel_loop3A_837 {strides = array<i32>} : memref<51200xf32, #tpu.memory_space<vmem>>, vector<16xf32>,
        %parallel_loop3A_838 = vector.extract_strided_slice %parallel_loop3A_281 {offsets = [8], sizes = [1], strides = [1]} : vector<16xf32> to vector<1xf32>
        %parallel_loop3A_839 = vector.extract %parallel_loop3A_838[0] : f32 from vector<1xf32>
        %parallel_loop3A_840 = vector.broadcast %parallel_loop3A_839 : f32 to vector<16xf32>
        %parallel_loop3A_841 = arith.constant 1024 : i32
        %parallel_loop3A_842 = arith.addi %parallel_loop3A_285, %parallel_loop3A_841 : i32
        %parallel_loop3A_843 = arith.mulf %parallel_loop3A_265, %parallel_loop3A_840 : vector<16xf32>
        %parallel_loop3A_844 = arith.addf %parallel_loop3A_257, %parallel_loop3A_843 : vector<16xf32>
        %parallel_loop3A_845 = arith.constant 0 : i32
        %parallel_loop3A_846 = arith.addi %parallel_loop3A_842, %parallel_loop3A_845 : i32
        %parallel_loop3A_847 = arith.index_cast %parallel_loop3A_846 : i32 to index
        %parallel_loop3A_848 = tpu.vector_load %arg7[%parallel_loop3A_847] {strides = array<i32>} : memref<51200xf32, #tpu.memory_space<vmem>>, vector<16xf32>,
        %parallel_loop3A_849 = vector.shape_cast %parallel_loop3A_848 : vector<16xf32> to vector<16xf32>
        %parallel_loop3A_850 = vector.shape_cast %parallel_loop3A_844 : vector<16xf32> to vector<16xf32>
        tpu.vector_store %arg7[%parallel_loop3A_847], %parallel_loop3A_850 {strides = array<i32>} : memref<51200xf32, #tpu.memory_space<vmem>>, vector<16xf32>,
        %parallel_loop3A_851 = arith.mulf %parallel_loop3A_266, %parallel_loop3A_840 : vector<16xf32>
        %parallel_loop3A_852 = arith.addf %parallel_loop3A_258, %parallel_loop3A_851 : vector<16xf32>
        %parallel_loop3A_853 = arith.constant 16 : i32
        %parallel_loop3A_854 = arith.addi %parallel_loop3A_842, %parallel_loop3A_853 : i32
        %parallel_loop3A_855 = arith.index_cast %parallel_loop3A_854 : i32 to index
        %parallel_loop3A_856 = tpu.vector_load %arg7[%parallel_loop3A_855] {strides = array<i32>} : memref<51200xf32, #tpu.memory_space<vmem>>, vector<16xf32>,
        %parallel_loop3A_857 = vector.shape_cast %parallel_loop3A_856 : vector<16xf32> to vector<16xf32>
        %parallel_loop3A_858 = vector.shape_cast %parallel_loop3A_852 : vector<16xf32> to vector<16xf32>
        tpu.vector_store %arg7[%parallel_loop3A_855], %parallel_loop3A_858 {strides = array<i32>} : memref<51200xf32, #tpu.memory_space<vmem>>, vector<16xf32>,
        %parallel_loop3A_859 = arith.mulf %parallel_loop3A_267, %parallel_loop3A_840 : vector<16xf32>
        %parallel_loop3A_860 = arith.addf %parallel_loop3A_259, %parallel_loop3A_859 : vector<16xf32>
        %parallel_loop3A_861 = arith.constant 32 : i32
        %parallel_loop3A_862 = arith.addi %parallel_loop3A_842, %parallel_loop3A_861 : i32
        %parallel_loop3A_863 = arith.index_cast %parallel_loop3A_862 : i32 to index
        %parallel_loop3A_864 = tpu.vector_load %arg7[%parallel_loop3A_863] {strides = array<i32>} : memref<51200xf32, #tpu.memory_space<vmem>>, vector<16xf32>,
        %parallel_loop3A_865 = vector.shape_cast %parallel_loop3A_864 : vector<16xf32> to vector<16xf32>
        %parallel_loop3A_866 = vector.shape_cast %parallel_loop3A_860 : vector<16xf32> to vector<16xf32>
        tpu.vector_store %arg7[%parallel_loop3A_863], %parallel_loop3A_866 {strides = array<i32>} : memref<51200xf32, #tpu.memory_space<vmem>>, vector<16xf32>,
        %parallel_loop3A_867 = arith.mulf %parallel_loop3A_268, %parallel_loop3A_840 : vector<16xf32>
        %parallel_loop3A_868 = arith.addf %parallel_loop3A_260, %parallel_loop3A_867 : vector<16xf32>
        %parallel_loop3A_869 = arith.constant 48 : i32
        %parallel_loop3A_870 = arith.addi %parallel_loop3A_842, %parallel_loop3A_869 : i32
        %parallel_loop3A_871 = arith.index_cast %parallel_loop3A_870 : i32 to index
        %parallel_loop3A_872 = tpu.vector_load %arg7[%parallel_loop3A_871] {strides = array<i32>} : memref<51200xf32, #tpu.memory_space<vmem>>, vector<16xf32>,
        %parallel_loop3A_873 = vector.shape_cast %parallel_loop3A_872 : vector<16xf32> to vector<16xf32>
        %parallel_loop3A_874 = vector.shape_cast %parallel_loop3A_868 : vector<16xf32> to vector<16xf32>
        tpu.vector_store %arg7[%parallel_loop3A_871], %parallel_loop3A_874 {strides = array<i32>} : memref<51200xf32, #tpu.memory_space<vmem>>, vector<16xf32>,
        %parallel_loop3A_875 = arith.mulf %parallel_loop3A_269, %parallel_loop3A_840 : vector<16xf32>
        %parallel_loop3A_876 = arith.addf %parallel_loop3A_261, %parallel_loop3A_875 : vector<16xf32>
        %parallel_loop3A_877 = arith.constant 64 : i32
        %parallel_loop3A_878 = arith.addi %parallel_loop3A_842, %parallel_loop3A_877 : i32
        %parallel_loop3A_879 = arith.index_cast %parallel_loop3A_878 : i32 to index
        %parallel_loop3A_880 = tpu.vector_load %arg7[%parallel_loop3A_879] {strides = array<i32>} : memref<51200xf32, #tpu.memory_space<vmem>>, vector<16xf32>,
        %parallel_loop3A_881 = vector.shape_cast %parallel_loop3A_880 : vector<16xf32> to vector<16xf32>
        %parallel_loop3A_882 = vector.shape_cast %parallel_loop3A_876 : vector<16xf32> to vector<16xf32>
        tpu.vector_store %arg7[%parallel_loop3A_879], %parallel_loop3A_882 {strides = array<i32>} : memref<51200xf32, #tpu.memory_space<vmem>>, vector<16xf32>,
        %parallel_loop3A_883 = arith.mulf %parallel_loop3A_270, %parallel_loop3A_840 : vector<16xf32>
        %parallel_loop3A_884 = arith.addf %parallel_loop3A_262, %parallel_loop3A_883 : vector<16xf32>
        %parallel_loop3A_885 = arith.constant 80 : i32
        %parallel_loop3A_886 = arith.addi %parallel_loop3A_842, %parallel_loop3A_885 : i32
        %parallel_loop3A_887 = arith.index_cast %parallel_loop3A_886 : i32 to index
        %parallel_loop3A_888 = tpu.vector_load %arg7[%parallel_loop3A_887] {strides = array<i32>} : memref<51200xf32, #tpu.memory_space<vmem>>, vector<16xf32>,
        %parallel_loop3A_889 = vector.shape_cast %parallel_loop3A_888 : vector<16xf32> to vector<16xf32>
        %parallel_loop3A_890 = vector.shape_cast %parallel_loop3A_884 : vector<16xf32> to vector<16xf32>
        tpu.vector_store %arg7[%parallel_loop3A_887], %parallel_loop3A_890 {strides = array<i32>} : memref<51200xf32, #tpu.memory_space<vmem>>, vector<16xf32>,
        %parallel_loop3A_891 = arith.mulf %parallel_loop3A_271, %parallel_loop3A_840 : vector<16xf32>
        %parallel_loop3A_892 = arith.addf %parallel_loop3A_263, %parallel_loop3A_891 : vector<16xf32>
        %parallel_loop3A_893 = arith.constant 96 : i32
        %parallel_loop3A_894 = arith.addi %parallel_loop3A_842, %parallel_loop3A_893 : i32
        %parallel_loop3A_895 = arith.index_cast %parallel_loop3A_894 : i32 to index
        %parallel_loop3A_896 = tpu.vector_load %arg7[%parallel_loop3A_895] {strides = array<i32>} : memref<51200xf32, #tpu.memory_space<vmem>>, vector<16xf32>,
        %parallel_loop3A_897 = vector.shape_cast %parallel_loop3A_896 : vector<16xf32> to vector<16xf32>
        %parallel_loop3A_898 = vector.shape_cast %parallel_loop3A_892 : vector<16xf32> to vector<16xf32>
        tpu.vector_store %arg7[%parallel_loop3A_895], %parallel_loop3A_898 {strides = array<i32>} : memref<51200xf32, #tpu.memory_space<vmem>>, vector<16xf32>,
        %parallel_loop3A_899 = arith.mulf %parallel_loop3A_272, %parallel_loop3A_840 : vector<16xf32>
        %parallel_loop3A_900 = arith.addf %parallel_loop3A_264, %parallel_loop3A_899 : vector<16xf32>
        %parallel_loop3A_901 = arith.constant 112 : i32
        %parallel_loop3A_902 = arith.addi %parallel_loop3A_842, %parallel_loop3A_901 : i32
        %parallel_loop3A_903 = arith.index_cast %parallel_loop3A_902 : i32 to index
        %parallel_loop3A_904 = tpu.vector_load %arg7[%parallel_loop3A_903] {strides = array<i32>} : memref<51200xf32, #tpu.memory_space<vmem>>, vector<16xf32>,
        %parallel_loop3A_905 = vector.shape_cast %parallel_loop3A_904 : vector<16xf32> to vector<16xf32>
        %parallel_loop3A_906 = vector.shape_cast %parallel_loop3A_900 : vector<16xf32> to vector<16xf32>
        tpu.vector_store %arg7[%parallel_loop3A_903], %parallel_loop3A_906 {strides = array<i32>} : memref<51200xf32, #tpu.memory_space<vmem>>, vector<16xf32>,
        %parallel_loop3A_907 = vector.extract_strided_slice %parallel_loop3A_281 {offsets = [9], sizes = [1], strides = [1]} : vector<16xf32> to vector<1xf32>
        %parallel_loop3A_908 = vector.extract %parallel_loop3A_907[0] : f32 from vector<1xf32>
        %parallel_loop3A_909 = vector.broadcast %parallel_loop3A_908 : f32 to vector<16xf32>
        %parallel_loop3A_910 = arith.constant 1152 : i32
        %parallel_loop3A_911 = arith.addi %parallel_loop3A_285, %parallel_loop3A_910 : i32
        %parallel_loop3A_912 = arith.mulf %parallel_loop3A_265, %parallel_loop3A_909 : vector<16xf32>
        %parallel_loop3A_913 = arith.addf %parallel_loop3A_257, %parallel_loop3A_912 : vector<16xf32>
        %parallel_loop3A_914 = arith.constant 0 : i32
        %parallel_loop3A_915 = arith.addi %parallel_loop3A_911, %parallel_loop3A_914 : i32
        %parallel_loop3A_916 = arith.index_cast %parallel_loop3A_915 : i32 to index
        %parallel_loop3A_917 = tpu.vector_load %arg7[%parallel_loop3A_916] {strides = array<i32>} : memref<51200xf32, #tpu.memory_space<vmem>>, vector<16xf32>,
        %parallel_loop3A_918 = vector.shape_cast %parallel_loop3A_917 : vector<16xf32> to vector<16xf32>
        %parallel_loop3A_919 = vector.shape_cast %parallel_loop3A_913 : vector<16xf32> to vector<16xf32>
        tpu.vector_store %arg7[%parallel_loop3A_916], %parallel_loop3A_919 {strides = array<i32>} : memref<51200xf32, #tpu.memory_space<vmem>>, vector<16xf32>,
        %parallel_loop3A_920 = arith.mulf %parallel_loop3A_266, %parallel_loop3A_909 : vector<16xf32>
        %parallel_loop3A_921 = arith.addf %parallel_loop3A_258, %parallel_loop3A_920 : vector<16xf32>
        %parallel_loop3A_922 = arith.constant 16 : i32
        %parallel_loop3A_923 = arith.addi %parallel_loop3A_911, %parallel_loop3A_922 : i32
        %parallel_loop3A_924 = arith.index_cast %parallel_loop3A_923 : i32 to index
        %parallel_loop3A_925 = tpu.vector_load %arg7[%parallel_loop3A_924] {strides = array<i32>} : memref<51200xf32, #tpu.memory_space<vmem>>, vector<16xf32>,
        %parallel_loop3A_926 = vector.shape_cast %parallel_loop3A_925 : vector<16xf32> to vector<16xf32>
        %parallel_loop3A_927 = vector.shape_cast %parallel_loop3A_921 : vector<16xf32> to vector<16xf32>
        tpu.vector_store %arg7[%parallel_loop3A_924], %parallel_loop3A_927 {strides = array<i32>} : memref<51200xf32, #tpu.memory_space<vmem>>, vector<16xf32>,
        %parallel_loop3A_928 = arith.mulf %parallel_loop3A_267, %parallel_loop3A_909 : vector<16xf32>
        %parallel_loop3A_929 = arith.addf %parallel_loop3A_259, %parallel_loop3A_928 : vector<16xf32>
        %parallel_loop3A_930 = arith.constant 32 : i32
        %parallel_loop3A_931 = arith.addi %parallel_loop3A_911, %parallel_loop3A_930 : i32
        %parallel_loop3A_932 = arith.index_cast %parallel_loop3A_931 : i32 to index
        %parallel_loop3A_933 = tpu.vector_load %arg7[%parallel_loop3A_932] {strides = array<i32>} : memref<51200xf32, #tpu.memory_space<vmem>>, vector<16xf32>,
        %parallel_loop3A_934 = vector.shape_cast %parallel_loop3A_933 : vector<16xf32> to vector<16xf32>
        %parallel_loop3A_935 = vector.shape_cast %parallel_loop3A_929 : vector<16xf32> to vector<16xf32>
        tpu.vector_store %arg7[%parallel_loop3A_932], %parallel_loop3A_935 {strides = array<i32>} : memref<51200xf32, #tpu.memory_space<vmem>>, vector<16xf32>,
        %parallel_loop3A_936 = arith.mulf %parallel_loop3A_268, %parallel_loop3A_909 : vector<16xf32>
        %parallel_loop3A_937 = arith.addf %parallel_loop3A_260, %parallel_loop3A_936 : vector<16xf32>
        %parallel_loop3A_938 = arith.constant 48 : i32
        %parallel_loop3A_939 = arith.addi %parallel_loop3A_911, %parallel_loop3A_938 : i32
        %parallel_loop3A_940 = arith.index_cast %parallel_loop3A_939 : i32 to index
        %parallel_loop3A_941 = tpu.vector_load %arg7[%parallel_loop3A_940] {strides = array<i32>} : memref<51200xf32, #tpu.memory_space<vmem>>, vector<16xf32>,
        %parallel_loop3A_942 = vector.shape_cast %parallel_loop3A_941 : vector<16xf32> to vector<16xf32>
        %parallel_loop3A_943 = vector.shape_cast %parallel_loop3A_937 : vector<16xf32> to vector<16xf32>
        tpu.vector_store %arg7[%parallel_loop3A_940], %parallel_loop3A_943 {strides = array<i32>} : memref<51200xf32, #tpu.memory_space<vmem>>, vector<16xf32>,
        %parallel_loop3A_944 = arith.mulf %parallel_loop3A_269, %parallel_loop3A_909 : vector<16xf32>
        %parallel_loop3A_945 = arith.addf %parallel_loop3A_261, %parallel_loop3A_944 : vector<16xf32>
        %parallel_loop3A_946 = arith.constant 64 : i32
        %parallel_loop3A_947 = arith.addi %parallel_loop3A_911, %parallel_loop3A_946 : i32
        %parallel_loop3A_948 = arith.index_cast %parallel_loop3A_947 : i32 to index
        %parallel_loop3A_949 = tpu.vector_load %arg7[%parallel_loop3A_948] {strides = array<i32>} : memref<51200xf32, #tpu.memory_space<vmem>>, vector<16xf32>,
        %parallel_loop3A_950 = vector.shape_cast %parallel_loop3A_949 : vector<16xf32> to vector<16xf32>
        %parallel_loop3A_951 = vector.shape_cast %parallel_loop3A_945 : vector<16xf32> to vector<16xf32>
        tpu.vector_store %arg7[%parallel_loop3A_948], %parallel_loop3A_951 {strides = array<i32>} : memref<51200xf32, #tpu.memory_space<vmem>>, vector<16xf32>,
        %parallel_loop3A_952 = arith.mulf %parallel_loop3A_270, %parallel_loop3A_909 : vector<16xf32>
        %parallel_loop3A_953 = arith.addf %parallel_loop3A_262, %parallel_loop3A_952 : vector<16xf32>
        %parallel_loop3A_954 = arith.constant 80 : i32
        %parallel_loop3A_955 = arith.addi %parallel_loop3A_911, %parallel_loop3A_954 : i32
        %parallel_loop3A_956 = arith.index_cast %parallel_loop3A_955 : i32 to index
        %parallel_loop3A_957 = tpu.vector_load %arg7[%parallel_loop3A_956] {strides = array<i32>} : memref<51200xf32, #tpu.memory_space<vmem>>, vector<16xf32>,
        %parallel_loop3A_958 = vector.shape_cast %parallel_loop3A_957 : vector<16xf32> to vector<16xf32>
        %parallel_loop3A_959 = vector.shape_cast %parallel_loop3A_953 : vector<16xf32> to vector<16xf32>
        tpu.vector_store %arg7[%parallel_loop3A_956], %parallel_loop3A_959 {strides = array<i32>} : memref<51200xf32, #tpu.memory_space<vmem>>, vector<16xf32>,
        %parallel_loop3A_960 = arith.mulf %parallel_loop3A_271, %parallel_loop3A_909 : vector<16xf32>
        %parallel_loop3A_961 = arith.addf %parallel_loop3A_263, %parallel_loop3A_960 : vector<16xf32>
        %parallel_loop3A_962 = arith.constant 96 : i32
        %parallel_loop3A_963 = arith.addi %parallel_loop3A_911, %parallel_loop3A_962 : i32
        %parallel_loop3A_964 = arith.index_cast %parallel_loop3A_963 : i32 to index
        %parallel_loop3A_965 = tpu.vector_load %arg7[%parallel_loop3A_964] {strides = array<i32>} : memref<51200xf32, #tpu.memory_space<vmem>>, vector<16xf32>,
        %parallel_loop3A_966 = vector.shape_cast %parallel_loop3A_965 : vector<16xf32> to vector<16xf32>
        %parallel_loop3A_967 = vector.shape_cast %parallel_loop3A_961 : vector<16xf32> to vector<16xf32>
        tpu.vector_store %arg7[%parallel_loop3A_964], %parallel_loop3A_967 {strides = array<i32>} : memref<51200xf32, #tpu.memory_space<vmem>>, vector<16xf32>,
        %parallel_loop3A_968 = arith.mulf %parallel_loop3A_272, %parallel_loop3A_909 : vector<16xf32>
        %parallel_loop3A_969 = arith.addf %parallel_loop3A_264, %parallel_loop3A_968 : vector<16xf32>
        %parallel_loop3A_970 = arith.constant 112 : i32
        %parallel_loop3A_971 = arith.addi %parallel_loop3A_911, %parallel_loop3A_970 : i32
        %parallel_loop3A_972 = arith.index_cast %parallel_loop3A_971 : i32 to index
        %parallel_loop3A_973 = tpu.vector_load %arg7[%parallel_loop3A_972] {strides = array<i32>} : memref<51200xf32, #tpu.memory_space<vmem>>, vector<16xf32>,
        %parallel_loop3A_974 = vector.shape_cast %parallel_loop3A_973 : vector<16xf32> to vector<16xf32>
        %parallel_loop3A_975 = vector.shape_cast %parallel_loop3A_969 : vector<16xf32> to vector<16xf32>
        tpu.vector_store %arg7[%parallel_loop3A_972], %parallel_loop3A_975 {strides = array<i32>} : memref<51200xf32, #tpu.memory_space<vmem>>, vector<16xf32>,
        %parallel_loop3A_976 = vector.extract_strided_slice %parallel_loop3A_281 {offsets = [10], sizes = [1], strides = [1]} : vector<16xf32> to vector<1xf32>
        %parallel_loop3A_977 = vector.extract %parallel_loop3A_976[0] : f32 from vector<1xf32>
        %parallel_loop3A_978 = vector.broadcast %parallel_loop3A_977 : f32 to vector<16xf32>
        %parallel_loop3A_979 = arith.constant 1280 : i32
        %parallel_loop3A_980 = arith.addi %parallel_loop3A_285, %parallel_loop3A_979 : i32
        %parallel_loop3A_981 = arith.mulf %parallel_loop3A_265, %parallel_loop3A_978 : vector<16xf32>
        %parallel_loop3A_982 = arith.addf %parallel_loop3A_257, %parallel_loop3A_981 : vector<16xf32>
        %parallel_loop3A_983 = arith.constant 0 : i32
        %parallel_loop3A_984 = arith.addi %parallel_loop3A_980, %parallel_loop3A_983 : i32
        %parallel_loop3A_985 = arith.index_cast %parallel_loop3A_984 : i32 to index
        %parallel_loop3A_986 = tpu.vector_load %arg7[%parallel_loop3A_985] {strides = array<i32>} : memref<51200xf32, #tpu.memory_space<vmem>>, vector<16xf32>,
        %parallel_loop3A_987 = vector.shape_cast %parallel_loop3A_986 : vector<16xf32> to vector<16xf32>
        %parallel_loop3A_988 = vector.shape_cast %parallel_loop3A_982 : vector<16xf32> to vector<16xf32>
        tpu.vector_store %arg7[%parallel_loop3A_985], %parallel_loop3A_988 {strides = array<i32>} : memref<51200xf32, #tpu.memory_space<vmem>>, vector<16xf32>,
        %parallel_loop3A_989 = arith.mulf %parallel_loop3A_266, %parallel_loop3A_978 : vector<16xf32>
        %parallel_loop3A_990 = arith.addf %parallel_loop3A_258, %parallel_loop3A_989 : vector<16xf32>
        %parallel_loop3A_991 = arith.constant 16 : i32
        %parallel_loop3A_992 = arith.addi %parallel_loop3A_980, %parallel_loop3A_991 : i32
        %parallel_loop3A_993 = arith.index_cast %parallel_loop3A_992 : i32 to index
        %parallel_loop3A_994 = tpu.vector_load %arg7[%parallel_loop3A_993] {strides = array<i32>} : memref<51200xf32, #tpu.memory_space<vmem>>, vector<16xf32>,
        %parallel_loop3A_995 = vector.shape_cast %parallel_loop3A_994 : vector<16xf32> to vector<16xf32>
        %parallel_loop3A_996 = vector.shape_cast %parallel_loop3A_990 : vector<16xf32> to vector<16xf32>
        tpu.vector_store %arg7[%parallel_loop3A_993], %parallel_loop3A_996 {strides = array<i32>} : memref<51200xf32, #tpu.memory_space<vmem>>, vector<16xf32>,
        %parallel_loop3A_997 = arith.mulf %parallel_loop3A_267, %parallel_loop3A_978 : vector<16xf32>
        %parallel_loop3A_998 = arith.addf %parallel_loop3A_259, %parallel_loop3A_997 : vector<16xf32>
        %parallel_loop3A_999 = arith.constant 32 : i32
        %parallel_loop3A_1000 = arith.addi %parallel_loop3A_980, %parallel_loop3A_999 : i32
        %parallel_loop3A_1001 = arith.index_cast %parallel_loop3A_1000 : i32 to index
        %parallel_loop3A_1002 = tpu.vector_load %arg7[%parallel_loop3A_1001] {strides = array<i32>} : memref<51200xf32, #tpu.memory_space<vmem>>, vector<16xf32>,
        %parallel_loop3A_1003 = vector.shape_cast %parallel_loop3A_1002 : vector<16xf32> to vector<16xf32>
        %parallel_loop3A_1004 = vector.shape_cast %parallel_loop3A_998 : vector<16xf32> to vector<16xf32>
        tpu.vector_store %arg7[%parallel_loop3A_1001], %parallel_loop3A_1004 {strides = array<i32>} : memref<51200xf32, #tpu.memory_space<vmem>>, vector<16xf32>,
        %parallel_loop3A_1005 = arith.mulf %parallel_loop3A_268, %parallel_loop3A_978 : vector<16xf32>
        %parallel_loop3A_1006 = arith.addf %parallel_loop3A_260, %parallel_loop3A_1005 : vector<16xf32>
        %parallel_loop3A_1007 = arith.constant 48 : i32
        %parallel_loop3A_1008 = arith.addi %parallel_loop3A_980, %parallel_loop3A_1007 : i32
        %parallel_loop3A_1009 = arith.index_cast %parallel_loop3A_1008 : i32 to index
        %parallel_loop3A_1010 = tpu.vector_load %arg7[%parallel_loop3A_1009] {strides = array<i32>} : memref<51200xf32, #tpu.memory_space<vmem>>, vector<16xf32>,
        %parallel_loop3A_1011 = vector.shape_cast %parallel_loop3A_1010 : vector<16xf32> to vector<16xf32>
        %parallel_loop3A_1012 = vector.shape_cast %parallel_loop3A_1006 : vector<16xf32> to vector<16xf32>
        tpu.vector_store %arg7[%parallel_loop3A_1009], %parallel_loop3A_1012 {strides = array<i32>} : memref<51200xf32, #tpu.memory_space<vmem>>, vector<16xf32>,
        %parallel_loop3A_1013 = arith.mulf %parallel_loop3A_269, %parallel_loop3A_978 : vector<16xf32>
        %parallel_loop3A_1014 = arith.addf %parallel_loop3A_261, %parallel_loop3A_1013 : vector<16xf32>
        %parallel_loop3A_1015 = arith.constant 64 : i32
        %parallel_loop3A_1016 = arith.addi %parallel_loop3A_980, %parallel_loop3A_1015 : i32
        %parallel_loop3A_1017 = arith.index_cast %parallel_loop3A_1016 : i32 to index
        %parallel_loop3A_1018 = tpu.vector_load %arg7[%parallel_loop3A_1017] {strides = array<i32>} : memref<51200xf32, #tpu.memory_space<vmem>>, vector<16xf32>,
        %parallel_loop3A_1019 = vector.shape_cast %parallel_loop3A_1018 : vector<16xf32> to vector<16xf32>
        %parallel_loop3A_1020 = vector.shape_cast %parallel_loop3A_1014 : vector<16xf32> to vector<16xf32>
        tpu.vector_store %arg7[%parallel_loop3A_1017], %parallel_loop3A_1020 {strides = array<i32>} : memref<51200xf32, #tpu.memory_space<vmem>>, vector<16xf32>,
        %parallel_loop3A_1021 = arith.mulf %parallel_loop3A_270, %parallel_loop3A_978 : vector<16xf32>
        %parallel_loop3A_1022 = arith.addf %parallel_loop3A_262, %parallel_loop3A_1021 : vector<16xf32>
        %parallel_loop3A_1023 = arith.constant 80 : i32
        %parallel_loop3A_1024 = arith.addi %parallel_loop3A_980, %parallel_loop3A_1023 : i32
        %parallel_loop3A_1025 = arith.index_cast %parallel_loop3A_1024 : i32 to index
        %parallel_loop3A_1026 = tpu.vector_load %arg7[%parallel_loop3A_1025] {strides = array<i32>} : memref<51200xf32, #tpu.memory_space<vmem>>, vector<16xf32>,
        %parallel_loop3A_1027 = vector.shape_cast %parallel_loop3A_1026 : vector<16xf32> to vector<16xf32>
        %parallel_loop3A_1028 = vector.shape_cast %parallel_loop3A_1022 : vector<16xf32> to vector<16xf32>
        tpu.vector_store %arg7[%parallel_loop3A_1025], %parallel_loop3A_1028 {strides = array<i32>} : memref<51200xf32, #tpu.memory_space<vmem>>, vector<16xf32>,
        %parallel_loop3A_1029 = arith.mulf %parallel_loop3A_271, %parallel_loop3A_978 : vector<16xf32>
        %parallel_loop3A_1030 = arith.addf %parallel_loop3A_263, %parallel_loop3A_1029 : vector<16xf32>
        %parallel_loop3A_1031 = arith.constant 96 : i32
        %parallel_loop3A_1032 = arith.addi %parallel_loop3A_980, %parallel_loop3A_1031 : i32
        %parallel_loop3A_1033 = arith.index_cast %parallel_loop3A_1032 : i32 to index
        %parallel_loop3A_1034 = tpu.vector_load %arg7[%parallel_loop3A_1033] {strides = array<i32>} : memref<51200xf32, #tpu.memory_space<vmem>>, vector<16xf32>,
        %parallel_loop3A_1035 = vector.shape_cast %parallel_loop3A_1034 : vector<16xf32> to vector<16xf32>
        %parallel_loop3A_1036 = vector.shape_cast %parallel_loop3A_1030 : vector<16xf32> to vector<16xf32>
        tpu.vector_store %arg7[%parallel_loop3A_1033], %parallel_loop3A_1036 {strides = array<i32>} : memref<51200xf32, #tpu.memory_space<vmem>>, vector<16xf32>,
        %parallel_loop3A_1037 = arith.mulf %parallel_loop3A_272, %parallel_loop3A_978 : vector<16xf32>
        %parallel_loop3A_1038 = arith.addf %parallel_loop3A_264, %parallel_loop3A_1037 : vector<16xf32>
        %parallel_loop3A_1039 = arith.constant 112 : i32
        %parallel_loop3A_1040 = arith.addi %parallel_loop3A_980, %parallel_loop3A_1039 : i32
        %parallel_loop3A_1041 = arith.index_cast %parallel_loop3A_1040 : i32 to index
        %parallel_loop3A_1042 = tpu.vector_load %arg7[%parallel_loop3A_1041] {strides = array<i32>} : memref<51200xf32, #tpu.memory_space<vmem>>, vector<16xf32>,
        %parallel_loop3A_1043 = vector.shape_cast %parallel_loop3A_1042 : vector<16xf32> to vector<16xf32>
        %parallel_loop3A_1044 = vector.shape_cast %parallel_loop3A_1038 : vector<16xf32> to vector<16xf32>
        tpu.vector_store %arg7[%parallel_loop3A_1041], %parallel_loop3A_1044 {strides = array<i32>} : memref<51200xf32, #tpu.memory_space<vmem>>, vector<16xf32>,
        %parallel_loop3A_1045 = vector.extract_strided_slice %parallel_loop3A_281 {offsets = [11], sizes = [1], strides = [1]} : vector<16xf32> to vector<1xf32>
        %parallel_loop3A_1046 = vector.extract %parallel_loop3A_1045[0] : f32 from vector<1xf32>
        %parallel_loop3A_1047 = vector.broadcast %parallel_loop3A_1046 : f32 to vector<16xf32>
        %parallel_loop3A_1048 = arith.constant 1408 : i32
        %parallel_loop3A_1049 = arith.addi %parallel_loop3A_285, %parallel_loop3A_1048 : i32
        %parallel_loop3A_1050 = arith.mulf %parallel_loop3A_265, %parallel_loop3A_1047 : vector<16xf32>
        %parallel_loop3A_1051 = arith.addf %parallel_loop3A_257, %parallel_loop3A_1050 : vector<16xf32>
        %parallel_loop3A_1052 = arith.constant 0 : i32
        %parallel_loop3A_1053 = arith.addi %parallel_loop3A_1049, %parallel_loop3A_1052 : i32
        %parallel_loop3A_1054 = arith.index_cast %parallel_loop3A_1053 : i32 to index
        %parallel_loop3A_1055 = tpu.vector_load %arg7[%parallel_loop3A_1054] {strides = array<i32>} : memref<51200xf32, #tpu.memory_space<vmem>>, vector<16xf32>,
        %parallel_loop3A_1056 = vector.shape_cast %parallel_loop3A_1055 : vector<16xf32> to vector<16xf32>
        %parallel_loop3A_1057 = vector.shape_cast %parallel_loop3A_1051 : vector<16xf32> to vector<16xf32>
        tpu.vector_store %arg7[%parallel_loop3A_1054], %parallel_loop3A_1057 {strides = array<i32>} : memref<51200xf32, #tpu.memory_space<vmem>>, vector<16xf32>,
        %parallel_loop3A_1058 = arith.mulf %parallel_loop3A_266, %parallel_loop3A_1047 : vector<16xf32>
        %parallel_loop3A_1059 = arith.addf %parallel_loop3A_258, %parallel_loop3A_1058 : vector<16xf32>
        %parallel_loop3A_1060 = arith.constant 16 : i32
        %parallel_loop3A_1061 = arith.addi %parallel_loop3A_1049, %parallel_loop3A_1060 : i32
        %parallel_loop3A_1062 = arith.index_cast %parallel_loop3A_1061 : i32 to index
        %parallel_loop3A_1063 = tpu.vector_load %arg7[%parallel_loop3A_1062] {strides = array<i32>} : memref<51200xf32, #tpu.memory_space<vmem>>, vector<16xf32>,
        %parallel_loop3A_1064 = vector.shape_cast %parallel_loop3A_1063 : vector<16xf32> to vector<16xf32>
        %parallel_loop3A_1065 = vector.shape_cast %parallel_loop3A_1059 : vector<16xf32> to vector<16xf32>
        tpu.vector_store %arg7[%parallel_loop3A_1062], %parallel_loop3A_1065 {strides = array<i32>} : memref<51200xf32, #tpu.memory_space<vmem>>, vector<16xf32>,
        %parallel_loop3A_1066 = arith.mulf %parallel_loop3A_267, %parallel_loop3A_1047 : vector<16xf32>
        %parallel_loop3A_1067 = arith.addf %parallel_loop3A_259, %parallel_loop3A_1066 : vector<16xf32>
        %parallel_loop3A_1068 = arith.constant 32 : i32
        %parallel_loop3A_1069 = arith.addi %parallel_loop3A_1049, %parallel_loop3A_1068 : i32
        %parallel_loop3A_1070 = arith.index_cast %parallel_loop3A_1069 : i32 to index
        %parallel_loop3A_1071 = tpu.vector_load %arg7[%parallel_loop3A_1070] {strides = array<i32>} : memref<51200xf32, #tpu.memory_space<vmem>>, vector<16xf32>,
        %parallel_loop3A_1072 = vector.shape_cast %parallel_loop3A_1071 : vector<16xf32> to vector<16xf32>
        %parallel_loop3A_1073 = vector.shape_cast %parallel_loop3A_1067 : vector<16xf32> to vector<16xf32>
        tpu.vector_store %arg7[%parallel_loop3A_1070], %parallel_loop3A_1073 {strides = array<i32>} : memref<51200xf32, #tpu.memory_space<vmem>>, vector<16xf32>,
        %parallel_loop3A_1074 = arith.mulf %parallel_loop3A_268, %parallel_loop3A_1047 : vector<16xf32>
        %parallel_loop3A_1075 = arith.addf %parallel_loop3A_260, %parallel_loop3A_1074 : vector<16xf32>
        %parallel_loop3A_1076 = arith.constant 48 : i32
        %parallel_loop3A_1077 = arith.addi %parallel_loop3A_1049, %parallel_loop3A_1076 : i32
        %parallel_loop3A_1078 = arith.index_cast %parallel_loop3A_1077 : i32 to index
        %parallel_loop3A_1079 = tpu.vector_load %arg7[%parallel_loop3A_1078] {strides = array<i32>} : memref<51200xf32, #tpu.memory_space<vmem>>, vector<16xf32>,
        %parallel_loop3A_1080 = vector.shape_cast %parallel_loop3A_1079 : vector<16xf32> to vector<16xf32>
        %parallel_loop3A_1081 = vector.shape_cast %parallel_loop3A_1075 : vector<16xf32> to vector<16xf32>
        tpu.vector_store %arg7[%parallel_loop3A_1078], %parallel_loop3A_1081 {strides = array<i32>} : memref<51200xf32, #tpu.memory_space<vmem>>, vector<16xf32>,
        %parallel_loop3A_1082 = arith.mulf %parallel_loop3A_269, %parallel_loop3A_1047 : vector<16xf32>
        %parallel_loop3A_1083 = arith.addf %parallel_loop3A_261, %parallel_loop3A_1082 : vector<16xf32>
        %parallel_loop3A_1084 = arith.constant 64 : i32
        %parallel_loop3A_1085 = arith.addi %parallel_loop3A_1049, %parallel_loop3A_1084 : i32
        %parallel_loop3A_1086 = arith.index_cast %parallel_loop3A_1085 : i32 to index
        %parallel_loop3A_1087 = tpu.vector_load %arg7[%parallel_loop3A_1086] {strides = array<i32>} : memref<51200xf32, #tpu.memory_space<vmem>>, vector<16xf32>,
        %parallel_loop3A_1088 = vector.shape_cast %parallel_loop3A_1087 : vector<16xf32> to vector<16xf32>
        %parallel_loop3A_1089 = vector.shape_cast %parallel_loop3A_1083 : vector<16xf32> to vector<16xf32>
        tpu.vector_store %arg7[%parallel_loop3A_1086], %parallel_loop3A_1089 {strides = array<i32>} : memref<51200xf32, #tpu.memory_space<vmem>>, vector<16xf32>,
        %parallel_loop3A_1090 = arith.mulf %parallel_loop3A_270, %parallel_loop3A_1047 : vector<16xf32>
        %parallel_loop3A_1091 = arith.addf %parallel_loop3A_262, %parallel_loop3A_1090 : vector<16xf32>
        %parallel_loop3A_1092 = arith.constant 80 : i32
        %parallel_loop3A_1093 = arith.addi %parallel_loop3A_1049, %parallel_loop3A_1092 : i32
        %parallel_loop3A_1094 = arith.index_cast %parallel_loop3A_1093 : i32 to index
        %parallel_loop3A_1095 = tpu.vector_load %arg7[%parallel_loop3A_1094] {strides = array<i32>} : memref<51200xf32, #tpu.memory_space<vmem>>, vector<16xf32>,
        %parallel_loop3A_1096 = vector.shape_cast %parallel_loop3A_1095 : vector<16xf32> to vector<16xf32>
        %parallel_loop3A_1097 = vector.shape_cast %parallel_loop3A_1091 : vector<16xf32> to vector<16xf32>
        tpu.vector_store %arg7[%parallel_loop3A_1094], %parallel_loop3A_1097 {strides = array<i32>} : memref<51200xf32, #tpu.memory_space<vmem>>, vector<16xf32>,
        %parallel_loop3A_1098 = arith.mulf %parallel_loop3A_271, %parallel_loop3A_1047 : vector<16xf32>
        %parallel_loop3A_1099 = arith.addf %parallel_loop3A_263, %parallel_loop3A_1098 : vector<16xf32>
        %parallel_loop3A_1100 = arith.constant 96 : i32
        %parallel_loop3A_1101 = arith.addi %parallel_loop3A_1049, %parallel_loop3A_1100 : i32
        %parallel_loop3A_1102 = arith.index_cast %parallel_loop3A_1101 : i32 to index
        %parallel_loop3A_1103 = tpu.vector_load %arg7[%parallel_loop3A_1102] {strides = array<i32>} : memref<51200xf32, #tpu.memory_space<vmem>>, vector<16xf32>,
        %parallel_loop3A_1104 = vector.shape_cast %parallel_loop3A_1103 : vector<16xf32> to vector<16xf32>
        %parallel_loop3A_1105 = vector.shape_cast %parallel_loop3A_1099 : vector<16xf32> to vector<16xf32>
        tpu.vector_store %arg7[%parallel_loop3A_1102], %parallel_loop3A_1105 {strides = array<i32>} : memref<51200xf32, #tpu.memory_space<vmem>>, vector<16xf32>,
        %parallel_loop3A_1106 = arith.mulf %parallel_loop3A_272, %parallel_loop3A_1047 : vector<16xf32>
        %parallel_loop3A_1107 = arith.addf %parallel_loop3A_264, %parallel_loop3A_1106 : vector<16xf32>
        %parallel_loop3A_1108 = arith.constant 112 : i32
        %parallel_loop3A_1109 = arith.addi %parallel_loop3A_1049, %parallel_loop3A_1108 : i32
        %parallel_loop3A_1110 = arith.index_cast %parallel_loop3A_1109 : i32 to index
        %parallel_loop3A_1111 = tpu.vector_load %arg7[%parallel_loop3A_1110] {strides = array<i32>} : memref<51200xf32, #tpu.memory_space<vmem>>, vector<16xf32>,
        %parallel_loop3A_1112 = vector.shape_cast %parallel_loop3A_1111 : vector<16xf32> to vector<16xf32>
        %parallel_loop3A_1113 = vector.shape_cast %parallel_loop3A_1107 : vector<16xf32> to vector<16xf32>
        tpu.vector_store %arg7[%parallel_loop3A_1110], %parallel_loop3A_1113 {strides = array<i32>} : memref<51200xf32, #tpu.memory_space<vmem>>, vector<16xf32>,
        %parallel_loop3A_1114 = vector.extract_strided_slice %parallel_loop3A_281 {offsets = [12], sizes = [1], strides = [1]} : vector<16xf32> to vector<1xf32>
        %parallel_loop3A_1115 = vector.extract %parallel_loop3A_1114[0] : f32 from vector<1xf32>
        %parallel_loop3A_1116 = vector.broadcast %parallel_loop3A_1115 : f32 to vector<16xf32>
        %parallel_loop3A_1117 = arith.constant 1536 : i32
        %parallel_loop3A_1118 = arith.addi %parallel_loop3A_285, %parallel_loop3A_1117 : i32
        %parallel_loop3A_1119 = arith.mulf %parallel_loop3A_265, %parallel_loop3A_1116 : vector<16xf32>
        %parallel_loop3A_1120 = arith.addf %parallel_loop3A_257, %parallel_loop3A_1119 : vector<16xf32>
        %parallel_loop3A_1121 = arith.constant 0 : i32
        %parallel_loop3A_1122 = arith.addi %parallel_loop3A_1118, %parallel_loop3A_1121 : i32
        %parallel_loop3A_1123 = arith.index_cast %parallel_loop3A_1122 : i32 to index
        %parallel_loop3A_1124 = tpu.vector_load %arg7[%parallel_loop3A_1123] {strides = array<i32>} : memref<51200xf32, #tpu.memory_space<vmem>>, vector<16xf32>,
        %parallel_loop3A_1125 = vector.shape_cast %parallel_loop3A_1124 : vector<16xf32> to vector<16xf32>
        %parallel_loop3A_1126 = vector.shape_cast %parallel_loop3A_1120 : vector<16xf32> to vector<16xf32>
        tpu.vector_store %arg7[%parallel_loop3A_1123], %parallel_loop3A_1126 {strides = array<i32>} : memref<51200xf32, #tpu.memory_space<vmem>>, vector<16xf32>,
        %parallel_loop3A_1127 = arith.mulf %parallel_loop3A_266, %parallel_loop3A_1116 : vector<16xf32>
        %parallel_loop3A_1128 = arith.addf %parallel_loop3A_258, %parallel_loop3A_1127 : vector<16xf32>
        %parallel_loop3A_1129 = arith.constant 16 : i32
        %parallel_loop3A_1130 = arith.addi %parallel_loop3A_1118, %parallel_loop3A_1129 : i32
        %parallel_loop3A_1131 = arith.index_cast %parallel_loop3A_1130 : i32 to index
        %parallel_loop3A_1132 = tpu.vector_load %arg7[%parallel_loop3A_1131] {strides = array<i32>} : memref<51200xf32, #tpu.memory_space<vmem>>, vector<16xf32>,
        %parallel_loop3A_1133 = vector.shape_cast %parallel_loop3A_1132 : vector<16xf32> to vector<16xf32>
        %parallel_loop3A_1134 = vector.shape_cast %parallel_loop3A_1128 : vector<16xf32> to vector<16xf32>
        tpu.vector_store %arg7[%parallel_loop3A_1131], %parallel_loop3A_1134 {strides = array<i32>} : memref<51200xf32, #tpu.memory_space<vmem>>, vector<16xf32>,
        %parallel_loop3A_1135 = arith.mulf %parallel_loop3A_267, %parallel_loop3A_1116 : vector<16xf32>
        %parallel_loop3A_1136 = arith.addf %parallel_loop3A_259, %parallel_loop3A_1135 : vector<16xf32>
        %parallel_loop3A_1137 = arith.constant 32 : i32
        %parallel_loop3A_1138 = arith.addi %parallel_loop3A_1118, %parallel_loop3A_1137 : i32
        %parallel_loop3A_1139 = arith.index_cast %parallel_loop3A_1138 : i32 to index
        %parallel_loop3A_1140 = tpu.vector_load %arg7[%parallel_loop3A_1139] {strides = array<i32>} : memref<51200xf32, #tpu.memory_space<vmem>>, vector<16xf32>,
        %parallel_loop3A_1141 = vector.shape_cast %parallel_loop3A_1140 : vector<16xf32> to vector<16xf32>
        %parallel_loop3A_1142 = vector.shape_cast %parallel_loop3A_1136 : vector<16xf32> to vector<16xf32>
        tpu.vector_store %arg7[%parallel_loop3A_1139], %parallel_loop3A_1142 {strides = array<i32>} : memref<51200xf32, #tpu.memory_space<vmem>>, vector<16xf32>,
        %parallel_loop3A_1143 = arith.mulf %parallel_loop3A_268, %parallel_loop3A_1116 : vector<16xf32>
        %parallel_loop3A_1144 = arith.addf %parallel_loop3A_260, %parallel_loop3A_1143 : vector<16xf32>
        %parallel_loop3A_1145 = arith.constant 48 : i32
        %parallel_loop3A_1146 = arith.addi %parallel_loop3A_1118, %parallel_loop3A_1145 : i32
        %parallel_loop3A_1147 = arith.index_cast %parallel_loop3A_1146 : i32 to index
        %parallel_loop3A_1148 = tpu.vector_load %arg7[%parallel_loop3A_1147] {strides = array<i32>} : memref<51200xf32, #tpu.memory_space<vmem>>, vector<16xf32>,
        %parallel_loop3A_1149 = vector.shape_cast %parallel_loop3A_1148 : vector<16xf32> to vector<16xf32>
        %parallel_loop3A_1150 = vector.shape_cast %parallel_loop3A_1144 : vector<16xf32> to vector<16xf32>
        tpu.vector_store %arg7[%parallel_loop3A_1147], %parallel_loop3A_1150 {strides = array<i32>} : memref<51200xf32, #tpu.memory_space<vmem>>, vector<16xf32>,
        %parallel_loop3A_1151 = arith.mulf %parallel_loop3A_269, %parallel_loop3A_1116 : vector<16xf32>
        %parallel_loop3A_1152 = arith.addf %parallel_loop3A_261, %parallel_loop3A_1151 : vector<16xf32>
        %parallel_loop3A_1153 = arith.constant 64 : i32
        %parallel_loop3A_1154 = arith.addi %parallel_loop3A_1118, %parallel_loop3A_1153 : i32
        %parallel_loop3A_1155 = arith.index_cast %parallel_loop3A_1154 : i32 to index
        %parallel_loop3A_1156 = tpu.vector_load %arg7[%parallel_loop3A_1155] {strides = array<i32>} : memref<51200xf32, #tpu.memory_space<vmem>>, vector<16xf32>,
        %parallel_loop3A_1157 = vector.shape_cast %parallel_loop3A_1156 : vector<16xf32> to vector<16xf32>
        %parallel_loop3A_1158 = vector.shape_cast %parallel_loop3A_1152 : vector<16xf32> to vector<16xf32>
        tpu.vector_store %arg7[%parallel_loop3A_1155], %parallel_loop3A_1158 {strides = array<i32>} : memref<51200xf32, #tpu.memory_space<vmem>>, vector<16xf32>,
        %parallel_loop3A_1159 = arith.mulf %parallel_loop3A_270, %parallel_loop3A_1116 : vector<16xf32>
        %parallel_loop3A_1160 = arith.addf %parallel_loop3A_262, %parallel_loop3A_1159 : vector<16xf32>
        %parallel_loop3A_1161 = arith.constant 80 : i32
        %parallel_loop3A_1162 = arith.addi %parallel_loop3A_1118, %parallel_loop3A_1161 : i32
        %parallel_loop3A_1163 = arith.index_cast %parallel_loop3A_1162 : i32 to index
        %parallel_loop3A_1164 = tpu.vector_load %arg7[%parallel_loop3A_1163] {strides = array<i32>} : memref<51200xf32, #tpu.memory_space<vmem>>, vector<16xf32>,
        %parallel_loop3A_1165 = vector.shape_cast %parallel_loop3A_1164 : vector<16xf32> to vector<16xf32>
        %parallel_loop3A_1166 = vector.shape_cast %parallel_loop3A_1160 : vector<16xf32> to vector<16xf32>
        tpu.vector_store %arg7[%parallel_loop3A_1163], %parallel_loop3A_1166 {strides = array<i32>} : memref<51200xf32, #tpu.memory_space<vmem>>, vector<16xf32>,
        %parallel_loop3A_1167 = arith.mulf %parallel_loop3A_271, %parallel_loop3A_1116 : vector<16xf32>
        %parallel_loop3A_1168 = arith.addf %parallel_loop3A_263, %parallel_loop3A_1167 : vector<16xf32>
        %parallel_loop3A_1169 = arith.constant 96 : i32
        %parallel_loop3A_1170 = arith.addi %parallel_loop3A_1118, %parallel_loop3A_1169 : i32
        %parallel_loop3A_1171 = arith.index_cast %parallel_loop3A_1170 : i32 to index
        %parallel_loop3A_1172 = tpu.vector_load %arg7[%parallel_loop3A_1171] {strides = array<i32>} : memref<51200xf32, #tpu.memory_space<vmem>>, vector<16xf32>,
        %parallel_loop3A_1173 = vector.shape_cast %parallel_loop3A_1172 : vector<16xf32> to vector<16xf32>
        %parallel_loop3A_1174 = vector.shape_cast %parallel_loop3A_1168 : vector<16xf32> to vector<16xf32>
        tpu.vector_store %arg7[%parallel_loop3A_1171], %parallel_loop3A_1174 {strides = array<i32>} : memref<51200xf32, #tpu.memory_space<vmem>>, vector<16xf32>,
        %parallel_loop3A_1175 = arith.mulf %parallel_loop3A_272, %parallel_loop3A_1116 : vector<16xf32>
        %parallel_loop3A_1176 = arith.addf %parallel_loop3A_264, %parallel_loop3A_1175 : vector<16xf32>
        %parallel_loop3A_1177 = arith.constant 112 : i32
        %parallel_loop3A_1178 = arith.addi %parallel_loop3A_1118, %parallel_loop3A_1177 : i32
        %parallel_loop3A_1179 = arith.index_cast %parallel_loop3A_1178 : i32 to index
        %parallel_loop3A_1180 = tpu.vector_load %arg7[%parallel_loop3A_1179] {strides = array<i32>} : memref<51200xf32, #tpu.memory_space<vmem>>, vector<16xf32>,
        %parallel_loop3A_1181 = vector.shape_cast %parallel_loop3A_1180 : vector<16xf32> to vector<16xf32>
        %parallel_loop3A_1182 = vector.shape_cast %parallel_loop3A_1176 : vector<16xf32> to vector<16xf32>
        tpu.vector_store %arg7[%parallel_loop3A_1179], %parallel_loop3A_1182 {strides = array<i32>} : memref<51200xf32, #tpu.memory_space<vmem>>, vector<16xf32>,
        %parallel_loop3A_1183 = vector.extract_strided_slice %parallel_loop3A_281 {offsets = [13], sizes = [1], strides = [1]} : vector<16xf32> to vector<1xf32>
        %parallel_loop3A_1184 = vector.extract %parallel_loop3A_1183[0] : f32 from vector<1xf32>
        %parallel_loop3A_1185 = vector.broadcast %parallel_loop3A_1184 : f32 to vector<16xf32>
        %parallel_loop3A_1186 = arith.constant 1664 : i32
        %parallel_loop3A_1187 = arith.addi %parallel_loop3A_285, %parallel_loop3A_1186 : i32
        %parallel_loop3A_1188 = arith.mulf %parallel_loop3A_265, %parallel_loop3A_1185 : vector<16xf32>
        %parallel_loop3A_1189 = arith.addf %parallel_loop3A_257, %parallel_loop3A_1188 : vector<16xf32>
        %parallel_loop3A_1190 = arith.constant 0 : i32
        %parallel_loop3A_1191 = arith.addi %parallel_loop3A_1187, %parallel_loop3A_1190 : i32
        %parallel_loop3A_1192 = arith.index_cast %parallel_loop3A_1191 : i32 to index
        %parallel_loop3A_1193 = tpu.vector_load %arg7[%parallel_loop3A_1192] {strides = array<i32>} : memref<51200xf32, #tpu.memory_space<vmem>>, vector<16xf32>,
        %parallel_loop3A_1194 = vector.shape_cast %parallel_loop3A_1193 : vector<16xf32> to vector<16xf32>
        %parallel_loop3A_1195 = vector.shape_cast %parallel_loop3A_1189 : vector<16xf32> to vector<16xf32>
        tpu.vector_store %arg7[%parallel_loop3A_1192], %parallel_loop3A_1195 {strides = array<i32>} : memref<51200xf32, #tpu.memory_space<vmem>>, vector<16xf32>,
        %parallel_loop3A_1196 = arith.mulf %parallel_loop3A_266, %parallel_loop3A_1185 : vector<16xf32>
        %parallel_loop3A_1197 = arith.addf %parallel_loop3A_258, %parallel_loop3A_1196 : vector<16xf32>
        %parallel_loop3A_1198 = arith.constant 16 : i32
        %parallel_loop3A_1199 = arith.addi %parallel_loop3A_1187, %parallel_loop3A_1198 : i32
        %parallel_loop3A_1200 = arith.index_cast %parallel_loop3A_1199 : i32 to index
        %parallel_loop3A_1201 = tpu.vector_load %arg7[%parallel_loop3A_1200] {strides = array<i32>} : memref<51200xf32, #tpu.memory_space<vmem>>, vector<16xf32>,
        %parallel_loop3A_1202 = vector.shape_cast %parallel_loop3A_1201 : vector<16xf32> to vector<16xf32>
        %parallel_loop3A_1203 = vector.shape_cast %parallel_loop3A_1197 : vector<16xf32> to vector<16xf32>
        tpu.vector_store %arg7[%parallel_loop3A_1200], %parallel_loop3A_1203 {strides = array<i32>} : memref<51200xf32, #tpu.memory_space<vmem>>, vector<16xf32>,
        %parallel_loop3A_1204 = arith.mulf %parallel_loop3A_267, %parallel_loop3A_1185 : vector<16xf32>
        %parallel_loop3A_1205 = arith.addf %parallel_loop3A_259, %parallel_loop3A_1204 : vector<16xf32>
        %parallel_loop3A_1206 = arith.constant 32 : i32
        %parallel_loop3A_1207 = arith.addi %parallel_loop3A_1187, %parallel_loop3A_1206 : i32
        %parallel_loop3A_1208 = arith.index_cast %parallel_loop3A_1207 : i32 to index
        %parallel_loop3A_1209 = tpu.vector_load %arg7[%parallel_loop3A_1208] {strides = array<i32>} : memref<51200xf32, #tpu.memory_space<vmem>>, vector<16xf32>,
        %parallel_loop3A_1210 = vector.shape_cast %parallel_loop3A_1209 : vector<16xf32> to vector<16xf32>
        %parallel_loop3A_1211 = vector.shape_cast %parallel_loop3A_1205 : vector<16xf32> to vector<16xf32>
        tpu.vector_store %arg7[%parallel_loop3A_1208], %parallel_loop3A_1211 {strides = array<i32>} : memref<51200xf32, #tpu.memory_space<vmem>>, vector<16xf32>,
        %parallel_loop3A_1212 = arith.mulf %parallel_loop3A_268, %parallel_loop3A_1185 : vector<16xf32>
        %parallel_loop3A_1213 = arith.addf %parallel_loop3A_260, %parallel_loop3A_1212 : vector<16xf32>
        %parallel_loop3A_1214 = arith.constant 48 : i32
        %parallel_loop3A_1215 = arith.addi %parallel_loop3A_1187, %parallel_loop3A_1214 : i32
        %parallel_loop3A_1216 = arith.index_cast %parallel_loop3A_1215 : i32 to index
        %parallel_loop3A_1217 = tpu.vector_load %arg7[%parallel_loop3A_1216] {strides = array<i32>} : memref<51200xf32, #tpu.memory_space<vmem>>, vector<16xf32>,
        %parallel_loop3A_1218 = vector.shape_cast %parallel_loop3A_1217 : vector<16xf32> to vector<16xf32>
        %parallel_loop3A_1219 = vector.shape_cast %parallel_loop3A_1213 : vector<16xf32> to vector<16xf32>
        tpu.vector_store %arg7[%parallel_loop3A_1216], %parallel_loop3A_1219 {strides = array<i32>} : memref<51200xf32, #tpu.memory_space<vmem>>, vector<16xf32>,
        %parallel_loop3A_1220 = arith.mulf %parallel_loop3A_269, %parallel_loop3A_1185 : vector<16xf32>
        %parallel_loop3A_1221 = arith.addf %parallel_loop3A_261, %parallel_loop3A_1220 : vector<16xf32>
        %parallel_loop3A_1222 = arith.constant 64 : i32
        %parallel_loop3A_1223 = arith.addi %parallel_loop3A_1187, %parallel_loop3A_1222 : i32
        %parallel_loop3A_1224 = arith.index_cast %parallel_loop3A_1223 : i32 to index
        %parallel_loop3A_1225 = tpu.vector_load %arg7[%parallel_loop3A_1224] {strides = array<i32>} : memref<51200xf32, #tpu.memory_space<vmem>>, vector<16xf32>,
        %parallel_loop3A_1226 = vector.shape_cast %parallel_loop3A_1225 : vector<16xf32> to vector<16xf32>
        %parallel_loop3A_1227 = vector.shape_cast %parallel_loop3A_1221 : vector<16xf32> to vector<16xf32>
        tpu.vector_store %arg7[%parallel_loop3A_1224], %parallel_loop3A_1227 {strides = array<i32>} : memref<51200xf32, #tpu.memory_space<vmem>>, vector<16xf32>,
        %parallel_loop3A_1228 = arith.mulf %parallel_loop3A_270, %parallel_loop3A_1185 : vector<16xf32>
        %parallel_loop3A_1229 = arith.addf %parallel_loop3A_262, %parallel_loop3A_1228 : vector<16xf32>
        %parallel_loop3A_1230 = arith.constant 80 : i32
        %parallel_loop3A_1231 = arith.addi %parallel_loop3A_1187, %parallel_loop3A_1230 : i32
        %parallel_loop3A_1232 = arith.index_cast %parallel_loop3A_1231 : i32 to index
        %parallel_loop3A_1233 = tpu.vector_load %arg7[%parallel_loop3A_1232] {strides = array<i32>} : memref<51200xf32, #tpu.memory_space<vmem>>, vector<16xf32>,
        %parallel_loop3A_1234 = vector.shape_cast %parallel_loop3A_1233 : vector<16xf32> to vector<16xf32>
        %parallel_loop3A_1235 = vector.shape_cast %parallel_loop3A_1229 : vector<16xf32> to vector<16xf32>
        tpu.vector_store %arg7[%parallel_loop3A_1232], %parallel_loop3A_1235 {strides = array<i32>} : memref<51200xf32, #tpu.memory_space<vmem>>, vector<16xf32>,
        %parallel_loop3A_1236 = arith.mulf %parallel_loop3A_271, %parallel_loop3A_1185 : vector<16xf32>
        %parallel_loop3A_1237 = arith.addf %parallel_loop3A_263, %parallel_loop3A_1236 : vector<16xf32>
        %parallel_loop3A_1238 = arith.constant 96 : i32
        %parallel_loop3A_1239 = arith.addi %parallel_loop3A_1187, %parallel_loop3A_1238 : i32
        %parallel_loop3A_1240 = arith.index_cast %parallel_loop3A_1239 : i32 to index
        %parallel_loop3A_1241 = tpu.vector_load %arg7[%parallel_loop3A_1240] {strides = array<i32>} : memref<51200xf32, #tpu.memory_space<vmem>>, vector<16xf32>,
        %parallel_loop3A_1242 = vector.shape_cast %parallel_loop3A_1241 : vector<16xf32> to vector<16xf32>
        %parallel_loop3A_1243 = vector.shape_cast %parallel_loop3A_1237 : vector<16xf32> to vector<16xf32>
        tpu.vector_store %arg7[%parallel_loop3A_1240], %parallel_loop3A_1243 {strides = array<i32>} : memref<51200xf32, #tpu.memory_space<vmem>>, vector<16xf32>,
        %parallel_loop3A_1244 = arith.mulf %parallel_loop3A_272, %parallel_loop3A_1185 : vector<16xf32>
        %parallel_loop3A_1245 = arith.addf %parallel_loop3A_264, %parallel_loop3A_1244 : vector<16xf32>
        %parallel_loop3A_1246 = arith.constant 112 : i32
        %parallel_loop3A_1247 = arith.addi %parallel_loop3A_1187, %parallel_loop3A_1246 : i32
        %parallel_loop3A_1248 = arith.index_cast %parallel_loop3A_1247 : i32 to index
        %parallel_loop3A_1249 = tpu.vector_load %arg7[%parallel_loop3A_1248] {strides = array<i32>} : memref<51200xf32, #tpu.memory_space<vmem>>, vector<16xf32>,
        %parallel_loop3A_1250 = vector.shape_cast %parallel_loop3A_1249 : vector<16xf32> to vector<16xf32>
        %parallel_loop3A_1251 = vector.shape_cast %parallel_loop3A_1245 : vector<16xf32> to vector<16xf32>
        tpu.vector_store %arg7[%parallel_loop3A_1248], %parallel_loop3A_1251 {strides = array<i32>} : memref<51200xf32, #tpu.memory_space<vmem>>, vector<16xf32>,
        %parallel_loop3A_1252 = vector.extract_strided_slice %parallel_loop3A_281 {offsets = [14], sizes = [1], strides = [1]} : vector<16xf32> to vector<1xf32>
        %parallel_loop3A_1253 = vector.extract %parallel_loop3A_1252[0] : f32 from vector<1xf32>
        %parallel_loop3A_1254 = vector.broadcast %parallel_loop3A_1253 : f32 to vector<16xf32>
        %parallel_loop3A_1255 = arith.constant 1792 : i32
        %parallel_loop3A_1256 = arith.addi %parallel_loop3A_285, %parallel_loop3A_1255 : i32
        %parallel_loop3A_1257 = arith.mulf %parallel_loop3A_265, %parallel_loop3A_1254 : vector<16xf32>
        %parallel_loop3A_1258 = arith.addf %parallel_loop3A_257, %parallel_loop3A_1257 : vector<16xf32>
        %parallel_loop3A_1259 = arith.constant 0 : i32
        %parallel_loop3A_1260 = arith.addi %parallel_loop3A_1256, %parallel_loop3A_1259 : i32
        %parallel_loop3A_1261 = arith.index_cast %parallel_loop3A_1260 : i32 to index
        %parallel_loop3A_1262 = tpu.vector_load %arg7[%parallel_loop3A_1261] {strides = array<i32>} : memref<51200xf32, #tpu.memory_space<vmem>>, vector<16xf32>,
        %parallel_loop3A_1263 = vector.shape_cast %parallel_loop3A_1262 : vector<16xf32> to vector<16xf32>
        %parallel_loop3A_1264 = vector.shape_cast %parallel_loop3A_1258 : vector<16xf32> to vector<16xf32>
        tpu.vector_store %arg7[%parallel_loop3A_1261], %parallel_loop3A_1264 {strides = array<i32>} : memref<51200xf32, #tpu.memory_space<vmem>>, vector<16xf32>,
        %parallel_loop3A_1265 = arith.mulf %parallel_loop3A_266, %parallel_loop3A_1254 : vector<16xf32>
        %parallel_loop3A_1266 = arith.addf %parallel_loop3A_258, %parallel_loop3A_1265 : vector<16xf32>
        %parallel_loop3A_1267 = arith.constant 16 : i32
        %parallel_loop3A_1268 = arith.addi %parallel_loop3A_1256, %parallel_loop3A_1267 : i32
        %parallel_loop3A_1269 = arith.index_cast %parallel_loop3A_1268 : i32 to index
        %parallel_loop3A_1270 = tpu.vector_load %arg7[%parallel_loop3A_1269] {strides = array<i32>} : memref<51200xf32, #tpu.memory_space<vmem>>, vector<16xf32>,
        %parallel_loop3A_1271 = vector.shape_cast %parallel_loop3A_1270 : vector<16xf32> to vector<16xf32>
        %parallel_loop3A_1272 = vector.shape_cast %parallel_loop3A_1266 : vector<16xf32> to vector<16xf32>
        tpu.vector_store %arg7[%parallel_loop3A_1269], %parallel_loop3A_1272 {strides = array<i32>} : memref<51200xf32, #tpu.memory_space<vmem>>, vector<16xf32>,
        %parallel_loop3A_1273 = arith.mulf %parallel_loop3A_267, %parallel_loop3A_1254 : vector<16xf32>
        %parallel_loop3A_1274 = arith.addf %parallel_loop3A_259, %parallel_loop3A_1273 : vector<16xf32>
        %parallel_loop3A_1275 = arith.constant 32 : i32
        %parallel_loop3A_1276 = arith.addi %parallel_loop3A_1256, %parallel_loop3A_1275 : i32
        %parallel_loop3A_1277 = arith.index_cast %parallel_loop3A_1276 : i32 to index
        %parallel_loop3A_1278 = tpu.vector_load %arg7[%parallel_loop3A_1277] {strides = array<i32>} : memref<51200xf32, #tpu.memory_space<vmem>>, vector<16xf32>,
        %parallel_loop3A_1279 = vector.shape_cast %parallel_loop3A_1278 : vector<16xf32> to vector<16xf32>
        %parallel_loop3A_1280 = vector.shape_cast %parallel_loop3A_1274 : vector<16xf32> to vector<16xf32>
        tpu.vector_store %arg7[%parallel_loop3A_1277], %parallel_loop3A_1280 {strides = array<i32>} : memref<51200xf32, #tpu.memory_space<vmem>>, vector<16xf32>,
        %parallel_loop3A_1281 = arith.mulf %parallel_loop3A_268, %parallel_loop3A_1254 : vector<16xf32>
        %parallel_loop3A_1282 = arith.addf %parallel_loop3A_260, %parallel_loop3A_1281 : vector<16xf32>
        %parallel_loop3A_1283 = arith.constant 48 : i32
        %parallel_loop3A_1284 = arith.addi %parallel_loop3A_1256, %parallel_loop3A_1283 : i32
        %parallel_loop3A_1285 = arith.index_cast %parallel_loop3A_1284 : i32 to index
        %parallel_loop3A_1286 = tpu.vector_load %arg7[%parallel_loop3A_1285] {strides = array<i32>} : memref<51200xf32, #tpu.memory_space<vmem>>, vector<16xf32>,
        %parallel_loop3A_1287 = vector.shape_cast %parallel_loop3A_1286 : vector<16xf32> to vector<16xf32>
        %parallel_loop3A_1288 = vector.shape_cast %parallel_loop3A_1282 : vector<16xf32> to vector<16xf32>
        tpu.vector_store %arg7[%parallel_loop3A_1285], %parallel_loop3A_1288 {strides = array<i32>} : memref<51200xf32, #tpu.memory_space<vmem>>, vector<16xf32>,
        %parallel_loop3A_1289 = arith.mulf %parallel_loop3A_269, %parallel_loop3A_1254 : vector<16xf32>
        %parallel_loop3A_1290 = arith.addf %parallel_loop3A_261, %parallel_loop3A_1289 : vector<16xf32>
        %parallel_loop3A_1291 = arith.constant 64 : i32
        %parallel_loop3A_1292 = arith.addi %parallel_loop3A_1256, %parallel_loop3A_1291 : i32
        %parallel_loop3A_1293 = arith.index_cast %parallel_loop3A_1292 : i32 to index
        %parallel_loop3A_1294 = tpu.vector_load %arg7[%parallel_loop3A_1293] {strides = array<i32>} : memref<51200xf32, #tpu.memory_space<vmem>>, vector<16xf32>,
        %parallel_loop3A_1295 = vector.shape_cast %parallel_loop3A_1294 : vector<16xf32> to vector<16xf32>
        %parallel_loop3A_1296 = vector.shape_cast %parallel_loop3A_1290 : vector<16xf32> to vector<16xf32>
        tpu.vector_store %arg7[%parallel_loop3A_1293], %parallel_loop3A_1296 {strides = array<i32>} : memref<51200xf32, #tpu.memory_space<vmem>>, vector<16xf32>,
        %parallel_loop3A_1297 = arith.mulf %parallel_loop3A_270, %parallel_loop3A_1254 : vector<16xf32>
        %parallel_loop3A_1298 = arith.addf %parallel_loop3A_262, %parallel_loop3A_1297 : vector<16xf32>
        %parallel_loop3A_1299 = arith.constant 80 : i32
        %parallel_loop3A_1300 = arith.addi %parallel_loop3A_1256, %parallel_loop3A_1299 : i32
        %parallel_loop3A_1301 = arith.index_cast %parallel_loop3A_1300 : i32 to index
        %parallel_loop3A_1302 = tpu.vector_load %arg7[%parallel_loop3A_1301] {strides = array<i32>} : memref<51200xf32, #tpu.memory_space<vmem>>, vector<16xf32>,
        %parallel_loop3A_1303 = vector.shape_cast %parallel_loop3A_1302 : vector<16xf32> to vector<16xf32>
        %parallel_loop3A_1304 = vector.shape_cast %parallel_loop3A_1298 : vector<16xf32> to vector<16xf32>
        tpu.vector_store %arg7[%parallel_loop3A_1301], %parallel_loop3A_1304 {strides = array<i32>} : memref<51200xf32, #tpu.memory_space<vmem>>, vector<16xf32>,
        %parallel_loop3A_1305 = arith.mulf %parallel_loop3A_271, %parallel_loop3A_1254 : vector<16xf32>
        %parallel_loop3A_1306 = arith.addf %parallel_loop3A_263, %parallel_loop3A_1305 : vector<16xf32>
        %parallel_loop3A_1307 = arith.constant 96 : i32
        %parallel_loop3A_1308 = arith.addi %parallel_loop3A_1256, %parallel_loop3A_1307 : i32
        %parallel_loop3A_1309 = arith.index_cast %parallel_loop3A_1308 : i32 to index
        %parallel_loop3A_1310 = tpu.vector_load %arg7[%parallel_loop3A_1309] {strides = array<i32>} : memref<51200xf32, #tpu.memory_space<vmem>>, vector<16xf32>,
        %parallel_loop3A_1311 = vector.shape_cast %parallel_loop3A_1310 : vector<16xf32> to vector<16xf32>
        %parallel_loop3A_1312 = vector.shape_cast %parallel_loop3A_1306 : vector<16xf32> to vector<16xf32>
        tpu.vector_store %arg7[%parallel_loop3A_1309], %parallel_loop3A_1312 {strides = array<i32>} : memref<51200xf32, #tpu.memory_space<vmem>>, vector<16xf32>,
        %parallel_loop3A_1313 = arith.mulf %parallel_loop3A_272, %parallel_loop3A_1254 : vector<16xf32>
        %parallel_loop3A_1314 = arith.addf %parallel_loop3A_264, %parallel_loop3A_1313 : vector<16xf32>
        %parallel_loop3A_1315 = arith.constant 112 : i32
        %parallel_loop3A_1316 = arith.addi %parallel_loop3A_1256, %parallel_loop3A_1315 : i32
        %parallel_loop3A_1317 = arith.index_cast %parallel_loop3A_1316 : i32 to index
        %parallel_loop3A_1318 = tpu.vector_load %arg7[%parallel_loop3A_1317] {strides = array<i32>} : memref<51200xf32, #tpu.memory_space<vmem>>, vector<16xf32>,
        %parallel_loop3A_1319 = vector.shape_cast %parallel_loop3A_1318 : vector<16xf32> to vector<16xf32>
        %parallel_loop3A_1320 = vector.shape_cast %parallel_loop3A_1314 : vector<16xf32> to vector<16xf32>
        tpu.vector_store %arg7[%parallel_loop3A_1317], %parallel_loop3A_1320 {strides = array<i32>} : memref<51200xf32, #tpu.memory_space<vmem>>, vector<16xf32>,
        %parallel_loop3A_1321 = vector.extract_strided_slice %parallel_loop3A_281 {offsets = [15], sizes = [1], strides = [1]} : vector<16xf32> to vector<1xf32>
        %parallel_loop3A_1322 = vector.extract %parallel_loop3A_1321[0] : f32 from vector<1xf32>
        %parallel_loop3A_1323 = vector.broadcast %parallel_loop3A_1322 : f32 to vector<16xf32>
        %parallel_loop3A_1324 = arith.constant 1920 : i32
        %parallel_loop3A_1325 = arith.addi %parallel_loop3A_285, %parallel_loop3A_1324 : i32
        %parallel_loop3A_1326 = arith.mulf %parallel_loop3A_265, %parallel_loop3A_1323 : vector<16xf32>
        %parallel_loop3A_1327 = arith.addf %parallel_loop3A_257, %parallel_loop3A_1326 : vector<16xf32>
        %parallel_loop3A_1328 = arith.constant 0 : i32
        %parallel_loop3A_1329 = arith.addi %parallel_loop3A_1325, %parallel_loop3A_1328 : i32
        %parallel_loop3A_1330 = arith.index_cast %parallel_loop3A_1329 : i32 to index
        %parallel_loop3A_1331 = tpu.vector_load %arg7[%parallel_loop3A_1330] {strides = array<i32>} : memref<51200xf32, #tpu.memory_space<vmem>>, vector<16xf32>,
        %parallel_loop3A_1332 = vector.shape_cast %parallel_loop3A_1331 : vector<16xf32> to vector<16xf32>
        %parallel_loop3A_1333 = vector.shape_cast %parallel_loop3A_1327 : vector<16xf32> to vector<16xf32>
        tpu.vector_store %arg7[%parallel_loop3A_1330], %parallel_loop3A_1333 {strides = array<i32>} : memref<51200xf32, #tpu.memory_space<vmem>>, vector<16xf32>,
        %parallel_loop3A_1334 = arith.mulf %parallel_loop3A_266, %parallel_loop3A_1323 : vector<16xf32>
        %parallel_loop3A_1335 = arith.addf %parallel_loop3A_258, %parallel_loop3A_1334 : vector<16xf32>
        %parallel_loop3A_1336 = arith.constant 16 : i32
        %parallel_loop3A_1337 = arith.addi %parallel_loop3A_1325, %parallel_loop3A_1336 : i32
        %parallel_loop3A_1338 = arith.index_cast %parallel_loop3A_1337 : i32 to index
        %parallel_loop3A_1339 = tpu.vector_load %arg7[%parallel_loop3A_1338] {strides = array<i32>} : memref<51200xf32, #tpu.memory_space<vmem>>, vector<16xf32>,
        %parallel_loop3A_1340 = vector.shape_cast %parallel_loop3A_1339 : vector<16xf32> to vector<16xf32>
        %parallel_loop3A_1341 = vector.shape_cast %parallel_loop3A_1335 : vector<16xf32> to vector<16xf32>
        tpu.vector_store %arg7[%parallel_loop3A_1338], %parallel_loop3A_1341 {strides = array<i32>} : memref<51200xf32, #tpu.memory_space<vmem>>, vector<16xf32>,
        %parallel_loop3A_1342 = arith.mulf %parallel_loop3A_267, %parallel_loop3A_1323 : vector<16xf32>
        %parallel_loop3A_1343 = arith.addf %parallel_loop3A_259, %parallel_loop3A_1342 : vector<16xf32>
        %parallel_loop3A_1344 = arith.constant 32 : i32
        %parallel_loop3A_1345 = arith.addi %parallel_loop3A_1325, %parallel_loop3A_1344 : i32
        %parallel_loop3A_1346 = arith.index_cast %parallel_loop3A_1345 : i32 to index
        %parallel_loop3A_1347 = tpu.vector_load %arg7[%parallel_loop3A_1346] {strides = array<i32>} : memref<51200xf32, #tpu.memory_space<vmem>>, vector<16xf32>,
        %parallel_loop3A_1348 = vector.shape_cast %parallel_loop3A_1347 : vector<16xf32> to vector<16xf32>
        %parallel_loop3A_1349 = vector.shape_cast %parallel_loop3A_1343 : vector<16xf32> to vector<16xf32>
        tpu.vector_store %arg7[%parallel_loop3A_1346], %parallel_loop3A_1349 {strides = array<i32>} : memref<51200xf32, #tpu.memory_space<vmem>>, vector<16xf32>,
        %parallel_loop3A_1350 = arith.mulf %parallel_loop3A_268, %parallel_loop3A_1323 : vector<16xf32>
        %parallel_loop3A_1351 = arith.addf %parallel_loop3A_260, %parallel_loop3A_1350 : vector<16xf32>
        %parallel_loop3A_1352 = arith.constant 48 : i32
        %parallel_loop3A_1353 = arith.addi %parallel_loop3A_1325, %parallel_loop3A_1352 : i32
        %parallel_loop3A_1354 = arith.index_cast %parallel_loop3A_1353 : i32 to index
        %parallel_loop3A_1355 = tpu.vector_load %arg7[%parallel_loop3A_1354] {strides = array<i32>} : memref<51200xf32, #tpu.memory_space<vmem>>, vector<16xf32>,
        %parallel_loop3A_1356 = vector.shape_cast %parallel_loop3A_1355 : vector<16xf32> to vector<16xf32>
        %parallel_loop3A_1357 = vector.shape_cast %parallel_loop3A_1351 : vector<16xf32> to vector<16xf32>
        tpu.vector_store %arg7[%parallel_loop3A_1354], %parallel_loop3A_1357 {strides = array<i32>} : memref<51200xf32, #tpu.memory_space<vmem>>, vector<16xf32>,
        %parallel_loop3A_1358 = arith.mulf %parallel_loop3A_269, %parallel_loop3A_1323 : vector<16xf32>
        %parallel_loop3A_1359 = arith.addf %parallel_loop3A_261, %parallel_loop3A_1358 : vector<16xf32>
        %parallel_loop3A_1360 = arith.constant 64 : i32
        %parallel_loop3A_1361 = arith.addi %parallel_loop3A_1325, %parallel_loop3A_1360 : i32
        %parallel_loop3A_1362 = arith.index_cast %parallel_loop3A_1361 : i32 to index
        %parallel_loop3A_1363 = tpu.vector_load %arg7[%parallel_loop3A_1362] {strides = array<i32>} : memref<51200xf32, #tpu.memory_space<vmem>>, vector<16xf32>,
        %parallel_loop3A_1364 = vector.shape_cast %parallel_loop3A_1363 : vector<16xf32> to vector<16xf32>
        %parallel_loop3A_1365 = vector.shape_cast %parallel_loop3A_1359 : vector<16xf32> to vector<16xf32>
        tpu.vector_store %arg7[%parallel_loop3A_1362], %parallel_loop3A_1365 {strides = array<i32>} : memref<51200xf32, #tpu.memory_space<vmem>>, vector<16xf32>,
        %parallel_loop3A_1366 = arith.mulf %parallel_loop3A_270, %parallel_loop3A_1323 : vector<16xf32>
        %parallel_loop3A_1367 = arith.addf %parallel_loop3A_262, %parallel_loop3A_1366 : vector<16xf32>
        %parallel_loop3A_1368 = arith.constant 80 : i32
        %parallel_loop3A_1369 = arith.addi %parallel_loop3A_1325, %parallel_loop3A_1368 : i32
        %parallel_loop3A_1370 = arith.index_cast %parallel_loop3A_1369 : i32 to index
        %parallel_loop3A_1371 = tpu.vector_load %arg7[%parallel_loop3A_1370] {strides = array<i32>} : memref<51200xf32, #tpu.memory_space<vmem>>, vector<16xf32>,
        %parallel_loop3A_1372 = vector.shape_cast %parallel_loop3A_1371 : vector<16xf32> to vector<16xf32>
        %parallel_loop3A_1373 = vector.shape_cast %parallel_loop3A_1367 : vector<16xf32> to vector<16xf32>
        tpu.vector_store %arg7[%parallel_loop3A_1370], %parallel_loop3A_1373 {strides = array<i32>} : memref<51200xf32, #tpu.memory_space<vmem>>, vector<16xf32>,
        %parallel_loop3A_1374 = arith.mulf %parallel_loop3A_271, %parallel_loop3A_1323 : vector<16xf32>
        %parallel_loop3A_1375 = arith.addf %parallel_loop3A_263, %parallel_loop3A_1374 : vector<16xf32>
        %parallel_loop3A_1376 = arith.constant 96 : i32
        %parallel_loop3A_1377 = arith.addi %parallel_loop3A_1325, %parallel_loop3A_1376 : i32
        %parallel_loop3A_1378 = arith.index_cast %parallel_loop3A_1377 : i32 to index
        %parallel_loop3A_1379 = tpu.vector_load %arg7[%parallel_loop3A_1378] {strides = array<i32>} : memref<51200xf32, #tpu.memory_space<vmem>>, vector<16xf32>,
        %parallel_loop3A_1380 = vector.shape_cast %parallel_loop3A_1379 : vector<16xf32> to vector<16xf32>
        %parallel_loop3A_1381 = vector.shape_cast %parallel_loop3A_1375 : vector<16xf32> to vector<16xf32>
        tpu.vector_store %arg7[%parallel_loop3A_1378], %parallel_loop3A_1381 {strides = array<i32>} : memref<51200xf32, #tpu.memory_space<vmem>>, vector<16xf32>,
        %parallel_loop3A_1382 = arith.mulf %parallel_loop3A_272, %parallel_loop3A_1323 : vector<16xf32>
        %parallel_loop3A_1383 = arith.addf %parallel_loop3A_264, %parallel_loop3A_1382 : vector<16xf32>
        %parallel_loop3A_1384 = arith.constant 112 : i32
        %parallel_loop3A_1385 = arith.addi %parallel_loop3A_1325, %parallel_loop3A_1384 : i32
        %parallel_loop3A_1386 = arith.index_cast %parallel_loop3A_1385 : i32 to index
        %parallel_loop3A_1387 = tpu.vector_load %arg7[%parallel_loop3A_1386] {strides = array<i32>} : memref<51200xf32, #tpu.memory_space<vmem>>, vector<16xf32>,
        %parallel_loop3A_1388 = vector.shape_cast %parallel_loop3A_1387 : vector<16xf32> to vector<16xf32>
        %parallel_loop3A_1389 = vector.shape_cast %parallel_loop3A_1383 : vector<16xf32> to vector<16xf32>
        tpu.vector_store %arg7[%parallel_loop3A_1386], %parallel_loop3A_1389 {strides = array<i32>} : memref<51200xf32, #tpu.memory_space<vmem>>, vector<16xf32>,
        scf.yield %parallel_loop3A_257, %parallel_loop3A_258, %parallel_loop3A_259, %parallel_loop3A_260, %parallel_loop3A_261, %parallel_loop3A_262, %parallel_loop3A_263, %parallel_loop3A_264, %parallel_loop3A_265, %parallel_loop3A_266, %parallel_loop3A_267, %parallel_loop3A_268, %parallel_loop3A_269, %parallel_loop3A_270, %parallel_loop3A_271, %parallel_loop3A_272 : vector<16xf32>, vector<16xf32>, vector<16xf32>, vector<16xf32>, vector<16xf32>, vector<16xf32>, vector<16xf32>, vector<16xf32>, vector<16xf32>, vector<16xf32>, vector<16xf32>, vector<16xf32>, vector<16xf32>, vector<16xf32>, vector<16xf32>, vector<16xf32>
      } {sc.loop_unroll_factor = 4 : i64, sc.parallel_access}
      %add3A_176 = arith.constant 0 : i32
      %add3A_177 = arith.addi %add3A_46, %add3A_176 : i32
      %mul3A_178 = arith.constant 25600 : i32
      %mul3A_179 = arith.muli %add3A_177, %mul3A_178 : i32
      %dma_start3A_180 = arith.constant 0 : i32
      %dma_start3A_181 = tpu.memref_slice %arg7[%dma_start3A_180] : memref<51200xf32, #tpu.memory_space<vmem>> -> memref<25600xf32, #tpu.memory_space<vmem>>
      %dma_start3A_182 = tpu.memref_slice %arg5[%mul3A_179] : memref<419430400xf32, #tpu.memory_space<hbm>> -> memref<25600xf32, #tpu.memory_space<hbm>>
      %dma_start3A_183 = tpu.memref_slice %arg5[%mul3A_179] : memref<419430400xf32, #tpu.memory_space<hbm>> -> memref<25600xf32, #tpu.memory_space<hbm>>
      %dma_start3A_184 = arith.constant 0 : i32
      %dma_start3A_185 = tpu.memref_slice %arg7[%dma_start3A_184] : memref<51200xf32, #tpu.memory_space<vmem>> -> memref<25600xf32, #tpu.memory_space<vmem>>
      tpu.enqueue_dma source(%dma_start3A_185 : memref<25600xf32, #tpu.memory_space<vmem>>) target(%dma_start3A_183 : memref<25600xf32, #tpu.memory_space<hbm>>) target_semaphore(%arg12 : memref<!tpu.dma_semaphore, #tpu.memory_space<semaphore_mem>>)
      %ge3A_186 = arith.constant 1 : i32
      %ge3A_187 = arith.cmpi sge, %scan3A_42, %ge3A_186 : i32
      %convert_element_type3A_188 = arith.extui %ge3A_187 : i1 to i32
      %cond3A_189 = arith.constant 0 : i32
      %cond3A_190 = arith.cmpi ne, %convert_element_type3A_188, %cond3A_189 : i32
      scf.if %cond3A_190 {
        %add3A_256 = arith.constant 1 : i32
        %add3A_257 = arith.addi %add3A_46, %add3A_256 : i32
        %sub3A_258 = arith.constant 2 : i32
        %sub3A_259 = arith.subi %add3A_257, %sub3A_258 : i32
        %mul3A_260 = arith.constant 25600 : i32
        %mul3A_261 = arith.muli %sub3A_259, %mul3A_260 : i32
        %dma_wait3A_262 = arith.constant 25600 : i32
        %dma_wait3A_263 = tpu.memref_slice %arg7[%dma_wait3A_262] : memref<51200xf32, #tpu.memory_space<vmem>> -> memref<25600xf32, #tpu.memory_space<vmem>>
        %dma_wait3A_264 = tpu.memref_slice %arg5[%mul3A_261] : memref<419430400xf32, #tpu.memory_space<hbm>> -> memref<25600xf32, #tpu.memory_space<hbm>>
        %dma_wait3A_265 = tpu.memref_slice %arg5[%mul3A_261] : memref<419430400xf32, #tpu.memory_space<hbm>> -> memref<25600xf32, #tpu.memory_space<hbm>>
        %dma_wait3A_266 = arith.constant 25600 : i32
        %dma_wait3A_267 = tpu.memref_slice %arg7[%dma_wait3A_266] : memref<51200xf32, #tpu.memory_space<vmem>> -> memref<25600xf32, #tpu.memory_space<vmem>>
        tpu.wait_dma2 semaphore(%arg13 : memref<!tpu.dma_semaphore, #tpu.memory_space<semaphore_mem>>) src(%dma_wait3A_267 : memref<25600xf32, #tpu.memory_space<vmem>>) dst(%dma_wait3A_265 : memref<25600xf32, #tpu.memory_space<hbm>>)
      } else {
      }
      %add3A_191 = arith.constant 200 : i32
      %add3A_192 = arith.addi %mul3A_119, %add3A_191 : i32
      %get3A_193 = arith.constant 0 : index
      %get3A_194 = tpu.vector_load %arg8[%get3A_193] {strides = array<i32>} : memref<128xf32, #tpu.memory_space<vmem>>, vector<16xf32>,
      %get3A_195 = vector.shape_cast %get3A_194 : vector<16xf32> to vector<16xf32>
      %get3A_196 = arith.constant 16 : index
      %get3A_197 = tpu.vector_load %arg8[%get3A_196] {strides = array<i32>} : memref<128xf32, #tpu.memory_space<vmem>>, vector<16xf32>,
      %get3A_198 = vector.shape_cast %get3A_197 : vector<16xf32> to vector<16xf32>
      %get3A_199 = arith.constant 32 : index
      %get3A_200 = tpu.vector_load %arg8[%get3A_199] {strides = array<i32>} : memref<128xf32, #tpu.memory_space<vmem>>, vector<16xf32>,
      %get3A_201 = vector.shape_cast %get3A_200 : vector<16xf32> to vector<16xf32>
      %get3A_202 = arith.constant 48 : index
      %get3A_203 = tpu.vector_load %arg8[%get3A_202] {strides = array<i32>} : memref<128xf32, #tpu.memory_space<vmem>>, vector<16xf32>,
      %get3A_204 = vector.shape_cast %get3A_203 : vector<16xf32> to vector<16xf32>
      %get3A_205 = arith.constant 64 : index
      %get3A_206 = tpu.vector_load %arg8[%get3A_205] {strides = array<i32>} : memref<128xf32, #tpu.memory_space<vmem>>, vector<16xf32>,
      %get3A_207 = vector.shape_cast %get3A_206 : vector<16xf32> to vector<16xf32>
      %get3A_208 = arith.constant 80 : index
      %get3A_209 = tpu.vector_load %arg8[%get3A_208] {strides = array<i32>} : memref<128xf32, #tpu.memory_space<vmem>>, vector<16xf32>,
      %get3A_210 = vector.shape_cast %get3A_209 : vector<16xf32> to vector<16xf32>
      %get3A_211 = arith.constant 96 : index
      %get3A_212 = tpu.vector_load %arg8[%get3A_211] {strides = array<i32>} : memref<128xf32, #tpu.memory_space<vmem>>, vector<16xf32>,
      %get3A_213 = vector.shape_cast %get3A_212 : vector<16xf32> to vector<16xf32>
      %get3A_214 = arith.constant 112 : index
      %get3A_215 = tpu.vector_load %arg8[%get3A_214] {strides = array<i32>} : memref<128xf32, #tpu.memory_space<vmem>>, vector<16xf32>,
      %get3A_216 = vector.shape_cast %get3A_215 : vector<16xf32> to vector<16xf32>
      %get3A_217 = arith.constant 0 : index
      %get3A_218 = tpu.vector_load %arg9[%get3A_217] {strides = array<i32>} : memref<128xf32, #tpu.memory_space<vmem>>, vector<16xf32>,
      %get3A_219 = vector.shape_cast %get3A_218 : vector<16xf32> to vector<16xf32>
      %get3A_220 = arith.constant 16 : index
      %get3A_221 = tpu.vector_load %arg9[%get3A_220] {strides = array<i32>} : memref<128xf32, #tpu.memory_space<vmem>>, vector<16xf32>,
      %get3A_222 = vector.shape_cast %get3A_221 : vector<16xf32> to vector<16xf32>
      %get3A_223 = arith.constant 32 : index
      %get3A_224 = tpu.vector_load %arg9[%get3A_223] {strides = array<i32>} : memref<128xf32, #tpu.memory_space<vmem>>, vector<16xf32>,
      %get3A_225 = vector.shape_cast %get3A_224 : vector<16xf32> to vector<16xf32>
      %get3A_226 = arith.constant 48 : index
      %get3A_227 = tpu.vector_load %arg9[%get3A_226] {strides = array<i32>} : memref<128xf32, #tpu.memory_space<vmem>>, vector<16xf32>,
      %get3A_228 = vector.shape_cast %get3A_227 : vector<16xf32> to vector<16xf32>
      %get3A_229 = arith.constant 64 : index
      %get3A_230 = tpu.vector_load %arg9[%get3A_229] {strides = array<i32>} : memref<128xf32, #tpu.memory_space<vmem>>, vector<16xf32>,
      %get3A_231 = vector.shape_cast %get3A_230 : vector<16xf32> to vector<16xf32>
      %get3A_232 = arith.constant 80 : index
      %get3A_233 = tpu.vector_load %arg9[%get3A_232] {strides = array<i32>} : memref<128xf32, #tpu.memory_space<vmem>>, vector<16xf32>,
      %get3A_234 = vector.shape_cast %get3A_233 : vector<16xf32> to vector<16xf32>
      %get3A_235 = arith.constant 96 : index
      %get3A_236 = tpu.vector_load %arg9[%get3A_235] {strides = array<i32>} : memref<128xf32, #tpu.memory_space<vmem>>, vector<16xf32>,
      %get3A_237 = vector.shape_cast %get3A_236 : vector<16xf32> to vector<16xf32>
      %get3A_238 = arith.constant 112 : index
      %get3A_239 = tpu.vector_load %arg9[%get3A_238] {strides = array<i32>} : memref<128xf32, #tpu.memory_space<vmem>>, vector<16xf32>,
      %get3A_240 = vector.shape_cast %get3A_239 : vector<16xf32> to vector<16xf32>
      %parallel_loop3A_241 = arith.constant 0 : i32
      %parallel_loop3A_242 = arith.constant 13 : i32
      %parallel_loop3A_243 = arith.constant 1 : i32
      %parallel_loop3A_244:16 = scf.for %parallel_loop3A_256 = %parallel_loop3A_241 to %parallel_loop3A_242 step %parallel_loop3A_243 iter_args(%parallel_loop3A_257 = %get3A_195, %parallel_loop3A_258 = %get3A_198, %parallel_loop3A_259 = %get3A_201, %parallel_loop3A_260 = %get3A_204, %parallel_loop3A_261 = %get3A_207, %parallel_loop3A_262 = %get3A_210, %parallel_loop3A_263 = %get3A_213, %parallel_loop3A_264 = %get3A_216, %parallel_loop3A_265 = %get3A_219, %parallel_loop3A_266 = %get3A_222, %parallel_loop3A_267 = %get3A_225, %parallel_loop3A_268 = %get3A_228, %parallel_loop3A_269 = %get3A_231, %parallel_loop3A_270 = %get3A_234, %parallel_loop3A_271 = %get3A_237, %parallel_loop3A_272 = %get3A_240) -> (vector<16xf32>, vector<16xf32>, vector<16xf32>, vector<16xf32>, vector<16xf32>, vector<16xf32>, vector<16xf32>, vector<16xf32>, vector<16xf32>, vector<16xf32>, vector<16xf32>, vector<16xf32>, vector<16xf32>, vector<16xf32>, vector<16xf32>, vector<16xf32>)  : i32 {
        %parallel_loop3A_273 = arith.constant 16 : i32
        %parallel_loop3A_274 = arith.muli %parallel_loop3A_256, %parallel_loop3A_273 : i32
        %parallel_loop3A_275 = arith.constant 184 : i32
        %parallel_loop3A_276 = arith.minsi %parallel_loop3A_274, %parallel_loop3A_275 : i32
        %parallel_loop3A_277 = arith.addi %add3A_192, %parallel_loop3A_276 : i32
        %parallel_loop3A_278 = arith.index_cast %parallel_loop3A_277 : i32 to index
        %parallel_loop3A_279 = tpu.vector_load %arg6[%parallel_loop3A_278] {strides = array<i32>} : memref<25600xi32, #tpu.memory_space<vmem>>, vector<16xi32>,
        %parallel_loop3A_280 = vector.shape_cast %parallel_loop3A_279 : vector<16xi32> to vector<16xi32>
        %parallel_loop3A_281 = arith.sitofp %parallel_loop3A_280 : vector<16xi32> to vector<16xf32>
        %parallel_loop3A_282 = arith.constant 128 : i32
        %parallel_loop3A_283 = arith.muli %parallel_loop3A_276, %parallel_loop3A_282 : i32
        %parallel_loop3A_284 = arith.constant 25600 : i32
        %parallel_loop3A_285 = arith.addi %parallel_loop3A_284, %parallel_loop3A_283 : i32
        %parallel_loop3A_286 = vector.extract_strided_slice %parallel_loop3A_281 {offsets = [0], sizes = [1], strides = [1]} : vector<16xf32> to vector<1xf32>
        %parallel_loop3A_287 = vector.extract %parallel_loop3A_286[0] : f32 from vector<1xf32>
        %parallel_loop3A_288 = vector.broadcast %parallel_loop3A_287 : f32 to vector<16xf32>
        %parallel_loop3A_289 = arith.constant 0 : i32
        %parallel_loop3A_290 = arith.addi %parallel_loop3A_285, %parallel_loop3A_289 : i32
        %parallel_loop3A_291 = arith.mulf %parallel_loop3A_265, %parallel_loop3A_288 : vector<16xf32>
        %parallel_loop3A_292 = arith.addf %parallel_loop3A_257, %parallel_loop3A_291 : vector<16xf32>
        %parallel_loop3A_293 = arith.constant 0 : i32
        %parallel_loop3A_294 = arith.addi %parallel_loop3A_290, %parallel_loop3A_293 : i32
        %parallel_loop3A_295 = arith.index_cast %parallel_loop3A_294 : i32 to index
        %parallel_loop3A_296 = tpu.vector_load %arg7[%parallel_loop3A_295] {strides = array<i32>} : memref<51200xf32, #tpu.memory_space<vmem>>, vector<16xf32>,
        %parallel_loop3A_297 = vector.shape_cast %parallel_loop3A_296 : vector<16xf32> to vector<16xf32>
        %parallel_loop3A_298 = vector.shape_cast %parallel_loop3A_292 : vector<16xf32> to vector<16xf32>
        tpu.vector_store %arg7[%parallel_loop3A_295], %parallel_loop3A_298 {strides = array<i32>} : memref<51200xf32, #tpu.memory_space<vmem>>, vector<16xf32>,
        %parallel_loop3A_299 = arith.mulf %parallel_loop3A_266, %parallel_loop3A_288 : vector<16xf32>
        %parallel_loop3A_300 = arith.addf %parallel_loop3A_258, %parallel_loop3A_299 : vector<16xf32>
        %parallel_loop3A_301 = arith.constant 16 : i32
        %parallel_loop3A_302 = arith.addi %parallel_loop3A_290, %parallel_loop3A_301 : i32
        %parallel_loop3A_303 = arith.index_cast %parallel_loop3A_302 : i32 to index
        %parallel_loop3A_304 = tpu.vector_load %arg7[%parallel_loop3A_303] {strides = array<i32>} : memref<51200xf32, #tpu.memory_space<vmem>>, vector<16xf32>,
        %parallel_loop3A_305 = vector.shape_cast %parallel_loop3A_304 : vector<16xf32> to vector<16xf32>
        %parallel_loop3A_306 = vector.shape_cast %parallel_loop3A_300 : vector<16xf32> to vector<16xf32>
        tpu.vector_store %arg7[%parallel_loop3A_303], %parallel_loop3A_306 {strides = array<i32>} : memref<51200xf32, #tpu.memory_space<vmem>>, vector<16xf32>,
        %parallel_loop3A_307 = arith.mulf %parallel_loop3A_267, %parallel_loop3A_288 : vector<16xf32>
        %parallel_loop3A_308 = arith.addf %parallel_loop3A_259, %parallel_loop3A_307 : vector<16xf32>
        %parallel_loop3A_309 = arith.constant 32 : i32
        %parallel_loop3A_310 = arith.addi %parallel_loop3A_290, %parallel_loop3A_309 : i32
        %parallel_loop3A_311 = arith.index_cast %parallel_loop3A_310 : i32 to index
        %parallel_loop3A_312 = tpu.vector_load %arg7[%parallel_loop3A_311] {strides = array<i32>} : memref<51200xf32, #tpu.memory_space<vmem>>, vector<16xf32>,
        %parallel_loop3A_313 = vector.shape_cast %parallel_loop3A_312 : vector<16xf32> to vector<16xf32>
        %parallel_loop3A_314 = vector.shape_cast %parallel_loop3A_308 : vector<16xf32> to vector<16xf32>
        tpu.vector_store %arg7[%parallel_loop3A_311], %parallel_loop3A_314 {strides = array<i32>} : memref<51200xf32, #tpu.memory_space<vmem>>, vector<16xf32>,
        %parallel_loop3A_315 = arith.mulf %parallel_loop3A_268, %parallel_loop3A_288 : vector<16xf32>
        %parallel_loop3A_316 = arith.addf %parallel_loop3A_260, %parallel_loop3A_315 : vector<16xf32>
        %parallel_loop3A_317 = arith.constant 48 : i32
        %parallel_loop3A_318 = arith.addi %parallel_loop3A_290, %parallel_loop3A_317 : i32
        %parallel_loop3A_319 = arith.index_cast %parallel_loop3A_318 : i32 to index
        %parallel_loop3A_320 = tpu.vector_load %arg7[%parallel_loop3A_319] {strides = array<i32>} : memref<51200xf32, #tpu.memory_space<vmem>>, vector<16xf32>,
        %parallel_loop3A_321 = vector.shape_cast %parallel_loop3A_320 : vector<16xf32> to vector<16xf32>
        %parallel_loop3A_322 = vector.shape_cast %parallel_loop3A_316 : vector<16xf32> to vector<16xf32>
        tpu.vector_store %arg7[%parallel_loop3A_319], %parallel_loop3A_322 {strides = array<i32>} : memref<51200xf32, #tpu.memory_space<vmem>>, vector<16xf32>,
        %parallel_loop3A_323 = arith.mulf %parallel_loop3A_269, %parallel_loop3A_288 : vector<16xf32>
        %parallel_loop3A_324 = arith.addf %parallel_loop3A_261, %parallel_loop3A_323 : vector<16xf32>
        %parallel_loop3A_325 = arith.constant 64 : i32
        %parallel_loop3A_326 = arith.addi %parallel_loop3A_290, %parallel_loop3A_325 : i32
        %parallel_loop3A_327 = arith.index_cast %parallel_loop3A_326 : i32 to index
        %parallel_loop3A_328 = tpu.vector_load %arg7[%parallel_loop3A_327] {strides = array<i32>} : memref<51200xf32, #tpu.memory_space<vmem>>, vector<16xf32>,
        %parallel_loop3A_329 = vector.shape_cast %parallel_loop3A_328 : vector<16xf32> to vector<16xf32>
        %parallel_loop3A_330 = vector.shape_cast %parallel_loop3A_324 : vector<16xf32> to vector<16xf32>
        tpu.vector_store %arg7[%parallel_loop3A_327], %parallel_loop3A_330 {strides = array<i32>} : memref<51200xf32, #tpu.memory_space<vmem>>, vector<16xf32>,
        %parallel_loop3A_331 = arith.mulf %parallel_loop3A_270, %parallel_loop3A_288 : vector<16xf32>
        %parallel_loop3A_332 = arith.addf %parallel_loop3A_262, %parallel_loop3A_331 : vector<16xf32>
        %parallel_loop3A_333 = arith.constant 80 : i32
        %parallel_loop3A_334 = arith.addi %parallel_loop3A_290, %parallel_loop3A_333 : i32
        %parallel_loop3A_335 = arith.index_cast %parallel_loop3A_334 : i32 to index
        %parallel_loop3A_336 = tpu.vector_load %arg7[%parallel_loop3A_335] {strides = array<i32>} : memref<51200xf32, #tpu.memory_space<vmem>>, vector<16xf32>,
        %parallel_loop3A_337 = vector.shape_cast %parallel_loop3A_336 : vector<16xf32> to vector<16xf32>
        %parallel_loop3A_338 = vector.shape_cast %parallel_loop3A_332 : vector<16xf32> to vector<16xf32>
        tpu.vector_store %arg7[%parallel_loop3A_335], %parallel_loop3A_338 {strides = array<i32>} : memref<51200xf32, #tpu.memory_space<vmem>>, vector<16xf32>,
        %parallel_loop3A_339 = arith.mulf %parallel_loop3A_271, %parallel_loop3A_288 : vector<16xf32>
        %parallel_loop3A_340 = arith.addf %parallel_loop3A_263, %parallel_loop3A_339 : vector<16xf32>
        %parallel_loop3A_341 = arith.constant 96 : i32
        %parallel_loop3A_342 = arith.addi %parallel_loop3A_290, %parallel_loop3A_341 : i32
        %parallel_loop3A_343 = arith.index_cast %parallel_loop3A_342 : i32 to index
        %parallel_loop3A_344 = tpu.vector_load %arg7[%parallel_loop3A_343] {strides = array<i32>} : memref<51200xf32, #tpu.memory_space<vmem>>, vector<16xf32>,
        %parallel_loop3A_345 = vector.shape_cast %parallel_loop3A_344 : vector<16xf32> to vector<16xf32>
        %parallel_loop3A_346 = vector.shape_cast %parallel_loop3A_340 : vector<16xf32> to vector<16xf32>
        tpu.vector_store %arg7[%parallel_loop3A_343], %parallel_loop3A_346 {strides = array<i32>} : memref<51200xf32, #tpu.memory_space<vmem>>, vector<16xf32>,
        %parallel_loop3A_347 = arith.mulf %parallel_loop3A_272, %parallel_loop3A_288 : vector<16xf32>
        %parallel_loop3A_348 = arith.addf %parallel_loop3A_264, %parallel_loop3A_347 : vector<16xf32>
        %parallel_loop3A_349 = arith.constant 112 : i32
        %parallel_loop3A_350 = arith.addi %parallel_loop3A_290, %parallel_loop3A_349 : i32
        %parallel_loop3A_351 = arith.index_cast %parallel_loop3A_350 : i32 to index
        %parallel_loop3A_352 = tpu.vector_load %arg7[%parallel_loop3A_351] {strides = array<i32>} : memref<51200xf32, #tpu.memory_space<vmem>>, vector<16xf32>,
        %parallel_loop3A_353 = vector.shape_cast %parallel_loop3A_352 : vector<16xf32> to vector<16xf32>
        %parallel_loop3A_354 = vector.shape_cast %parallel_loop3A_348 : vector<16xf32> to vector<16xf32>
        tpu.vector_store %arg7[%parallel_loop3A_351], %parallel_loop3A_354 {strides = array<i32>} : memref<51200xf32, #tpu.memory_space<vmem>>, vector<16xf32>,
        %parallel_loop3A_355 = vector.extract_strided_slice %parallel_loop3A_281 {offsets = [1], sizes = [1], strides = [1]} : vector<16xf32> to vector<1xf32>
        %parallel_loop3A_356 = vector.extract %parallel_loop3A_355[0] : f32 from vector<1xf32>
        %parallel_loop3A_357 = vector.broadcast %parallel_loop3A_356 : f32 to vector<16xf32>
        %parallel_loop3A_358 = arith.constant 128 : i32
        %parallel_loop3A_359 = arith.addi %parallel_loop3A_285, %parallel_loop3A_358 : i32
        %parallel_loop3A_360 = arith.mulf %parallel_loop3A_265, %parallel_loop3A_357 : vector<16xf32>
        %parallel_loop3A_361 = arith.addf %parallel_loop3A_257, %parallel_loop3A_360 : vector<16xf32>
        %parallel_loop3A_362 = arith.constant 0 : i32
        %parallel_loop3A_363 = arith.addi %parallel_loop3A_359, %parallel_loop3A_362 : i32
        %parallel_loop3A_364 = arith.index_cast %parallel_loop3A_363 : i32 to index
        %parallel_loop3A_365 = tpu.vector_load %arg7[%parallel_loop3A_364] {strides = array<i32>} : memref<51200xf32, #tpu.memory_space<vmem>>, vector<16xf32>,
        %parallel_loop3A_366 = vector.shape_cast %parallel_loop3A_365 : vector<16xf32> to vector<16xf32>
        %parallel_loop3A_367 = vector.shape_cast %parallel_loop3A_361 : vector<16xf32> to vector<16xf32>
        tpu.vector_store %arg7[%parallel_loop3A_364], %parallel_loop3A_367 {strides = array<i32>} : memref<51200xf32, #tpu.memory_space<vmem>>, vector<16xf32>,
        %parallel_loop3A_368 = arith.mulf %parallel_loop3A_266, %parallel_loop3A_357 : vector<16xf32>
        %parallel_loop3A_369 = arith.addf %parallel_loop3A_258, %parallel_loop3A_368 : vector<16xf32>
        %parallel_loop3A_370 = arith.constant 16 : i32
        %parallel_loop3A_371 = arith.addi %parallel_loop3A_359, %parallel_loop3A_370 : i32
        %parallel_loop3A_372 = arith.index_cast %parallel_loop3A_371 : i32 to index
        %parallel_loop3A_373 = tpu.vector_load %arg7[%parallel_loop3A_372] {strides = array<i32>} : memref<51200xf32, #tpu.memory_space<vmem>>, vector<16xf32>,
        %parallel_loop3A_374 = vector.shape_cast %parallel_loop3A_373 : vector<16xf32> to vector<16xf32>
        %parallel_loop3A_375 = vector.shape_cast %parallel_loop3A_369 : vector<16xf32> to vector<16xf32>
        tpu.vector_store %arg7[%parallel_loop3A_372], %parallel_loop3A_375 {strides = array<i32>} : memref<51200xf32, #tpu.memory_space<vmem>>, vector<16xf32>,
        %parallel_loop3A_376 = arith.mulf %parallel_loop3A_267, %parallel_loop3A_357 : vector<16xf32>
        %parallel_loop3A_377 = arith.addf %parallel_loop3A_259, %parallel_loop3A_376 : vector<16xf32>
        %parallel_loop3A_378 = arith.constant 32 : i32
        %parallel_loop3A_379 = arith.addi %parallel_loop3A_359, %parallel_loop3A_378 : i32
        %parallel_loop3A_380 = arith.index_cast %parallel_loop3A_379 : i32 to index
        %parallel_loop3A_381 = tpu.vector_load %arg7[%parallel_loop3A_380] {strides = array<i32>} : memref<51200xf32, #tpu.memory_space<vmem>>, vector<16xf32>,
        %parallel_loop3A_382 = vector.shape_cast %parallel_loop3A_381 : vector<16xf32> to vector<16xf32>
        %parallel_loop3A_383 = vector.shape_cast %parallel_loop3A_377 : vector<16xf32> to vector<16xf32>
        tpu.vector_store %arg7[%parallel_loop3A_380], %parallel_loop3A_383 {strides = array<i32>} : memref<51200xf32, #tpu.memory_space<vmem>>, vector<16xf32>,
        %parallel_loop3A_384 = arith.mulf %parallel_loop3A_268, %parallel_loop3A_357 : vector<16xf32>
        %parallel_loop3A_385 = arith.addf %parallel_loop3A_260, %parallel_loop3A_384 : vector<16xf32>
        %parallel_loop3A_386 = arith.constant 48 : i32
        %parallel_loop3A_387 = arith.addi %parallel_loop3A_359, %parallel_loop3A_386 : i32
        %parallel_loop3A_388 = arith.index_cast %parallel_loop3A_387 : i32 to index
        %parallel_loop3A_389 = tpu.vector_load %arg7[%parallel_loop3A_388] {strides = array<i32>} : memref<51200xf32, #tpu.memory_space<vmem>>, vector<16xf32>,
        %parallel_loop3A_390 = vector.shape_cast %parallel_loop3A_389 : vector<16xf32> to vector<16xf32>
        %parallel_loop3A_391 = vector.shape_cast %parallel_loop3A_385 : vector<16xf32> to vector<16xf32>
        tpu.vector_store %arg7[%parallel_loop3A_388], %parallel_loop3A_391 {strides = array<i32>} : memref<51200xf32, #tpu.memory_space<vmem>>, vector<16xf32>,
        %parallel_loop3A_392 = arith.mulf %parallel_loop3A_269, %parallel_loop3A_357 : vector<16xf32>
        %parallel_loop3A_393 = arith.addf %parallel_loop3A_261, %parallel_loop3A_392 : vector<16xf32>
        %parallel_loop3A_394 = arith.constant 64 : i32
        %parallel_loop3A_395 = arith.addi %parallel_loop3A_359, %parallel_loop3A_394 : i32
        %parallel_loop3A_396 = arith.index_cast %parallel_loop3A_395 : i32 to index
        %parallel_loop3A_397 = tpu.vector_load %arg7[%parallel_loop3A_396] {strides = array<i32>} : memref<51200xf32, #tpu.memory_space<vmem>>, vector<16xf32>,
        %parallel_loop3A_398 = vector.shape_cast %parallel_loop3A_397 : vector<16xf32> to vector<16xf32>
        %parallel_loop3A_399 = vector.shape_cast %parallel_loop3A_393 : vector<16xf32> to vector<16xf32>
        tpu.vector_store %arg7[%parallel_loop3A_396], %parallel_loop3A_399 {strides = array<i32>} : memref<51200xf32, #tpu.memory_space<vmem>>, vector<16xf32>,
        %parallel_loop3A_400 = arith.mulf %parallel_loop3A_270, %parallel_loop3A_357 : vector<16xf32>
        %parallel_loop3A_401 = arith.addf %parallel_loop3A_262, %parallel_loop3A_400 : vector<16xf32>
        %parallel_loop3A_402 = arith.constant 80 : i32
        %parallel_loop3A_403 = arith.addi %parallel_loop3A_359, %parallel_loop3A_402 : i32
        %parallel_loop3A_404 = arith.index_cast %parallel_loop3A_403 : i32 to index
        %parallel_loop3A_405 = tpu.vector_load %arg7[%parallel_loop3A_404] {strides = array<i32>} : memref<51200xf32, #tpu.memory_space<vmem>>, vector<16xf32>,
        %parallel_loop3A_406 = vector.shape_cast %parallel_loop3A_405 : vector<16xf32> to vector<16xf32>
        %parallel_loop3A_407 = vector.shape_cast %parallel_loop3A_401 : vector<16xf32> to vector<16xf32>
        tpu.vector_store %arg7[%parallel_loop3A_404], %parallel_loop3A_407 {strides = array<i32>} : memref<51200xf32, #tpu.memory_space<vmem>>, vector<16xf32>,
        %parallel_loop3A_408 = arith.mulf %parallel_loop3A_271, %parallel_loop3A_357 : vector<16xf32>
        %parallel_loop3A_409 = arith.addf %parallel_loop3A_263, %parallel_loop3A_408 : vector<16xf32>
        %parallel_loop3A_410 = arith.constant 96 : i32
        %parallel_loop3A_411 = arith.addi %parallel_loop3A_359, %parallel_loop3A_410 : i32
        %parallel_loop3A_412 = arith.index_cast %parallel_loop3A_411 : i32 to index
        %parallel_loop3A_413 = tpu.vector_load %arg7[%parallel_loop3A_412] {strides = array<i32>} : memref<51200xf32, #tpu.memory_space<vmem>>, vector<16xf32>,
        %parallel_loop3A_414 = vector.shape_cast %parallel_loop3A_413 : vector<16xf32> to vector<16xf32>
        %parallel_loop3A_415 = vector.shape_cast %parallel_loop3A_409 : vector<16xf32> to vector<16xf32>
        tpu.vector_store %arg7[%parallel_loop3A_412], %parallel_loop3A_415 {strides = array<i32>} : memref<51200xf32, #tpu.memory_space<vmem>>, vector<16xf32>,
        %parallel_loop3A_416 = arith.mulf %parallel_loop3A_272, %parallel_loop3A_357 : vector<16xf32>
        %parallel_loop3A_417 = arith.addf %parallel_loop3A_264, %parallel_loop3A_416 : vector<16xf32>
        %parallel_loop3A_418 = arith.constant 112 : i32
        %parallel_loop3A_419 = arith.addi %parallel_loop3A_359, %parallel_loop3A_418 : i32
        %parallel_loop3A_420 = arith.index_cast %parallel_loop3A_419 : i32 to index
        %parallel_loop3A_421 = tpu.vector_load %arg7[%parallel_loop3A_420] {strides = array<i32>} : memref<51200xf32, #tpu.memory_space<vmem>>, vector<16xf32>,
        %parallel_loop3A_422 = vector.shape_cast %parallel_loop3A_421 : vector<16xf32> to vector<16xf32>
        %parallel_loop3A_423 = vector.shape_cast %parallel_loop3A_417 : vector<16xf32> to vector<16xf32>
        tpu.vector_store %arg7[%parallel_loop3A_420], %parallel_loop3A_423 {strides = array<i32>} : memref<51200xf32, #tpu.memory_space<vmem>>, vector<16xf32>,
        %parallel_loop3A_424 = vector.extract_strided_slice %parallel_loop3A_281 {offsets = [2], sizes = [1], strides = [1]} : vector<16xf32> to vector<1xf32>
        %parallel_loop3A_425 = vector.extract %parallel_loop3A_424[0] : f32 from vector<1xf32>
        %parallel_loop3A_426 = vector.broadcast %parallel_loop3A_425 : f32 to vector<16xf32>
        %parallel_loop3A_427 = arith.constant 256 : i32
        %parallel_loop3A_428 = arith.addi %parallel_loop3A_285, %parallel_loop3A_427 : i32
        %parallel_loop3A_429 = arith.mulf %parallel_loop3A_265, %parallel_loop3A_426 : vector<16xf32>
        %parallel_loop3A_430 = arith.addf %parallel_loop3A_257, %parallel_loop3A_429 : vector<16xf32>
        %parallel_loop3A_431 = arith.constant 0 : i32
        %parallel_loop3A_432 = arith.addi %parallel_loop3A_428, %parallel_loop3A_431 : i32
        %parallel_loop3A_433 = arith.index_cast %parallel_loop3A_432 : i32 to index
        %parallel_loop3A_434 = tpu.vector_load %arg7[%parallel_loop3A_433] {strides = array<i32>} : memref<51200xf32, #tpu.memory_space<vmem>>, vector<16xf32>,
        %parallel_loop3A_435 = vector.shape_cast %parallel_loop3A_434 : vector<16xf32> to vector<16xf32>
        %parallel_loop3A_436 = vector.shape_cast %parallel_loop3A_430 : vector<16xf32> to vector<16xf32>
        tpu.vector_store %arg7[%parallel_loop3A_433], %parallel_loop3A_436 {strides = array<i32>} : memref<51200xf32, #tpu.memory_space<vmem>>, vector<16xf32>,
        %parallel_loop3A_437 = arith.mulf %parallel_loop3A_266, %parallel_loop3A_426 : vector<16xf32>
        %parallel_loop3A_438 = arith.addf %parallel_loop3A_258, %parallel_loop3A_437 : vector<16xf32>
        %parallel_loop3A_439 = arith.constant 16 : i32
        %parallel_loop3A_440 = arith.addi %parallel_loop3A_428, %parallel_loop3A_439 : i32
        %parallel_loop3A_441 = arith.index_cast %parallel_loop3A_440 : i32 to index
        %parallel_loop3A_442 = tpu.vector_load %arg7[%parallel_loop3A_441] {strides = array<i32>} : memref<51200xf32, #tpu.memory_space<vmem>>, vector<16xf32>,
        %parallel_loop3A_443 = vector.shape_cast %parallel_loop3A_442 : vector<16xf32> to vector<16xf32>
        %parallel_loop3A_444 = vector.shape_cast %parallel_loop3A_438 : vector<16xf32> to vector<16xf32>
        tpu.vector_store %arg7[%parallel_loop3A_441], %parallel_loop3A_444 {strides = array<i32>} : memref<51200xf32, #tpu.memory_space<vmem>>, vector<16xf32>,
        %parallel_loop3A_445 = arith.mulf %parallel_loop3A_267, %parallel_loop3A_426 : vector<16xf32>
        %parallel_loop3A_446 = arith.addf %parallel_loop3A_259, %parallel_loop3A_445 : vector<16xf32>
        %parallel_loop3A_447 = arith.constant 32 : i32
        %parallel_loop3A_448 = arith.addi %parallel_loop3A_428, %parallel_loop3A_447 : i32
        %parallel_loop3A_449 = arith.index_cast %parallel_loop3A_448 : i32 to index
        %parallel_loop3A_450 = tpu.vector_load %arg7[%parallel_loop3A_449] {strides = array<i32>} : memref<51200xf32, #tpu.memory_space<vmem>>, vector<16xf32>,
        %parallel_loop3A_451 = vector.shape_cast %parallel_loop3A_450 : vector<16xf32> to vector<16xf32>
        %parallel_loop3A_452 = vector.shape_cast %parallel_loop3A_446 : vector<16xf32> to vector<16xf32>
        tpu.vector_store %arg7[%parallel_loop3A_449], %parallel_loop3A_452 {strides = array<i32>} : memref<51200xf32, #tpu.memory_space<vmem>>, vector<16xf32>,
        %parallel_loop3A_453 = arith.mulf %parallel_loop3A_268, %parallel_loop3A_426 : vector<16xf32>
        %parallel_loop3A_454 = arith.addf %parallel_loop3A_260, %parallel_loop3A_453 : vector<16xf32>
        %parallel_loop3A_455 = arith.constant 48 : i32
        %parallel_loop3A_456 = arith.addi %parallel_loop3A_428, %parallel_loop3A_455 : i32
        %parallel_loop3A_457 = arith.index_cast %parallel_loop3A_456 : i32 to index
        %parallel_loop3A_458 = tpu.vector_load %arg7[%parallel_loop3A_457] {strides = array<i32>} : memref<51200xf32, #tpu.memory_space<vmem>>, vector<16xf32>,
        %parallel_loop3A_459 = vector.shape_cast %parallel_loop3A_458 : vector<16xf32> to vector<16xf32>
        %parallel_loop3A_460 = vector.shape_cast %parallel_loop3A_454 : vector<16xf32> to vector<16xf32>
        tpu.vector_store %arg7[%parallel_loop3A_457], %parallel_loop3A_460 {strides = array<i32>} : memref<51200xf32, #tpu.memory_space<vmem>>, vector<16xf32>,
        %parallel_loop3A_461 = arith.mulf %parallel_loop3A_269, %parallel_loop3A_426 : vector<16xf32>
        %parallel_loop3A_462 = arith.addf %parallel_loop3A_261, %parallel_loop3A_461 : vector<16xf32>
        %parallel_loop3A_463 = arith.constant 64 : i32
        %parallel_loop3A_464 = arith.addi %parallel_loop3A_428, %parallel_loop3A_463 : i32
        %parallel_loop3A_465 = arith.index_cast %parallel_loop3A_464 : i32 to index
        %parallel_loop3A_466 = tpu.vector_load %arg7[%parallel_loop3A_465] {strides = array<i32>} : memref<51200xf32, #tpu.memory_space<vmem>>, vector<16xf32>,
        %parallel_loop3A_467 = vector.shape_cast %parallel_loop3A_466 : vector<16xf32> to vector<16xf32>
        %parallel_loop3A_468 = vector.shape_cast %parallel_loop3A_462 : vector<16xf32> to vector<16xf32>
        tpu.vector_store %arg7[%parallel_loop3A_465], %parallel_loop3A_468 {strides = array<i32>} : memref<51200xf32, #tpu.memory_space<vmem>>, vector<16xf32>,
        %parallel_loop3A_469 = arith.mulf %parallel_loop3A_270, %parallel_loop3A_426 : vector<16xf32>
        %parallel_loop3A_470 = arith.addf %parallel_loop3A_262, %parallel_loop3A_469 : vector<16xf32>
        %parallel_loop3A_471 = arith.constant 80 : i32
        %parallel_loop3A_472 = arith.addi %parallel_loop3A_428, %parallel_loop3A_471 : i32
        %parallel_loop3A_473 = arith.index_cast %parallel_loop3A_472 : i32 to index
        %parallel_loop3A_474 = tpu.vector_load %arg7[%parallel_loop3A_473] {strides = array<i32>} : memref<51200xf32, #tpu.memory_space<vmem>>, vector<16xf32>,
        %parallel_loop3A_475 = vector.shape_cast %parallel_loop3A_474 : vector<16xf32> to vector<16xf32>
        %parallel_loop3A_476 = vector.shape_cast %parallel_loop3A_470 : vector<16xf32> to vector<16xf32>
        tpu.vector_store %arg7[%parallel_loop3A_473], %parallel_loop3A_476 {strides = array<i32>} : memref<51200xf32, #tpu.memory_space<vmem>>, vector<16xf32>,
        %parallel_loop3A_477 = arith.mulf %parallel_loop3A_271, %parallel_loop3A_426 : vector<16xf32>
        %parallel_loop3A_478 = arith.addf %parallel_loop3A_263, %parallel_loop3A_477 : vector<16xf32>
        %parallel_loop3A_479 = arith.constant 96 : i32
        %parallel_loop3A_480 = arith.addi %parallel_loop3A_428, %parallel_loop3A_479 : i32
        %parallel_loop3A_481 = arith.index_cast %parallel_loop3A_480 : i32 to index
        %parallel_loop3A_482 = tpu.vector_load %arg7[%parallel_loop3A_481] {strides = array<i32>} : memref<51200xf32, #tpu.memory_space<vmem>>, vector<16xf32>,
        %parallel_loop3A_483 = vector.shape_cast %parallel_loop3A_482 : vector<16xf32> to vector<16xf32>
        %parallel_loop3A_484 = vector.shape_cast %parallel_loop3A_478 : vector<16xf32> to vector<16xf32>
        tpu.vector_store %arg7[%parallel_loop3A_481], %parallel_loop3A_484 {strides = array<i32>} : memref<51200xf32, #tpu.memory_space<vmem>>, vector<16xf32>,
        %parallel_loop3A_485 = arith.mulf %parallel_loop3A_272, %parallel_loop3A_426 : vector<16xf32>
        %parallel_loop3A_486 = arith.addf %parallel_loop3A_264, %parallel_loop3A_485 : vector<16xf32>
        %parallel_loop3A_487 = arith.constant 112 : i32
        %parallel_loop3A_488 = arith.addi %parallel_loop3A_428, %parallel_loop3A_487 : i32
        %parallel_loop3A_489 = arith.index_cast %parallel_loop3A_488 : i32 to index
        %parallel_loop3A_490 = tpu.vector_load %arg7[%parallel_loop3A_489] {strides = array<i32>} : memref<51200xf32, #tpu.memory_space<vmem>>, vector<16xf32>,
        %parallel_loop3A_491 = vector.shape_cast %parallel_loop3A_490 : vector<16xf32> to vector<16xf32>
        %parallel_loop3A_492 = vector.shape_cast %parallel_loop3A_486 : vector<16xf32> to vector<16xf32>
        tpu.vector_store %arg7[%parallel_loop3A_489], %parallel_loop3A_492 {strides = array<i32>} : memref<51200xf32, #tpu.memory_space<vmem>>, vector<16xf32>,
        %parallel_loop3A_493 = vector.extract_strided_slice %parallel_loop3A_281 {offsets = [3], sizes = [1], strides = [1]} : vector<16xf32> to vector<1xf32>
        %parallel_loop3A_494 = vector.extract %parallel_loop3A_493[0] : f32 from vector<1xf32>
        %parallel_loop3A_495 = vector.broadcast %parallel_loop3A_494 : f32 to vector<16xf32>
        %parallel_loop3A_496 = arith.constant 384 : i32
        %parallel_loop3A_497 = arith.addi %parallel_loop3A_285, %parallel_loop3A_496 : i32
        %parallel_loop3A_498 = arith.mulf %parallel_loop3A_265, %parallel_loop3A_495 : vector<16xf32>
        %parallel_loop3A_499 = arith.addf %parallel_loop3A_257, %parallel_loop3A_498 : vector<16xf32>
        %parallel_loop3A_500 = arith.constant 0 : i32
        %parallel_loop3A_501 = arith.addi %parallel_loop3A_497, %parallel_loop3A_500 : i32
        %parallel_loop3A_502 = arith.index_cast %parallel_loop3A_501 : i32 to index
        %parallel_loop3A_503 = tpu.vector_load %arg7[%parallel_loop3A_502] {strides = array<i32>} : memref<51200xf32, #tpu.memory_space<vmem>>, vector<16xf32>,
        %parallel_loop3A_504 = vector.shape_cast %parallel_loop3A_503 : vector<16xf32> to vector<16xf32>
        %parallel_loop3A_505 = vector.shape_cast %parallel_loop3A_499 : vector<16xf32> to vector<16xf32>
        tpu.vector_store %arg7[%parallel_loop3A_502], %parallel_loop3A_505 {strides = array<i32>} : memref<51200xf32, #tpu.memory_space<vmem>>, vector<16xf32>,
        %parallel_loop3A_506 = arith.mulf %parallel_loop3A_266, %parallel_loop3A_495 : vector<16xf32>
        %parallel_loop3A_507 = arith.addf %parallel_loop3A_258, %parallel_loop3A_506 : vector<16xf32>
        %parallel_loop3A_508 = arith.constant 16 : i32
        %parallel_loop3A_509 = arith.addi %parallel_loop3A_497, %parallel_loop3A_508 : i32
        %parallel_loop3A_510 = arith.index_cast %parallel_loop3A_509 : i32 to index
        %parallel_loop3A_511 = tpu.vector_load %arg7[%parallel_loop3A_510] {strides = array<i32>} : memref<51200xf32, #tpu.memory_space<vmem>>, vector<16xf32>,
        %parallel_loop3A_512 = vector.shape_cast %parallel_loop3A_511 : vector<16xf32> to vector<16xf32>
        %parallel_loop3A_513 = vector.shape_cast %parallel_loop3A_507 : vector<16xf32> to vector<16xf32>
        tpu.vector_store %arg7[%parallel_loop3A_510], %parallel_loop3A_513 {strides = array<i32>} : memref<51200xf32, #tpu.memory_space<vmem>>, vector<16xf32>,
        %parallel_loop3A_514 = arith.mulf %parallel_loop3A_267, %parallel_loop3A_495 : vector<16xf32>
        %parallel_loop3A_515 = arith.addf %parallel_loop3A_259, %parallel_loop3A_514 : vector<16xf32>
        %parallel_loop3A_516 = arith.constant 32 : i32
        %parallel_loop3A_517 = arith.addi %parallel_loop3A_497, %parallel_loop3A_516 : i32
        %parallel_loop3A_518 = arith.index_cast %parallel_loop3A_517 : i32 to index
        %parallel_loop3A_519 = tpu.vector_load %arg7[%parallel_loop3A_518] {strides = array<i32>} : memref<51200xf32, #tpu.memory_space<vmem>>, vector<16xf32>,
        %parallel_loop3A_520 = vector.shape_cast %parallel_loop3A_519 : vector<16xf32> to vector<16xf32>
        %parallel_loop3A_521 = vector.shape_cast %parallel_loop3A_515 : vector<16xf32> to vector<16xf32>
        tpu.vector_store %arg7[%parallel_loop3A_518], %parallel_loop3A_521 {strides = array<i32>} : memref<51200xf32, #tpu.memory_space<vmem>>, vector<16xf32>,
        %parallel_loop3A_522 = arith.mulf %parallel_loop3A_268, %parallel_loop3A_495 : vector<16xf32>
        %parallel_loop3A_523 = arith.addf %parallel_loop3A_260, %parallel_loop3A_522 : vector<16xf32>
        %parallel_loop3A_524 = arith.constant 48 : i32
        %parallel_loop3A_525 = arith.addi %parallel_loop3A_497, %parallel_loop3A_524 : i32
        %parallel_loop3A_526 = arith.index_cast %parallel_loop3A_525 : i32 to index
        %parallel_loop3A_527 = tpu.vector_load %arg7[%parallel_loop3A_526] {strides = array<i32>} : memref<51200xf32, #tpu.memory_space<vmem>>, vector<16xf32>,
        %parallel_loop3A_528 = vector.shape_cast %parallel_loop3A_527 : vector<16xf32> to vector<16xf32>
        %parallel_loop3A_529 = vector.shape_cast %parallel_loop3A_523 : vector<16xf32> to vector<16xf32>
        tpu.vector_store %arg7[%parallel_loop3A_526], %parallel_loop3A_529 {strides = array<i32>} : memref<51200xf32, #tpu.memory_space<vmem>>, vector<16xf32>,
        %parallel_loop3A_530 = arith.mulf %parallel_loop3A_269, %parallel_loop3A_495 : vector<16xf32>
        %parallel_loop3A_531 = arith.addf %parallel_loop3A_261, %parallel_loop3A_530 : vector<16xf32>
        %parallel_loop3A_532 = arith.constant 64 : i32
        %parallel_loop3A_533 = arith.addi %parallel_loop3A_497, %parallel_loop3A_532 : i32
        %parallel_loop3A_534 = arith.index_cast %parallel_loop3A_533 : i32 to index
        %parallel_loop3A_535 = tpu.vector_load %arg7[%parallel_loop3A_534] {strides = array<i32>} : memref<51200xf32, #tpu.memory_space<vmem>>, vector<16xf32>,
        %parallel_loop3A_536 = vector.shape_cast %parallel_loop3A_535 : vector<16xf32> to vector<16xf32>
        %parallel_loop3A_537 = vector.shape_cast %parallel_loop3A_531 : vector<16xf32> to vector<16xf32>
        tpu.vector_store %arg7[%parallel_loop3A_534], %parallel_loop3A_537 {strides = array<i32>} : memref<51200xf32, #tpu.memory_space<vmem>>, vector<16xf32>,
        %parallel_loop3A_538 = arith.mulf %parallel_loop3A_270, %parallel_loop3A_495 : vector<16xf32>
        %parallel_loop3A_539 = arith.addf %parallel_loop3A_262, %parallel_loop3A_538 : vector<16xf32>
        %parallel_loop3A_540 = arith.constant 80 : i32
        %parallel_loop3A_541 = arith.addi %parallel_loop3A_497, %parallel_loop3A_540 : i32
        %parallel_loop3A_542 = arith.index_cast %parallel_loop3A_541 : i32 to index
        %parallel_loop3A_543 = tpu.vector_load %arg7[%parallel_loop3A_542] {strides = array<i32>} : memref<51200xf32, #tpu.memory_space<vmem>>, vector<16xf32>,
        %parallel_loop3A_544 = vector.shape_cast %parallel_loop3A_543 : vector<16xf32> to vector<16xf32>
        %parallel_loop3A_545 = vector.shape_cast %parallel_loop3A_539 : vector<16xf32> to vector<16xf32>
        tpu.vector_store %arg7[%parallel_loop3A_542], %parallel_loop3A_545 {strides = array<i32>} : memref<51200xf32, #tpu.memory_space<vmem>>, vector<16xf32>,
        %parallel_loop3A_546 = arith.mulf %parallel_loop3A_271, %parallel_loop3A_495 : vector<16xf32>
        %parallel_loop3A_547 = arith.addf %parallel_loop3A_263, %parallel_loop3A_546 : vector<16xf32>
        %parallel_loop3A_548 = arith.constant 96 : i32
        %parallel_loop3A_549 = arith.addi %parallel_loop3A_497, %parallel_loop3A_548 : i32
        %parallel_loop3A_550 = arith.index_cast %parallel_loop3A_549 : i32 to index
        %parallel_loop3A_551 = tpu.vector_load %arg7[%parallel_loop3A_550] {strides = array<i32>} : memref<51200xf32, #tpu.memory_space<vmem>>, vector<16xf32>,
        %parallel_loop3A_552 = vector.shape_cast %parallel_loop3A_551 : vector<16xf32> to vector<16xf32>
        %parallel_loop3A_553 = vector.shape_cast %parallel_loop3A_547 : vector<16xf32> to vector<16xf32>
        tpu.vector_store %arg7[%parallel_loop3A_550], %parallel_loop3A_553 {strides = array<i32>} : memref<51200xf32, #tpu.memory_space<vmem>>, vector<16xf32>,
        %parallel_loop3A_554 = arith.mulf %parallel_loop3A_272, %parallel_loop3A_495 : vector<16xf32>
        %parallel_loop3A_555 = arith.addf %parallel_loop3A_264, %parallel_loop3A_554 : vector<16xf32>
        %parallel_loop3A_556 = arith.constant 112 : i32
        %parallel_loop3A_557 = arith.addi %parallel_loop3A_497, %parallel_loop3A_556 : i32
        %parallel_loop3A_558 = arith.index_cast %parallel_loop3A_557 : i32 to index
        %parallel_loop3A_559 = tpu.vector_load %arg7[%parallel_loop3A_558] {strides = array<i32>} : memref<51200xf32, #tpu.memory_space<vmem>>, vector<16xf32>,
        %parallel_loop3A_560 = vector.shape_cast %parallel_loop3A_559 : vector<16xf32> to vector<16xf32>
        %parallel_loop3A_561 = vector.shape_cast %parallel_loop3A_555 : vector<16xf32> to vector<16xf32>
        tpu.vector_store %arg7[%parallel_loop3A_558], %parallel_loop3A_561 {strides = array<i32>} : memref<51200xf32, #tpu.memory_space<vmem>>, vector<16xf32>,
        %parallel_loop3A_562 = vector.extract_strided_slice %parallel_loop3A_281 {offsets = [4], sizes = [1], strides = [1]} : vector<16xf32> to vector<1xf32>
        %parallel_loop3A_563 = vector.extract %parallel_loop3A_562[0] : f32 from vector<1xf32>
        %parallel_loop3A_564 = vector.broadcast %parallel_loop3A_563 : f32 to vector<16xf32>
        %parallel_loop3A_565 = arith.constant 512 : i32
        %parallel_loop3A_566 = arith.addi %parallel_loop3A_285, %parallel_loop3A_565 : i32
        %parallel_loop3A_567 = arith.mulf %parallel_loop3A_265, %parallel_loop3A_564 : vector<16xf32>
        %parallel_loop3A_568 = arith.addf %parallel_loop3A_257, %parallel_loop3A_567 : vector<16xf32>
        %parallel_loop3A_569 = arith.constant 0 : i32
        %parallel_loop3A_570 = arith.addi %parallel_loop3A_566, %parallel_loop3A_569 : i32
        %parallel_loop3A_571 = arith.index_cast %parallel_loop3A_570 : i32 to index
        %parallel_loop3A_572 = tpu.vector_load %arg7[%parallel_loop3A_571] {strides = array<i32>} : memref<51200xf32, #tpu.memory_space<vmem>>, vector<16xf32>,
        %parallel_loop3A_573 = vector.shape_cast %parallel_loop3A_572 : vector<16xf32> to vector<16xf32>
        %parallel_loop3A_574 = vector.shape_cast %parallel_loop3A_568 : vector<16xf32> to vector<16xf32>
        tpu.vector_store %arg7[%parallel_loop3A_571], %parallel_loop3A_574 {strides = array<i32>} : memref<51200xf32, #tpu.memory_space<vmem>>, vector<16xf32>,
        %parallel_loop3A_575 = arith.mulf %parallel_loop3A_266, %parallel_loop3A_564 : vector<16xf32>
        %parallel_loop3A_576 = arith.addf %parallel_loop3A_258, %parallel_loop3A_575 : vector<16xf32>
        %parallel_loop3A_577 = arith.constant 16 : i32
        %parallel_loop3A_578 = arith.addi %parallel_loop3A_566, %parallel_loop3A_577 : i32
        %parallel_loop3A_579 = arith.index_cast %parallel_loop3A_578 : i32 to index
        %parallel_loop3A_580 = tpu.vector_load %arg7[%parallel_loop3A_579] {strides = array<i32>} : memref<51200xf32, #tpu.memory_space<vmem>>, vector<16xf32>,
        %parallel_loop3A_581 = vector.shape_cast %parallel_loop3A_580 : vector<16xf32> to vector<16xf32>
        %parallel_loop3A_582 = vector.shape_cast %parallel_loop3A_576 : vector<16xf32> to vector<16xf32>
        tpu.vector_store %arg7[%parallel_loop3A_579], %parallel_loop3A_582 {strides = array<i32>} : memref<51200xf32, #tpu.memory_space<vmem>>, vector<16xf32>,
        %parallel_loop3A_583 = arith.mulf %parallel_loop3A_267, %parallel_loop3A_564 : vector<16xf32>
        %parallel_loop3A_584 = arith.addf %parallel_loop3A_259, %parallel_loop3A_583 : vector<16xf32>
        %parallel_loop3A_585 = arith.constant 32 : i32
        %parallel_loop3A_586 = arith.addi %parallel_loop3A_566, %parallel_loop3A_585 : i32
        %parallel_loop3A_587 = arith.index_cast %parallel_loop3A_586 : i32 to index
        %parallel_loop3A_588 = tpu.vector_load %arg7[%parallel_loop3A_587] {strides = array<i32>} : memref<51200xf32, #tpu.memory_space<vmem>>, vector<16xf32>,
        %parallel_loop3A_589 = vector.shape_cast %parallel_loop3A_588 : vector<16xf32> to vector<16xf32>
        %parallel_loop3A_590 = vector.shape_cast %parallel_loop3A_584 : vector<16xf32> to vector<16xf32>
        tpu.vector_store %arg7[%parallel_loop3A_587], %parallel_loop3A_590 {strides = array<i32>} : memref<51200xf32, #tpu.memory_space<vmem>>, vector<16xf32>,
        %parallel_loop3A_591 = arith.mulf %parallel_loop3A_268, %parallel_loop3A_564 : vector<16xf32>
        %parallel_loop3A_592 = arith.addf %parallel_loop3A_260, %parallel_loop3A_591 : vector<16xf32>
        %parallel_loop3A_593 = arith.constant 48 : i32
        %parallel_loop3A_594 = arith.addi %parallel_loop3A_566, %parallel_loop3A_593 : i32
        %parallel_loop3A_595 = arith.index_cast %parallel_loop3A_594 : i32 to index
        %parallel_loop3A_596 = tpu.vector_load %arg7[%parallel_loop3A_595] {strides = array<i32>} : memref<51200xf32, #tpu.memory_space<vmem>>, vector<16xf32>,
        %parallel_loop3A_597 = vector.shape_cast %parallel_loop3A_596 : vector<16xf32> to vector<16xf32>
        %parallel_loop3A_598 = vector.shape_cast %parallel_loop3A_592 : vector<16xf32> to vector<16xf32>
        tpu.vector_store %arg7[%parallel_loop3A_595], %parallel_loop3A_598 {strides = array<i32>} : memref<51200xf32, #tpu.memory_space<vmem>>, vector<16xf32>,
        %parallel_loop3A_599 = arith.mulf %parallel_loop3A_269, %parallel_loop3A_564 : vector<16xf32>
        %parallel_loop3A_600 = arith.addf %parallel_loop3A_261, %parallel_loop3A_599 : vector<16xf32>
        %parallel_loop3A_601 = arith.constant 64 : i32
        %parallel_loop3A_602 = arith.addi %parallel_loop3A_566, %parallel_loop3A_601 : i32
        %parallel_loop3A_603 = arith.index_cast %parallel_loop3A_602 : i32 to index
        %parallel_loop3A_604 = tpu.vector_load %arg7[%parallel_loop3A_603] {strides = array<i32>} : memref<51200xf32, #tpu.memory_space<vmem>>, vector<16xf32>,
        %parallel_loop3A_605 = vector.shape_cast %parallel_loop3A_604 : vector<16xf32> to vector<16xf32>
        %parallel_loop3A_606 = vector.shape_cast %parallel_loop3A_600 : vector<16xf32> to vector<16xf32>
        tpu.vector_store %arg7[%parallel_loop3A_603], %parallel_loop3A_606 {strides = array<i32>} : memref<51200xf32, #tpu.memory_space<vmem>>, vector<16xf32>,
        %parallel_loop3A_607 = arith.mulf %parallel_loop3A_270, %parallel_loop3A_564 : vector<16xf32>
        %parallel_loop3A_608 = arith.addf %parallel_loop3A_262, %parallel_loop3A_607 : vector<16xf32>
        %parallel_loop3A_609 = arith.constant 80 : i32
        %parallel_loop3A_610 = arith.addi %parallel_loop3A_566, %parallel_loop3A_609 : i32
        %parallel_loop3A_611 = arith.index_cast %parallel_loop3A_610 : i32 to index
        %parallel_loop3A_612 = tpu.vector_load %arg7[%parallel_loop3A_611] {strides = array<i32>} : memref<51200xf32, #tpu.memory_space<vmem>>, vector<16xf32>,
        %parallel_loop3A_613 = vector.shape_cast %parallel_loop3A_612 : vector<16xf32> to vector<16xf32>
        %parallel_loop3A_614 = vector.shape_cast %parallel_loop3A_608 : vector<16xf32> to vector<16xf32>
        tpu.vector_store %arg7[%parallel_loop3A_611], %parallel_loop3A_614 {strides = array<i32>} : memref<51200xf32, #tpu.memory_space<vmem>>, vector<16xf32>,
        %parallel_loop3A_615 = arith.mulf %parallel_loop3A_271, %parallel_loop3A_564 : vector<16xf32>
        %parallel_loop3A_616 = arith.addf %parallel_loop3A_263, %parallel_loop3A_615 : vector<16xf32>
        %parallel_loop3A_617 = arith.constant 96 : i32
        %parallel_loop3A_618 = arith.addi %parallel_loop3A_566, %parallel_loop3A_617 : i32
        %parallel_loop3A_619 = arith.index_cast %parallel_loop3A_618 : i32 to index
        %parallel_loop3A_620 = tpu.vector_load %arg7[%parallel_loop3A_619] {strides = array<i32>} : memref<51200xf32, #tpu.memory_space<vmem>>, vector<16xf32>,
        %parallel_loop3A_621 = vector.shape_cast %parallel_loop3A_620 : vector<16xf32> to vector<16xf32>
        %parallel_loop3A_622 = vector.shape_cast %parallel_loop3A_616 : vector<16xf32> to vector<16xf32>
        tpu.vector_store %arg7[%parallel_loop3A_619], %parallel_loop3A_622 {strides = array<i32>} : memref<51200xf32, #tpu.memory_space<vmem>>, vector<16xf32>,
        %parallel_loop3A_623 = arith.mulf %parallel_loop3A_272, %parallel_loop3A_564 : vector<16xf32>
        %parallel_loop3A_624 = arith.addf %parallel_loop3A_264, %parallel_loop3A_623 : vector<16xf32>
        %parallel_loop3A_625 = arith.constant 112 : i32
        %parallel_loop3A_626 = arith.addi %parallel_loop3A_566, %parallel_loop3A_625 : i32
        %parallel_loop3A_627 = arith.index_cast %parallel_loop3A_626 : i32 to index
        %parallel_loop3A_628 = tpu.vector_load %arg7[%parallel_loop3A_627] {strides = array<i32>} : memref<51200xf32, #tpu.memory_space<vmem>>, vector<16xf32>,
        %parallel_loop3A_629 = vector.shape_cast %parallel_loop3A_628 : vector<16xf32> to vector<16xf32>
        %parallel_loop3A_630 = vector.shape_cast %parallel_loop3A_624 : vector<16xf32> to vector<16xf32>
        tpu.vector_store %arg7[%parallel_loop3A_627], %parallel_loop3A_630 {strides = array<i32>} : memref<51200xf32, #tpu.memory_space<vmem>>, vector<16xf32>,
        %parallel_loop3A_631 = vector.extract_strided_slice %parallel_loop3A_281 {offsets = [5], sizes = [1], strides = [1]} : vector<16xf32> to vector<1xf32>
        %parallel_loop3A_632 = vector.extract %parallel_loop3A_631[0] : f32 from vector<1xf32>
        %parallel_loop3A_633 = vector.broadcast %parallel_loop3A_632 : f32 to vector<16xf32>
        %parallel_loop3A_634 = arith.constant 640 : i32
        %parallel_loop3A_635 = arith.addi %parallel_loop3A_285, %parallel_loop3A_634 : i32
        %parallel_loop3A_636 = arith.mulf %parallel_loop3A_265, %parallel_loop3A_633 : vector<16xf32>
        %parallel_loop3A_637 = arith.addf %parallel_loop3A_257, %parallel_loop3A_636 : vector<16xf32>
        %parallel_loop3A_638 = arith.constant 0 : i32
        %parallel_loop3A_639 = arith.addi %parallel_loop3A_635, %parallel_loop3A_638 : i32
        %parallel_loop3A_640 = arith.index_cast %parallel_loop3A_639 : i32 to index
        %parallel_loop3A_641 = tpu.vector_load %arg7[%parallel_loop3A_640] {strides = array<i32>} : memref<51200xf32, #tpu.memory_space<vmem>>, vector<16xf32>,
        %parallel_loop3A_642 = vector.shape_cast %parallel_loop3A_641 : vector<16xf32> to vector<16xf32>
        %parallel_loop3A_643 = vector.shape_cast %parallel_loop3A_637 : vector<16xf32> to vector<16xf32>
        tpu.vector_store %arg7[%parallel_loop3A_640], %parallel_loop3A_643 {strides = array<i32>} : memref<51200xf32, #tpu.memory_space<vmem>>, vector<16xf32>,
        %parallel_loop3A_644 = arith.mulf %parallel_loop3A_266, %parallel_loop3A_633 : vector<16xf32>
        %parallel_loop3A_645 = arith.addf %parallel_loop3A_258, %parallel_loop3A_644 : vector<16xf32>
        %parallel_loop3A_646 = arith.constant 16 : i32
        %parallel_loop3A_647 = arith.addi %parallel_loop3A_635, %parallel_loop3A_646 : i32
        %parallel_loop3A_648 = arith.index_cast %parallel_loop3A_647 : i32 to index
        %parallel_loop3A_649 = tpu.vector_load %arg7[%parallel_loop3A_648] {strides = array<i32>} : memref<51200xf32, #tpu.memory_space<vmem>>, vector<16xf32>,
        %parallel_loop3A_650 = vector.shape_cast %parallel_loop3A_649 : vector<16xf32> to vector<16xf32>
        %parallel_loop3A_651 = vector.shape_cast %parallel_loop3A_645 : vector<16xf32> to vector<16xf32>
        tpu.vector_store %arg7[%parallel_loop3A_648], %parallel_loop3A_651 {strides = array<i32>} : memref<51200xf32, #tpu.memory_space<vmem>>, vector<16xf32>,
        %parallel_loop3A_652 = arith.mulf %parallel_loop3A_267, %parallel_loop3A_633 : vector<16xf32>
        %parallel_loop3A_653 = arith.addf %parallel_loop3A_259, %parallel_loop3A_652 : vector<16xf32>
        %parallel_loop3A_654 = arith.constant 32 : i32
        %parallel_loop3A_655 = arith.addi %parallel_loop3A_635, %parallel_loop3A_654 : i32
        %parallel_loop3A_656 = arith.index_cast %parallel_loop3A_655 : i32 to index
        %parallel_loop3A_657 = tpu.vector_load %arg7[%parallel_loop3A_656] {strides = array<i32>} : memref<51200xf32, #tpu.memory_space<vmem>>, vector<16xf32>,
        %parallel_loop3A_658 = vector.shape_cast %parallel_loop3A_657 : vector<16xf32> to vector<16xf32>
        %parallel_loop3A_659 = vector.shape_cast %parallel_loop3A_653 : vector<16xf32> to vector<16xf32>
        tpu.vector_store %arg7[%parallel_loop3A_656], %parallel_loop3A_659 {strides = array<i32>} : memref<51200xf32, #tpu.memory_space<vmem>>, vector<16xf32>,
        %parallel_loop3A_660 = arith.mulf %parallel_loop3A_268, %parallel_loop3A_633 : vector<16xf32>
        %parallel_loop3A_661 = arith.addf %parallel_loop3A_260, %parallel_loop3A_660 : vector<16xf32>
        %parallel_loop3A_662 = arith.constant 48 : i32
        %parallel_loop3A_663 = arith.addi %parallel_loop3A_635, %parallel_loop3A_662 : i32
        %parallel_loop3A_664 = arith.index_cast %parallel_loop3A_663 : i32 to index
        %parallel_loop3A_665 = tpu.vector_load %arg7[%parallel_loop3A_664] {strides = array<i32>} : memref<51200xf32, #tpu.memory_space<vmem>>, vector<16xf32>,
        %parallel_loop3A_666 = vector.shape_cast %parallel_loop3A_665 : vector<16xf32> to vector<16xf32>
        %parallel_loop3A_667 = vector.shape_cast %parallel_loop3A_661 : vector<16xf32> to vector<16xf32>
        tpu.vector_store %arg7[%parallel_loop3A_664], %parallel_loop3A_667 {strides = array<i32>} : memref<51200xf32, #tpu.memory_space<vmem>>, vector<16xf32>,
        %parallel_loop3A_668 = arith.mulf %parallel_loop3A_269, %parallel_loop3A_633 : vector<16xf32>
        %parallel_loop3A_669 = arith.addf %parallel_loop3A_261, %parallel_loop3A_668 : vector<16xf32>
        %parallel_loop3A_670 = arith.constant 64 : i32
        %parallel_loop3A_671 = arith.addi %parallel_loop3A_635, %parallel_loop3A_670 : i32
        %parallel_loop3A_672 = arith.index_cast %parallel_loop3A_671 : i32 to index
        %parallel_loop3A_673 = tpu.vector_load %arg7[%parallel_loop3A_672] {strides = array<i32>} : memref<51200xf32, #tpu.memory_space<vmem>>, vector<16xf32>,
        %parallel_loop3A_674 = vector.shape_cast %parallel_loop3A_673 : vector<16xf32> to vector<16xf32>
        %parallel_loop3A_675 = vector.shape_cast %parallel_loop3A_669 : vector<16xf32> to vector<16xf32>
        tpu.vector_store %arg7[%parallel_loop3A_672], %parallel_loop3A_675 {strides = array<i32>} : memref<51200xf32, #tpu.memory_space<vmem>>, vector<16xf32>,
        %parallel_loop3A_676 = arith.mulf %parallel_loop3A_270, %parallel_loop3A_633 : vector<16xf32>
        %parallel_loop3A_677 = arith.addf %parallel_loop3A_262, %parallel_loop3A_676 : vector<16xf32>
        %parallel_loop3A_678 = arith.constant 80 : i32
        %parallel_loop3A_679 = arith.addi %parallel_loop3A_635, %parallel_loop3A_678 : i32
        %parallel_loop3A_680 = arith.index_cast %parallel_loop3A_679 : i32 to index
        %parallel_loop3A_681 = tpu.vector_load %arg7[%parallel_loop3A_680] {strides = array<i32>} : memref<51200xf32, #tpu.memory_space<vmem>>, vector<16xf32>,
        %parallel_loop3A_682 = vector.shape_cast %parallel_loop3A_681 : vector<16xf32> to vector<16xf32>
        %parallel_loop3A_683 = vector.shape_cast %parallel_loop3A_677 : vector<16xf32> to vector<16xf32>
        tpu.vector_store %arg7[%parallel_loop3A_680], %parallel_loop3A_683 {strides = array<i32>} : memref<51200xf32, #tpu.memory_space<vmem>>, vector<16xf32>,
        %parallel_loop3A_684 = arith.mulf %parallel_loop3A_271, %parallel_loop3A_633 : vector<16xf32>
        %parallel_loop3A_685 = arith.addf %parallel_loop3A_263, %parallel_loop3A_684 : vector<16xf32>
        %parallel_loop3A_686 = arith.constant 96 : i32
        %parallel_loop3A_687 = arith.addi %parallel_loop3A_635, %parallel_loop3A_686 : i32
        %parallel_loop3A_688 = arith.index_cast %parallel_loop3A_687 : i32 to index
        %parallel_loop3A_689 = tpu.vector_load %arg7[%parallel_loop3A_688] {strides = array<i32>} : memref<51200xf32, #tpu.memory_space<vmem>>, vector<16xf32>,
        %parallel_loop3A_690 = vector.shape_cast %parallel_loop3A_689 : vector<16xf32> to vector<16xf32>
        %parallel_loop3A_691 = vector.shape_cast %parallel_loop3A_685 : vector<16xf32> to vector<16xf32>
        tpu.vector_store %arg7[%parallel_loop3A_688], %parallel_loop3A_691 {strides = array<i32>} : memref<51200xf32, #tpu.memory_space<vmem>>, vector<16xf32>,
        %parallel_loop3A_692 = arith.mulf %parallel_loop3A_272, %parallel_loop3A_633 : vector<16xf32>
        %parallel_loop3A_693 = arith.addf %parallel_loop3A_264, %parallel_loop3A_692 : vector<16xf32>
        %parallel_loop3A_694 = arith.constant 112 : i32
        %parallel_loop3A_695 = arith.addi %parallel_loop3A_635, %parallel_loop3A_694 : i32
        %parallel_loop3A_696 = arith.index_cast %parallel_loop3A_695 : i32 to index
        %parallel_loop3A_697 = tpu.vector_load %arg7[%parallel_loop3A_696] {strides = array<i32>} : memref<51200xf32, #tpu.memory_space<vmem>>, vector<16xf32>,
        %parallel_loop3A_698 = vector.shape_cast %parallel_loop3A_697 : vector<16xf32> to vector<16xf32>
        %parallel_loop3A_699 = vector.shape_cast %parallel_loop3A_693 : vector<16xf32> to vector<16xf32>
        tpu.vector_store %arg7[%parallel_loop3A_696], %parallel_loop3A_699 {strides = array<i32>} : memref<51200xf32, #tpu.memory_space<vmem>>, vector<16xf32>,
        %parallel_loop3A_700 = vector.extract_strided_slice %parallel_loop3A_281 {offsets = [6], sizes = [1], strides = [1]} : vector<16xf32> to vector<1xf32>
        %parallel_loop3A_701 = vector.extract %parallel_loop3A_700[0] : f32 from vector<1xf32>
        %parallel_loop3A_702 = vector.broadcast %parallel_loop3A_701 : f32 to vector<16xf32>
        %parallel_loop3A_703 = arith.constant 768 : i32
        %parallel_loop3A_704 = arith.addi %parallel_loop3A_285, %parallel_loop3A_703 : i32
        %parallel_loop3A_705 = arith.mulf %parallel_loop3A_265, %parallel_loop3A_702 : vector<16xf32>
        %parallel_loop3A_706 = arith.addf %parallel_loop3A_257, %parallel_loop3A_705 : vector<16xf32>
        %parallel_loop3A_707 = arith.constant 0 : i32
        %parallel_loop3A_708 = arith.addi %parallel_loop3A_704, %parallel_loop3A_707 : i32
        %parallel_loop3A_709 = arith.index_cast %parallel_loop3A_708 : i32 to index
        %parallel_loop3A_710 = tpu.vector_load %arg7[%parallel_loop3A_709] {strides = array<i32>} : memref<51200xf32, #tpu.memory_space<vmem>>, vector<16xf32>,
        %parallel_loop3A_711 = vector.shape_cast %parallel_loop3A_710 : vector<16xf32> to vector<16xf32>
        %parallel_loop3A_712 = vector.shape_cast %parallel_loop3A_706 : vector<16xf32> to vector<16xf32>
        tpu.vector_store %arg7[%parallel_loop3A_709], %parallel_loop3A_712 {strides = array<i32>} : memref<51200xf32, #tpu.memory_space<vmem>>, vector<16xf32>,
        %parallel_loop3A_713 = arith.mulf %parallel_loop3A_266, %parallel_loop3A_702 : vector<16xf32>
        %parallel_loop3A_714 = arith.addf %parallel_loop3A_258, %parallel_loop3A_713 : vector<16xf32>
        %parallel_loop3A_715 = arith.constant 16 : i32
        %parallel_loop3A_716 = arith.addi %parallel_loop3A_704, %parallel_loop3A_715 : i32
        %parallel_loop3A_717 = arith.index_cast %parallel_loop3A_716 : i32 to index
        %parallel_loop3A_718 = tpu.vector_load %arg7[%parallel_loop3A_717] {strides = array<i32>} : memref<51200xf32, #tpu.memory_space<vmem>>, vector<16xf32>,
        %parallel_loop3A_719 = vector.shape_cast %parallel_loop3A_718 : vector<16xf32> to vector<16xf32>
        %parallel_loop3A_720 = vector.shape_cast %parallel_loop3A_714 : vector<16xf32> to vector<16xf32>
        tpu.vector_store %arg7[%parallel_loop3A_717], %parallel_loop3A_720 {strides = array<i32>} : memref<51200xf32, #tpu.memory_space<vmem>>, vector<16xf32>,
        %parallel_loop3A_721 = arith.mulf %parallel_loop3A_267, %parallel_loop3A_702 : vector<16xf32>
        %parallel_loop3A_722 = arith.addf %parallel_loop3A_259, %parallel_loop3A_721 : vector<16xf32>
        %parallel_loop3A_723 = arith.constant 32 : i32
        %parallel_loop3A_724 = arith.addi %parallel_loop3A_704, %parallel_loop3A_723 : i32
        %parallel_loop3A_725 = arith.index_cast %parallel_loop3A_724 : i32 to index
        %parallel_loop3A_726 = tpu.vector_load %arg7[%parallel_loop3A_725] {strides = array<i32>} : memref<51200xf32, #tpu.memory_space<vmem>>, vector<16xf32>,
        %parallel_loop3A_727 = vector.shape_cast %parallel_loop3A_726 : vector<16xf32> to vector<16xf32>
        %parallel_loop3A_728 = vector.shape_cast %parallel_loop3A_722 : vector<16xf32> to vector<16xf32>
        tpu.vector_store %arg7[%parallel_loop3A_725], %parallel_loop3A_728 {strides = array<i32>} : memref<51200xf32, #tpu.memory_space<vmem>>, vector<16xf32>,
        %parallel_loop3A_729 = arith.mulf %parallel_loop3A_268, %parallel_loop3A_702 : vector<16xf32>
        %parallel_loop3A_730 = arith.addf %parallel_loop3A_260, %parallel_loop3A_729 : vector<16xf32>
        %parallel_loop3A_731 = arith.constant 48 : i32
        %parallel_loop3A_732 = arith.addi %parallel_loop3A_704, %parallel_loop3A_731 : i32
        %parallel_loop3A_733 = arith.index_cast %parallel_loop3A_732 : i32 to index
        %parallel_loop3A_734 = tpu.vector_load %arg7[%parallel_loop3A_733] {strides = array<i32>} : memref<51200xf32, #tpu.memory_space<vmem>>, vector<16xf32>,
        %parallel_loop3A_735 = vector.shape_cast %parallel_loop3A_734 : vector<16xf32> to vector<16xf32>
        %parallel_loop3A_736 = vector.shape_cast %parallel_loop3A_730 : vector<16xf32> to vector<16xf32>
        tpu.vector_store %arg7[%parallel_loop3A_733], %parallel_loop3A_736 {strides = array<i32>} : memref<51200xf32, #tpu.memory_space<vmem>>, vector<16xf32>,
        %parallel_loop3A_737 = arith.mulf %parallel_loop3A_269, %parallel_loop3A_702 : vector<16xf32>
        %parallel_loop3A_738 = arith.addf %parallel_loop3A_261, %parallel_loop3A_737 : vector<16xf32>
        %parallel_loop3A_739 = arith.constant 64 : i32
        %parallel_loop3A_740 = arith.addi %parallel_loop3A_704, %parallel_loop3A_739 : i32
        %parallel_loop3A_741 = arith.index_cast %parallel_loop3A_740 : i32 to index
        %parallel_loop3A_742 = tpu.vector_load %arg7[%parallel_loop3A_741] {strides = array<i32>} : memref<51200xf32, #tpu.memory_space<vmem>>, vector<16xf32>,
        %parallel_loop3A_743 = vector.shape_cast %parallel_loop3A_742 : vector<16xf32> to vector<16xf32>
        %parallel_loop3A_744 = vector.shape_cast %parallel_loop3A_738 : vector<16xf32> to vector<16xf32>
        tpu.vector_store %arg7[%parallel_loop3A_741], %parallel_loop3A_744 {strides = array<i32>} : memref<51200xf32, #tpu.memory_space<vmem>>, vector<16xf32>,
        %parallel_loop3A_745 = arith.mulf %parallel_loop3A_270, %parallel_loop3A_702 : vector<16xf32>
        %parallel_loop3A_746 = arith.addf %parallel_loop3A_262, %parallel_loop3A_745 : vector<16xf32>
        %parallel_loop3A_747 = arith.constant 80 : i32
        %parallel_loop3A_748 = arith.addi %parallel_loop3A_704, %parallel_loop3A_747 : i32
        %parallel_loop3A_749 = arith.index_cast %parallel_loop3A_748 : i32 to index
        %parallel_loop3A_750 = tpu.vector_load %arg7[%parallel_loop3A_749] {strides = array<i32>} : memref<51200xf32, #tpu.memory_space<vmem>>, vector<16xf32>,
        %parallel_loop3A_751 = vector.shape_cast %parallel_loop3A_750 : vector<16xf32> to vector<16xf32>
        %parallel_loop3A_752 = vector.shape_cast %parallel_loop3A_746 : vector<16xf32> to vector<16xf32>
        tpu.vector_store %arg7[%parallel_loop3A_749], %parallel_loop3A_752 {strides = array<i32>} : memref<51200xf32, #tpu.memory_space<vmem>>, vector<16xf32>,
        %parallel_loop3A_753 = arith.mulf %parallel_loop3A_271, %parallel_loop3A_702 : vector<16xf32>
        %parallel_loop3A_754 = arith.addf %parallel_loop3A_263, %parallel_loop3A_753 : vector<16xf32>
        %parallel_loop3A_755 = arith.constant 96 : i32
        %parallel_loop3A_756 = arith.addi %parallel_loop3A_704, %parallel_loop3A_755 : i32
        %parallel_loop3A_757 = arith.index_cast %parallel_loop3A_756 : i32 to index
        %parallel_loop3A_758 = tpu.vector_load %arg7[%parallel_loop3A_757] {strides = array<i32>} : memref<51200xf32, #tpu.memory_space<vmem>>, vector<16xf32>,
        %parallel_loop3A_759 = vector.shape_cast %parallel_loop3A_758 : vector<16xf32> to vector<16xf32>
        %parallel_loop3A_760 = vector.shape_cast %parallel_loop3A_754 : vector<16xf32> to vector<16xf32>
        tpu.vector_store %arg7[%parallel_loop3A_757], %parallel_loop3A_760 {strides = array<i32>} : memref<51200xf32, #tpu.memory_space<vmem>>, vector<16xf32>,
        %parallel_loop3A_761 = arith.mulf %parallel_loop3A_272, %parallel_loop3A_702 : vector<16xf32>
        %parallel_loop3A_762 = arith.addf %parallel_loop3A_264, %parallel_loop3A_761 : vector<16xf32>
        %parallel_loop3A_763 = arith.constant 112 : i32
        %parallel_loop3A_764 = arith.addi %parallel_loop3A_704, %parallel_loop3A_763 : i32
        %parallel_loop3A_765 = arith.index_cast %parallel_loop3A_764 : i32 to index
        %parallel_loop3A_766 = tpu.vector_load %arg7[%parallel_loop3A_765] {strides = array<i32>} : memref<51200xf32, #tpu.memory_space<vmem>>, vector<16xf32>,
        %parallel_loop3A_767 = vector.shape_cast %parallel_loop3A_766 : vector<16xf32> to vector<16xf32>
        %parallel_loop3A_768 = vector.shape_cast %parallel_loop3A_762 : vector<16xf32> to vector<16xf32>
        tpu.vector_store %arg7[%parallel_loop3A_765], %parallel_loop3A_768 {strides = array<i32>} : memref<51200xf32, #tpu.memory_space<vmem>>, vector<16xf32>,
        %parallel_loop3A_769 = vector.extract_strided_slice %parallel_loop3A_281 {offsets = [7], sizes = [1], strides = [1]} : vector<16xf32> to vector<1xf32>
        %parallel_loop3A_770 = vector.extract %parallel_loop3A_769[0] : f32 from vector<1xf32>
        %parallel_loop3A_771 = vector.broadcast %parallel_loop3A_770 : f32 to vector<16xf32>
        %parallel_loop3A_772 = arith.constant 896 : i32
        %parallel_loop3A_773 = arith.addi %parallel_loop3A_285, %parallel_loop3A_772 : i32
        %parallel_loop3A_774 = arith.mulf %parallel_loop3A_265, %parallel_loop3A_771 : vector<16xf32>
        %parallel_loop3A_775 = arith.addf %parallel_loop3A_257, %parallel_loop3A_774 : vector<16xf32>
        %parallel_loop3A_776 = arith.constant 0 : i32
        %parallel_loop3A_777 = arith.addi %parallel_loop3A_773, %parallel_loop3A_776 : i32
        %parallel_loop3A_778 = arith.index_cast %parallel_loop3A_777 : i32 to index
        %parallel_loop3A_779 = tpu.vector_load %arg7[%parallel_loop3A_778] {strides = array<i32>} : memref<51200xf32, #tpu.memory_space<vmem>>, vector<16xf32>,
        %parallel_loop3A_780 = vector.shape_cast %parallel_loop3A_779 : vector<16xf32> to vector<16xf32>
        %parallel_loop3A_781 = vector.shape_cast %parallel_loop3A_775 : vector<16xf32> to vector<16xf32>
        tpu.vector_store %arg7[%parallel_loop3A_778], %parallel_loop3A_781 {strides = array<i32>} : memref<51200xf32, #tpu.memory_space<vmem>>, vector<16xf32>,
        %parallel_loop3A_782 = arith.mulf %parallel_loop3A_266, %parallel_loop3A_771 : vector<16xf32>
        %parallel_loop3A_783 = arith.addf %parallel_loop3A_258, %parallel_loop3A_782 : vector<16xf32>
        %parallel_loop3A_784 = arith.constant 16 : i32
        %parallel_loop3A_785 = arith.addi %parallel_loop3A_773, %parallel_loop3A_784 : i32
        %parallel_loop3A_786 = arith.index_cast %parallel_loop3A_785 : i32 to index
        %parallel_loop3A_787 = tpu.vector_load %arg7[%parallel_loop3A_786] {strides = array<i32>} : memref<51200xf32, #tpu.memory_space<vmem>>, vector<16xf32>,
        %parallel_loop3A_788 = vector.shape_cast %parallel_loop3A_787 : vector<16xf32> to vector<16xf32>
        %parallel_loop3A_789 = vector.shape_cast %parallel_loop3A_783 : vector<16xf32> to vector<16xf32>
        tpu.vector_store %arg7[%parallel_loop3A_786], %parallel_loop3A_789 {strides = array<i32>} : memref<51200xf32, #tpu.memory_space<vmem>>, vector<16xf32>,
        %parallel_loop3A_790 = arith.mulf %parallel_loop3A_267, %parallel_loop3A_771 : vector<16xf32>
        %parallel_loop3A_791 = arith.addf %parallel_loop3A_259, %parallel_loop3A_790 : vector<16xf32>
        %parallel_loop3A_792 = arith.constant 32 : i32
        %parallel_loop3A_793 = arith.addi %parallel_loop3A_773, %parallel_loop3A_792 : i32
        %parallel_loop3A_794 = arith.index_cast %parallel_loop3A_793 : i32 to index
        %parallel_loop3A_795 = tpu.vector_load %arg7[%parallel_loop3A_794] {strides = array<i32>} : memref<51200xf32, #tpu.memory_space<vmem>>, vector<16xf32>,
        %parallel_loop3A_796 = vector.shape_cast %parallel_loop3A_795 : vector<16xf32> to vector<16xf32>
        %parallel_loop3A_797 = vector.shape_cast %parallel_loop3A_791 : vector<16xf32> to vector<16xf32>
        tpu.vector_store %arg7[%parallel_loop3A_794], %parallel_loop3A_797 {strides = array<i32>} : memref<51200xf32, #tpu.memory_space<vmem>>, vector<16xf32>,
        %parallel_loop3A_798 = arith.mulf %parallel_loop3A_268, %parallel_loop3A_771 : vector<16xf32>
        %parallel_loop3A_799 = arith.addf %parallel_loop3A_260, %parallel_loop3A_798 : vector<16xf32>
        %parallel_loop3A_800 = arith.constant 48 : i32
        %parallel_loop3A_801 = arith.addi %parallel_loop3A_773, %parallel_loop3A_800 : i32
        %parallel_loop3A_802 = arith.index_cast %parallel_loop3A_801 : i32 to index
        %parallel_loop3A_803 = tpu.vector_load %arg7[%parallel_loop3A_802] {strides = array<i32>} : memref<51200xf32, #tpu.memory_space<vmem>>, vector<16xf32>,
        %parallel_loop3A_804 = vector.shape_cast %parallel_loop3A_803 : vector<16xf32> to vector<16xf32>
        %parallel_loop3A_805 = vector.shape_cast %parallel_loop3A_799 : vector<16xf32> to vector<16xf32>
        tpu.vector_store %arg7[%parallel_loop3A_802], %parallel_loop3A_805 {strides = array<i32>} : memref<51200xf32, #tpu.memory_space<vmem>>, vector<16xf32>,
        %parallel_loop3A_806 = arith.mulf %parallel_loop3A_269, %parallel_loop3A_771 : vector<16xf32>
        %parallel_loop3A_807 = arith.addf %parallel_loop3A_261, %parallel_loop3A_806 : vector<16xf32>
        %parallel_loop3A_808 = arith.constant 64 : i32
        %parallel_loop3A_809 = arith.addi %parallel_loop3A_773, %parallel_loop3A_808 : i32
        %parallel_loop3A_810 = arith.index_cast %parallel_loop3A_809 : i32 to index
        %parallel_loop3A_811 = tpu.vector_load %arg7[%parallel_loop3A_810] {strides = array<i32>} : memref<51200xf32, #tpu.memory_space<vmem>>, vector<16xf32>,
        %parallel_loop3A_812 = vector.shape_cast %parallel_loop3A_811 : vector<16xf32> to vector<16xf32>
        %parallel_loop3A_813 = vector.shape_cast %parallel_loop3A_807 : vector<16xf32> to vector<16xf32>
        tpu.vector_store %arg7[%parallel_loop3A_810], %parallel_loop3A_813 {strides = array<i32>} : memref<51200xf32, #tpu.memory_space<vmem>>, vector<16xf32>,
        %parallel_loop3A_814 = arith.mulf %parallel_loop3A_270, %parallel_loop3A_771 : vector<16xf32>
        %parallel_loop3A_815 = arith.addf %parallel_loop3A_262, %parallel_loop3A_814 : vector<16xf32>
        %parallel_loop3A_816 = arith.constant 80 : i32
        %parallel_loop3A_817 = arith.addi %parallel_loop3A_773, %parallel_loop3A_816 : i32
        %parallel_loop3A_818 = arith.index_cast %parallel_loop3A_817 : i32 to index
        %parallel_loop3A_819 = tpu.vector_load %arg7[%parallel_loop3A_818] {strides = array<i32>} : memref<51200xf32, #tpu.memory_space<vmem>>, vector<16xf32>,
        %parallel_loop3A_820 = vector.shape_cast %parallel_loop3A_819 : vector<16xf32> to vector<16xf32>
        %parallel_loop3A_821 = vector.shape_cast %parallel_loop3A_815 : vector<16xf32> to vector<16xf32>
        tpu.vector_store %arg7[%parallel_loop3A_818], %parallel_loop3A_821 {strides = array<i32>} : memref<51200xf32, #tpu.memory_space<vmem>>, vector<16xf32>,
        %parallel_loop3A_822 = arith.mulf %parallel_loop3A_271, %parallel_loop3A_771 : vector<16xf32>
        %parallel_loop3A_823 = arith.addf %parallel_loop3A_263, %parallel_loop3A_822 : vector<16xf32>
        %parallel_loop3A_824 = arith.constant 96 : i32
        %parallel_loop3A_825 = arith.addi %parallel_loop3A_773, %parallel_loop3A_824 : i32
        %parallel_loop3A_826 = arith.index_cast %parallel_loop3A_825 : i32 to index
        %parallel_loop3A_827 = tpu.vector_load %arg7[%parallel_loop3A_826] {strides = array<i32>} : memref<51200xf32, #tpu.memory_space<vmem>>, vector<16xf32>,
        %parallel_loop3A_828 = vector.shape_cast %parallel_loop3A_827 : vector<16xf32> to vector<16xf32>
        %parallel_loop3A_829 = vector.shape_cast %parallel_loop3A_823 : vector<16xf32> to vector<16xf32>
        tpu.vector_store %arg7[%parallel_loop3A_826], %parallel_loop3A_829 {strides = array<i32>} : memref<51200xf32, #tpu.memory_space<vmem>>, vector<16xf32>,
        %parallel_loop3A_830 = arith.mulf %parallel_loop3A_272, %parallel_loop3A_771 : vector<16xf32>
        %parallel_loop3A_831 = arith.addf %parallel_loop3A_264, %parallel_loop3A_830 : vector<16xf32>
        %parallel_loop3A_832 = arith.constant 112 : i32
        %parallel_loop3A_833 = arith.addi %parallel_loop3A_773, %parallel_loop3A_832 : i32
        %parallel_loop3A_834 = arith.index_cast %parallel_loop3A_833 : i32 to index
        %parallel_loop3A_835 = tpu.vector_load %arg7[%parallel_loop3A_834] {strides = array<i32>} : memref<51200xf32, #tpu.memory_space<vmem>>, vector<16xf32>,
        %parallel_loop3A_836 = vector.shape_cast %parallel_loop3A_835 : vector<16xf32> to vector<16xf32>
        %parallel_loop3A_837 = vector.shape_cast %parallel_loop3A_831 : vector<16xf32> to vector<16xf32>
        tpu.vector_store %arg7[%parallel_loop3A_834], %parallel_loop3A_837 {strides = array<i32>} : memref<51200xf32, #tpu.memory_space<vmem>>, vector<16xf32>,
        %parallel_loop3A_838 = vector.extract_strided_slice %parallel_loop3A_281 {offsets = [8], sizes = [1], strides = [1]} : vector<16xf32> to vector<1xf32>
        %parallel_loop3A_839 = vector.extract %parallel_loop3A_838[0] : f32 from vector<1xf32>
        %parallel_loop3A_840 = vector.broadcast %parallel_loop3A_839 : f32 to vector<16xf32>
        %parallel_loop3A_841 = arith.constant 1024 : i32
        %parallel_loop3A_842 = arith.addi %parallel_loop3A_285, %parallel_loop3A_841 : i32
        %parallel_loop3A_843 = arith.mulf %parallel_loop3A_265, %parallel_loop3A_840 : vector<16xf32>
        %parallel_loop3A_844 = arith.addf %parallel_loop3A_257, %parallel_loop3A_843 : vector<16xf32>
        %parallel_loop3A_845 = arith.constant 0 : i32
        %parallel_loop3A_846 = arith.addi %parallel_loop3A_842, %parallel_loop3A_845 : i32
        %parallel_loop3A_847 = arith.index_cast %parallel_loop3A_846 : i32 to index
        %parallel_loop3A_848 = tpu.vector_load %arg7[%parallel_loop3A_847] {strides = array<i32>} : memref<51200xf32, #tpu.memory_space<vmem>>, vector<16xf32>,
        %parallel_loop3A_849 = vector.shape_cast %parallel_loop3A_848 : vector<16xf32> to vector<16xf32>
        %parallel_loop3A_850 = vector.shape_cast %parallel_loop3A_844 : vector<16xf32> to vector<16xf32>
        tpu.vector_store %arg7[%parallel_loop3A_847], %parallel_loop3A_850 {strides = array<i32>} : memref<51200xf32, #tpu.memory_space<vmem>>, vector<16xf32>,
        %parallel_loop3A_851 = arith.mulf %parallel_loop3A_266, %parallel_loop3A_840 : vector<16xf32>
        %parallel_loop3A_852 = arith.addf %parallel_loop3A_258, %parallel_loop3A_851 : vector<16xf32>
        %parallel_loop3A_853 = arith.constant 16 : i32
        %parallel_loop3A_854 = arith.addi %parallel_loop3A_842, %parallel_loop3A_853 : i32
        %parallel_loop3A_855 = arith.index_cast %parallel_loop3A_854 : i32 to index
        %parallel_loop3A_856 = tpu.vector_load %arg7[%parallel_loop3A_855] {strides = array<i32>} : memref<51200xf32, #tpu.memory_space<vmem>>, vector<16xf32>,
        %parallel_loop3A_857 = vector.shape_cast %parallel_loop3A_856 : vector<16xf32> to vector<16xf32>
        %parallel_loop3A_858 = vector.shape_cast %parallel_loop3A_852 : vector<16xf32> to vector<16xf32>
        tpu.vector_store %arg7[%parallel_loop3A_855], %parallel_loop3A_858 {strides = array<i32>} : memref<51200xf32, #tpu.memory_space<vmem>>, vector<16xf32>,
        %parallel_loop3A_859 = arith.mulf %parallel_loop3A_267, %parallel_loop3A_840 : vector<16xf32>
        %parallel_loop3A_860 = arith.addf %parallel_loop3A_259, %parallel_loop3A_859 : vector<16xf32>
        %parallel_loop3A_861 = arith.constant 32 : i32
        %parallel_loop3A_862 = arith.addi %parallel_loop3A_842, %parallel_loop3A_861 : i32
        %parallel_loop3A_863 = arith.index_cast %parallel_loop3A_862 : i32 to index
        %parallel_loop3A_864 = tpu.vector_load %arg7[%parallel_loop3A_863] {strides = array<i32>} : memref<51200xf32, #tpu.memory_space<vmem>>, vector<16xf32>,
        %parallel_loop3A_865 = vector.shape_cast %parallel_loop3A_864 : vector<16xf32> to vector<16xf32>
        %parallel_loop3A_866 = vector.shape_cast %parallel_loop3A_860 : vector<16xf32> to vector<16xf32>
        tpu.vector_store %arg7[%parallel_loop3A_863], %parallel_loop3A_866 {strides = array<i32>} : memref<51200xf32, #tpu.memory_space<vmem>>, vector<16xf32>,
        %parallel_loop3A_867 = arith.mulf %parallel_loop3A_268, %parallel_loop3A_840 : vector<16xf32>
        %parallel_loop3A_868 = arith.addf %parallel_loop3A_260, %parallel_loop3A_867 : vector<16xf32>
        %parallel_loop3A_869 = arith.constant 48 : i32
        %parallel_loop3A_870 = arith.addi %parallel_loop3A_842, %parallel_loop3A_869 : i32
        %parallel_loop3A_871 = arith.index_cast %parallel_loop3A_870 : i32 to index
        %parallel_loop3A_872 = tpu.vector_load %arg7[%parallel_loop3A_871] {strides = array<i32>} : memref<51200xf32, #tpu.memory_space<vmem>>, vector<16xf32>,
        %parallel_loop3A_873 = vector.shape_cast %parallel_loop3A_872 : vector<16xf32> to vector<16xf32>
        %parallel_loop3A_874 = vector.shape_cast %parallel_loop3A_868 : vector<16xf32> to vector<16xf32>
        tpu.vector_store %arg7[%parallel_loop3A_871], %parallel_loop3A_874 {strides = array<i32>} : memref<51200xf32, #tpu.memory_space<vmem>>, vector<16xf32>,
        %parallel_loop3A_875 = arith.mulf %parallel_loop3A_269, %parallel_loop3A_840 : vector<16xf32>
        %parallel_loop3A_876 = arith.addf %parallel_loop3A_261, %parallel_loop3A_875 : vector<16xf32>
        %parallel_loop3A_877 = arith.constant 64 : i32
        %parallel_loop3A_878 = arith.addi %parallel_loop3A_842, %parallel_loop3A_877 : i32
        %parallel_loop3A_879 = arith.index_cast %parallel_loop3A_878 : i32 to index
        %parallel_loop3A_880 = tpu.vector_load %arg7[%parallel_loop3A_879] {strides = array<i32>} : memref<51200xf32, #tpu.memory_space<vmem>>, vector<16xf32>,
        %parallel_loop3A_881 = vector.shape_cast %parallel_loop3A_880 : vector<16xf32> to vector<16xf32>
        %parallel_loop3A_882 = vector.shape_cast %parallel_loop3A_876 : vector<16xf32> to vector<16xf32>
        tpu.vector_store %arg7[%parallel_loop3A_879], %parallel_loop3A_882 {strides = array<i32>} : memref<51200xf32, #tpu.memory_space<vmem>>, vector<16xf32>,
        %parallel_loop3A_883 = arith.mulf %parallel_loop3A_270, %parallel_loop3A_840 : vector<16xf32>
        %parallel_loop3A_884 = arith.addf %parallel_loop3A_262, %parallel_loop3A_883 : vector<16xf32>
        %parallel_loop3A_885 = arith.constant 80 : i32
        %parallel_loop3A_886 = arith.addi %parallel_loop3A_842, %parallel_loop3A_885 : i32
        %parallel_loop3A_887 = arith.index_cast %parallel_loop3A_886 : i32 to index
        %parallel_loop3A_888 = tpu.vector_load %arg7[%parallel_loop3A_887] {strides = array<i32>} : memref<51200xf32, #tpu.memory_space<vmem>>, vector<16xf32>,
        %parallel_loop3A_889 = vector.shape_cast %parallel_loop3A_888 : vector<16xf32> to vector<16xf32>
        %parallel_loop3A_890 = vector.shape_cast %parallel_loop3A_884 : vector<16xf32> to vector<16xf32>
        tpu.vector_store %arg7[%parallel_loop3A_887], %parallel_loop3A_890 {strides = array<i32>} : memref<51200xf32, #tpu.memory_space<vmem>>, vector<16xf32>,
        %parallel_loop3A_891 = arith.mulf %parallel_loop3A_271, %parallel_loop3A_840 : vector<16xf32>
        %parallel_loop3A_892 = arith.addf %parallel_loop3A_263, %parallel_loop3A_891 : vector<16xf32>
        %parallel_loop3A_893 = arith.constant 96 : i32
        %parallel_loop3A_894 = arith.addi %parallel_loop3A_842, %parallel_loop3A_893 : i32
        %parallel_loop3A_895 = arith.index_cast %parallel_loop3A_894 : i32 to index
        %parallel_loop3A_896 = tpu.vector_load %arg7[%parallel_loop3A_895] {strides = array<i32>} : memref<51200xf32, #tpu.memory_space<vmem>>, vector<16xf32>,
        %parallel_loop3A_897 = vector.shape_cast %parallel_loop3A_896 : vector<16xf32> to vector<16xf32>
        %parallel_loop3A_898 = vector.shape_cast %parallel_loop3A_892 : vector<16xf32> to vector<16xf32>
        tpu.vector_store %arg7[%parallel_loop3A_895], %parallel_loop3A_898 {strides = array<i32>} : memref<51200xf32, #tpu.memory_space<vmem>>, vector<16xf32>,
        %parallel_loop3A_899 = arith.mulf %parallel_loop3A_272, %parallel_loop3A_840 : vector<16xf32>
        %parallel_loop3A_900 = arith.addf %parallel_loop3A_264, %parallel_loop3A_899 : vector<16xf32>
        %parallel_loop3A_901 = arith.constant 112 : i32
        %parallel_loop3A_902 = arith.addi %parallel_loop3A_842, %parallel_loop3A_901 : i32
        %parallel_loop3A_903 = arith.index_cast %parallel_loop3A_902 : i32 to index
        %parallel_loop3A_904 = tpu.vector_load %arg7[%parallel_loop3A_903] {strides = array<i32>} : memref<51200xf32, #tpu.memory_space<vmem>>, vector<16xf32>,
        %parallel_loop3A_905 = vector.shape_cast %parallel_loop3A_904 : vector<16xf32> to vector<16xf32>
        %parallel_loop3A_906 = vector.shape_cast %parallel_loop3A_900 : vector<16xf32> to vector<16xf32>
        tpu.vector_store %arg7[%parallel_loop3A_903], %parallel_loop3A_906 {strides = array<i32>} : memref<51200xf32, #tpu.memory_space<vmem>>, vector<16xf32>,
        %parallel_loop3A_907 = vector.extract_strided_slice %parallel_loop3A_281 {offsets = [9], sizes = [1], strides = [1]} : vector<16xf32> to vector<1xf32>
        %parallel_loop3A_908 = vector.extract %parallel_loop3A_907[0] : f32 from vector<1xf32>
        %parallel_loop3A_909 = vector.broadcast %parallel_loop3A_908 : f32 to vector<16xf32>
        %parallel_loop3A_910 = arith.constant 1152 : i32
        %parallel_loop3A_911 = arith.addi %parallel_loop3A_285, %parallel_loop3A_910 : i32
        %parallel_loop3A_912 = arith.mulf %parallel_loop3A_265, %parallel_loop3A_909 : vector<16xf32>
        %parallel_loop3A_913 = arith.addf %parallel_loop3A_257, %parallel_loop3A_912 : vector<16xf32>
        %parallel_loop3A_914 = arith.constant 0 : i32
        %parallel_loop3A_915 = arith.addi %parallel_loop3A_911, %parallel_loop3A_914 : i32
        %parallel_loop3A_916 = arith.index_cast %parallel_loop3A_915 : i32 to index
        %parallel_loop3A_917 = tpu.vector_load %arg7[%parallel_loop3A_916] {strides = array<i32>} : memref<51200xf32, #tpu.memory_space<vmem>>, vector<16xf32>,
        %parallel_loop3A_918 = vector.shape_cast %parallel_loop3A_917 : vector<16xf32> to vector<16xf32>
        %parallel_loop3A_919 = vector.shape_cast %parallel_loop3A_913 : vector<16xf32> to vector<16xf32>
        tpu.vector_store %arg7[%parallel_loop3A_916], %parallel_loop3A_919 {strides = array<i32>} : memref<51200xf32, #tpu.memory_space<vmem>>, vector<16xf32>,
        %parallel_loop3A_920 = arith.mulf %parallel_loop3A_266, %parallel_loop3A_909 : vector<16xf32>
        %parallel_loop3A_921 = arith.addf %parallel_loop3A_258, %parallel_loop3A_920 : vector<16xf32>
        %parallel_loop3A_922 = arith.constant 16 : i32
        %parallel_loop3A_923 = arith.addi %parallel_loop3A_911, %parallel_loop3A_922 : i32
        %parallel_loop3A_924 = arith.index_cast %parallel_loop3A_923 : i32 to index
        %parallel_loop3A_925 = tpu.vector_load %arg7[%parallel_loop3A_924] {strides = array<i32>} : memref<51200xf32, #tpu.memory_space<vmem>>, vector<16xf32>,
        %parallel_loop3A_926 = vector.shape_cast %parallel_loop3A_925 : vector<16xf32> to vector<16xf32>
        %parallel_loop3A_927 = vector.shape_cast %parallel_loop3A_921 : vector<16xf32> to vector<16xf32>
        tpu.vector_store %arg7[%parallel_loop3A_924], %parallel_loop3A_927 {strides = array<i32>} : memref<51200xf32, #tpu.memory_space<vmem>>, vector<16xf32>,
        %parallel_loop3A_928 = arith.mulf %parallel_loop3A_267, %parallel_loop3A_909 : vector<16xf32>
        %parallel_loop3A_929 = arith.addf %parallel_loop3A_259, %parallel_loop3A_928 : vector<16xf32>
        %parallel_loop3A_930 = arith.constant 32 : i32
        %parallel_loop3A_931 = arith.addi %parallel_loop3A_911, %parallel_loop3A_930 : i32
        %parallel_loop3A_932 = arith.index_cast %parallel_loop3A_931 : i32 to index
        %parallel_loop3A_933 = tpu.vector_load %arg7[%parallel_loop3A_932] {strides = array<i32>} : memref<51200xf32, #tpu.memory_space<vmem>>, vector<16xf32>,
        %parallel_loop3A_934 = vector.shape_cast %parallel_loop3A_933 : vector<16xf32> to vector<16xf32>
        %parallel_loop3A_935 = vector.shape_cast %parallel_loop3A_929 : vector<16xf32> to vector<16xf32>
        tpu.vector_store %arg7[%parallel_loop3A_932], %parallel_loop3A_935 {strides = array<i32>} : memref<51200xf32, #tpu.memory_space<vmem>>, vector<16xf32>,
        %parallel_loop3A_936 = arith.mulf %parallel_loop3A_268, %parallel_loop3A_909 : vector<16xf32>
        %parallel_loop3A_937 = arith.addf %parallel_loop3A_260, %parallel_loop3A_936 : vector<16xf32>
        %parallel_loop3A_938 = arith.constant 48 : i32
        %parallel_loop3A_939 = arith.addi %parallel_loop3A_911, %parallel_loop3A_938 : i32
        %parallel_loop3A_940 = arith.index_cast %parallel_loop3A_939 : i32 to index
        %parallel_loop3A_941 = tpu.vector_load %arg7[%parallel_loop3A_940] {strides = array<i32>} : memref<51200xf32, #tpu.memory_space<vmem>>, vector<16xf32>,
        %parallel_loop3A_942 = vector.shape_cast %parallel_loop3A_941 : vector<16xf32> to vector<16xf32>
        %parallel_loop3A_943 = vector.shape_cast %parallel_loop3A_937 : vector<16xf32> to vector<16xf32>
        tpu.vector_store %arg7[%parallel_loop3A_940], %parallel_loop3A_943 {strides = array<i32>} : memref<51200xf32, #tpu.memory_space<vmem>>, vector<16xf32>,
        %parallel_loop3A_944 = arith.mulf %parallel_loop3A_269, %parallel_loop3A_909 : vector<16xf32>
        %parallel_loop3A_945 = arith.addf %parallel_loop3A_261, %parallel_loop3A_944 : vector<16xf32>
        %parallel_loop3A_946 = arith.constant 64 : i32
        %parallel_loop3A_947 = arith.addi %parallel_loop3A_911, %parallel_loop3A_946 : i32
        %parallel_loop3A_948 = arith.index_cast %parallel_loop3A_947 : i32 to index
        %parallel_loop3A_949 = tpu.vector_load %arg7[%parallel_loop3A_948] {strides = array<i32>} : memref<51200xf32, #tpu.memory_space<vmem>>, vector<16xf32>,
        %parallel_loop3A_950 = vector.shape_cast %parallel_loop3A_949 : vector<16xf32> to vector<16xf32>
        %parallel_loop3A_951 = vector.shape_cast %parallel_loop3A_945 : vector<16xf32> to vector<16xf32>
        tpu.vector_store %arg7[%parallel_loop3A_948], %parallel_loop3A_951 {strides = array<i32>} : memref<51200xf32, #tpu.memory_space<vmem>>, vector<16xf32>,
        %parallel_loop3A_952 = arith.mulf %parallel_loop3A_270, %parallel_loop3A_909 : vector<16xf32>
        %parallel_loop3A_953 = arith.addf %parallel_loop3A_262, %parallel_loop3A_952 : vector<16xf32>
        %parallel_loop3A_954 = arith.constant 80 : i32
        %parallel_loop3A_955 = arith.addi %parallel_loop3A_911, %parallel_loop3A_954 : i32
        %parallel_loop3A_956 = arith.index_cast %parallel_loop3A_955 : i32 to index
        %parallel_loop3A_957 = tpu.vector_load %arg7[%parallel_loop3A_956] {strides = array<i32>} : memref<51200xf32, #tpu.memory_space<vmem>>, vector<16xf32>,
        %parallel_loop3A_958 = vector.shape_cast %parallel_loop3A_957 : vector<16xf32> to vector<16xf32>
        %parallel_loop3A_959 = vector.shape_cast %parallel_loop3A_953 : vector<16xf32> to vector<16xf32>
        tpu.vector_store %arg7[%parallel_loop3A_956], %parallel_loop3A_959 {strides = array<i32>} : memref<51200xf32, #tpu.memory_space<vmem>>, vector<16xf32>,
        %parallel_loop3A_960 = arith.mulf %parallel_loop3A_271, %parallel_loop3A_909 : vector<16xf32>
        %parallel_loop3A_961 = arith.addf %parallel_loop3A_263, %parallel_loop3A_960 : vector<16xf32>
        %parallel_loop3A_962 = arith.constant 96 : i32
        %parallel_loop3A_963 = arith.addi %parallel_loop3A_911, %parallel_loop3A_962 : i32
        %parallel_loop3A_964 = arith.index_cast %parallel_loop3A_963 : i32 to index
        %parallel_loop3A_965 = tpu.vector_load %arg7[%parallel_loop3A_964] {strides = array<i32>} : memref<51200xf32, #tpu.memory_space<vmem>>, vector<16xf32>,
        %parallel_loop3A_966 = vector.shape_cast %parallel_loop3A_965 : vector<16xf32> to vector<16xf32>
        %parallel_loop3A_967 = vector.shape_cast %parallel_loop3A_961 : vector<16xf32> to vector<16xf32>
        tpu.vector_store %arg7[%parallel_loop3A_964], %parallel_loop3A_967 {strides = array<i32>} : memref<51200xf32, #tpu.memory_space<vmem>>, vector<16xf32>,
        %parallel_loop3A_968 = arith.mulf %parallel_loop3A_272, %parallel_loop3A_909 : vector<16xf32>
        %parallel_loop3A_969 = arith.addf %parallel_loop3A_264, %parallel_loop3A_968 : vector<16xf32>
        %parallel_loop3A_970 = arith.constant 112 : i32
        %parallel_loop3A_971 = arith.addi %parallel_loop3A_911, %parallel_loop3A_970 : i32
        %parallel_loop3A_972 = arith.index_cast %parallel_loop3A_971 : i32 to index
        %parallel_loop3A_973 = tpu.vector_load %arg7[%parallel_loop3A_972] {strides = array<i32>} : memref<51200xf32, #tpu.memory_space<vmem>>, vector<16xf32>,
        %parallel_loop3A_974 = vector.shape_cast %parallel_loop3A_973 : vector<16xf32> to vector<16xf32>
        %parallel_loop3A_975 = vector.shape_cast %parallel_loop3A_969 : vector<16xf32> to vector<16xf32>
        tpu.vector_store %arg7[%parallel_loop3A_972], %parallel_loop3A_975 {strides = array<i32>} : memref<51200xf32, #tpu.memory_space<vmem>>, vector<16xf32>,
        %parallel_loop3A_976 = vector.extract_strided_slice %parallel_loop3A_281 {offsets = [10], sizes = [1], strides = [1]} : vector<16xf32> to vector<1xf32>
        %parallel_loop3A_977 = vector.extract %parallel_loop3A_976[0] : f32 from vector<1xf32>
        %parallel_loop3A_978 = vector.broadcast %parallel_loop3A_977 : f32 to vector<16xf32>
        %parallel_loop3A_979 = arith.constant 1280 : i32
        %parallel_loop3A_980 = arith.addi %parallel_loop3A_285, %parallel_loop3A_979 : i32
        %parallel_loop3A_981 = arith.mulf %parallel_loop3A_265, %parallel_loop3A_978 : vector<16xf32>
        %parallel_loop3A_982 = arith.addf %parallel_loop3A_257, %parallel_loop3A_981 : vector<16xf32>
        %parallel_loop3A_983 = arith.constant 0 : i32
        %parallel_loop3A_984 = arith.addi %parallel_loop3A_980, %parallel_loop3A_983 : i32
        %parallel_loop3A_985 = arith.index_cast %parallel_loop3A_984 : i32 to index
        %parallel_loop3A_986 = tpu.vector_load %arg7[%parallel_loop3A_985] {strides = array<i32>} : memref<51200xf32, #tpu.memory_space<vmem>>, vector<16xf32>,
        %parallel_loop3A_987 = vector.shape_cast %parallel_loop3A_986 : vector<16xf32> to vector<16xf32>
        %parallel_loop3A_988 = vector.shape_cast %parallel_loop3A_982 : vector<16xf32> to vector<16xf32>
        tpu.vector_store %arg7[%parallel_loop3A_985], %parallel_loop3A_988 {strides = array<i32>} : memref<51200xf32, #tpu.memory_space<vmem>>, vector<16xf32>,
        %parallel_loop3A_989 = arith.mulf %parallel_loop3A_266, %parallel_loop3A_978 : vector<16xf32>
        %parallel_loop3A_990 = arith.addf %parallel_loop3A_258, %parallel_loop3A_989 : vector<16xf32>
        %parallel_loop3A_991 = arith.constant 16 : i32
        %parallel_loop3A_992 = arith.addi %parallel_loop3A_980, %parallel_loop3A_991 : i32
        %parallel_loop3A_993 = arith.index_cast %parallel_loop3A_992 : i32 to index
        %parallel_loop3A_994 = tpu.vector_load %arg7[%parallel_loop3A_993] {strides = array<i32>} : memref<51200xf32, #tpu.memory_space<vmem>>, vector<16xf32>,
        %parallel_loop3A_995 = vector.shape_cast %parallel_loop3A_994 : vector<16xf32> to vector<16xf32>
        %parallel_loop3A_996 = vector.shape_cast %parallel_loop3A_990 : vector<16xf32> to vector<16xf32>
        tpu.vector_store %arg7[%parallel_loop3A_993], %parallel_loop3A_996 {strides = array<i32>} : memref<51200xf32, #tpu.memory_space<vmem>>, vector<16xf32>,
        %parallel_loop3A_997 = arith.mulf %parallel_loop3A_267, %parallel_loop3A_978 : vector<16xf32>
        %parallel_loop3A_998 = arith.addf %parallel_loop3A_259, %parallel_loop3A_997 : vector<16xf32>
        %parallel_loop3A_999 = arith.constant 32 : i32
        %parallel_loop3A_1000 = arith.addi %parallel_loop3A_980, %parallel_loop3A_999 : i32
        %parallel_loop3A_1001 = arith.index_cast %parallel_loop3A_1000 : i32 to index
        %parallel_loop3A_1002 = tpu.vector_load %arg7[%parallel_loop3A_1001] {strides = array<i32>} : memref<51200xf32, #tpu.memory_space<vmem>>, vector<16xf32>,
        %parallel_loop3A_1003 = vector.shape_cast %parallel_loop3A_1002 : vector<16xf32> to vector<16xf32>
        %parallel_loop3A_1004 = vector.shape_cast %parallel_loop3A_998 : vector<16xf32> to vector<16xf32>
        tpu.vector_store %arg7[%parallel_loop3A_1001], %parallel_loop3A_1004 {strides = array<i32>} : memref<51200xf32, #tpu.memory_space<vmem>>, vector<16xf32>,
        %parallel_loop3A_1005 = arith.mulf %parallel_loop3A_268, %parallel_loop3A_978 : vector<16xf32>
        %parallel_loop3A_1006 = arith.addf %parallel_loop3A_260, %parallel_loop3A_1005 : vector<16xf32>
        %parallel_loop3A_1007 = arith.constant 48 : i32
        %parallel_loop3A_1008 = arith.addi %parallel_loop3A_980, %parallel_loop3A_1007 : i32
        %parallel_loop3A_1009 = arith.index_cast %parallel_loop3A_1008 : i32 to index
        %parallel_loop3A_1010 = tpu.vector_load %arg7[%parallel_loop3A_1009] {strides = array<i32>} : memref<51200xf32, #tpu.memory_space<vmem>>, vector<16xf32>,
        %parallel_loop3A_1011 = vector.shape_cast %parallel_loop3A_1010 : vector<16xf32> to vector<16xf32>
        %parallel_loop3A_1012 = vector.shape_cast %parallel_loop3A_1006 : vector<16xf32> to vector<16xf32>
        tpu.vector_store %arg7[%parallel_loop3A_1009], %parallel_loop3A_1012 {strides = array<i32>} : memref<51200xf32, #tpu.memory_space<vmem>>, vector<16xf32>,
        %parallel_loop3A_1013 = arith.mulf %parallel_loop3A_269, %parallel_loop3A_978 : vector<16xf32>
        %parallel_loop3A_1014 = arith.addf %parallel_loop3A_261, %parallel_loop3A_1013 : vector<16xf32>
        %parallel_loop3A_1015 = arith.constant 64 : i32
        %parallel_loop3A_1016 = arith.addi %parallel_loop3A_980, %parallel_loop3A_1015 : i32
        %parallel_loop3A_1017 = arith.index_cast %parallel_loop3A_1016 : i32 to index
        %parallel_loop3A_1018 = tpu.vector_load %arg7[%parallel_loop3A_1017] {strides = array<i32>} : memref<51200xf32, #tpu.memory_space<vmem>>, vector<16xf32>,
        %parallel_loop3A_1019 = vector.shape_cast %parallel_loop3A_1018 : vector<16xf32> to vector<16xf32>
        %parallel_loop3A_1020 = vector.shape_cast %parallel_loop3A_1014 : vector<16xf32> to vector<16xf32>
        tpu.vector_store %arg7[%parallel_loop3A_1017], %parallel_loop3A_1020 {strides = array<i32>} : memref<51200xf32, #tpu.memory_space<vmem>>, vector<16xf32>,
        %parallel_loop3A_1021 = arith.mulf %parallel_loop3A_270, %parallel_loop3A_978 : vector<16xf32>
        %parallel_loop3A_1022 = arith.addf %parallel_loop3A_262, %parallel_loop3A_1021 : vector<16xf32>
        %parallel_loop3A_1023 = arith.constant 80 : i32
        %parallel_loop3A_1024 = arith.addi %parallel_loop3A_980, %parallel_loop3A_1023 : i32
        %parallel_loop3A_1025 = arith.index_cast %parallel_loop3A_1024 : i32 to index
        %parallel_loop3A_1026 = tpu.vector_load %arg7[%parallel_loop3A_1025] {strides = array<i32>} : memref<51200xf32, #tpu.memory_space<vmem>>, vector<16xf32>,
        %parallel_loop3A_1027 = vector.shape_cast %parallel_loop3A_1026 : vector<16xf32> to vector<16xf32>
        %parallel_loop3A_1028 = vector.shape_cast %parallel_loop3A_1022 : vector<16xf32> to vector<16xf32>
        tpu.vector_store %arg7[%parallel_loop3A_1025], %parallel_loop3A_1028 {strides = array<i32>} : memref<51200xf32, #tpu.memory_space<vmem>>, vector<16xf32>,
        %parallel_loop3A_1029 = arith.mulf %parallel_loop3A_271, %parallel_loop3A_978 : vector<16xf32>
        %parallel_loop3A_1030 = arith.addf %parallel_loop3A_263, %parallel_loop3A_1029 : vector<16xf32>
        %parallel_loop3A_1031 = arith.constant 96 : i32
        %parallel_loop3A_1032 = arith.addi %parallel_loop3A_980, %parallel_loop3A_1031 : i32
        %parallel_loop3A_1033 = arith.index_cast %parallel_loop3A_1032 : i32 to index
        %parallel_loop3A_1034 = tpu.vector_load %arg7[%parallel_loop3A_1033] {strides = array<i32>} : memref<51200xf32, #tpu.memory_space<vmem>>, vector<16xf32>,
        %parallel_loop3A_1035 = vector.shape_cast %parallel_loop3A_1034 : vector<16xf32> to vector<16xf32>
        %parallel_loop3A_1036 = vector.shape_cast %parallel_loop3A_1030 : vector<16xf32> to vector<16xf32>
        tpu.vector_store %arg7[%parallel_loop3A_1033], %parallel_loop3A_1036 {strides = array<i32>} : memref<51200xf32, #tpu.memory_space<vmem>>, vector<16xf32>,
        %parallel_loop3A_1037 = arith.mulf %parallel_loop3A_272, %parallel_loop3A_978 : vector<16xf32>
        %parallel_loop3A_1038 = arith.addf %parallel_loop3A_264, %parallel_loop3A_1037 : vector<16xf32>
        %parallel_loop3A_1039 = arith.constant 112 : i32
        %parallel_loop3A_1040 = arith.addi %parallel_loop3A_980, %parallel_loop3A_1039 : i32
        %parallel_loop3A_1041 = arith.index_cast %parallel_loop3A_1040 : i32 to index
        %parallel_loop3A_1042 = tpu.vector_load %arg7[%parallel_loop3A_1041] {strides = array<i32>} : memref<51200xf32, #tpu.memory_space<vmem>>, vector<16xf32>,
        %parallel_loop3A_1043 = vector.shape_cast %parallel_loop3A_1042 : vector<16xf32> to vector<16xf32>
        %parallel_loop3A_1044 = vector.shape_cast %parallel_loop3A_1038 : vector<16xf32> to vector<16xf32>
        tpu.vector_store %arg7[%parallel_loop3A_1041], %parallel_loop3A_1044 {strides = array<i32>} : memref<51200xf32, #tpu.memory_space<vmem>>, vector<16xf32>,
        %parallel_loop3A_1045 = vector.extract_strided_slice %parallel_loop3A_281 {offsets = [11], sizes = [1], strides = [1]} : vector<16xf32> to vector<1xf32>
        %parallel_loop3A_1046 = vector.extract %parallel_loop3A_1045[0] : f32 from vector<1xf32>
        %parallel_loop3A_1047 = vector.broadcast %parallel_loop3A_1046 : f32 to vector<16xf32>
        %parallel_loop3A_1048 = arith.constant 1408 : i32
        %parallel_loop3A_1049 = arith.addi %parallel_loop3A_285, %parallel_loop3A_1048 : i32
        %parallel_loop3A_1050 = arith.mulf %parallel_loop3A_265, %parallel_loop3A_1047 : vector<16xf32>
        %parallel_loop3A_1051 = arith.addf %parallel_loop3A_257, %parallel_loop3A_1050 : vector<16xf32>
        %parallel_loop3A_1052 = arith.constant 0 : i32
        %parallel_loop3A_1053 = arith.addi %parallel_loop3A_1049, %parallel_loop3A_1052 : i32
        %parallel_loop3A_1054 = arith.index_cast %parallel_loop3A_1053 : i32 to index
        %parallel_loop3A_1055 = tpu.vector_load %arg7[%parallel_loop3A_1054] {strides = array<i32>} : memref<51200xf32, #tpu.memory_space<vmem>>, vector<16xf32>,
        %parallel_loop3A_1056 = vector.shape_cast %parallel_loop3A_1055 : vector<16xf32> to vector<16xf32>
        %parallel_loop3A_1057 = vector.shape_cast %parallel_loop3A_1051 : vector<16xf32> to vector<16xf32>
        tpu.vector_store %arg7[%parallel_loop3A_1054], %parallel_loop3A_1057 {strides = array<i32>} : memref<51200xf32, #tpu.memory_space<vmem>>, vector<16xf32>,
        %parallel_loop3A_1058 = arith.mulf %parallel_loop3A_266, %parallel_loop3A_1047 : vector<16xf32>
        %parallel_loop3A_1059 = arith.addf %parallel_loop3A_258, %parallel_loop3A_1058 : vector<16xf32>
        %parallel_loop3A_1060 = arith.constant 16 : i32
        %parallel_loop3A_1061 = arith.addi %parallel_loop3A_1049, %parallel_loop3A_1060 : i32
        %parallel_loop3A_1062 = arith.index_cast %parallel_loop3A_1061 : i32 to index
        %parallel_loop3A_1063 = tpu.vector_load %arg7[%parallel_loop3A_1062] {strides = array<i32>} : memref<51200xf32, #tpu.memory_space<vmem>>, vector<16xf32>,
        %parallel_loop3A_1064 = vector.shape_cast %parallel_loop3A_1063 : vector<16xf32> to vector<16xf32>
        %parallel_loop3A_1065 = vector.shape_cast %parallel_loop3A_1059 : vector<16xf32> to vector<16xf32>
        tpu.vector_store %arg7[%parallel_loop3A_1062], %parallel_loop3A_1065 {strides = array<i32>} : memref<51200xf32, #tpu.memory_space<vmem>>, vector<16xf32>,
        %parallel_loop3A_1066 = arith.mulf %parallel_loop3A_267, %parallel_loop3A_1047 : vector<16xf32>
        %parallel_loop3A_1067 = arith.addf %parallel_loop3A_259, %parallel_loop3A_1066 : vector<16xf32>
        %parallel_loop3A_1068 = arith.constant 32 : i32
        %parallel_loop3A_1069 = arith.addi %parallel_loop3A_1049, %parallel_loop3A_1068 : i32
        %parallel_loop3A_1070 = arith.index_cast %parallel_loop3A_1069 : i32 to index
        %parallel_loop3A_1071 = tpu.vector_load %arg7[%parallel_loop3A_1070] {strides = array<i32>} : memref<51200xf32, #tpu.memory_space<vmem>>, vector<16xf32>,
        %parallel_loop3A_1072 = vector.shape_cast %parallel_loop3A_1071 : vector<16xf32> to vector<16xf32>
        %parallel_loop3A_1073 = vector.shape_cast %parallel_loop3A_1067 : vector<16xf32> to vector<16xf32>
        tpu.vector_store %arg7[%parallel_loop3A_1070], %parallel_loop3A_1073 {strides = array<i32>} : memref<51200xf32, #tpu.memory_space<vmem>>, vector<16xf32>,
        %parallel_loop3A_1074 = arith.mulf %parallel_loop3A_268, %parallel_loop3A_1047 : vector<16xf32>
        %parallel_loop3A_1075 = arith.addf %parallel_loop3A_260, %parallel_loop3A_1074 : vector<16xf32>
        %parallel_loop3A_1076 = arith.constant 48 : i32
        %parallel_loop3A_1077 = arith.addi %parallel_loop3A_1049, %parallel_loop3A_1076 : i32
        %parallel_loop3A_1078 = arith.index_cast %parallel_loop3A_1077 : i32 to index
        %parallel_loop3A_1079 = tpu.vector_load %arg7[%parallel_loop3A_1078] {strides = array<i32>} : memref<51200xf32, #tpu.memory_space<vmem>>, vector<16xf32>,
        %parallel_loop3A_1080 = vector.shape_cast %parallel_loop3A_1079 : vector<16xf32> to vector<16xf32>
        %parallel_loop3A_1081 = vector.shape_cast %parallel_loop3A_1075 : vector<16xf32> to vector<16xf32>
        tpu.vector_store %arg7[%parallel_loop3A_1078], %parallel_loop3A_1081 {strides = array<i32>} : memref<51200xf32, #tpu.memory_space<vmem>>, vector<16xf32>,
        %parallel_loop3A_1082 = arith.mulf %parallel_loop3A_269, %parallel_loop3A_1047 : vector<16xf32>
        %parallel_loop3A_1083 = arith.addf %parallel_loop3A_261, %parallel_loop3A_1082 : vector<16xf32>
        %parallel_loop3A_1084 = arith.constant 64 : i32
        %parallel_loop3A_1085 = arith.addi %parallel_loop3A_1049, %parallel_loop3A_1084 : i32
        %parallel_loop3A_1086 = arith.index_cast %parallel_loop3A_1085 : i32 to index
        %parallel_loop3A_1087 = tpu.vector_load %arg7[%parallel_loop3A_1086] {strides = array<i32>} : memref<51200xf32, #tpu.memory_space<vmem>>, vector<16xf32>,
        %parallel_loop3A_1088 = vector.shape_cast %parallel_loop3A_1087 : vector<16xf32> to vector<16xf32>
        %parallel_loop3A_1089 = vector.shape_cast %parallel_loop3A_1083 : vector<16xf32> to vector<16xf32>
        tpu.vector_store %arg7[%parallel_loop3A_1086], %parallel_loop3A_1089 {strides = array<i32>} : memref<51200xf32, #tpu.memory_space<vmem>>, vector<16xf32>,
        %parallel_loop3A_1090 = arith.mulf %parallel_loop3A_270, %parallel_loop3A_1047 : vector<16xf32>
        %parallel_loop3A_1091 = arith.addf %parallel_loop3A_262, %parallel_loop3A_1090 : vector<16xf32>
        %parallel_loop3A_1092 = arith.constant 80 : i32
        %parallel_loop3A_1093 = arith.addi %parallel_loop3A_1049, %parallel_loop3A_1092 : i32
        %parallel_loop3A_1094 = arith.index_cast %parallel_loop3A_1093 : i32 to index
        %parallel_loop3A_1095 = tpu.vector_load %arg7[%parallel_loop3A_1094] {strides = array<i32>} : memref<51200xf32, #tpu.memory_space<vmem>>, vector<16xf32>,
        %parallel_loop3A_1096 = vector.shape_cast %parallel_loop3A_1095 : vector<16xf32> to vector<16xf32>
        %parallel_loop3A_1097 = vector.shape_cast %parallel_loop3A_1091 : vector<16xf32> to vector<16xf32>
        tpu.vector_store %arg7[%parallel_loop3A_1094], %parallel_loop3A_1097 {strides = array<i32>} : memref<51200xf32, #tpu.memory_space<vmem>>, vector<16xf32>,
        %parallel_loop3A_1098 = arith.mulf %parallel_loop3A_271, %parallel_loop3A_1047 : vector<16xf32>
        %parallel_loop3A_1099 = arith.addf %parallel_loop3A_263, %parallel_loop3A_1098 : vector<16xf32>
        %parallel_loop3A_1100 = arith.constant 96 : i32
        %parallel_loop3A_1101 = arith.addi %parallel_loop3A_1049, %parallel_loop3A_1100 : i32
        %parallel_loop3A_1102 = arith.index_cast %parallel_loop3A_1101 : i32 to index
        %parallel_loop3A_1103 = tpu.vector_load %arg7[%parallel_loop3A_1102] {strides = array<i32>} : memref<51200xf32, #tpu.memory_space<vmem>>, vector<16xf32>,
        %parallel_loop3A_1104 = vector.shape_cast %parallel_loop3A_1103 : vector<16xf32> to vector<16xf32>
        %parallel_loop3A_1105 = vector.shape_cast %parallel_loop3A_1099 : vector<16xf32> to vector<16xf32>
        tpu.vector_store %arg7[%parallel_loop3A_1102], %parallel_loop3A_1105 {strides = array<i32>} : memref<51200xf32, #tpu.memory_space<vmem>>, vector<16xf32>,
        %parallel_loop3A_1106 = arith.mulf %parallel_loop3A_272, %parallel_loop3A_1047 : vector<16xf32>
        %parallel_loop3A_1107 = arith.addf %parallel_loop3A_264, %parallel_loop3A_1106 : vector<16xf32>
        %parallel_loop3A_1108 = arith.constant 112 : i32
        %parallel_loop3A_1109 = arith.addi %parallel_loop3A_1049, %parallel_loop3A_1108 : i32
        %parallel_loop3A_1110 = arith.index_cast %parallel_loop3A_1109 : i32 to index
        %parallel_loop3A_1111 = tpu.vector_load %arg7[%parallel_loop3A_1110] {strides = array<i32>} : memref<51200xf32, #tpu.memory_space<vmem>>, vector<16xf32>,
        %parallel_loop3A_1112 = vector.shape_cast %parallel_loop3A_1111 : vector<16xf32> to vector<16xf32>
        %parallel_loop3A_1113 = vector.shape_cast %parallel_loop3A_1107 : vector<16xf32> to vector<16xf32>
        tpu.vector_store %arg7[%parallel_loop3A_1110], %parallel_loop3A_1113 {strides = array<i32>} : memref<51200xf32, #tpu.memory_space<vmem>>, vector<16xf32>,
        %parallel_loop3A_1114 = vector.extract_strided_slice %parallel_loop3A_281 {offsets = [12], sizes = [1], strides = [1]} : vector<16xf32> to vector<1xf32>
        %parallel_loop3A_1115 = vector.extract %parallel_loop3A_1114[0] : f32 from vector<1xf32>
        %parallel_loop3A_1116 = vector.broadcast %parallel_loop3A_1115 : f32 to vector<16xf32>
        %parallel_loop3A_1117 = arith.constant 1536 : i32
        %parallel_loop3A_1118 = arith.addi %parallel_loop3A_285, %parallel_loop3A_1117 : i32
        %parallel_loop3A_1119 = arith.mulf %parallel_loop3A_265, %parallel_loop3A_1116 : vector<16xf32>
        %parallel_loop3A_1120 = arith.addf %parallel_loop3A_257, %parallel_loop3A_1119 : vector<16xf32>
        %parallel_loop3A_1121 = arith.constant 0 : i32
        %parallel_loop3A_1122 = arith.addi %parallel_loop3A_1118, %parallel_loop3A_1121 : i32
        %parallel_loop3A_1123 = arith.index_cast %parallel_loop3A_1122 : i32 to index
        %parallel_loop3A_1124 = tpu.vector_load %arg7[%parallel_loop3A_1123] {strides = array<i32>} : memref<51200xf32, #tpu.memory_space<vmem>>, vector<16xf32>,
        %parallel_loop3A_1125 = vector.shape_cast %parallel_loop3A_1124 : vector<16xf32> to vector<16xf32>
        %parallel_loop3A_1126 = vector.shape_cast %parallel_loop3A_1120 : vector<16xf32> to vector<16xf32>
        tpu.vector_store %arg7[%parallel_loop3A_1123], %parallel_loop3A_1126 {strides = array<i32>} : memref<51200xf32, #tpu.memory_space<vmem>>, vector<16xf32>,
        %parallel_loop3A_1127 = arith.mulf %parallel_loop3A_266, %parallel_loop3A_1116 : vector<16xf32>
        %parallel_loop3A_1128 = arith.addf %parallel_loop3A_258, %parallel_loop3A_1127 : vector<16xf32>
        %parallel_loop3A_1129 = arith.constant 16 : i32
        %parallel_loop3A_1130 = arith.addi %parallel_loop3A_1118, %parallel_loop3A_1129 : i32
        %parallel_loop3A_1131 = arith.index_cast %parallel_loop3A_1130 : i32 to index
        %parallel_loop3A_1132 = tpu.vector_load %arg7[%parallel_loop3A_1131] {strides = array<i32>} : memref<51200xf32, #tpu.memory_space<vmem>>, vector<16xf32>,
        %parallel_loop3A_1133 = vector.shape_cast %parallel_loop3A_1132 : vector<16xf32> to vector<16xf32>
        %parallel_loop3A_1134 = vector.shape_cast %parallel_loop3A_1128 : vector<16xf32> to vector<16xf32>
        tpu.vector_store %arg7[%parallel_loop3A_1131], %parallel_loop3A_1134 {strides = array<i32>} : memref<51200xf32, #tpu.memory_space<vmem>>, vector<16xf32>,
        %parallel_loop3A_1135 = arith.mulf %parallel_loop3A_267, %parallel_loop3A_1116 : vector<16xf32>
        %parallel_loop3A_1136 = arith.addf %parallel_loop3A_259, %parallel_loop3A_1135 : vector<16xf32>
        %parallel_loop3A_1137 = arith.constant 32 : i32
        %parallel_loop3A_1138 = arith.addi %parallel_loop3A_1118, %parallel_loop3A_1137 : i32
        %parallel_loop3A_1139 = arith.index_cast %parallel_loop3A_1138 : i32 to index
        %parallel_loop3A_1140 = tpu.vector_load %arg7[%parallel_loop3A_1139] {strides = array<i32>} : memref<51200xf32, #tpu.memory_space<vmem>>, vector<16xf32>,
        %parallel_loop3A_1141 = vector.shape_cast %parallel_loop3A_1140 : vector<16xf32> to vector<16xf32>
        %parallel_loop3A_1142 = vector.shape_cast %parallel_loop3A_1136 : vector<16xf32> to vector<16xf32>
        tpu.vector_store %arg7[%parallel_loop3A_1139], %parallel_loop3A_1142 {strides = array<i32>} : memref<51200xf32, #tpu.memory_space<vmem>>, vector<16xf32>,
        %parallel_loop3A_1143 = arith.mulf %parallel_loop3A_268, %parallel_loop3A_1116 : vector<16xf32>
        %parallel_loop3A_1144 = arith.addf %parallel_loop3A_260, %parallel_loop3A_1143 : vector<16xf32>
        %parallel_loop3A_1145 = arith.constant 48 : i32
        %parallel_loop3A_1146 = arith.addi %parallel_loop3A_1118, %parallel_loop3A_1145 : i32
        %parallel_loop3A_1147 = arith.index_cast %parallel_loop3A_1146 : i32 to index
        %parallel_loop3A_1148 = tpu.vector_load %arg7[%parallel_loop3A_1147] {strides = array<i32>} : memref<51200xf32, #tpu.memory_space<vmem>>, vector<16xf32>,
        %parallel_loop3A_1149 = vector.shape_cast %parallel_loop3A_1148 : vector<16xf32> to vector<16xf32>
        %parallel_loop3A_1150 = vector.shape_cast %parallel_loop3A_1144 : vector<16xf32> to vector<16xf32>
        tpu.vector_store %arg7[%parallel_loop3A_1147], %parallel_loop3A_1150 {strides = array<i32>} : memref<51200xf32, #tpu.memory_space<vmem>>, vector<16xf32>,
        %parallel_loop3A_1151 = arith.mulf %parallel_loop3A_269, %parallel_loop3A_1116 : vector<16xf32>
        %parallel_loop3A_1152 = arith.addf %parallel_loop3A_261, %parallel_loop3A_1151 : vector<16xf32>
        %parallel_loop3A_1153 = arith.constant 64 : i32
        %parallel_loop3A_1154 = arith.addi %parallel_loop3A_1118, %parallel_loop3A_1153 : i32
        %parallel_loop3A_1155 = arith.index_cast %parallel_loop3A_1154 : i32 to index
        %parallel_loop3A_1156 = tpu.vector_load %arg7[%parallel_loop3A_1155] {strides = array<i32>} : memref<51200xf32, #tpu.memory_space<vmem>>, vector<16xf32>,
        %parallel_loop3A_1157 = vector.shape_cast %parallel_loop3A_1156 : vector<16xf32> to vector<16xf32>
        %parallel_loop3A_1158 = vector.shape_cast %parallel_loop3A_1152 : vector<16xf32> to vector<16xf32>
        tpu.vector_store %arg7[%parallel_loop3A_1155], %parallel_loop3A_1158 {strides = array<i32>} : memref<51200xf32, #tpu.memory_space<vmem>>, vector<16xf32>,
        %parallel_loop3A_1159 = arith.mulf %parallel_loop3A_270, %parallel_loop3A_1116 : vector<16xf32>
        %parallel_loop3A_1160 = arith.addf %parallel_loop3A_262, %parallel_loop3A_1159 : vector<16xf32>
        %parallel_loop3A_1161 = arith.constant 80 : i32
        %parallel_loop3A_1162 = arith.addi %parallel_loop3A_1118, %parallel_loop3A_1161 : i32
        %parallel_loop3A_1163 = arith.index_cast %parallel_loop3A_1162 : i32 to index
        %parallel_loop3A_1164 = tpu.vector_load %arg7[%parallel_loop3A_1163] {strides = array<i32>} : memref<51200xf32, #tpu.memory_space<vmem>>, vector<16xf32>,
        %parallel_loop3A_1165 = vector.shape_cast %parallel_loop3A_1164 : vector<16xf32> to vector<16xf32>
        %parallel_loop3A_1166 = vector.shape_cast %parallel_loop3A_1160 : vector<16xf32> to vector<16xf32>
        tpu.vector_store %arg7[%parallel_loop3A_1163], %parallel_loop3A_1166 {strides = array<i32>} : memref<51200xf32, #tpu.memory_space<vmem>>, vector<16xf32>,
        %parallel_loop3A_1167 = arith.mulf %parallel_loop3A_271, %parallel_loop3A_1116 : vector<16xf32>
        %parallel_loop3A_1168 = arith.addf %parallel_loop3A_263, %parallel_loop3A_1167 : vector<16xf32>
        %parallel_loop3A_1169 = arith.constant 96 : i32
        %parallel_loop3A_1170 = arith.addi %parallel_loop3A_1118, %parallel_loop3A_1169 : i32
        %parallel_loop3A_1171 = arith.index_cast %parallel_loop3A_1170 : i32 to index
        %parallel_loop3A_1172 = tpu.vector_load %arg7[%parallel_loop3A_1171] {strides = array<i32>} : memref<51200xf32, #tpu.memory_space<vmem>>, vector<16xf32>,
        %parallel_loop3A_1173 = vector.shape_cast %parallel_loop3A_1172 : vector<16xf32> to vector<16xf32>
        %parallel_loop3A_1174 = vector.shape_cast %parallel_loop3A_1168 : vector<16xf32> to vector<16xf32>
        tpu.vector_store %arg7[%parallel_loop3A_1171], %parallel_loop3A_1174 {strides = array<i32>} : memref<51200xf32, #tpu.memory_space<vmem>>, vector<16xf32>,
        %parallel_loop3A_1175 = arith.mulf %parallel_loop3A_272, %parallel_loop3A_1116 : vector<16xf32>
        %parallel_loop3A_1176 = arith.addf %parallel_loop3A_264, %parallel_loop3A_1175 : vector<16xf32>
        %parallel_loop3A_1177 = arith.constant 112 : i32
        %parallel_loop3A_1178 = arith.addi %parallel_loop3A_1118, %parallel_loop3A_1177 : i32
        %parallel_loop3A_1179 = arith.index_cast %parallel_loop3A_1178 : i32 to index
        %parallel_loop3A_1180 = tpu.vector_load %arg7[%parallel_loop3A_1179] {strides = array<i32>} : memref<51200xf32, #tpu.memory_space<vmem>>, vector<16xf32>,
        %parallel_loop3A_1181 = vector.shape_cast %parallel_loop3A_1180 : vector<16xf32> to vector<16xf32>
        %parallel_loop3A_1182 = vector.shape_cast %parallel_loop3A_1176 : vector<16xf32> to vector<16xf32>
        tpu.vector_store %arg7[%parallel_loop3A_1179], %parallel_loop3A_1182 {strides = array<i32>} : memref<51200xf32, #tpu.memory_space<vmem>>, vector<16xf32>,
        %parallel_loop3A_1183 = vector.extract_strided_slice %parallel_loop3A_281 {offsets = [13], sizes = [1], strides = [1]} : vector<16xf32> to vector<1xf32>
        %parallel_loop3A_1184 = vector.extract %parallel_loop3A_1183[0] : f32 from vector<1xf32>
        %parallel_loop3A_1185 = vector.broadcast %parallel_loop3A_1184 : f32 to vector<16xf32>
        %parallel_loop3A_1186 = arith.constant 1664 : i32
        %parallel_loop3A_1187 = arith.addi %parallel_loop3A_285, %parallel_loop3A_1186 : i32
        %parallel_loop3A_1188 = arith.mulf %parallel_loop3A_265, %parallel_loop3A_1185 : vector<16xf32>
        %parallel_loop3A_1189 = arith.addf %parallel_loop3A_257, %parallel_loop3A_1188 : vector<16xf32>
        %parallel_loop3A_1190 = arith.constant 0 : i32
        %parallel_loop3A_1191 = arith.addi %parallel_loop3A_1187, %parallel_loop3A_1190 : i32
        %parallel_loop3A_1192 = arith.index_cast %parallel_loop3A_1191 : i32 to index
        %parallel_loop3A_1193 = tpu.vector_load %arg7[%parallel_loop3A_1192] {strides = array<i32>} : memref<51200xf32, #tpu.memory_space<vmem>>, vector<16xf32>,
        %parallel_loop3A_1194 = vector.shape_cast %parallel_loop3A_1193 : vector<16xf32> to vector<16xf32>
        %parallel_loop3A_1195 = vector.shape_cast %parallel_loop3A_1189 : vector<16xf32> to vector<16xf32>
        tpu.vector_store %arg7[%parallel_loop3A_1192], %parallel_loop3A_1195 {strides = array<i32>} : memref<51200xf32, #tpu.memory_space<vmem>>, vector<16xf32>,
        %parallel_loop3A_1196 = arith.mulf %parallel_loop3A_266, %parallel_loop3A_1185 : vector<16xf32>
        %parallel_loop3A_1197 = arith.addf %parallel_loop3A_258, %parallel_loop3A_1196 : vector<16xf32>
        %parallel_loop3A_1198 = arith.constant 16 : i32
        %parallel_loop3A_1199 = arith.addi %parallel_loop3A_1187, %parallel_loop3A_1198 : i32
        %parallel_loop3A_1200 = arith.index_cast %parallel_loop3A_1199 : i32 to index
        %parallel_loop3A_1201 = tpu.vector_load %arg7[%parallel_loop3A_1200] {strides = array<i32>} : memref<51200xf32, #tpu.memory_space<vmem>>, vector<16xf32>,
        %parallel_loop3A_1202 = vector.shape_cast %parallel_loop3A_1201 : vector<16xf32> to vector<16xf32>
        %parallel_loop3A_1203 = vector.shape_cast %parallel_loop3A_1197 : vector<16xf32> to vector<16xf32>
        tpu.vector_store %arg7[%parallel_loop3A_1200], %parallel_loop3A_1203 {strides = array<i32>} : memref<51200xf32, #tpu.memory_space<vmem>>, vector<16xf32>,
        %parallel_loop3A_1204 = arith.mulf %parallel_loop3A_267, %parallel_loop3A_1185 : vector<16xf32>
        %parallel_loop3A_1205 = arith.addf %parallel_loop3A_259, %parallel_loop3A_1204 : vector<16xf32>
        %parallel_loop3A_1206 = arith.constant 32 : i32
        %parallel_loop3A_1207 = arith.addi %parallel_loop3A_1187, %parallel_loop3A_1206 : i32
        %parallel_loop3A_1208 = arith.index_cast %parallel_loop3A_1207 : i32 to index
        %parallel_loop3A_1209 = tpu.vector_load %arg7[%parallel_loop3A_1208] {strides = array<i32>} : memref<51200xf32, #tpu.memory_space<vmem>>, vector<16xf32>,
        %parallel_loop3A_1210 = vector.shape_cast %parallel_loop3A_1209 : vector<16xf32> to vector<16xf32>
        %parallel_loop3A_1211 = vector.shape_cast %parallel_loop3A_1205 : vector<16xf32> to vector<16xf32>
        tpu.vector_store %arg7[%parallel_loop3A_1208], %parallel_loop3A_1211 {strides = array<i32>} : memref<51200xf32, #tpu.memory_space<vmem>>, vector<16xf32>,
        %parallel_loop3A_1212 = arith.mulf %parallel_loop3A_268, %parallel_loop3A_1185 : vector<16xf32>
        %parallel_loop3A_1213 = arith.addf %parallel_loop3A_260, %parallel_loop3A_1212 : vector<16xf32>
        %parallel_loop3A_1214 = arith.constant 48 : i32
        %parallel_loop3A_1215 = arith.addi %parallel_loop3A_1187, %parallel_loop3A_1214 : i32
        %parallel_loop3A_1216 = arith.index_cast %parallel_loop3A_1215 : i32 to index
        %parallel_loop3A_1217 = tpu.vector_load %arg7[%parallel_loop3A_1216] {strides = array<i32>} : memref<51200xf32, #tpu.memory_space<vmem>>, vector<16xf32>,
        %parallel_loop3A_1218 = vector.shape_cast %parallel_loop3A_1217 : vector<16xf32> to vector<16xf32>
        %parallel_loop3A_1219 = vector.shape_cast %parallel_loop3A_1213 : vector<16xf32> to vector<16xf32>
        tpu.vector_store %arg7[%parallel_loop3A_1216], %parallel_loop3A_1219 {strides = array<i32>} : memref<51200xf32, #tpu.memory_space<vmem>>, vector<16xf32>,
        %parallel_loop3A_1220 = arith.mulf %parallel_loop3A_269, %parallel_loop3A_1185 : vector<16xf32>
        %parallel_loop3A_1221 = arith.addf %parallel_loop3A_261, %parallel_loop3A_1220 : vector<16xf32>
        %parallel_loop3A_1222 = arith.constant 64 : i32
        %parallel_loop3A_1223 = arith.addi %parallel_loop3A_1187, %parallel_loop3A_1222 : i32
        %parallel_loop3A_1224 = arith.index_cast %parallel_loop3A_1223 : i32 to index
        %parallel_loop3A_1225 = tpu.vector_load %arg7[%parallel_loop3A_1224] {strides = array<i32>} : memref<51200xf32, #tpu.memory_space<vmem>>, vector<16xf32>,
        %parallel_loop3A_1226 = vector.shape_cast %parallel_loop3A_1225 : vector<16xf32> to vector<16xf32>
        %parallel_loop3A_1227 = vector.shape_cast %parallel_loop3A_1221 : vector<16xf32> to vector<16xf32>
        tpu.vector_store %arg7[%parallel_loop3A_1224], %parallel_loop3A_1227 {strides = array<i32>} : memref<51200xf32, #tpu.memory_space<vmem>>, vector<16xf32>,
        %parallel_loop3A_1228 = arith.mulf %parallel_loop3A_270, %parallel_loop3A_1185 : vector<16xf32>
        %parallel_loop3A_1229 = arith.addf %parallel_loop3A_262, %parallel_loop3A_1228 : vector<16xf32>
        %parallel_loop3A_1230 = arith.constant 80 : i32
        %parallel_loop3A_1231 = arith.addi %parallel_loop3A_1187, %parallel_loop3A_1230 : i32
        %parallel_loop3A_1232 = arith.index_cast %parallel_loop3A_1231 : i32 to index
        %parallel_loop3A_1233 = tpu.vector_load %arg7[%parallel_loop3A_1232] {strides = array<i32>} : memref<51200xf32, #tpu.memory_space<vmem>>, vector<16xf32>,
        %parallel_loop3A_1234 = vector.shape_cast %parallel_loop3A_1233 : vector<16xf32> to vector<16xf32>
        %parallel_loop3A_1235 = vector.shape_cast %parallel_loop3A_1229 : vector<16xf32> to vector<16xf32>
        tpu.vector_store %arg7[%parallel_loop3A_1232], %parallel_loop3A_1235 {strides = array<i32>} : memref<51200xf32, #tpu.memory_space<vmem>>, vector<16xf32>,
        %parallel_loop3A_1236 = arith.mulf %parallel_loop3A_271, %parallel_loop3A_1185 : vector<16xf32>
        %parallel_loop3A_1237 = arith.addf %parallel_loop3A_263, %parallel_loop3A_1236 : vector<16xf32>
        %parallel_loop3A_1238 = arith.constant 96 : i32
        %parallel_loop3A_1239 = arith.addi %parallel_loop3A_1187, %parallel_loop3A_1238 : i32
        %parallel_loop3A_1240 = arith.index_cast %parallel_loop3A_1239 : i32 to index
        %parallel_loop3A_1241 = tpu.vector_load %arg7[%parallel_loop3A_1240] {strides = array<i32>} : memref<51200xf32, #tpu.memory_space<vmem>>, vector<16xf32>,
        %parallel_loop3A_1242 = vector.shape_cast %parallel_loop3A_1241 : vector<16xf32> to vector<16xf32>
        %parallel_loop3A_1243 = vector.shape_cast %parallel_loop3A_1237 : vector<16xf32> to vector<16xf32>
        tpu.vector_store %arg7[%parallel_loop3A_1240], %parallel_loop3A_1243 {strides = array<i32>} : memref<51200xf32, #tpu.memory_space<vmem>>, vector<16xf32>,
        %parallel_loop3A_1244 = arith.mulf %parallel_loop3A_272, %parallel_loop3A_1185 : vector<16xf32>
        %parallel_loop3A_1245 = arith.addf %parallel_loop3A_264, %parallel_loop3A_1244 : vector<16xf32>
        %parallel_loop3A_1246 = arith.constant 112 : i32
        %parallel_loop3A_1247 = arith.addi %parallel_loop3A_1187, %parallel_loop3A_1246 : i32
        %parallel_loop3A_1248 = arith.index_cast %parallel_loop3A_1247 : i32 to index
        %parallel_loop3A_1249 = tpu.vector_load %arg7[%parallel_loop3A_1248] {strides = array<i32>} : memref<51200xf32, #tpu.memory_space<vmem>>, vector<16xf32>,
        %parallel_loop3A_1250 = vector.shape_cast %parallel_loop3A_1249 : vector<16xf32> to vector<16xf32>
        %parallel_loop3A_1251 = vector.shape_cast %parallel_loop3A_1245 : vector<16xf32> to vector<16xf32>
        tpu.vector_store %arg7[%parallel_loop3A_1248], %parallel_loop3A_1251 {strides = array<i32>} : memref<51200xf32, #tpu.memory_space<vmem>>, vector<16xf32>,
        %parallel_loop3A_1252 = vector.extract_strided_slice %parallel_loop3A_281 {offsets = [14], sizes = [1], strides = [1]} : vector<16xf32> to vector<1xf32>
        %parallel_loop3A_1253 = vector.extract %parallel_loop3A_1252[0] : f32 from vector<1xf32>
        %parallel_loop3A_1254 = vector.broadcast %parallel_loop3A_1253 : f32 to vector<16xf32>
        %parallel_loop3A_1255 = arith.constant 1792 : i32
        %parallel_loop3A_1256 = arith.addi %parallel_loop3A_285, %parallel_loop3A_1255 : i32
        %parallel_loop3A_1257 = arith.mulf %parallel_loop3A_265, %parallel_loop3A_1254 : vector<16xf32>
        %parallel_loop3A_1258 = arith.addf %parallel_loop3A_257, %parallel_loop3A_1257 : vector<16xf32>
        %parallel_loop3A_1259 = arith.constant 0 : i32
        %parallel_loop3A_1260 = arith.addi %parallel_loop3A_1256, %parallel_loop3A_1259 : i32
        %parallel_loop3A_1261 = arith.index_cast %parallel_loop3A_1260 : i32 to index
        %parallel_loop3A_1262 = tpu.vector_load %arg7[%parallel_loop3A_1261] {strides = array<i32>} : memref<51200xf32, #tpu.memory_space<vmem>>, vector<16xf32>,
        %parallel_loop3A_1263 = vector.shape_cast %parallel_loop3A_1262 : vector<16xf32> to vector<16xf32>
        %parallel_loop3A_1264 = vector.shape_cast %parallel_loop3A_1258 : vector<16xf32> to vector<16xf32>
        tpu.vector_store %arg7[%parallel_loop3A_1261], %parallel_loop3A_1264 {strides = array<i32>} : memref<51200xf32, #tpu.memory_space<vmem>>, vector<16xf32>,
        %parallel_loop3A_1265 = arith.mulf %parallel_loop3A_266, %parallel_loop3A_1254 : vector<16xf32>
        %parallel_loop3A_1266 = arith.addf %parallel_loop3A_258, %parallel_loop3A_1265 : vector<16xf32>
        %parallel_loop3A_1267 = arith.constant 16 : i32
        %parallel_loop3A_1268 = arith.addi %parallel_loop3A_1256, %parallel_loop3A_1267 : i32
        %parallel_loop3A_1269 = arith.index_cast %parallel_loop3A_1268 : i32 to index
        %parallel_loop3A_1270 = tpu.vector_load %arg7[%parallel_loop3A_1269] {strides = array<i32>} : memref<51200xf32, #tpu.memory_space<vmem>>, vector<16xf32>,
        %parallel_loop3A_1271 = vector.shape_cast %parallel_loop3A_1270 : vector<16xf32> to vector<16xf32>
        %parallel_loop3A_1272 = vector.shape_cast %parallel_loop3A_1266 : vector<16xf32> to vector<16xf32>
        tpu.vector_store %arg7[%parallel_loop3A_1269], %parallel_loop3A_1272 {strides = array<i32>} : memref<51200xf32, #tpu.memory_space<vmem>>, vector<16xf32>,
        %parallel_loop3A_1273 = arith.mulf %parallel_loop3A_267, %parallel_loop3A_1254 : vector<16xf32>
        %parallel_loop3A_1274 = arith.addf %parallel_loop3A_259, %parallel_loop3A_1273 : vector<16xf32>
        %parallel_loop3A_1275 = arith.constant 32 : i32
        %parallel_loop3A_1276 = arith.addi %parallel_loop3A_1256, %parallel_loop3A_1275 : i32
        %parallel_loop3A_1277 = arith.index_cast %parallel_loop3A_1276 : i32 to index
        %parallel_loop3A_1278 = tpu.vector_load %arg7[%parallel_loop3A_1277] {strides = array<i32>} : memref<51200xf32, #tpu.memory_space<vmem>>, vector<16xf32>,
        %parallel_loop3A_1279 = vector.shape_cast %parallel_loop3A_1278 : vector<16xf32> to vector<16xf32>
        %parallel_loop3A_1280 = vector.shape_cast %parallel_loop3A_1274 : vector<16xf32> to vector<16xf32>
        tpu.vector_store %arg7[%parallel_loop3A_1277], %parallel_loop3A_1280 {strides = array<i32>} : memref<51200xf32, #tpu.memory_space<vmem>>, vector<16xf32>,
        %parallel_loop3A_1281 = arith.mulf %parallel_loop3A_268, %parallel_loop3A_1254 : vector<16xf32>
        %parallel_loop3A_1282 = arith.addf %parallel_loop3A_260, %parallel_loop3A_1281 : vector<16xf32>
        %parallel_loop3A_1283 = arith.constant 48 : i32
        %parallel_loop3A_1284 = arith.addi %parallel_loop3A_1256, %parallel_loop3A_1283 : i32
        %parallel_loop3A_1285 = arith.index_cast %parallel_loop3A_1284 : i32 to index
        %parallel_loop3A_1286 = tpu.vector_load %arg7[%parallel_loop3A_1285] {strides = array<i32>} : memref<51200xf32, #tpu.memory_space<vmem>>, vector<16xf32>,
        %parallel_loop3A_1287 = vector.shape_cast %parallel_loop3A_1286 : vector<16xf32> to vector<16xf32>
        %parallel_loop3A_1288 = vector.shape_cast %parallel_loop3A_1282 : vector<16xf32> to vector<16xf32>
        tpu.vector_store %arg7[%parallel_loop3A_1285], %parallel_loop3A_1288 {strides = array<i32>} : memref<51200xf32, #tpu.memory_space<vmem>>, vector<16xf32>,
        %parallel_loop3A_1289 = arith.mulf %parallel_loop3A_269, %parallel_loop3A_1254 : vector<16xf32>
        %parallel_loop3A_1290 = arith.addf %parallel_loop3A_261, %parallel_loop3A_1289 : vector<16xf32>
        %parallel_loop3A_1291 = arith.constant 64 : i32
        %parallel_loop3A_1292 = arith.addi %parallel_loop3A_1256, %parallel_loop3A_1291 : i32
        %parallel_loop3A_1293 = arith.index_cast %parallel_loop3A_1292 : i32 to index
        %parallel_loop3A_1294 = tpu.vector_load %arg7[%parallel_loop3A_1293] {strides = array<i32>} : memref<51200xf32, #tpu.memory_space<vmem>>, vector<16xf32>,
        %parallel_loop3A_1295 = vector.shape_cast %parallel_loop3A_1294 : vector<16xf32> to vector<16xf32>
        %parallel_loop3A_1296 = vector.shape_cast %parallel_loop3A_1290 : vector<16xf32> to vector<16xf32>
        tpu.vector_store %arg7[%parallel_loop3A_1293], %parallel_loop3A_1296 {strides = array<i32>} : memref<51200xf32, #tpu.memory_space<vmem>>, vector<16xf32>,
        %parallel_loop3A_1297 = arith.mulf %parallel_loop3A_270, %parallel_loop3A_1254 : vector<16xf32>
        %parallel_loop3A_1298 = arith.addf %parallel_loop3A_262, %parallel_loop3A_1297 : vector<16xf32>
        %parallel_loop3A_1299 = arith.constant 80 : i32
        %parallel_loop3A_1300 = arith.addi %parallel_loop3A_1256, %parallel_loop3A_1299 : i32
        %parallel_loop3A_1301 = arith.index_cast %parallel_loop3A_1300 : i32 to index
        %parallel_loop3A_1302 = tpu.vector_load %arg7[%parallel_loop3A_1301] {strides = array<i32>} : memref<51200xf32, #tpu.memory_space<vmem>>, vector<16xf32>,
        %parallel_loop3A_1303 = vector.shape_cast %parallel_loop3A_1302 : vector<16xf32> to vector<16xf32>
        %parallel_loop3A_1304 = vector.shape_cast %parallel_loop3A_1298 : vector<16xf32> to vector<16xf32>
        tpu.vector_store %arg7[%parallel_loop3A_1301], %parallel_loop3A_1304 {strides = array<i32>} : memref<51200xf32, #tpu.memory_space<vmem>>, vector<16xf32>,
        %parallel_loop3A_1305 = arith.mulf %parallel_loop3A_271, %parallel_loop3A_1254 : vector<16xf32>
        %parallel_loop3A_1306 = arith.addf %parallel_loop3A_263, %parallel_loop3A_1305 : vector<16xf32>
        %parallel_loop3A_1307 = arith.constant 96 : i32
        %parallel_loop3A_1308 = arith.addi %parallel_loop3A_1256, %parallel_loop3A_1307 : i32
        %parallel_loop3A_1309 = arith.index_cast %parallel_loop3A_1308 : i32 to index
        %parallel_loop3A_1310 = tpu.vector_load %arg7[%parallel_loop3A_1309] {strides = array<i32>} : memref<51200xf32, #tpu.memory_space<vmem>>, vector<16xf32>,
        %parallel_loop3A_1311 = vector.shape_cast %parallel_loop3A_1310 : vector<16xf32> to vector<16xf32>
        %parallel_loop3A_1312 = vector.shape_cast %parallel_loop3A_1306 : vector<16xf32> to vector<16xf32>
        tpu.vector_store %arg7[%parallel_loop3A_1309], %parallel_loop3A_1312 {strides = array<i32>} : memref<51200xf32, #tpu.memory_space<vmem>>, vector<16xf32>,
        %parallel_loop3A_1313 = arith.mulf %parallel_loop3A_272, %parallel_loop3A_1254 : vector<16xf32>
        %parallel_loop3A_1314 = arith.addf %parallel_loop3A_264, %parallel_loop3A_1313 : vector<16xf32>
        %parallel_loop3A_1315 = arith.constant 112 : i32
        %parallel_loop3A_1316 = arith.addi %parallel_loop3A_1256, %parallel_loop3A_1315 : i32
        %parallel_loop3A_1317 = arith.index_cast %parallel_loop3A_1316 : i32 to index
        %parallel_loop3A_1318 = tpu.vector_load %arg7[%parallel_loop3A_1317] {strides = array<i32>} : memref<51200xf32, #tpu.memory_space<vmem>>, vector<16xf32>,
        %parallel_loop3A_1319 = vector.shape_cast %parallel_loop3A_1318 : vector<16xf32> to vector<16xf32>
        %parallel_loop3A_1320 = vector.shape_cast %parallel_loop3A_1314 : vector<16xf32> to vector<16xf32>
        tpu.vector_store %arg7[%parallel_loop3A_1317], %parallel_loop3A_1320 {strides = array<i32>} : memref<51200xf32, #tpu.memory_space<vmem>>, vector<16xf32>,
        %parallel_loop3A_1321 = vector.extract_strided_slice %parallel_loop3A_281 {offsets = [15], sizes = [1], strides = [1]} : vector<16xf32> to vector<1xf32>
        %parallel_loop3A_1322 = vector.extract %parallel_loop3A_1321[0] : f32 from vector<1xf32>
        %parallel_loop3A_1323 = vector.broadcast %parallel_loop3A_1322 : f32 to vector<16xf32>
        %parallel_loop3A_1324 = arith.constant 1920 : i32
        %parallel_loop3A_1325 = arith.addi %parallel_loop3A_285, %parallel_loop3A_1324 : i32
        %parallel_loop3A_1326 = arith.mulf %parallel_loop3A_265, %parallel_loop3A_1323 : vector<16xf32>
        %parallel_loop3A_1327 = arith.addf %parallel_loop3A_257, %parallel_loop3A_1326 : vector<16xf32>
        %parallel_loop3A_1328 = arith.constant 0 : i32
        %parallel_loop3A_1329 = arith.addi %parallel_loop3A_1325, %parallel_loop3A_1328 : i32
        %parallel_loop3A_1330 = arith.index_cast %parallel_loop3A_1329 : i32 to index
        %parallel_loop3A_1331 = tpu.vector_load %arg7[%parallel_loop3A_1330] {strides = array<i32>} : memref<51200xf32, #tpu.memory_space<vmem>>, vector<16xf32>,
        %parallel_loop3A_1332 = vector.shape_cast %parallel_loop3A_1331 : vector<16xf32> to vector<16xf32>
        %parallel_loop3A_1333 = vector.shape_cast %parallel_loop3A_1327 : vector<16xf32> to vector<16xf32>
        tpu.vector_store %arg7[%parallel_loop3A_1330], %parallel_loop3A_1333 {strides = array<i32>} : memref<51200xf32, #tpu.memory_space<vmem>>, vector<16xf32>,
        %parallel_loop3A_1334 = arith.mulf %parallel_loop3A_266, %parallel_loop3A_1323 : vector<16xf32>
        %parallel_loop3A_1335 = arith.addf %parallel_loop3A_258, %parallel_loop3A_1334 : vector<16xf32>
        %parallel_loop3A_1336 = arith.constant 16 : i32
        %parallel_loop3A_1337 = arith.addi %parallel_loop3A_1325, %parallel_loop3A_1336 : i32
        %parallel_loop3A_1338 = arith.index_cast %parallel_loop3A_1337 : i32 to index
        %parallel_loop3A_1339 = tpu.vector_load %arg7[%parallel_loop3A_1338] {strides = array<i32>} : memref<51200xf32, #tpu.memory_space<vmem>>, vector<16xf32>,
        %parallel_loop3A_1340 = vector.shape_cast %parallel_loop3A_1339 : vector<16xf32> to vector<16xf32>
        %parallel_loop3A_1341 = vector.shape_cast %parallel_loop3A_1335 : vector<16xf32> to vector<16xf32>
        tpu.vector_store %arg7[%parallel_loop3A_1338], %parallel_loop3A_1341 {strides = array<i32>} : memref<51200xf32, #tpu.memory_space<vmem>>, vector<16xf32>,
        %parallel_loop3A_1342 = arith.mulf %parallel_loop3A_267, %parallel_loop3A_1323 : vector<16xf32>
        %parallel_loop3A_1343 = arith.addf %parallel_loop3A_259, %parallel_loop3A_1342 : vector<16xf32>
        %parallel_loop3A_1344 = arith.constant 32 : i32
        %parallel_loop3A_1345 = arith.addi %parallel_loop3A_1325, %parallel_loop3A_1344 : i32
        %parallel_loop3A_1346 = arith.index_cast %parallel_loop3A_1345 : i32 to index
        %parallel_loop3A_1347 = tpu.vector_load %arg7[%parallel_loop3A_1346] {strides = array<i32>} : memref<51200xf32, #tpu.memory_space<vmem>>, vector<16xf32>,
        %parallel_loop3A_1348 = vector.shape_cast %parallel_loop3A_1347 : vector<16xf32> to vector<16xf32>
        %parallel_loop3A_1349 = vector.shape_cast %parallel_loop3A_1343 : vector<16xf32> to vector<16xf32>
        tpu.vector_store %arg7[%parallel_loop3A_1346], %parallel_loop3A_1349 {strides = array<i32>} : memref<51200xf32, #tpu.memory_space<vmem>>, vector<16xf32>,
        %parallel_loop3A_1350 = arith.mulf %parallel_loop3A_268, %parallel_loop3A_1323 : vector<16xf32>
        %parallel_loop3A_1351 = arith.addf %parallel_loop3A_260, %parallel_loop3A_1350 : vector<16xf32>
        %parallel_loop3A_1352 = arith.constant 48 : i32
        %parallel_loop3A_1353 = arith.addi %parallel_loop3A_1325, %parallel_loop3A_1352 : i32
        %parallel_loop3A_1354 = arith.index_cast %parallel_loop3A_1353 : i32 to index
        %parallel_loop3A_1355 = tpu.vector_load %arg7[%parallel_loop3A_1354] {strides = array<i32>} : memref<51200xf32, #tpu.memory_space<vmem>>, vector<16xf32>,
        %parallel_loop3A_1356 = vector.shape_cast %parallel_loop3A_1355 : vector<16xf32> to vector<16xf32>
        %parallel_loop3A_1357 = vector.shape_cast %parallel_loop3A_1351 : vector<16xf32> to vector<16xf32>
        tpu.vector_store %arg7[%parallel_loop3A_1354], %parallel_loop3A_1357 {strides = array<i32>} : memref<51200xf32, #tpu.memory_space<vmem>>, vector<16xf32>,
        %parallel_loop3A_1358 = arith.mulf %parallel_loop3A_269, %parallel_loop3A_1323 : vector<16xf32>
        %parallel_loop3A_1359 = arith.addf %parallel_loop3A_261, %parallel_loop3A_1358 : vector<16xf32>
        %parallel_loop3A_1360 = arith.constant 64 : i32
        %parallel_loop3A_1361 = arith.addi %parallel_loop3A_1325, %parallel_loop3A_1360 : i32
        %parallel_loop3A_1362 = arith.index_cast %parallel_loop3A_1361 : i32 to index
        %parallel_loop3A_1363 = tpu.vector_load %arg7[%parallel_loop3A_1362] {strides = array<i32>} : memref<51200xf32, #tpu.memory_space<vmem>>, vector<16xf32>,
        %parallel_loop3A_1364 = vector.shape_cast %parallel_loop3A_1363 : vector<16xf32> to vector<16xf32>
        %parallel_loop3A_1365 = vector.shape_cast %parallel_loop3A_1359 : vector<16xf32> to vector<16xf32>
        tpu.vector_store %arg7[%parallel_loop3A_1362], %parallel_loop3A_1365 {strides = array<i32>} : memref<51200xf32, #tpu.memory_space<vmem>>, vector<16xf32>,
        %parallel_loop3A_1366 = arith.mulf %parallel_loop3A_270, %parallel_loop3A_1323 : vector<16xf32>
        %parallel_loop3A_1367 = arith.addf %parallel_loop3A_262, %parallel_loop3A_1366 : vector<16xf32>
        %parallel_loop3A_1368 = arith.constant 80 : i32
        %parallel_loop3A_1369 = arith.addi %parallel_loop3A_1325, %parallel_loop3A_1368 : i32
        %parallel_loop3A_1370 = arith.index_cast %parallel_loop3A_1369 : i32 to index
        %parallel_loop3A_1371 = tpu.vector_load %arg7[%parallel_loop3A_1370] {strides = array<i32>} : memref<51200xf32, #tpu.memory_space<vmem>>, vector<16xf32>,
        %parallel_loop3A_1372 = vector.shape_cast %parallel_loop3A_1371 : vector<16xf32> to vector<16xf32>
        %parallel_loop3A_1373 = vector.shape_cast %parallel_loop3A_1367 : vector<16xf32> to vector<16xf32>
        tpu.vector_store %arg7[%parallel_loop3A_1370], %parallel_loop3A_1373 {strides = array<i32>} : memref<51200xf32, #tpu.memory_space<vmem>>, vector<16xf32>,
        %parallel_loop3A_1374 = arith.mulf %parallel_loop3A_271, %parallel_loop3A_1323 : vector<16xf32>
        %parallel_loop3A_1375 = arith.addf %parallel_loop3A_263, %parallel_loop3A_1374 : vector<16xf32>
        %parallel_loop3A_1376 = arith.constant 96 : i32
        %parallel_loop3A_1377 = arith.addi %parallel_loop3A_1325, %parallel_loop3A_1376 : i32
        %parallel_loop3A_1378 = arith.index_cast %parallel_loop3A_1377 : i32 to index
        %parallel_loop3A_1379 = tpu.vector_load %arg7[%parallel_loop3A_1378] {strides = array<i32>} : memref<51200xf32, #tpu.memory_space<vmem>>, vector<16xf32>,
        %parallel_loop3A_1380 = vector.shape_cast %parallel_loop3A_1379 : vector<16xf32> to vector<16xf32>
        %parallel_loop3A_1381 = vector.shape_cast %parallel_loop3A_1375 : vector<16xf32> to vector<16xf32>
        tpu.vector_store %arg7[%parallel_loop3A_1378], %parallel_loop3A_1381 {strides = array<i32>} : memref<51200xf32, #tpu.memory_space<vmem>>, vector<16xf32>,
        %parallel_loop3A_1382 = arith.mulf %parallel_loop3A_272, %parallel_loop3A_1323 : vector<16xf32>
        %parallel_loop3A_1383 = arith.addf %parallel_loop3A_264, %parallel_loop3A_1382 : vector<16xf32>
        %parallel_loop3A_1384 = arith.constant 112 : i32
        %parallel_loop3A_1385 = arith.addi %parallel_loop3A_1325, %parallel_loop3A_1384 : i32
        %parallel_loop3A_1386 = arith.index_cast %parallel_loop3A_1385 : i32 to index
        %parallel_loop3A_1387 = tpu.vector_load %arg7[%parallel_loop3A_1386] {strides = array<i32>} : memref<51200xf32, #tpu.memory_space<vmem>>, vector<16xf32>,
        %parallel_loop3A_1388 = vector.shape_cast %parallel_loop3A_1387 : vector<16xf32> to vector<16xf32>
        %parallel_loop3A_1389 = vector.shape_cast %parallel_loop3A_1383 : vector<16xf32> to vector<16xf32>
        tpu.vector_store %arg7[%parallel_loop3A_1386], %parallel_loop3A_1389 {strides = array<i32>} : memref<51200xf32, #tpu.memory_space<vmem>>, vector<16xf32>,
        scf.yield %parallel_loop3A_257, %parallel_loop3A_258, %parallel_loop3A_259, %parallel_loop3A_260, %parallel_loop3A_261, %parallel_loop3A_262, %parallel_loop3A_263, %parallel_loop3A_264, %parallel_loop3A_265, %parallel_loop3A_266, %parallel_loop3A_267, %parallel_loop3A_268, %parallel_loop3A_269, %parallel_loop3A_270, %parallel_loop3A_271, %parallel_loop3A_272 : vector<16xf32>, vector<16xf32>, vector<16xf32>, vector<16xf32>, vector<16xf32>, vector<16xf32>, vector<16xf32>, vector<16xf32>, vector<16xf32>, vector<16xf32>, vector<16xf32>, vector<16xf32>, vector<16xf32>, vector<16xf32>, vector<16xf32>, vector<16xf32>
      } {sc.loop_unroll_factor = 4 : i64, sc.parallel_access}
      %add3A_245 = arith.constant 1 : i32
      %add3A_246 = arith.addi %add3A_46, %add3A_245 : i32
      %mul3A_247 = arith.constant 25600 : i32
      %mul3A_248 = arith.muli %add3A_246, %mul3A_247 : i32
      %dma_start3A_249 = arith.constant 25600 : i32
      %dma_start3A_250 = tpu.memref_slice %arg7[%dma_start3A_249] : memref<51200xf32, #tpu.memory_space<vmem>> -> memref<25600xf32, #tpu.memory_space<vmem>>
      %dma_start3A_251 = tpu.memref_slice %arg5[%mul3A_248] : memref<419430400xf32, #tpu.memory_space<hbm>> -> memref<25600xf32, #tpu.memory_space<hbm>>
      %dma_start3A_252 = tpu.memref_slice %arg5[%mul3A_248] : memref<419430400xf32, #tpu.memory_space<hbm>> -> memref<25600xf32, #tpu.memory_space<hbm>>
      %dma_start3A_253 = arith.constant 25600 : i32
      %dma_start3A_254 = tpu.memref_slice %arg7[%dma_start3A_253] : memref<51200xf32, #tpu.memory_space<vmem>> -> memref<25600xf32, #tpu.memory_space<vmem>>
      tpu.enqueue_dma source(%dma_start3A_254 : memref<25600xf32, #tpu.memory_space<vmem>>) target(%dma_start3A_252 : memref<25600xf32, #tpu.memory_space<hbm>>) target_semaphore(%arg13 : memref<!tpu.dma_semaphore, #tpu.memory_space<semaphore_mem>>)
      %scan3A_255 = arith.constant 0 : i32
      scf.yield %scan3A_255 : i32
    }
    %scan3A_17 = arith.constant 256 : i32
    %add3A_18 = arith.constant 512 : i32
    %add3A_19 = arith.addi %mul3A_2, %add3A_18 : i32
    %add3A_20 = arith.constant 0 : i32
    %add3A_21 = arith.addi %add3A_19, %add3A_20 : i32
    %sub3A = arith.constant 2 : i32
    %sub3A_22 = arith.subi %add3A_21, %sub3A : i32
    %mul3A_23 = arith.constant 25600 : i32
    %mul3A_24 = arith.muli %sub3A_22, %mul3A_23 : i32
    %dma_wait3A = arith.constant 0 : i32
    %dma_wait3A_25 = tpu.memref_slice %arg7[%dma_wait3A] : memref<51200xf32, #tpu.memory_space<vmem>> -> memref<25600xf32, #tpu.memory_space<vmem>>
    %dma_wait3A_26 = tpu.memref_slice %arg5[%mul3A_24] : memref<419430400xf32, #tpu.memory_space<hbm>> -> memref<25600xf32, #tpu.memory_space<hbm>>
    %dma_wait3A_27 = tpu.memref_slice %arg5[%mul3A_24] : memref<419430400xf32, #tpu.memory_space<hbm>> -> memref<25600xf32, #tpu.memory_space<hbm>>
    %dma_wait3A_28 = arith.constant 0 : i32
    %dma_wait3A_29 = tpu.memref_slice %arg7[%dma_wait3A_28] : memref<51200xf32, #tpu.memory_space<vmem>> -> memref<25600xf32, #tpu.memory_space<vmem>>
    tpu.wait_dma2 semaphore(%arg12 : memref<!tpu.dma_semaphore, #tpu.memory_space<semaphore_mem>>) src(%dma_wait3A_29 : memref<25600xf32, #tpu.memory_space<vmem>>) dst(%dma_wait3A_27 : memref<25600xf32, #tpu.memory_space<hbm>>)
    %add3A_30 = arith.constant 1 : i32
    %add3A_31 = arith.addi %add3A_19, %add3A_30 : i32
    %sub3A_32 = arith.constant 2 : i32
    %sub3A_33 = arith.subi %add3A_31, %sub3A_32 : i32
    %mul3A_34 = arith.constant 25600 : i32
    %mul3A_35 = arith.muli %sub3A_33, %mul3A_34 : i32
    %dma_wait3A_36 = arith.constant 25600 : i32
    %dma_wait3A_37 = tpu.memref_slice %arg7[%dma_wait3A_36] : memref<51200xf32, #tpu.memory_space<vmem>> -> memref<25600xf32, #tpu.memory_space<vmem>>
    %dma_wait3A_38 = tpu.memref_slice %arg5[%mul3A_35] : memref<419430400xf32, #tpu.memory_space<hbm>> -> memref<25600xf32, #tpu.memory_space<hbm>>
    %dma_wait3A_39 = tpu.memref_slice %arg5[%mul3A_35] : memref<419430400xf32, #tpu.memory_space<hbm>> -> memref<25600xf32, #tpu.memory_space<hbm>>
    %dma_wait3A_40 = arith.constant 25600 : i32
    %dma_wait3A_41 = tpu.memref_slice %arg7[%dma_wait3A_40] : memref<51200xf32, #tpu.memory_space<vmem>> -> memref<25600xf32, #tpu.memory_space<vmem>>
    tpu.wait_dma2 semaphore(%arg13 : memref<!tpu.dma_semaphore, #tpu.memory_space<semaphore_mem>>) src(%dma_wait3A_41 : memref<25600xf32, #tpu.memory_space<vmem>>) dst(%dma_wait3A_39 : memref<25600xf32, #tpu.memory_space<hbm>>)
    return
  }
}

</mosaic_0001>

<sc_bundles>
// kernel: kernel.3.cloned.1.call-start
scs
__scs_entry_jumppad:
0x0: {  	(pc) =	sbr.rel $0x88, $3  }
0x1: {  	(tag) =	ssettag $0x0;
	lr =	simm.s32 $0x1  }
0x2: {  	[smem:$0x3F9F] =	sst lr;
	_ =	strace $0xD0000000  }
0x3: {  	_ = 	snop  }
0x4: {  	_ = 	snop  }
0x5: {  	_ = 	snop  }
0x6: {  	_ = 	snop  }
0x7: {  	_ = 	snop  }
__scs_overlays_trampoline_lowered:
0x8: {  	[smem:$0x3FAE] =	sst s0  }
0x9: {  	[smem:$0x3FAF] =	sst s1  }
0xa: {  	[smem:$0x3FB0] =	sst s2  }
0xb: {  	[smem:$0x3FB1] =	sst s3  }
0xc: {  	[smem:$0x3FB2] =	sst s4  }
0xd: {  	[smem:$0x3FB3] =	sst s5  }
0xe: {  	[smem:$0x3FB4] =	sst s6  }
0xf: {  	[smem:$0x3FB5] =	sst s7  }
0x10: {  	[smem:$0x3FB6] =	sst s8  }
0x11: {  	[smem:$0x3FB7] =	sst s9;
	s0 =	simm.s32 @!p0 $0x0  }
0x12: {  	s1 =	sld [smem:$0x3F9D];
	s0 =	simm.s32 @p0 $0x1  }
0x13: {  	[smem:$0x3FB8] =	sst s0;
	s0 =	simm.s32 @!p1 $0x0  }
0x14: {  	s2 =	sld [smem:$0x3F9C];
	s0 =	simm.s32 @p1 $0x1  }
0x15: {  	[smem:$0x3FB9] =	sst s0;
	s0 =	simm.s32 @!p2 $0x0  }
0x16: {  	s3 =	sld [smem:$0x3FDB];
	s0 =	simm.s32 @p2 $0x1  }
0x17: {  	s4 =	simm.s32 $0x1BF5;
	[smem:$0x3FBB] =	sst s0  }
0x18: {  	s0 =	sld [smem:$0x3F9E];
	_ =	swait.ge [sflag:s4], $0x0  }
0x19: {  	s7 =	sld [smem:$0x3F9F]  }
0x1a: {  	s8 =	sadd.s32 $0xFFFFE003, lr  }
0x1b: {  	s9 =	sadd.s32 $0xFFFFFEF7, lr;
	s5 =	simm.s32 $0xFFFFFFFF;
	p2 =	slt.u32 s8, $0xFFFFF086  }
0x1c: {  	p1 =	slt.u32 s9, $0xF7A;
	s5 =	simm.s32 @!p2 $0x0  }
0x1d: {  	s5 =	simm.s32 @p1 $0x1;
	p0 =	seq.s32 s7, s2  }
0x1e: {  	s7 =	smul.u32 @!p0 $0xF7A, s2;
	p2 =	seq.s32 @!p0 s5, $0x0  }
0x1f: {  	s9 =	smul.u32 $0xF7A, s1;
	s8 =	simm.s32 @!p0 $0x1BF5;
	p2 =	por !p2, p0  }
0x20: {  	[sflag:s8] =	ssyncset.s32 @!p0 $0xFFFFF086;
	s6 =	sadd.s32 @!p0 s3, s7;
	s7 =	simm.s32 @!p0 $0x108  }
0x21: {  	s3 =	sadd.s32 s3, s9;
	s6 =	sadd.s32 @!p0 $0x88, s6;
	s7 =	simm.s32 @p2 $0x1082  }
0x22: {  	[simem:s7], [sflag:s8] =	dma.local @!p0 [hbm:s6], $0xF7A  }
0x23: {  	s9 =	sor.u32 $0xD0000000, s2;
	s6 =	simm.s32 $0x108;
	_ =	swait.ge @!p0 [sflag:s8], $0x0  }
0x24: {  	s3 =	sadd.s32 $0x88, s3;
	s6 =	simm.s32 @!p1 $0x1082;
	[sflag:s4] =	ssyncset.s32 $0xFFFFF086  }
0x25: {  	[simem:s6], [sflag:s4] =	dma.local [hbm:s3], $0xF7A  }
0x26: {  	[smem:$0x3F9F] =	sst s1;
	(tag) =	ssettag s2;
	_ =	strace s9  }
0x27: {  	s1 =	sld [smem:$0x3FAF]  }
0x28: {  	s2 =	sld [smem:$0x3FB0]  }
0x29: {  	s4 =	sld [smem:$0x3FB2]  }
0x2a: {  	p0 =	seq.s32 s5, $0x0;
	s5 =	sld [smem:$0x3FB3]  }
0x2b: {  	s6 =	sld [smem:$0x3FB4]  }
0x2c: {  	s7 =	sld [smem:$0x3FB5]  }
0x2d: {  	s3 =	simm.s32 $0x108;
	s8 =	sld [smem:$0x3FB6]  }
0x2e: {  	s3 =	simm.s32 @!p0 $0x1082;
	s9 =	sld [smem:$0x3FB7]  }
0x2f: {  	lr =	sadd.s32 s0, s3;
	s0 =	sld [smem:$0x3FAE]  }
0x30: {  	s3 =	sld [smem:$0x3FB1]  }
0x31: {  	[smem:$0x3FBA] =	sst s10  }
0x32: {  	s10 =	sld [smem:$0x3FB8];
	_ =	sdelay $0x3  }
0x33: {  	p0 =	seq.s32 s10, $0x1;
	s10 =	sld [smem:$0x3FBA];
	_ =	sdelay $0x3  }
0x34: {  	[smem:$0x3FBA] =	sst s10  }
0x35: {  	s10 =	sld [smem:$0x3FB9];
	_ =	sdelay $0x3  }
0x36: {  	p1 =	seq.s32 s10, $0x1;
	s10 =	sld [smem:$0x3FBA];
	_ =	sdelay $0x3  }
0x37: {  	[smem:$0x3FBA] =	sst s10  }
0x38: {  	s10 =	sld [smem:$0x3FBB]  }
0x39: {  	_ = 	snop;
	(pc) =	sbr.ind lr, $3  }
0x3a: {  	_ = 	snop  }
0x3b: {  	_ = 	snop  }
0x3c: {  	p2 =	seq.s32 s10, $0x1;
	s10 =	sld [smem:$0x3FBA]  }
0x3d: {  	_ =	shalt  }
0x3e: {  	_ =	shalt  }
0x3f: {  	_ =	shalt  }
0x40: {  	_ =	shalt  }
0x41: {  	_ =	shalt  }
0x42: {  	_ =	shalt  }
0x43: {  	_ =	shalt  }
0x44: {  	_ =	shalt  }
0x45: {  	_ =	shalt  }
0x46: {  	_ =	shalt  }
0x47: {  	_ =	shalt  }
0x48: {  	_ =	shalt  }
0x49: {  	_ =	shalt  }
0x4a: {  	_ =	shalt  }
0x4b: {  	_ =	shalt  }
0x4c: {  	_ =	shalt  }
0x4d: {  	_ =	shalt  }
0x4e: {  	_ =	shalt  }
0x4f: {  	_ =	shalt  }
0x50: {  	_ =	shalt  }
0x51: {  	_ =	shalt  }
0x52: {  	_ =	shalt  }
0x53: {  	_ =	shalt  }
0x54: {  	_ =	shalt  }
0x55: {  	_ =	shalt  }
0x56: {  	_ =	shalt  }
0x57: {  	_ =	shalt  }
0x58: {  	_ =	shalt  }
0x59: {  	_ =	shalt  }
0x5a: {  	_ =	shalt  }
0x5b: {  	_ =	shalt  }
0x5c: {  	_ =	shalt  }
0x5d: {  	_ =	shalt  }
0x5e: {  	_ =	shalt  }
0x5f: {  	_ =	shalt  }
0x60: {  	_ =	shalt  }
0x61: {  	_ =	shalt  }
0x62: {  	_ =	shalt  }
0x63: {  	_ =	shalt  }
0x64: {  	_ =	shalt  }
0x65: {  	_ =	shalt  }
0x66: {  	_ =	shalt  }
0x67: {  	_ =	shalt  }
0x68: {  	_ =	shalt  }
0x69: {  	_ =	shalt  }
0x6a: {  	_ =	shalt  }
0x6b: {  	_ =	shalt  }
0x6c: {  	_ =	shalt  }
0x6d: {  	_ =	shalt  }
0x6e: {  	_ =	shalt  }
0x6f: {  	_ =	shalt  }
0x70: {  	_ =	shalt  }
0x71: {  	_ =	shalt  }
0x72: {  	_ =	shalt  }
0x73: {  	_ =	shalt  }
0x74: {  	_ =	shalt  }
0x75: {  	_ =	shalt  }
0x76: {  	_ =	shalt  }
0x77: {  	_ =	shalt  }
0x78: {  	_ =	shalt  }
0x79: {  	_ =	shalt  }
0x7a: {  	_ =	shalt  }
0x7b: {  	_ =	shalt  }
0x7c: {  	_ =	shalt  }
0x7d: {  	_ =	shalt  }
0x7e: {  	_ =	shalt  }
0x7f: {  	_ =	shalt  }
0x80: {  	_ =	shalt  }
0x81: {  	_ =	shalt  }
0x82: {  	_ =	shalt  }
0x83: {  	_ =	shalt  }
0x84: {  	_ =	shalt  }
0x85: {  	_ =	shalt  }
0x86: {  	_ =	shalt  }
0x87: {  	_ =	shalt  }
.Lfunc_end0:
.L_simem_size_0:
called_computation_lowered:
.L_overlay_start_0:
0x88: {  	s2 =	sld [smem:$0x3FD9]  }
0x89: {  	s3 =	sld [smem:$0x3FFE];
	_ =	sdelay $0x1  }
0x8a: {  	s1 =	srdreg.scid  }
0x8b: {  	s0 =	sand.u32 $0x1, s1  }
0x8c: {  	s17 =	sshll.u32 s0, $0xA;
	s2 =	sadd.s32 s3, s2  }
0x8d: {  	s2 =	sadd.s32 s2, s17  }
0x8e: {  	[smem:$0x3FC6] =	sst s2  }
0x8f: {  	_ = 	snop  }
0x90: {  	s2 =	sld [smem:$0x3FD0];
	(tm) =	ssettm $0x1  }
0x91: {  	s18 =	sld [smem:$0x3FFB];
	_ =	sdelay $0x3  }
0x92: {  	_ =	strace s18  }
0x93: {  	s3 =	sld [smem:$0x3FFC];
	_ =	sdelay $0x3  }
0x94: {  	_ =	strace s3  }
0x95: {  	s3 =	sld [smem:$0x3FFD];
	_ =	sdelay $0x3  }
0x96: {  	_ =	strace s3  }
0x97: {  	_ =	strace $0x8FFFFFFF  }
0x98: {  	s19 =	sld [smem:$0x3FDB];
	_ =	sdelay $0x1  }
0x99: {  	s4 =	simm.s32 $_scs_section_size  }
0x9a: {  	s5 =	simm.s32 $_size__tile_overlayer_lowered;
	s6 =	simm.s32 $_tile_overlayer_lowered  }
0x9b: {  	s22 =	simm.s32 $0x1BFF;
	s21 =	sshll.u32 s6, $0x1;
	s3 =	sadd.s32 s4, s19  }
0x9c: {  	s7 =	simm.s32 $0x0;
	s20 =	sshll.u32 s5, $0x1;
	s5 =	sadd.s32 s21, s3  }
0x9d: {  	[timem:s7], [sflag:s22] =	dma.local [hbm:s5], s20  }
0x9e: {  	_ =	swait.ge [sflag:s22], s20  }
0x9f: {  	s4 =	ssub.s32 $0x0, s20;
	[sflag:s22] =	ssyncset.done $0x0  }
0xa0: {  	[sflag:s22] =	ssyncadd.s32 s4;
	_ =	sdelay $0x1  }
0xa1: {  	s23 =	simm.s32 $0x1B8B  }
0xa2: {  	_ =	swait.ge [sflag:s23], $0x1  }
0xa3: {  	[sflag:s23] =	ssyncset.done $0x0  }
0xa4: {  	s25 =	simm.s32 $0x1B8E;
	s24 =	sld [smem:$0x3FFE];
	[sflag:s23] =	ssyncadd.s32 $0xFFFFFFFF  }
0xa5: {  	s26 =	simm.s32 $execute0_lowered;
	[smem:$0x3FD2] =	sst s25  }
0xa6: {  	s5 =	sshll.u32 s26, $0x1;
	_ =	strace $0x80000046;
	[dreg:$0x1] =	wrdreg $0xFFFFFFFF  }
0xa7: {  	s28 =	simm.s32 $_size_execute0_lowered;
	s3 =	sadd.s32 s3, s5;
	[dreg:$0x0] =	wrdreg $0x0  }
0xa8: {  	s5 =	sshll.u32 s28, $0x1;
	[dreg:$0x2] =	wrdreg s3  }
0xa9: {  	[dreg:$0x3] =	wrdreg s5  }
0xaa: {  	[dreg:$0x4] =	wrdreg $0xC0  }
0xab: {  	_ =	task [dreg:s7], $0x5FFFF  }
0xac: {  	[dreg:$0x1] =	wrdreg $0xFFFFFFFF  }
0xad: {  	[dreg:$0x0] =	wrdreg $0x60  }
0xae: {  	[dreg:$0x2] =	wrdreg s24  }
0xaf: {  	[dreg:$0x3] =	wrdreg s2  }
0xb0: {  	[dreg:$0x4] =	wrdreg $0x9  }
0xb1: {  	_ =	task.clear_ibuf [dreg:s7], $0x5FFFF;
	_ =	strace $0x90000046  }
0xb2: {  	s29 =	simm.s32 $0x9;
	_ =	strace $0x80000048  }
0xb3: {  	_ =	swait.ge [sflag:s29], $0x1  }
0xb4: {  	[sflag:s29] =	ssyncadd.s32 $0xFFFFFFFF  }
0xb5: {  	_ =	strace $0x90000048  }
0xb6: {  	_ =	sfence  }
0xb7: {  	s30 =	sld [smem:$0x0];
	_ =	sdelay $0x2  }
0xb8: {  	s31 =	sshll.u32 s1, $0xD;
	s1 =	sshrl.u32 s1, $0x2  }
0xb9: {  	s3 =	sand.u32 $0x4000, s31;
	s1 =	sadd.s32 s1, s30  }
0xba: {  	s0 =	sor.u32 s3, s0;
	s1 =	sshll.u32 s1, $0x11  }
0xbb: {  	s0 =	sor.u32 s1, s0  }
0xbc: {  	s0 =	sadd.s32 $0x8F2B, s0  }
0xbd: {  	[sflag:s0] =	ssyncadd.remote.s32 $0x1  }
0xbe: {  	_ =	sfence.sel $0xFFFF  }
0xbf: {  	[dreg:$0x0] =	wrdreg $0xFFFFFFFF;
	(pc) =	sbr.abs _section_cstart, $3  }
0xc0: {  	[dreg:$0x1] =	wrdreg $0xFFFFFFFF  }
0xc1: {  	_ =	task.clear_ibuf [dreg:s7], $0x2FFFF;
	_ =	strace $0x9FFFFFFF  }
0xc2: {  	(tm) =	ssettm $0x7FFFFFFF  }
0xc3: {  	_ =	shalt  }
tec
execute0_lowered:
.L_overlay_start_1:
0x0: {  	(tag) =	ssettag $0x1  }
0x1: {  	s6 =	rddreg [dreg:$0x0]  }
0x2: {  	s2 =	rddreg [dreg:$0x1]  }
0x3: {  	s0 =	rddreg [dreg:$0x2]  }
0x4: {  	s3 =	simm.s32 $0x0;
	s4 =	srdreg.scid;
	s1 =	stileid.u32  }
0x5: {  	s11 =	simm.s32 $0x5;
	s12 =	simm.s32 $0x12C80;
	s13 =	simm.s32 $0x6400  }
0x6: {  	s14 =	simm.s32 $0xC800;
	s15 =	simm.s32 $0x3;
	s16 =	simm.s32 $0x4  }
0x7: {  	s17 =	simm.s32 $0x0;
	[smem:$0x7FF] =	sst s3;
	s5 =	sand.u32 $0x1, s4  }
.Ltmp0:
0x8: {  	s31 =	sshll.u32 s1, $0x1;
	s4 =	sadd.s32 $0x800, s6;
	(pc) =	sbr.rel .LBB2_1-.Ltmp0, $4  }
0x9: {  	_ =	strace $0x80000047;
	s7 =	sor.u32 s5, s31;
	s8 =	ssub.s32 $0x2, s5  }
0xa: {  	s5 =	sadd.s32 $0x600, s6;
	s9 =	smul.u32 $0x3200, s7;
	s10 =	sshrl.u32 s8, $0x1  }
0xb: {  	s6 =	sadd.s32 $0x400, s6;
	s7 =	sshll.u32 s7, $0x9;
	s10 =	ssub.s32 s8, s10  }
0xc: {  	s8 =	sadd.s32 s4, s9;
	s9 =	smax.u32 s10, $0x1;
	s10 =	simm.s32 $0x12C00  }
.LBB2_12:
0xd: {  	s17 =	sadd.s32 $0x1, s17  }
0xe: {  	_ =	swait.ge [sflag:s15], $0x6400;
	p0 =	sne.s32 s17, s9  }
.Ltmp1:
0xf: {  	[sflag:s15] =	ssyncset.done $0x0;
	(pc) =	sbr.rel @!p0 .LBB2_13-.Ltmp1, $4  }
0x10: {  	[sflag:s15] =	ssyncadd.s32 $0xFFFF9C00  }
0x11: {  	_ =	swait.ge [sflag:s16], $0x6400  }
0x12: {  	[sflag:s16] =	ssyncset.done $0x0  }
0x13: {  	[sflag:s16] =	ssyncadd.s32 $0xFFFF9C00  }
.LBB2_1:
0x14: {  	[tilespmem:s10], [sflag:$0x5] =	stream.linear.gather [hbm4b:s5+s3], $0x80, $0x38;
	[tilespmem:$0x12D00] =	vst v63  }
0x15: {  	_ =	swait.ge [sflag:s11], $0x80  }
0x16: {  	[sflag:s11] =	ssyncset.done $0x0  }
0x17: {  	[sflag:s11] =	ssyncadd.s32 $0xFFFFFF80  }
0x18: {  	[tilespmem:s12], [sflag:$0x5] =	stream.linear.gather [hbm4b:s6+s3], $0x80, $0x38;
	[tilespmem:$0x12D00] =	vst v63  }
0x19: {  	_ =	swait.ge [sflag:s11], $0x80  }
0x1a: {  	[sflag:s11] =	ssyncset.done $0x0  }
0x1b: {  	s18 =	simm.s32 $0x0;
	[sflag:s11] =	ssyncadd.s32 $0xFFFFFF80  }
0x1c: {  	[tilespmem:s3], [sflag:$0x1] =	stream.linear.gather [hbm4b:s8+s3], $0x3200, $0x38;
	[tilespmem:$0x12D00] =	vst v63  }
.LBB2_2:
0x1d: {  	s21 =	sand.u32 $0x1F, s18  }
0x1e: {  	p0 =	seq.s32 s21, $0x0  }
.Ltmp2:
0x1f: {  	_ = 	snop;
	(pc) =	sbr.rel @p0 .LBB2_5-.Ltmp2, $3  }
0x20: {  	_ =	sdelay $0x1  }
0x21: {  	s20 =	sshrl.u32 s18, $0x5  }
0x22: {  	s19 =	sand.u32 $0x1, s20  }
.Ltmp3:
0x23: {  	(pc) =	sbr.rel .LBB2_4-.Ltmp3, $4  }
0x24: {  	_ = 	snop  }
0x25: {  	s19 =	sshll.u32 s19, $0x6;
	s20 =	sshll.u32 s21, $0x1  }
0x26: {  	s19 =	sor.u32 s20, s19  }
0x27: {  	s20 =	smul.u32 $0xC8, s19  }
.LBB2_5:
0x28: {  	p1 =	sgt.u32 s18, $0xDF;
	p0 =	seq.s32 s19, $0x1  }
0x29: {  	s20 =	sadd.s32 $0x1, s20;
	p1 =	por !p0, p1  }
0x2a: {  	s21 =	sshll.u32 @!p1 s20, $0x6  }
0x2b: {  	s21 =	sadd.s32 @!p1 s7, s21  }
0x2c: {  	s21 =	smul.u32 @!p1 $0x19, s21;
	_ =	sdelay $0x1  }
0x2d: {  	s22 =	simm.s32 @!p1 $0x0;
	s21 =	sadd.s32 @!p1 s4, s21  }
0x2e: {  	[tilespmem:s22], [sflag:$0x1] =	stream.linear.gather @!p1 [hbm4b:s21+s22], $0x3200, $0x38;
	[tilespmem:$0x12D00] =	vst v63  }
0x2f: {  	p1 =	sne.s32 s19, $0x0  }
0x30: {  	p2 =	sgt.u32 @!p1 s18, $0xDF  }
0x31: {  	p2 =	por p2, p1  }
0x32: {  	s21 =	simm.s32 @!p1 $0x1;
	s20 =	sshll.u32 @!p2 s20, $0x6  }
0x33: {  	_ =	swait.ge @!p1 [sflag:s21], $0x3200;
	s20 =	sor.u32 @!p2 s7, s20  }
0x34: {  	[sflag:s21] =	ssyncset.done @!p1 $0x0;
	s20 =	smul.u32 @!p2 $0x19, s20  }
0x35: {  	s22 =	simm.s32 @!p2 $0x3200;
	[sflag:s21] =	ssyncadd.s32 @!p1 $0xFFFFCE00  }
0x36: {  	s21 =	simm.s32 @!p2 $0x0;
	p1 =	seq.s32 s18, $0x0;
	s20 =	sadd.s32 @!p2 s4, s20  }
0x37: {  	[tilespmem:s22], [sflag:$0x2] =	stream.linear.gather @!p2 [hbm4b:s20+s21], $0x3200, $0x38;
	[tilespmem:$0x12D00] =	vst v63  }
.Ltmp4:
0x38: {  	_ = 	snop;
	(pc) =	sbr.rel @p1 .LBB2_6-.Ltmp4, $4  }
0x39: {  	s20 =	simm.s32 @p0 $0x2  }
0x3a: {  	_ =	swait.ge @p0 [sflag:s20], $0x3200  }
0x3b: {  	[sflag:s20] =	ssyncset.done @p0 $0x0  }
0x3c: {  	[sflag:s20] =	ssyncadd.s32 @p0 $0xFFFFCE00;
	s20 =	smul.u32 $0x3200, s19  }
.LBB2_4:
0x3d: {  	_ =	swait.ge [sflag:s15], $0x6400  }
0x3e: {  	[sflag:s15] =	ssyncset.done $0x0  }
0x3f: {  	p0 =	por $0x0, $0x0;
	[sflag:s15] =	ssyncadd.s32 $0xFFFF9C00  }
.LBB2_7:
0x40: {  	v7 =	vld [tilespmem:$0x12C00]  }
0x41: {  	v6 =	vld [tilespmem:$0x12C10]  }
0x42: {  	v5 =	vld [tilespmem:$0x12C20]  }
0x43: {  	v4 =	vld [tilespmem:$0x12C30]  }
0x44: {  	v3 =	vld [tilespmem:$0x12C40]  }
0x45: {  	v2 =	vld [tilespmem:$0x12C50]  }
0x46: {  	v1 =	vld [tilespmem:$0x12C60]  }
0x47: {  	v0 =	vld [tilespmem:$0x12C70]  }
0x48: {  	v15 =	vld [tilespmem:$0x12C80]  }
0x49: {  	v14 =	vld [tilespmem:$0x12C90]  }
0x4a: {  	v13 =	vld [tilespmem:$0x12CA0]  }
0x4b: {  	v12 =	vld [tilespmem:$0x12CB0]  }
0x4c: {  	v11 =	vld [tilespmem:$0x12CC0];
	v16 =	vmov s20  }
0x4d: {  	v10 =	vld [tilespmem:$0x12CD0]  }
0x4e: {  	s19 =	sshll.u32 s18, $0x1;
	v9 =	vld [tilespmem:$0x12CE0]  }
0x4f: {  	v8 =	vld [tilespmem:$0x12CF0];
	s21 =	simm.s32 $0x0;
	s19 =	sadd.s32 s7, s19  }
.LBB2_8:
0x50: {  	s22 =	sshll.u32 s21, $0x4  }
0x51: {  	v17 =	vld.idx.msk [tilespmem:v16+s22+$0x0 ss:$0x1], $0xffff;
	_ =	sdelay $0x4  }
0x52: {  	v17 =	vcvt.s32.f32 v17;
	_ =	sdelay $0x1  }
0x53: {  	v18 =	vbroadcast v17, $0x0;
	_ =	sdelay $0x1  }
0x54: {  	v19 =	vmul.f32 v18, v15  }
0x55: {  	v20 =	vmul.f32 v18, v14  }
0x56: {  	s23 =	sshll.u32 s21, $0xB;
	v21 =	vmul.f32 v18, v13;
	v19 =	vadd.f32 v19, v7  }
0x57: {  	s23 =	sand.u32 $0x3FFFF800, s23;
	v22 =	vmul.f32 v18, v12;
	v20 =	vadd.f32 v20, v6  }
0x58: {  	v37 =	vmul.f32 v18, v11;
	[tilespmem:s23+$0x6400] =	vst v19;
	v19 =	vadd.f32 v21, v5  }
0x59: {  	v39 =	vmul.f32 v18, v10;
	v38 =	vadd.f32 v22, v4;
	[tilespmem:s23+$0x6410] =	vst v20  }
0x5a: {  	v23 =	vbroadcast v17, $0x1;
	v40 =	vmul.f32 v18, v9;
	[tilespmem:s23+$0x6420] =	vst v19;
	v19 =	vadd.f32 v37, v3  }
0x5b: {  	v18 =	vmul.f32 v18, v8;
	v41 =	vadd.f32 v39, v2;
	[tilespmem:s23+$0x6430] =	vst v38  }
0x5c: {  	v42 =	vmul.f32 v23, v15;
	[tilespmem:s23+$0x6440] =	vst v19;
	v19 =	vadd.f32 v40, v1  }
0x5d: {  	v43 =	vmul.f32 v23, v14;
	v18 =	vadd.f32 v18, v0;
	[tilespmem:s23+$0x6450] =	vst v41  }
0x5e: {  	v44 =	vmul.f32 v23, v13;
	[tilespmem:s23+$0x6460] =	vst v19;
	v19 =	vadd.f32 v42, v7  }
0x5f: {  	v45 =	vmul.f32 v23, v12;
	[tilespmem:s23+$0x6470] =	vst v18;
	v18 =	vadd.f32 v43, v6  }
0x60: {  	v46 =	vmul.f32 v23, v11;
	[tilespmem:s23+$0x6480] =	vst v19;
	v19 =	vadd.f32 v44, v5  }
0x61: {  	v47 =	vmul.f32 v23, v10;
	[tilespmem:s23+$0x6490] =	vst v18;
	v18 =	vadd.f32 v45, v4  }
0x62: {  	v49 =	vbroadcast v17, $0x2;
	v48 =	vmul.f32 v23, v9;
	[tilespmem:s23+$0x64A0] =	vst v19;
	v19 =	vadd.f32 v46, v3  }
0x63: {  	v50 =	vmul.f32 v23, v8;
	[tilespmem:s23+$0x64B0] =	vst v18;
	v18 =	vadd.f32 v47, v2  }
0x64: {  	v51 =	vmul.f32 v49, v15;
	[tilespmem:s23+$0x64C0] =	vst v19;
	v19 =	vadd.f32 v48, v1  }
0x65: {  	v52 =	vmul.f32 v49, v14;
	[tilespmem:s23+$0x64D0] =	vst v18;
	v18 =	vadd.f32 v50, v0  }
0x66: {  	v53 =	vmul.f32 v49, v13;
	[tilespmem:s23+$0x64E0] =	vst v19;
	v19 =	vadd.f32 v51, v7  }
0x67: {  	v54 =	vmul.f32 v49, v12;
	[tilespmem:s23+$0x64F0] =	vst v18;
	v18 =	vadd.f32 v52, v6  }
0x68: {  	v55 =	vmul.f32 v49, v11;
	[tilespmem:s23+$0x6500] =	vst v19;
	v19 =	vadd.f32 v53, v5  }
0x69: {  	v56 =	vmul.f32 v49, v10;
	[tilespmem:s23+$0x6510] =	vst v18;
	v18 =	vadd.f32 v54, v4  }
0x6a: {  	v58 =	vbroadcast v17, $0x3;
	v57 =	vmul.f32 v49, v9;
	[tilespmem:s23+$0x6520] =	vst v19;
	v19 =	vadd.f32 v55, v3  }
0x6b: {  	v59 =	vmul.f32 v49, v8;
	[tilespmem:s23+$0x6530] =	vst v18;
	v18 =	vadd.f32 v56, v2  }
0x6c: {  	v60 =	vmul.f32 v58, v15;
	[tilespmem:s23+$0x6540] =	vst v19;
	v19 =	vadd.f32 v57, v1  }
0x6d: {  	v61 =	vmul.f32 v58, v14;
	[tilespmem:s23+$0x6550] =	vst v18;
	v18 =	vadd.f32 v59, v0  }
0x6e: {  	v62 =	vmul.f32 v58, v13;
	[tilespmem:s23+$0x6560] =	vst v19;
	v19 =	vadd.f32 v60, v7  }
0x6f: {  	v63 =	vmul.f32 v58, v12;
	[tilespmem:s23+$0x6570] =	vst v18;
	v18 =	vadd.f32 v61, v6  }
0x70: {  	v24 =	vmul.f32 v58, v11;
	[tilespmem:s23+$0x6580] =	vst v19;
	v19 =	vadd.f32 v62, v5  }
0x71: {  	v25 =	vmul.f32 v58, v10;
	[tilespmem:s23+$0x6590] =	vst v18;
	v18 =	vadd.f32 v63, v4  }
0x72: {  	v27 =	vbroadcast v17, $0x4;
	v26 =	vmul.f32 v58, v9;
	[tilespmem:s23+$0x65A0] =	vst v19;
	v19 =	vadd.f32 v24, v3  }
0x73: {  	v28 =	vmul.f32 v58, v8;
	[tilespmem:s23+$0x65B0] =	vst v18;
	v18 =	vadd.f32 v25, v2  }
0x74: {  	v29 =	vmul.f32 v27, v15;
	[tilespmem:s23+$0x65C0] =	vst v19;
	v19 =	vadd.f32 v26, v1  }
0x75: {  	v30 =	vmul.f32 v27, v14;
	[tilespmem:s23+$0x65D0] =	vst v18;
	v18 =	vadd.f32 v28, v0  }
0x76: {  	v31 =	vmul.f32 v27, v13;
	[tilespmem:s23+$0x65E0] =	vst v19;
	v19 =	vadd.f32 v29, v7  }
0x77: {  	v32 =	vmul.f32 v27, v12;
	[tilespmem:s23+$0x65F0] =	vst v18;
	v18 =	vadd.f32 v30, v6  }
0x78: {  	v33 =	vmul.f32 v27, v11;
	[tilespmem:s23+$0x6600] =	vst v19;
	v19 =	vadd.f32 v31, v5  }
0x79: {  	v34 =	vmul.f32 v27, v10;
	[tilespmem:s23+$0x6610] =	vst v18;
	v18 =	vadd.f32 v32, v4  }
0x7a: {  	v36 =	vbroadcast v17, $0x5;
	v35 =	vmul.f32 v27, v9;
	[tilespmem:s23+$0x6620] =	vst v19;
	v19 =	vadd.f32 v33, v3  }
0x7b: {  	v37 =	vmul.f32 v27, v8;
	[tilespmem:s23+$0x6630] =	vst v18;
	v18 =	vadd.f32 v34, v2  }
0x7c: {  	v38 =	vmul.f32 v36, v15;
	[tilespmem:s23+$0x6640] =	vst v19;
	v19 =	vadd.f32 v35, v1  }
0x7d: {  	v39 =	vmul.f32 v36, v14;
	[tilespmem:s23+$0x6650] =	vst v18;
	v18 =	vadd.f32 v37, v0  }
0x7e: {  	v40 =	vmul.f32 v36, v13;
	[tilespmem:s23+$0x6660] =	vst v19;
	v19 =	vadd.f32 v38, v7  }
0x7f: {  	v41 =	vmul.f32 v36, v12;
	[tilespmem:s23+$0x6670] =	vst v18;
	v18 =	vadd.f32 v39, v6  }
0x80: {  	v42 =	vmul.f32 v36, v11;
	[tilespmem:s23+$0x6680] =	vst v19;
	v19 =	vadd.f32 v40, v5  }
0x81: {  	v43 =	vmul.f32 v36, v10;
	[tilespmem:s23+$0x6690] =	vst v18;
	v18 =	vadd.f32 v41, v4  }
0x82: {  	v45 =	vbroadcast v17, $0x6;
	v44 =	vmul.f32 v36, v9;
	[tilespmem:s23+$0x66A0] =	vst v19;
	v19 =	vadd.f32 v42, v3  }
0x83: {  	v46 =	vmul.f32 v36, v8;
	[tilespmem:s23+$0x66B0] =	vst v18;
	v18 =	vadd.f32 v43, v2  }
0x84: {  	v47 =	vmul.f32 v45, v15;
	[tilespmem:s23+$0x66C0] =	vst v19;
	v19 =	vadd.f32 v44, v1  }
0x85: {  	v48 =	vmul.f32 v45, v14;
	[tilespmem:s23+$0x66D0] =	vst v18;
	v18 =	vadd.f32 v46, v0  }
0x86: {  	v49 =	vmul.f32 v45, v13;
	[tilespmem:s23+$0x66E0] =	vst v19;
	v19 =	vadd.f32 v47, v7  }
0x87: {  	v50 =	vmul.f32 v45, v12;
	[tilespmem:s23+$0x66F0] =	vst v18;
	v18 =	vadd.f32 v48, v6  }
0x88: {  	v51 =	vmul.f32 v45, v11;
	[tilespmem:s23+$0x6700] =	vst v19;
	v19 =	vadd.f32 v49, v5  }
0x89: {  	v52 =	vmul.f32 v45, v10;
	[tilespmem:s23+$0x6710] =	vst v18;
	v18 =	vadd.f32 v50, v4  }
0x8a: {  	v53 =	vmul.f32 v45, v9;
	v54 =	vbroadcast v17, $0x7;
	[tilespmem:s23+$0x6720] =	vst v19;
	v19 =	vadd.f32 v51, v3  }
0x8b: {  	v55 =	vmul.f32 v45, v8;
	[tilespmem:s23+$0x6730] =	vst v18;
	v18 =	vadd.f32 v52, v2  }
0x8c: {  	v56 =	vmul.f32 v54, v15;
	[tilespmem:s23+$0x6740] =	vst v19;
	v19 =	vadd.f32 v53, v1  }
0x8d: {  	v57 =	vmul.f32 v54, v14;
	[tilespmem:s23+$0x6750] =	vst v18;
	v18 =	vadd.f32 v55, v0  }
0x8e: {  	v58 =	vmul.f32 v54, v13;
	[tilespmem:s23+$0x6760] =	vst v19;
	v19 =	vadd.f32 v56, v7  }
0x8f: {  	v59 =	vmul.f32 v54, v12;
	[tilespmem:s23+$0x6770] =	vst v18;
	v18 =	vadd.f32 v57, v6  }
0x90: {  	v60 =	vmul.f32 v54, v11;
	[tilespmem:s23+$0x6780] =	vst v19;
	v19 =	vadd.f32 v58, v5  }
0x91: {  	v61 =	vmul.f32 v54, v10;
	[tilespmem:s23+$0x6790] =	vst v18;
	v18 =	vadd.f32 v59, v4  }
0x92: {  	v62 =	vmul.f32 v54, v9;
	v63 =	vbroadcast v17, $0x8;
	[tilespmem:s23+$0x67A0] =	vst v19;
	v19 =	vadd.f32 v60, v3  }
0x93: {  	v24 =	vmul.f32 v54, v8;
	[tilespmem:s23+$0x67B0] =	vst v18;
	v18 =	vadd.f32 v61, v2  }
0x94: {  	v25 =	vmul.f32 v63, v15;
	[tilespmem:s23+$0x67C0] =	vst v19;
	v19 =	vadd.f32 v62, v1  }
0x95: {  	v26 =	vmul.f32 v63, v14;
	[tilespmem:s23+$0x67D0] =	vst v18;
	v18 =	vadd.f32 v24, v0  }
0x96: {  	v27 =	vmul.f32 v63, v13;
	[tilespmem:s23+$0x67E0] =	vst v19;
	v19 =	vadd.f32 v25, v7  }
0x97: {  	v28 =	vmul.f32 v63, v12;
	[tilespmem:s23+$0x67F0] =	vst v18;
	v18 =	vadd.f32 v26, v6  }
0x98: {  	v29 =	vmul.f32 v63, v11;
	[tilespmem:s23+$0x6800] =	vst v19;
	v19 =	vadd.f32 v27, v5  }
0x99: {  	v30 =	vmul.f32 v63, v10;
	[tilespmem:s23+$0x6810] =	vst v18;
	v18 =	vadd.f32 v28, v4  }
0x9a: {  	v31 =	vmul.f32 v63, v9;
	v32 =	vbroadcast v17, $0x9;
	[tilespmem:s23+$0x6820] =	vst v19;
	v19 =	vadd.f32 v29, v3  }
0x9b: {  	v33 =	vmul.f32 v63, v8;
	[tilespmem:s23+$0x6830] =	vst v18;
	v18 =	vadd.f32 v30, v2  }
0x9c: {  	v34 =	vmul.f32 v32, v15;
	[tilespmem:s23+$0x6840] =	vst v19;
	v19 =	vadd.f32 v31, v1  }
0x9d: {  	v35 =	vmul.f32 v32, v14;
	[tilespmem:s23+$0x6850] =	vst v18;
	v18 =	vadd.f32 v33, v0  }
0x9e: {  	v36 =	vmul.f32 v32, v13;
	[tilespmem:s23+$0x6860] =	vst v19;
	v19 =	vadd.f32 v34, v7  }
0x9f: {  	v37 =	vmul.f32 v32, v12;
	[tilespmem:s23+$0x6870] =	vst v18;
	v18 =	vadd.f32 v35, v6  }
0xa0: {  	v38 =	vmul.f32 v32, v11;
	[tilespmem:s23+$0x6880] =	vst v19;
	v19 =	vadd.f32 v36, v5  }
0xa1: {  	v39 =	vmul.f32 v32, v10;
	[tilespmem:s23+$0x6890] =	vst v18;
	v18 =	vadd.f32 v37, v4  }
0xa2: {  	v40 =	vmul.f32 v32, v9;
	v41 =	vbroadcast v17, $0xA;
	[tilespmem:s23+$0x68A0] =	vst v19;
	v19 =	vadd.f32 v38, v3  }
0xa3: {  	v42 =	vmul.f32 v32, v8;
	[tilespmem:s23+$0x68B0] =	vst v18;
	v18 =	vadd.f32 v39, v2  }
0xa4: {  	v43 =	vmul.f32 v41, v15;
	[tilespmem:s23+$0x68C0] =	vst v19;
	v19 =	vadd.f32 v40, v1  }
0xa5: {  	v44 =	vmul.f32 v41, v14;
	[tilespmem:s23+$0x68D0] =	vst v18;
	v18 =	vadd.f32 v42, v0  }
0xa6: {  	v45 =	vmul.f32 v41, v13;
	[tilespmem:s23+$0x68E0] =	vst v19;
	v19 =	vadd.f32 v43, v7  }
0xa7: {  	v46 =	vmul.f32 v41, v12;
	[tilespmem:s23+$0x68F0] =	vst v18;
	v18 =	vadd.f32 v44, v6  }
0xa8: {  	v47 =	vmul.f32 v41, v11;
	[tilespmem:s23+$0x6900] =	vst v19;
	v19 =	vadd.f32 v45, v5  }
0xa9: {  	v48 =	vmul.f32 v41, v10;
	[tilespmem:s23+$0x6910] =	vst v18;
	v18 =	vadd.f32 v46, v4  }
0xaa: {  	v49 =	vmul.f32 v41, v9;
	v50 =	vbroadcast v17, $0xB;
	[tilespmem:s23+$0x6920] =	vst v19;
	v19 =	vadd.f32 v47, v3  }
0xab: {  	v51 =	vmul.f32 v41, v8;
	[tilespmem:s23+$0x6930] =	vst v18;
	v18 =	vadd.f32 v48, v2  }
0xac: {  	v52 =	vmul.f32 v50, v15;
	[tilespmem:s23+$0x6940] =	vst v19;
	v19 =	vadd.f32 v49, v1  }
0xad: {  	v53 =	vmul.f32 v50, v14;
	[tilespmem:s23+$0x6950] =	vst v18;
	v18 =	vadd.f32 v51, v0  }
0xae: {  	v54 =	vmul.f32 v50, v13;
	[tilespmem:s23+$0x6960] =	vst v19;
	v19 =	vadd.f32 v52, v7  }
0xaf: {  	v55 =	vmul.f32 v50, v12;
	[tilespmem:s23+$0x6970] =	vst v18;
	v18 =	vadd.f32 v53, v6  }
0xb0: {  	v56 =	vmul.f32 v50, v11;
	[tilespmem:s23+$0x6980] =	vst v19;
	v19 =	vadd.f32 v54, v5  }
0xb1: {  	v57 =	vmul.f32 v50, v10;
	[tilespmem:s23+$0x6990] =	vst v18;
	v18 =	vadd.f32 v55, v4  }
0xb2: {  	v58 =	vmul.f32 v50, v9;
	v59 =	vbroadcast v17, $0xC;
	[tilespmem:s23+$0x69A0] =	vst v19;
	v19 =	vadd.f32 v56, v3  }
0xb3: {  	v60 =	vmul.f32 v50, v8;
	[tilespmem:s23+$0x69B0] =	vst v18;
	v18 =	vadd.f32 v57, v2  }
0xb4: {  	v61 =	vmul.f32 v59, v15;
	[tilespmem:s23+$0x69C0] =	vst v19;
	v19 =	vadd.f32 v58, v1  }
0xb5: {  	v62 =	vmul.f32 v59, v14;
	[tilespmem:s23+$0x69D0] =	vst v18;
	v18 =	vadd.f32 v60, v0  }
0xb6: {  	v63 =	vmul.f32 v59, v13;
	[tilespmem:s23+$0x69E0] =	vst v19;
	v19 =	vadd.f32 v61, v7  }
0xb7: {  	v24 =	vmul.f32 v59, v12;
	[tilespmem:s23+$0x69F0] =	vst v18;
	v18 =	vadd.f32 v62, v6  }
0xb8: {  	v25 =	vmul.f32 v59, v11;
	[tilespmem:s23+$0x6A00] =	vst v19;
	v19 =	vadd.f32 v63, v5  }
0xb9: {  	v26 =	vmul.f32 v59, v10;
	[tilespmem:s23+$0x6A10] =	vst v18;
	v18 =	vadd.f32 v24, v4  }
0xba: {  	v27 =	vmul.f32 v59, v9;
	v28 =	vbroadcast v17, $0xD;
	[tilespmem:s23+$0x6A20] =	vst v19;
	v19 =	vadd.f32 v25, v3  }
0xbb: {  	v29 =	vmul.f32 v59, v8;
	[tilespmem:s23+$0x6A30] =	vst v18;
	v18 =	vadd.f32 v26, v2  }
0xbc: {  	v30 =	vmul.f32 v28, v15;
	[tilespmem:s23+$0x6A40] =	vst v19;
	v19 =	vadd.f32 v27, v1  }
0xbd: {  	v31 =	vmul.f32 v28, v14;
	[tilespmem:s23+$0x6A50] =	vst v18;
	v18 =	vadd.f32 v29, v0  }
0xbe: {  	v32 =	vmul.f32 v28, v13;
	[tilespmem:s23+$0x6A60] =	vst v19;
	v19 =	vadd.f32 v30, v7  }
0xbf: {  	v33 =	vmul.f32 v28, v12;
	[tilespmem:s23+$0x6A70] =	vst v18;
	v18 =	vadd.f32 v31, v6  }
0xc0: {  	v34 =	vmul.f32 v28, v11;
	[tilespmem:s23+$0x6A80] =	vst v19;
	v19 =	vadd.f32 v32, v5  }
0xc1: {  	v35 =	vmul.f32 v28, v10;
	[tilespmem:s23+$0x6A90] =	vst v18;
	v18 =	vadd.f32 v33, v4  }
0xc2: {  	v36 =	vmul.f32 v28, v9;
	v37 =	vbroadcast v17, $0xE;
	[tilespmem:s23+$0x6AA0] =	vst v19;
	v19 =	vadd.f32 v34, v3  }
0xc3: {  	v38 =	vmul.f32 v28, v8;
	[tilespmem:s23+$0x6AB0] =	vst v18;
	v18 =	vadd.f32 v35, v2  }
0xc4: {  	v39 =	vmul.f32 v37, v15;
	[tilespmem:s23+$0x6AC0] =	vst v19;
	v19 =	vadd.f32 v36, v1  }
0xc5: {  	v40 =	vmul.f32 v37, v14;
	[tilespmem:s23+$0x6AD0] =	vst v18;
	v18 =	vadd.f32 v38, v0  }
0xc6: {  	v41 =	vmul.f32 v37, v13;
	[tilespmem:s23+$0x6AE0] =	vst v19;
	v19 =	vadd.f32 v39, v7  }
0xc7: {  	v42 =	vmul.f32 v37, v12;
	[tilespmem:s23+$0x6AF0] =	vst v18;
	v18 =	vadd.f32 v40, v6  }
0xc8: {  	v43 =	vmul.f32 v37, v11;
	[tilespmem:s23+$0x6B00] =	vst v19;
	v19 =	vadd.f32 v41, v5  }
0xc9: {  	v44 =	vmul.f32 v37, v10;
	[tilespmem:s23+$0x6B10] =	vst v18;
	v18 =	vadd.f32 v42, v4  }
0xca: {  	s24 =	sor.u32 $0x10, s22;
	v45 =	vmul.f32 v37, v9;
	v46 =	vbroadcast v17, $0xF;
	[tilespmem:s23+$0x6B20] =	vst v19;
	v19 =	vadd.f32 v43, v3  }
0xcb: {  	v17 =	vadd.f32 v44, v2;
	v47 =	vld.idx.msk [tilespmem:v16+s24+$0x0 ss:$0x1], $0xffff;
	[tilespmem:s23+$0x6B30] =	vst v18;
	v18 =	vmul.f32 v37, v8  }
0xcc: {  	v48 =	vmul.f32 v46, v15;
	[tilespmem:s23+$0x6B40] =	vst v19;
	v19 =	vadd.f32 v45, v1  }
0xcd: {  	[tilespmem:s23+$0x6B50] =	vst v17;
	v17 =	vadd.f32 v18, v0;
	v18 =	vmul.f32 v46, v14  }
0xce: {  	v49 =	vmul.f32 v46, v13;
	[tilespmem:s23+$0x6B60] =	vst v19;
	v19 =	vadd.f32 v48, v7  }
0xcf: {  	v50 =	vmul.f32 v46, v12;
	[tilespmem:s23+$0x6B70] =	vst v17;
	v18 =	vadd.f32 v18, v6  }
0xd0: {  	v51 =	vmul.f32 v46, v11;
	v17 =	vcvt.s32.f32 v47;
	[tilespmem:s23+$0x6B80] =	vst v19;
	v19 =	vadd.f32 v49, v5  }
0xd1: {  	v52 =	vmul.f32 v46, v10;
	[tilespmem:s23+$0x6B90] =	vst v18;
	v18 =	vadd.f32 v50, v4  }
0xd2: {  	v53 =	vmul.f32 v46, v9;
	v54 =	vbroadcast v17, $0x0;
	[tilespmem:s23+$0x6BA0] =	vst v19;
	v19 =	vadd.f32 v51, v3  }
0xd3: {  	v55 =	vmul.f32 v46, v8;
	[tilespmem:s23+$0x6BB0] =	vst v18;
	v18 =	vadd.f32 v52, v2  }
0xd4: {  	v56 =	vmul.f32 v54, v15;
	[tilespmem:s23+$0x6BC0] =	vst v19;
	v19 =	vadd.f32 v53, v1  }
0xd5: {  	v57 =	vmul.f32 v54, v14;
	[tilespmem:s23+$0x6BD0] =	vst v18;
	v18 =	vadd.f32 v55, v0  }
0xd6: {  	s24 =	sshll.u32 s24, $0x7;
	v58 =	vmul.f32 v54, v13;
	[tilespmem:s23+$0x6BE0] =	vst v19;
	v19 =	vadd.f32 v56, v7  }
0xd7: {  	s29 =	sand.u32 $0x3FFFF800, s24;
	v59 =	vmul.f32 v54, v12;
	[tilespmem:s23+$0x6BF0] =	vst v18;
	v18 =	vadd.f32 v57, v6  }
0xd8: {  	v60 =	vmul.f32 v54, v11;
	[tilespmem:s29+$0x6400] =	vst v19;
	v19 =	vadd.f32 v58, v5  }
0xd9: {  	v61 =	vmul.f32 v54, v10;
	[tilespmem:s29+$0x6410] =	vst v18;
	v18 =	vadd.f32 v59, v4  }
0xda: {  	v63 =	vbroadcast v17, $0x1;
	v62 =	vmul.f32 v54, v9;
	[tilespmem:s29+$0x6420] =	vst v19;
	v19 =	vadd.f32 v60, v3  }
0xdb: {  	v24 =	vmul.f32 v54, v8;
	[tilespmem:s29+$0x6430] =	vst v18;
	v18 =	vadd.f32 v61, v2  }
0xdc: {  	v25 =	vmul.f32 v63, v15;
	[tilespmem:s29+$0x6440] =	vst v19;
	v19 =	vadd.f32 v62, v1  }
0xdd: {  	v26 =	vmul.f32 v63, v14;
	[tilespmem:s29+$0x6450] =	vst v18;
	v18 =	vadd.f32 v24, v0  }
0xde: {  	v27 =	vmul.f32 v63, v13;
	[tilespmem:s29+$0x6460] =	vst v19;
	v19 =	vadd.f32 v25, v7  }
0xdf: {  	v28 =	vmul.f32 v63, v12;
	[tilespmem:s29+$0x6470] =	vst v18;
	v18 =	vadd.f32 v26, v6  }
0xe0: {  	v29 =	vmul.f32 v63, v11;
	[tilespmem:s29+$0x6480] =	vst v19;
	v19 =	vadd.f32 v27, v5  }
0xe1: {  	v30 =	vmul.f32 v63, v10;
	[tilespmem:s29+$0x6490] =	vst v18;
	v18 =	vadd.f32 v28, v4  }
0xe2: {  	v32 =	vbroadcast v17, $0x2;
	v31 =	vmul.f32 v63, v9;
	[tilespmem:s29+$0x64A0] =	vst v19;
	v19 =	vadd.f32 v29, v3  }
0xe3: {  	v33 =	vmul.f32 v63, v8;
	[tilespmem:s29+$0x64B0] =	vst v18;
	v18 =	vadd.f32 v30, v2  }
0xe4: {  	v34 =	vmul.f32 v32, v15;
	[tilespmem:s29+$0x64C0] =	vst v19;
	v19 =	vadd.f32 v31, v1  }
0xe5: {  	v35 =	vmul.f32 v32, v14;
	[tilespmem:s29+$0x64D0] =	vst v18;
	v18 =	vadd.f32 v33, v0  }
0xe6: {  	v36 =	vmul.f32 v32, v13;
	[tilespmem:s29+$0x64E0] =	vst v19;
	v19 =	vadd.f32 v34, v7  }
0xe7: {  	v37 =	vmul.f32 v32, v12;
	[tilespmem:s29+$0x64F0] =	vst v18;
	v18 =	vadd.f32 v35, v6  }
0xe8: {  	v38 =	vmul.f32 v32, v11;
	[tilespmem:s29+$0x6500] =	vst v19;
	v19 =	vadd.f32 v36, v5  }
0xe9: {  	v39 =	vmul.f32 v32, v10;
	[tilespmem:s29+$0x6510] =	vst v18;
	v18 =	vadd.f32 v37, v4  }
0xea: {  	v41 =	vbroadcast v17, $0x3;
	v40 =	vmul.f32 v32, v9;
	[tilespmem:s29+$0x6520] =	vst v19;
	v19 =	vadd.f32 v38, v3  }
0xeb: {  	v42 =	vmul.f32 v32, v8;
	[tilespmem:s29+$0x6530] =	vst v18;
	v18 =	vadd.f32 v39, v2  }
0xec: {  	v43 =	vmul.f32 v41, v15;
	[tilespmem:s29+$0x6540] =	vst v19;
	v19 =	vadd.f32 v40, v1  }
0xed: {  	v44 =	vmul.f32 v41, v14;
	[tilespmem:s29+$0x6550] =	vst v18;
	v18 =	vadd.f32 v42, v0  }
0xee: {  	v45 =	vmul.f32 v41, v13;
	[tilespmem:s29+$0x6560] =	vst v19;
	v19 =	vadd.f32 v43, v7  }
0xef: {  	v46 =	vmul.f32 v41, v12;
	[tilespmem:s29+$0x6570] =	vst v18;
	v18 =	vadd.f32 v44, v6  }
0xf0: {  	v47 =	vmul.f32 v41, v11;
	[tilespmem:s29+$0x6580] =	vst v19;
	v19 =	vadd.f32 v45, v5  }
0xf1: {  	v48 =	vmul.f32 v41, v10;
	[tilespmem:s29+$0x6590] =	vst v18;
	v18 =	vadd.f32 v46, v4  }
0xf2: {  	v50 =	vbroadcast v17, $0x4;
	v49 =	vmul.f32 v41, v9;
	[tilespmem:s29+$0x65A0] =	vst v19;
	v19 =	vadd.f32 v47, v3  }
0xf3: {  	v51 =	vmul.f32 v41, v8;
	[tilespmem:s29+$0x65B0] =	vst v18;
	v18 =	vadd.f32 v48, v2  }
0xf4: {  	v52 =	vmul.f32 v50, v15;
	[tilespmem:s29+$0x65C0] =	vst v19;
	v19 =	vadd.f32 v49, v1  }
0xf5: {  	v53 =	vmul.f32 v50, v14;
	[tilespmem:s29+$0x65D0] =	vst v18;
	v18 =	vadd.f32 v51, v0  }
0xf6: {  	v54 =	vmul.f32 v50, v13;
	[tilespmem:s29+$0x65E0] =	vst v19;
	v19 =	vadd.f32 v52, v7  }
0xf7: {  	v55 =	vmul.f32 v50, v12;
	[tilespmem:s29+$0x65F0] =	vst v18;
	v18 =	vadd.f32 v53, v6  }
0xf8: {  	v56 =	vmul.f32 v50, v11;
	[tilespmem:s29+$0x6600] =	vst v19;
	v19 =	vadd.f32 v54, v5  }
0xf9: {  	v57 =	vmul.f32 v50, v10;
	[tilespmem:s29+$0x6610] =	vst v18;
	v18 =	vadd.f32 v55, v4  }
0xfa: {  	v58 =	vmul.f32 v50, v9;
	v59 =	vbroadcast v17, $0x5;
	[tilespmem:s29+$0x6620] =	vst v19;
	v19 =	vadd.f32 v56, v3  }
0xfb: {  	v60 =	vmul.f32 v50, v8;
	[tilespmem:s29+$0x6630] =	vst v18;
	v18 =	vadd.f32 v57, v2  }
0xfc: {  	v61 =	vmul.f32 v59, v15;
	[tilespmem:s29+$0x6640] =	vst v19;
	v19 =	vadd.f32 v58, v1  }
0xfd: {  	v62 =	vmul.f32 v59, v14;
	[tilespmem:s29+$0x6650] =	vst v18;
	v18 =	vadd.f32 v60, v0  }
0xfe: {  	v63 =	vmul.f32 v59, v13;
	[tilespmem:s29+$0x6660] =	vst v19;
	v19 =	vadd.f32 v61, v7  }
0xff: {  	v24 =	vmul.f32 v59, v12;
	[tilespmem:s29+$0x6670] =	vst v18;
	v18 =	vadd.f32 v62, v6  }
0x100: {  	v25 =	vmul.f32 v59, v11;
	[tilespmem:s29+$0x6680] =	vst v19;
	v19 =	vadd.f32 v63, v5  }
0x101: {  	v26 =	vmul.f32 v59, v10;
	[tilespmem:s29+$0x6690] =	vst v18;
	v18 =	vadd.f32 v24, v4  }
0x102: {  	v27 =	vmul.f32 v59, v9;
	v28 =	vbroadcast v17, $0x6;
	[tilespmem:s29+$0x66A0] =	vst v19;
	v19 =	vadd.f32 v25, v3  }
0x103: {  	v29 =	vmul.f32 v59, v8;
	[tilespmem:s29+$0x66B0] =	vst v18;
	v18 =	vadd.f32 v26, v2  }
0x104: {  	v30 =	vmul.f32 v28, v15;
	[tilespmem:s29+$0x66C0] =	vst v19;
	v19 =	vadd.f32 v27, v1  }
0x105: {  	v31 =	vmul.f32 v28, v14;
	[tilespmem:s29+$0x66D0] =	vst v18;
	v18 =	vadd.f32 v29, v0  }
0x106: {  	v32 =	vmul.f32 v28, v13;
	[tilespmem:s29+$0x66E0] =	vst v19;
	v19 =	vadd.f32 v30, v7  }
0x107: {  	v33 =	vmul.f32 v28, v12;
	[tilespmem:s29+$0x66F0] =	vst v18;
	v18 =	vadd.f32 v31, v6  }
0x108: {  	v34 =	vmul.f32 v28, v11;
	[tilespmem:s29+$0x6700] =	vst v19;
	v19 =	vadd.f32 v32, v5  }
0x109: {  	v35 =	vmul.f32 v28, v10;
	[tilespmem:s29+$0x6710] =	vst v18;
	v18 =	vadd.f32 v33, v4  }
0x10a: {  	v36 =	vmul.f32 v28, v9;
	v37 =	vbroadcast v17, $0x7;
	[tilespmem:s29+$0x6720] =	vst v19;
	v19 =	vadd.f32 v34, v3  }
0x10b: {  	v38 =	vmul.f32 v28, v8;
	[tilespmem:s29+$0x6730] =	vst v18;
	v18 =	vadd.f32 v35, v2  }
0x10c: {  	v39 =	vmul.f32 v37, v15;
	[tilespmem:s29+$0x6740] =	vst v19;
	v19 =	vadd.f32 v36, v1  }
0x10d: {  	v40 =	vmul.f32 v37, v14;
	[tilespmem:s29+$0x6750] =	vst v18;
	v18 =	vadd.f32 v38, v0  }
0x10e: {  	v41 =	vmul.f32 v37, v13;
	[tilespmem:s29+$0x6760] =	vst v19;
	v19 =	vadd.f32 v39, v7  }
0x10f: {  	v42 =	vmul.f32 v37, v12;
	[tilespmem:s29+$0x6770] =	vst v18;
	v18 =	vadd.f32 v40, v6  }
0x110: {  	v43 =	vmul.f32 v37, v11;
	[tilespmem:s29+$0x6780] =	vst v19;
	v19 =	vadd.f32 v41, v5  }
0x111: {  	v44 =	vmul.f32 v37, v10;
	[tilespmem:s29+$0x6790] =	vst v18;
	v18 =	vadd.f32 v42, v4  }
0x112: {  	v45 =	vmul.f32 v37, v9;
	v46 =	vbroadcast v17, $0x8;
	[tilespmem:s29+$0x67A0] =	vst v19;
	v19 =	vadd.f32 v43, v3  }
0x113: {  	v47 =	vmul.f32 v37, v8;
	[tilespmem:s29+$0x67B0] =	vst v18;
	v18 =	vadd.f32 v44, v2  }
0x114: {  	v48 =	vmul.f32 v46, v15;
	[tilespmem:s29+$0x67C0] =	vst v19;
	v19 =	vadd.f32 v45, v1  }
0x115: {  	v49 =	vmul.f32 v46, v14;
	[tilespmem:s29+$0x67D0] =	vst v18;
	v18 =	vadd.f32 v47, v0  }
0x116: {  	v50 =	vmul.f32 v46, v13;
	[tilespmem:s29+$0x67E0] =	vst v19;
	v19 =	vadd.f32 v48, v7  }
0x117: {  	v51 =	vmul.f32 v46, v12;
	[tilespmem:s29+$0x67F0] =	vst v18;
	v18 =	vadd.f32 v49, v6  }
0x118: {  	v52 =	vmul.f32 v46, v11;
	[tilespmem:s29+$0x6800] =	vst v19;
	v19 =	vadd.f32 v50, v5  }
0x119: {  	v53 =	vmul.f32 v46, v10;
	[tilespmem:s29+$0x6810] =	vst v18;
	v18 =	vadd.f32 v51, v4  }
0x11a: {  	v54 =	vmul.f32 v46, v9;
	v55 =	vbroadcast v17, $0x9;
	[tilespmem:s29+$0x6820] =	vst v19;
	v19 =	vadd.f32 v52, v3  }
0x11b: {  	v56 =	vmul.f32 v46, v8;
	[tilespmem:s29+$0x6830] =	vst v18;
	v18 =	vadd.f32 v53, v2  }
0x11c: {  	v57 =	vmul.f32 v55, v15;
	[tilespmem:s29+$0x6840] =	vst v19;
	v19 =	vadd.f32 v54, v1  }
0x11d: {  	v58 =	vmul.f32 v55, v14;
	[tilespmem:s29+$0x6850] =	vst v18;
	v18 =	vadd.f32 v56, v0  }
0x11e: {  	v59 =	vmul.f32 v55, v13;
	[tilespmem:s29+$0x6860] =	vst v19;
	v19 =	vadd.f32 v57, v7  }
0x11f: {  	v60 =	vmul.f32 v55, v12;
	[tilespmem:s29+$0x6870] =	vst v18;
	v18 =	vadd.f32 v58, v6  }
0x120: {  	v61 =	vmul.f32 v55, v11;
	[tilespmem:s29+$0x6880] =	vst v19;
	v19 =	vadd.f32 v59, v5  }
0x121: {  	v62 =	vmul.f32 v55, v10;
	[tilespmem:s29+$0x6890] =	vst v18;
	v18 =	vadd.f32 v60, v4  }
0x122: {  	v63 =	vmul.f32 v55, v9;
	v24 =	vbroadcast v17, $0xA;
	[tilespmem:s29+$0x68A0] =	vst v19;
	v19 =	vadd.f32 v61, v3  }
0x123: {  	v25 =	vmul.f32 v55, v8;
	[tilespmem:s29+$0x68B0] =	vst v18;
	v18 =	vadd.f32 v62, v2  }
0x124: {  	v26 =	vmul.f32 v24, v15;
	[tilespmem:s29+$0x68C0] =	vst v19;
	v19 =	vadd.f32 v63, v1  }
0x125: {  	v27 =	vmul.f32 v24, v14;
	[tilespmem:s29+$0x68D0] =	vst v18;
	v18 =	vadd.f32 v25, v0  }
0x126: {  	v28 =	vmul.f32 v24, v13;
	[tilespmem:s29+$0x68E0] =	vst v19;
	v19 =	vadd.f32 v26, v7  }
0x127: {  	v29 =	vmul.f32 v24, v12;
	[tilespmem:s29+$0x68F0] =	vst v18;
	v18 =	vadd.f32 v27, v6  }
0x128: {  	v30 =	vmul.f32 v24, v11;
	[tilespmem:s29+$0x6900] =	vst v19;
	v19 =	vadd.f32 v28, v5  }
0x129: {  	v31 =	vmul.f32 v24, v10;
	[tilespmem:s29+$0x6910] =	vst v18;
	v18 =	vadd.f32 v29, v4  }
0x12a: {  	v32 =	vmul.f32 v24, v9;
	v33 =	vbroadcast v17, $0xB;
	[tilespmem:s29+$0x6920] =	vst v19;
	v19 =	vadd.f32 v30, v3  }
0x12b: {  	v34 =	vmul.f32 v24, v8;
	[tilespmem:s29+$0x6930] =	vst v18;
	v18 =	vadd.f32 v31, v2  }
0x12c: {  	v35 =	vmul.f32 v33, v15;
	[tilespmem:s29+$0x6940] =	vst v19;
	v19 =	vadd.f32 v32, v1  }
0x12d: {  	v36 =	vmul.f32 v33, v14;
	[tilespmem:s29+$0x6950] =	vst v18;
	v18 =	vadd.f32 v34, v0  }
0x12e: {  	v37 =	vmul.f32 v33, v13;
	[tilespmem:s29+$0x6960] =	vst v19;
	v19 =	vadd.f32 v35, v7  }
0x12f: {  	v38 =	vmul.f32 v33, v12;
	[tilespmem:s29+$0x6970] =	vst v18;
	v18 =	vadd.f32 v36, v6  }
0x130: {  	v39 =	vmul.f32 v33, v11;
	[tilespmem:s29+$0x6980] =	vst v19;
	v19 =	vadd.f32 v37, v5  }
0x131: {  	v40 =	vmul.f32 v33, v10;
	[tilespmem:s29+$0x6990] =	vst v18;
	v18 =	vadd.f32 v38, v4  }
0x132: {  	v41 =	vmul.f32 v33, v9;
	v42 =	vbroadcast v17, $0xC;
	[tilespmem:s29+$0x69A0] =	vst v19;
	v19 =	vadd.f32 v39, v3  }
0x133: {  	v43 =	vmul.f32 v33, v8;
	[tilespmem:s29+$0x69B0] =	vst v18;
	v18 =	vadd.f32 v40, v2  }
0x134: {  	v44 =	vmul.f32 v42, v15;
	[tilespmem:s29+$0x69C0] =	vst v19;
	v19 =	vadd.f32 v41, v1  }
0x135: {  	v45 =	vmul.f32 v42, v14;
	[tilespmem:s29+$0x69D0] =	vst v18;
	v18 =	vadd.f32 v43, v0  }
0x136: {  	v46 =	vmul.f32 v42, v13;
	[tilespmem:s29+$0x69E0] =	vst v19;
	v19 =	vadd.f32 v44, v7  }
0x137: {  	v47 =	vmul.f32 v42, v12;
	[tilespmem:s29+$0x69F0] =	vst v18;
	v18 =	vadd.f32 v45, v6  }
0x138: {  	v48 =	vmul.f32 v42, v11;
	[tilespmem:s29+$0x6A00] =	vst v19;
	v19 =	vadd.f32 v46, v5  }
0x139: {  	v49 =	vmul.f32 v42, v10;
	[tilespmem:s29+$0x6A10] =	vst v18;
	v18 =	vadd.f32 v47, v4  }
0x13a: {  	v50 =	vmul.f32 v42, v9;
	v51 =	vbroadcast v17, $0xD;
	[tilespmem:s29+$0x6A20] =	vst v19;
	v19 =	vadd.f32 v48, v3  }
0x13b: {  	v52 =	vmul.f32 v42, v8;
	[tilespmem:s29+$0x6A30] =	vst v18;
	v18 =	vadd.f32 v49, v2  }
0x13c: {  	v53 =	vmul.f32 v51, v15;
	[tilespmem:s29+$0x6A40] =	vst v19;
	v19 =	vadd.f32 v50, v1  }
0x13d: {  	v54 =	vmul.f32 v51, v14;
	[tilespmem:s29+$0x6A50] =	vst v18;
	v18 =	vadd.f32 v52, v0  }
0x13e: {  	v55 =	vmul.f32 v51, v13;
	[tilespmem:s29+$0x6A60] =	vst v19;
	v19 =	vadd.f32 v53, v7  }
0x13f: {  	v56 =	vmul.f32 v51, v12;
	[tilespmem:s29+$0x6A70] =	vst v18;
	v18 =	vadd.f32 v54, v6  }
0x140: {  	v57 =	vmul.f32 v51, v11;
	[tilespmem:s29+$0x6A80] =	vst v19;
	v19 =	vadd.f32 v55, v5  }
0x141: {  	v58 =	vmul.f32 v51, v10;
	[tilespmem:s29+$0x6A90] =	vst v18;
	v18 =	vadd.f32 v56, v4  }
0x142: {  	v59 =	vmul.f32 v51, v9;
	v60 =	vbroadcast v17, $0xE;
	[tilespmem:s29+$0x6AA0] =	vst v19;
	v19 =	vadd.f32 v57, v3  }
0x143: {  	v61 =	vmul.f32 v51, v8;
	[tilespmem:s29+$0x6AB0] =	vst v18;
	v18 =	vadd.f32 v58, v2  }
0x144: {  	v62 =	vmul.f32 v60, v15;
	[tilespmem:s29+$0x6AC0] =	vst v19;
	v19 =	vadd.f32 v59, v1  }
0x145: {  	v63 =	vmul.f32 v60, v14;
	[tilespmem:s29+$0x6AD0] =	vst v18;
	v18 =	vadd.f32 v61, v0  }
0x146: {  	v24 =	vmul.f32 v60, v13;
	[tilespmem:s29+$0x6AE0] =	vst v19;
	v19 =	vadd.f32 v62, v7  }
0x147: {  	v25 =	vmul.f32 v60, v12;
	[tilespmem:s29+$0x6AF0] =	vst v18;
	v18 =	vadd.f32 v63, v6  }
0x148: {  	v26 =	vmul.f32 v60, v11;
	[tilespmem:s29+$0x6B00] =	vst v19;
	v19 =	vadd.f32 v24, v5  }
0x149: {  	v27 =	vmul.f32 v60, v10;
	[tilespmem:s29+$0x6B10] =	vst v18;
	v18 =	vadd.f32 v25, v4  }
0x14a: {  	s30 =	sor.u32 $0x20, s22;
	v28 =	vmul.f32 v60, v9;
	v29 =	vbroadcast v17, $0xF;
	[tilespmem:s29+$0x6B20] =	vst v19;
	v19 =	vadd.f32 v26, v3  }
0x14b: {  	v17 =	vadd.f32 v27, v2;
	v30 =	vld.idx.msk [tilespmem:v16+s30+$0x0 ss:$0x1], $0xffff;
	[tilespmem:s29+$0x6B30] =	vst v18;
	v18 =	vmul.f32 v60, v8  }
0x14c: {  	v31 =	vmul.f32 v29, v15;
	[tilespmem:s29+$0x6B40] =	vst v19;
	v19 =	vadd.f32 v28, v1  }
0x14d: {  	[tilespmem:s29+$0x6B50] =	vst v17;
	v17 =	vadd.f32 v18, v0;
	v18 =	vmul.f32 v29, v14  }
0x14e: {  	v32 =	vmul.f32 v29, v13;
	[tilespmem:s29+$0x6B60] =	vst v19;
	v19 =	vadd.f32 v31, v7  }
0x14f: {  	v33 =	vmul.f32 v29, v12;
	[tilespmem:s29+$0x6B70] =	vst v17;
	v18 =	vadd.f32 v18, v6  }
0x150: {  	v34 =	vmul.f32 v29, v11;
	v17 =	vcvt.s32.f32 v30;
	[tilespmem:s29+$0x6B80] =	vst v19;
	v19 =	vadd.f32 v32, v5  }
0x151: {  	v35 =	vmul.f32 v29, v10;
	[tilespmem:s29+$0x6B90] =	vst v18;
	v18 =	vadd.f32 v33, v4  }
0x152: {  	v36 =	vmul.f32 v29, v9;
	v37 =	vbroadcast v17, $0x0;
	[tilespmem:s29+$0x6BA0] =	vst v19;
	v19 =	vadd.f32 v34, v3  }
0x153: {  	v38 =	vmul.f32 v29, v8;
	[tilespmem:s29+$0x6BB0] =	vst v18;
	v18 =	vadd.f32 v35, v2  }
0x154: {  	v39 =	vmul.f32 v37, v15;
	[tilespmem:s29+$0x6BC0] =	vst v19;
	v19 =	vadd.f32 v36, v1  }
0x155: {  	v40 =	vmul.f32 v37, v14;
	[tilespmem:s29+$0x6BD0] =	vst v18;
	v18 =	vadd.f32 v38, v0  }
0x156: {  	s24 =	sshll.u32 s30, $0x7;
	v41 =	vmul.f32 v37, v13;
	[tilespmem:s29+$0x6BE0] =	vst v19;
	v19 =	vadd.f32 v39, v7  }
0x157: {  	s31 =	sand.u32 $0x3FFFF800, s24;
	v42 =	vmul.f32 v37, v12;
	[tilespmem:s29+$0x6BF0] =	vst v18;
	v18 =	vadd.f32 v40, v6  }
0x158: {  	v43 =	vmul.f32 v37, v11;
	[tilespmem:s31+$0x6400] =	vst v19;
	v19 =	vadd.f32 v41, v5  }
0x159: {  	v44 =	vmul.f32 v37, v10;
	[tilespmem:s31+$0x6410] =	vst v18;
	v18 =	vadd.f32 v42, v4  }
0x15a: {  	v46 =	vbroadcast v17, $0x1;
	v45 =	vmul.f32 v37, v9;
	[tilespmem:s31+$0x6420] =	vst v19;
	v19 =	vadd.f32 v43, v3  }
0x15b: {  	v47 =	vmul.f32 v37, v8;
	[tilespmem:s31+$0x6430] =	vst v18;
	v18 =	vadd.f32 v44, v2  }
0x15c: {  	v48 =	vmul.f32 v46, v15;
	[tilespmem:s31+$0x6440] =	vst v19;
	v19 =	vadd.f32 v45, v1  }
0x15d: {  	v49 =	vmul.f32 v46, v14;
	[tilespmem:s31+$0x6450] =	vst v18;
	v18 =	vadd.f32 v47, v0  }
0x15e: {  	v50 =	vmul.f32 v46, v13;
	[tilespmem:s31+$0x6460] =	vst v19;
	v19 =	vadd.f32 v48, v7  }
0x15f: {  	v51 =	vmul.f32 v46, v12;
	[tilespmem:s31+$0x6470] =	vst v18;
	v18 =	vadd.f32 v49, v6  }
0x160: {  	v52 =	vmul.f32 v46, v11;
	[tilespmem:s31+$0x6480] =	vst v19;
	v19 =	vadd.f32 v50, v5  }
0x161: {  	v53 =	vmul.f32 v46, v10;
	[tilespmem:s31+$0x6490] =	vst v18;
	v18 =	vadd.f32 v51, v4  }
0x162: {  	v55 =	vbroadcast v17, $0x2;
	v54 =	vmul.f32 v46, v9;
	[tilespmem:s31+$0x64A0] =	vst v19;
	v19 =	vadd.f32 v52, v3  }
0x163: {  	v56 =	vmul.f32 v46, v8;
	[tilespmem:s31+$0x64B0] =	vst v18;
	v18 =	vadd.f32 v53, v2  }
0x164: {  	v57 =	vmul.f32 v55, v15;
	[tilespmem:s31+$0x64C0] =	vst v19;
	v19 =	vadd.f32 v54, v1  }
0x165: {  	v58 =	vmul.f32 v55, v14;
	[tilespmem:s31+$0x64D0] =	vst v18;
	v18 =	vadd.f32 v56, v0  }
0x166: {  	v59 =	vmul.f32 v55, v13;
	[tilespmem:s31+$0x64E0] =	vst v19;
	v19 =	vadd.f32 v57, v7  }
0x167: {  	v60 =	vmul.f32 v55, v12;
	[tilespmem:s31+$0x64F0] =	vst v18;
	v18 =	vadd.f32 v58, v6  }
0x168: {  	v21 =	vadd.f32 v59, v5;
	[tilespmem:s31+$0x6500] =	vst v19;
	v19 =	vmul.f32 v55, v11  }
0x169: {  	v61 =	vmul.f32 v55, v10;
	[tilespmem:s31+$0x6510] =	vst v18;
	v18 =	vadd.f32 v60, v4  }
0x16a: {  	v62 =	vbroadcast v17, $0x3;
	v63 =	vmul.f32 v55, v9;
	[tilespmem:s31+$0x6520] =	vst v21;
	v19 =	vadd.f32 v19, v3  }
0x16b: {  	v24 =	vmul.f32 v55, v8;
	[tilespmem:s31+$0x6530] =	vst v18;
	v18 =	vadd.f32 v61, v2  }
0x16c: {  	v25 =	vadd.f32 v63, v1;
	[tilespmem:s31+$0x6540] =	vst v19;
	v19 =	vmul.f32 v62, v15  }
0x16d: {  	v26 =	vmul.f32 v62, v14;
	[tilespmem:s31+$0x6550] =	vst v18;
	v18 =	vadd.f32 v24, v0  }
0x16e: {  	v27 =	vmul.f32 v62, v13;
	[tilespmem:s31+$0x6560] =	vst v25;
	v19 =	vadd.f32 v19, v7  }
0x16f: {  	v28 =	vmul.f32 v62, v12;
	[tilespmem:s31+$0x6570] =	vst v18;
	v18 =	vadd.f32 v26, v6  }
0x170: {  	v22 =	vadd.f32 v27, v5;
	[tilespmem:s31+$0x6580] =	vst v19;
	v19 =	vmul.f32 v62, v11  }
0x171: {  	v29 =	vmul.f32 v62, v10;
	[tilespmem:s31+$0x6590] =	vst v18;
	v18 =	vadd.f32 v28, v4  }
0x172: {  	v30 =	vbroadcast v17, $0x4;
	v31 =	vmul.f32 v62, v9;
	[tilespmem:s31+$0x65A0] =	vst v22;
	v19 =	vadd.f32 v19, v3  }
0x173: {  	v32 =	vmul.f32 v62, v8;
	[tilespmem:s31+$0x65B0] =	vst v18;
	v18 =	vadd.f32 v29, v2  }
0x174: {  	v33 =	vadd.f32 v31, v1;
	[tilespmem:s31+$0x65C0] =	vst v19;
	v19 =	vmul.f32 v30, v15  }
0x175: {  	v34 =	vmul.f32 v30, v14;
	[tilespmem:s31+$0x65D0] =	vst v18;
	v18 =	vadd.f32 v32, v0  }
0x176: {  	v35 =	vmul.f32 v30, v13;
	[tilespmem:s31+$0x65E0] =	vst v33;
	v19 =	vadd.f32 v19, v7  }
0x177: {  	v36 =	vmul.f32 v30, v12;
	[tilespmem:s31+$0x65F0] =	vst v18;
	v18 =	vadd.f32 v34, v6  }
0x178: {  	v21 =	vadd.f32 v35, v5;
	[tilespmem:s31+$0x6600] =	vst v19;
	v19 =	vmul.f32 v30, v11  }
0x179: {  	v37 =	vmul.f32 v30, v10;
	[tilespmem:s31+$0x6610] =	vst v18;
	v18 =	vadd.f32 v36, v4  }
0x17a: {  	v38 =	vbroadcast v17, $0x5;
	v39 =	vmul.f32 v30, v9;
	[tilespmem:s31+$0x6620] =	vst v21;
	v19 =	vadd.f32 v19, v3  }
0x17b: {  	v40 =	vmul.f32 v30, v8;
	[tilespmem:s31+$0x6630] =	vst v18;
	v18 =	vadd.f32 v37, v2  }
0x17c: {  	v41 =	vadd.f32 v39, v1;
	[tilespmem:s31+$0x6640] =	vst v19;
	v19 =	vmul.f32 v38, v15  }
0x17d: {  	v42 =	vmul.f32 v38, v14;
	[tilespmem:s31+$0x6650] =	vst v18;
	v18 =	vadd.f32 v40, v0  }
0x17e: {  	[tilespmem:s31+$0x6660] =	vst v41;
	v43 =	vmul.f32 v38, v13;
	v19 =	vadd.f32 v19, v7  }
0x17f: {  	v44 =	vmul.f32 v38, v12;
	[tilespmem:s31+$0x6670] =	vst v18;
	v18 =	vadd.f32 v42, v6  }
0x180: {  	v22 =	vadd.f32 v43, v5;
	[tilespmem:s31+$0x6680] =	vst v19;
	v19 =	vmul.f32 v38, v11  }
0x181: {  	v45 =	vmul.f32 v38, v10;
	[tilespmem:s31+$0x6690] =	vst v18;
	v18 =	vadd.f32 v44, v4  }
0x182: {  	v46 =	vbroadcast v17, $0x6;
	v47 =	vmul.f32 v38, v9;
	[tilespmem:s31+$0x66A0] =	vst v22;
	v19 =	vadd.f32 v19, v3  }
0x183: {  	v48 =	vmul.f32 v38, v8;
	[tilespmem:s31+$0x66B0] =	vst v18;
	v18 =	vadd.f32 v45, v2  }
0x184: {  	v49 =	vadd.f32 v47, v1;
	[tilespmem:s31+$0x66C0] =	vst v19;
	v19 =	vmul.f32 v46, v15  }
0x185: {  	v50 =	vmul.f32 v46, v14;
	[tilespmem:s31+$0x66D0] =	vst v18;
	v18 =	vadd.f32 v48, v0  }
0x186: {  	[tilespmem:s31+$0x66E0] =	vst v49;
	v51 =	vmul.f32 v46, v13;
	v19 =	vadd.f32 v19, v7  }
0x187: {  	v52 =	vmul.f32 v46, v12;
	[tilespmem:s31+$0x66F0] =	vst v18;
	v18 =	vadd.f32 v50, v6  }
0x188: {  	v21 =	vadd.f32 v51, v5;
	v54 =	vbroadcast v17, $0x7;
	[tilespmem:s31+$0x6700] =	vst v19;
	v19 =	vmul.f32 v46, v11  }
0x189: {  	v53 =	vmul.f32 v46, v10;
	[tilespmem:s31+$0x6710] =	vst v18;
	v18 =	vadd.f32 v52, v4  }
0x18a: {  	[tilespmem:s31+$0x6720] =	vst v21;
	v59 =	vmul.f32 v54, v13;
	v19 =	vadd.f32 v19, v3  }
0x18b: {  	v56 =	vmul.f32 v46, v8;
	[tilespmem:s31+$0x6730] =	vst v18;
	v18 =	vadd.f32 v53, v2  }
0x18c: {  	v22 =	vadd.f32 v59, v5;
	[tilespmem:s31+$0x6740] =	vst v19;
	v19 =	vmul.f32 v54, v15  }
0x18d: {  	v58 =	vmul.f32 v54, v14;
	[tilespmem:s31+$0x6750] =	vst v18;
	v18 =	vadd.f32 v56, v0  }
0x18e: {  	v63 =	vmul.f32 v54, v9;
	[tilespmem:s31+$0x67A0] =	vst v22;
	v19 =	vadd.f32 v19, v7  }
0x18f: {  	v60 =	vmul.f32 v54, v12;
	[tilespmem:s31+$0x6770] =	vst v18;
	v18 =	vadd.f32 v58, v6  }
0x190: {  	v25 =	vadd.f32 v63, v1;
	[tilespmem:s31+$0x6780] =	vst v19;
	v19 =	vmul.f32 v54, v11  }
0x191: {  	v61 =	vmul.f32 v54, v10;
	[tilespmem:s31+$0x6790] =	vst v18;
	v18 =	vadd.f32 v60, v4  }
0x192: {  	v55 =	vmul.f32 v46, v9;
	[tilespmem:s31+$0x67E0] =	vst v25;
	v62 =	vbroadcast v17, $0x8;
	v19 =	vadd.f32 v19, v3  }
0x193: {  	v24 =	vmul.f32 v54, v8;
	[tilespmem:s31+$0x67B0] =	vst v18;
	v18 =	vadd.f32 v61, v2  }
0x194: {  	v57 =	vadd.f32 v55, v1;
	[tilespmem:s31+$0x67C0] =	vst v19;
	v19 =	vmul.f32 v62, v15  }
0x195: {  	v26 =	vmul.f32 v62, v14;
	[tilespmem:s31+$0x67D0] =	vst v18;
	v18 =	vadd.f32 v24, v0  }
0x196: {  	[tilespmem:s31+$0x6760] =	vst v57;
	v27 =	vmul.f32 v62, v13;
	v19 =	vadd.f32 v19, v7  }
0x197: {  	v28 =	vmul.f32 v62, v12;
	[tilespmem:s31+$0x67F0] =	vst v18;
	v18 =	vadd.f32 v26, v6  }
0x198: {  	v21 =	vadd.f32 v27, v5;
	[tilespmem:s31+$0x6800] =	vst v19;
	v19 =	vmul.f32 v62, v11  }
0x199: {  	v29 =	vmul.f32 v62, v10;
	[tilespmem:s31+$0x6810] =	vst v18;
	v18 =	vadd.f32 v28, v4  }
0x19a: {  	v31 =	vmul.f32 v62, v9;
	[tilespmem:s31+$0x6820] =	vst v21;
	v30 =	vbroadcast v17, $0x9;
	v19 =	vadd.f32 v19, v3  }
0x19b: {  	v32 =	vmul.f32 v62, v8;
	[tilespmem:s31+$0x6830] =	vst v18;
	v18 =	vadd.f32 v29, v2  }
0x19c: {  	v33 =	vadd.f32 v31, v1;
	[tilespmem:s31+$0x6840] =	vst v19;
	v19 =	vmul.f32 v30, v15  }
0x19d: {  	v34 =	vmul.f32 v30, v14;
	[tilespmem:s31+$0x6850] =	vst v18;
	v18 =	vadd.f32 v32, v0  }
0x19e: {  	[tilespmem:s31+$0x6860] =	vst v33;
	v35 =	vmul.f32 v30, v13;
	v19 =	vadd.f32 v19, v7  }
0x19f: {  	v36 =	vmul.f32 v30, v12;
	[tilespmem:s31+$0x6870] =	vst v18;
	v18 =	vadd.f32 v34, v6  }
0x1a0: {  	v22 =	vadd.f32 v35, v5;
	[tilespmem:s31+$0x6880] =	vst v19;
	v19 =	vmul.f32 v30, v11  }
0x1a1: {  	v37 =	vmul.f32 v30, v10;
	[tilespmem:s31+$0x6890] =	vst v18;
	v18 =	vadd.f32 v36, v4  }
0x1a2: {  	v39 =	vmul.f32 v30, v9;
	[tilespmem:s31+$0x68A0] =	vst v22;
	v38 =	vbroadcast v17, $0xA;
	v19 =	vadd.f32 v19, v3  }
0x1a3: {  	v40 =	vmul.f32 v30, v8;
	[tilespmem:s31+$0x68B0] =	vst v18;
	v18 =	vadd.f32 v37, v2  }
0x1a4: {  	v41 =	vadd.f32 v39, v1;
	[tilespmem:s31+$0x68C0] =	vst v19;
	v19 =	vmul.f32 v38, v15  }
0x1a5: {  	v42 =	vmul.f32 v38, v14;
	[tilespmem:s31+$0x68D0] =	vst v18;
	v18 =	vadd.f32 v40, v0  }
0x1a6: {  	[tilespmem:s31+$0x68E0] =	vst v41;
	v43 =	vmul.f32 v38, v13;
	v19 =	vadd.f32 v19, v7  }
0x1a7: {  	v44 =	vmul.f32 v38, v12;
	[tilespmem:s31+$0x68F0] =	vst v18;
	v18 =	vadd.f32 v42, v6  }
0x1a8: {  	v21 =	vadd.f32 v43, v5;
	[tilespmem:s31+$0x6900] =	vst v19;
	v19 =	vmul.f32 v38, v11  }
0x1a9: {  	v45 =	vmul.f32 v38, v10;
	[tilespmem:s31+$0x6910] =	vst v18;
	v18 =	vadd.f32 v44, v4  }
0x1aa: {  	v47 =	vmul.f32 v38, v9;
	[tilespmem:s31+$0x6920] =	vst v21;
	v46 =	vbroadcast v17, $0xB;
	v19 =	vadd.f32 v19, v3  }
0x1ab: {  	v48 =	vmul.f32 v38, v8;
	[tilespmem:s31+$0x6930] =	vst v18;
	v18 =	vadd.f32 v45, v2  }
0x1ac: {  	v49 =	vadd.f32 v47, v1;
	[tilespmem:s31+$0x6940] =	vst v19;
	v19 =	vmul.f32 v46, v15  }
0x1ad: {  	v50 =	vmul.f32 v46, v14;
	[tilespmem:s31+$0x6950] =	vst v18;
	v18 =	vadd.f32 v48, v0  }
0x1ae: {  	[tilespmem:s31+$0x6960] =	vst v49;
	v51 =	vmul.f32 v46, v13;
	v19 =	vadd.f32 v19, v7  }
0x1af: {  	v52 =	vmul.f32 v46, v12;
	[tilespmem:s31+$0x6970] =	vst v18;
	v18 =	vadd.f32 v50, v6  }
0x1b0: {  	v22 =	vadd.f32 v51, v5;
	[tilespmem:s31+$0x6980] =	vst v19;
	v19 =	vmul.f32 v46, v11  }
0x1b1: {  	v53 =	vmul.f32 v46, v10;
	[tilespmem:s31+$0x6990] =	vst v18;
	v18 =	vadd.f32 v52, v4  }
0x1b2: {  	v55 =	vmul.f32 v46, v9;
	[tilespmem:s31+$0x69A0] =	vst v22;
	v54 =	vbroadcast v17, $0xC;
	v19 =	vadd.f32 v19, v3  }
0x1b3: {  	v56 =	vmul.f32 v46, v8;
	[tilespmem:s31+$0x69B0] =	vst v18;
	v18 =	vadd.f32 v53, v2  }
0x1b4: {  	v57 =	vadd.f32 v55, v1;
	[tilespmem:s31+$0x69C0] =	vst v19;
	v19 =	vmul.f32 v54, v15  }
0x1b5: {  	v58 =	vmul.f32 v54, v14;
	[tilespmem:s31+$0x69D0] =	vst v18;
	v18 =	vadd.f32 v56, v0  }
0x1b6: {  	[tilespmem:s31+$0x69E0] =	vst v57;
	v59 =	vmul.f32 v54, v13;
	v19 =	vadd.f32 v19, v7  }
0x1b7: {  	v60 =	vmul.f32 v54, v12;
	[tilespmem:s31+$0x69F0] =	vst v18;
	v18 =	vadd.f32 v58, v6  }
0x1b8: {  	v21 =	vadd.f32 v59, v5;
	[tilespmem:s31+$0x6A00] =	vst v19;
	v19 =	vmul.f32 v54, v11  }
0x1b9: {  	v61 =	vmul.f32 v54, v10;
	[tilespmem:s31+$0x6A10] =	vst v18;
	v18 =	vadd.f32 v60, v4  }
0x1ba: {  	v63 =	vmul.f32 v54, v9;
	[tilespmem:s31+$0x6A20] =	vst v21;
	v62 =	vbroadcast v17, $0xD;
	v19 =	vadd.f32 v19, v3  }
0x1bb: {  	v24 =	vmul.f32 v54, v8;
	[tilespmem:s31+$0x6A30] =	vst v18;
	v18 =	vadd.f32 v61, v2  }
0x1bc: {  	v25 =	vadd.f32 v63, v1;
	[tilespmem:s31+$0x6A40] =	vst v19;
	v19 =	vmul.f32 v62, v15  }
0x1bd: {  	v26 =	vmul.f32 v62, v14;
	[tilespmem:s31+$0x6A50] =	vst v18;
	v18 =	vadd.f32 v24, v0  }
0x1be: {  	[tilespmem:s31+$0x6A60] =	vst v25;
	v27 =	vmul.f32 v62, v13;
	v19 =	vadd.f32 v19, v7  }
0x1bf: {  	v28 =	vmul.f32 v62, v12;
	[tilespmem:s31+$0x6A70] =	vst v18;
	v18 =	vadd.f32 v26, v6  }
0x1c0: {  	v22 =	vadd.f32 v27, v5;
	[tilespmem:s31+$0x6A80] =	vst v19;
	v19 =	vmul.f32 v62, v11  }
0x1c1: {  	v29 =	vmul.f32 v62, v10;
	[tilespmem:s31+$0x6A90] =	vst v18;
	v18 =	vadd.f32 v28, v4  }
0x1c2: {  	v31 =	vmul.f32 v62, v9;
	[tilespmem:s31+$0x6AA0] =	vst v22;
	v30 =	vbroadcast v17, $0xE;
	v19 =	vadd.f32 v19, v3  }
0x1c3: {  	v32 =	vmul.f32 v62, v8;
	[tilespmem:s31+$0x6AB0] =	vst v18;
	v18 =	vadd.f32 v29, v2  }
0x1c4: {  	v33 =	vadd.f32 v31, v1;
	[tilespmem:s31+$0x6AC0] =	vst v19;
	v19 =	vmul.f32 v30, v15  }
0x1c5: {  	v34 =	vmul.f32 v30, v14;
	[tilespmem:s31+$0x6AD0] =	vst v18;
	v18 =	vadd.f32 v32, v0  }
0x1c6: {  	[tilespmem:s31+$0x6AE0] =	vst v33;
	v35 =	vmul.f32 v30, v13;
	v19 =	vadd.f32 v19, v7  }
0x1c7: {  	v36 =	vmul.f32 v30, v12;
	[tilespmem:s31+$0x6AF0] =	vst v18;
	v18 =	vadd.f32 v34, v6  }
0x1c8: {  	v21 =	vadd.f32 v35, v5;
	[tilespmem:s31+$0x6B00] =	vst v19;
	v19 =	vmul.f32 v30, v11  }
0x1c9: {  	v37 =	vmul.f32 v30, v10;
	[tilespmem:s31+$0x6B10] =	vst v18;
	v18 =	vadd.f32 v36, v4  }
0x1ca: {  	s22 =	sor.u32 $0x30, s22;
	[tilespmem:s31+$0x6B20] =	vst v21;
	v38 =	vbroadcast v17, $0xF;
	v17 =	vmul.f32 v30, v9;
	v19 =	vadd.f32 v19, v3  }
0x1cb: {  	v39 =	vmul.f32 v30, v8;
	v40 =	vadd.f32 v37, v2;
	[tilespmem:s31+$0x6B30] =	vst v18;
	v18 =	vld.idx.msk [tilespmem:v16+s22+$0x0 ss:$0x1], $0xffff  }
0x1cc: {  	v17 =	vadd.f32 v17, v1;
	[tilespmem:s31+$0x6B40] =	vst v19;
	v19 =	vmul.f32 v38, v15  }
0x1cd: {  	[tilespmem:s31+$0x6B50] =	vst v40;
	v21 =	vadd.f32 v39, v0;
	v41 =	vmul.f32 v38, v14  }
0x1ce: {  	[tilespmem:s31+$0x6B60] =	vst v17;
	v17 =	vadd.f32 v19, v7;
	v19 =	vmul.f32 v38, v13  }
0x1cf: {  	[tilespmem:s31+$0x6B70] =	vst v21;
	v43 =	vmul.f32 v38, v12;
	v42 =	vadd.f32 v41, v6  }
0x1d0: {  	v19 =	vadd.f32 v19, v5;
	[tilespmem:s31+$0x6B80] =	vst v17;
	v17 =	vcvt.s32.f32 v18;
	v18 =	vmul.f32 v38, v11  }
0x1d1: {  	v45 =	vmul.f32 v38, v10;
	v44 =	vadd.f32 v43, v4;
	[tilespmem:s31+$0x6B90] =	vst v42  }
0x1d2: {  	v20 =	vmul.f32 v38, v8;
	v18 =	vadd.f32 v18, v3;
	[tilespmem:s31+$0x6BA0] =	vst v19;
	v19 =	vbroadcast v17, $0x0  }
0x1d3: {  	v47 =	vadd.f32 v45, v2;
	[tilespmem:s31+$0x6BB0] =	vst v44;
	v46 =	vmul.f32 v38, v9  }
0x1d4: {  	v20 =	vadd.f32 v20, v0;
	[tilespmem:s31+$0x6BC0] =	vst v18;
	v18 =	vmul.f32 v19, v15  }
0x1d5: {  	[tilespmem:s31+$0x6BD0] =	vst v47;
	v48 =	vadd.f32 v46, v1;
	v49 =	vmul.f32 v19, v14  }
0x1d6: {  	[tilespmem:s31+$0x6BF0] =	vst v20;
	s22 =	sshll.u32 s22, $0x7;
	v50 =	vmul.f32 v19, v13;
	v18 =	vadd.f32 v18, v7  }
0x1d7: {  	[tilespmem:s31+$0x6BE0] =	vst v48;
	s22 =	sand.u32 $0x3FFFF800, s22;
	v51 =	vmul.f32 v19, v12;
	v21 =	vadd.f32 v49, v6  }
0x1d8: {  	v52 =	vmul.f32 v19, v10;
	v22 =	vadd.f32 v50, v5;
	[tilespmem:s22+$0x6400] =	vst v18  }
0x1d9: {  	v53 =	vbroadcast v17, $0x1;
	v20 =	vadd.f32 v51, v4;
	v18 =	vmul.f32 v19, v11;
	[tilespmem:s22+$0x6410] =	vst v21  }
0x1da: {  	v54 =	vmul.f32 v19, v9;
	v55 =	vadd.f32 v52, v2;
	[tilespmem:s22+$0x6420] =	vst v22;
	v19 =	vmul.f32 v19, v8  }
0x1db: {  	[tilespmem:s22+$0x6430] =	vst v20;
	v18 =	vadd.f32 v18, v3  }
0x1dc: {  	v57 =	vmul.f32 v53, v14;
	[tilespmem:s22+$0x6450] =	vst v55;
	v19 =	vadd.f32 v19, v0  }
0x1dd: {  	v56 =	vadd.f32 v54, v1;
	[tilespmem:s22+$0x6440] =	vst v18;
	v18 =	vmul.f32 v53, v15  }
0x1de: {  	v20 =	vadd.f32 v57, v6;
	[tilespmem:s22+$0x6470] =	vst v19;
	v19 =	vmul.f32 v53, v12  }
0x1df: {  	v61 =	vmul.f32 v53, v9;
	[tilespmem:s22+$0x6460] =	vst v56;
	v18 =	vadd.f32 v18, v7  }
0x1e0: {  	v59 =	vmul.f32 v53, v10;
	[tilespmem:s22+$0x6490] =	vst v20;
	v19 =	vadd.f32 v19, v4  }
0x1e1: {  	v60 =	vbroadcast v17, $0x2;
	v62 =	vadd.f32 v61, v1;
	[tilespmem:s22+$0x6480] =	vst v18;
	v18 =	vmul.f32 v53, v11  }
0x1e2: {  	v20 =	vadd.f32 v59, v2;
	[tilespmem:s22+$0x64B0] =	vst v19;
	v19 =	vmul.f32 v53, v8  }
0x1e3: {  	v27 =	vmul.f32 v60, v9;
	[tilespmem:s22+$0x64E0] =	vst v62;
	v18 =	vadd.f32 v18, v3  }
0x1e4: {  	v63 =	vmul.f32 v60, v14;
	[tilespmem:s22+$0x64D0] =	vst v20;
	v19 =	vadd.f32 v19, v0  }
0x1e5: {  	v26 =	vbroadcast v17, $0x3;
	v28 =	vadd.f32 v27, v1;
	[tilespmem:s22+$0x64C0] =	vst v18;
	v18 =	vmul.f32 v60, v15  }
0x1e6: {  	v20 =	vadd.f32 v63, v6;
	[tilespmem:s22+$0x64F0] =	vst v19;
	v19 =	vmul.f32 v60, v12  }
0x1e7: {  	v33 =	vmul.f32 v26, v9;
	[tilespmem:s22+$0x6560] =	vst v28;
	v18 =	vadd.f32 v18, v7  }
0x1e8: {  	v25 =	vmul.f32 v60, v10;
	[tilespmem:s22+$0x6510] =	vst v20;
	v19 =	vadd.f32 v19, v4  }
0x1e9: {  	v32 =	vbroadcast v17, $0x4;
	v34 =	vadd.f32 v33, v1;
	[tilespmem:s22+$0x6500] =	vst v18;
	v18 =	vmul.f32 v60, v11  }
0x1ea: {  	v20 =	vadd.f32 v25, v2;
	[tilespmem:s22+$0x6530] =	vst v19;
	v19 =	vmul.f32 v60, v8  }
0x1eb: {  	v39 =	vmul.f32 v32, v9;
	[tilespmem:s22+$0x65E0] =	vst v34;
	v18 =	vadd.f32 v18, v3  }
0x1ec: {  	v29 =	vmul.f32 v26, v14;
	[tilespmem:s22+$0x6550] =	vst v20;
	v19 =	vadd.f32 v19, v0  }
0x1ed: {  	v38 =	vbroadcast v17, $0x5;
	v40 =	vadd.f32 v39, v1;
	[tilespmem:s22+$0x6540] =	vst v18;
	v18 =	vmul.f32 v26, v15  }
0x1ee: {  	v20 =	vadd.f32 v29, v6;
	[tilespmem:s22+$0x6570] =	vst v19;
	v19 =	vmul.f32 v26, v12  }
0x1ef: {  	v45 =	vmul.f32 v38, v9;
	[tilespmem:s22+$0x6660] =	vst v40;
	v18 =	vadd.f32 v18, v7  }
0x1f0: {  	v31 =	vmul.f32 v26, v10;
	[tilespmem:s22+$0x6590] =	vst v20;
	v19 =	vadd.f32 v19, v4  }
0x1f1: {  	v46 =	vadd.f32 v45, v1;
	[tilespmem:s22+$0x6580] =	vst v18;
	v18 =	vmul.f32 v26, v11  }
0x1f2: {  	v20 =	vadd.f32 v31, v2;
	[tilespmem:s22+$0x65B0] =	vst v19;
	v19 =	vmul.f32 v26, v8  }
0x1f3: {  	v58 =	vmul.f32 v53, v13;
	[tilespmem:s22+$0x66E0] =	vst v46;
	v18 =	vadd.f32 v18, v3  }
0x1f4: {  	v35 =	vmul.f32 v32, v14;
	[tilespmem:s22+$0x65D0] =	vst v20;
	v19 =	vadd.f32 v19, v0  }
0x1f5: {  	v21 =	vadd.f32 v58, v5;
	[tilespmem:s22+$0x65C0] =	vst v18;
	v18 =	vmul.f32 v32, v15  }
0x1f6: {  	v20 =	vadd.f32 v35, v6;
	[tilespmem:s22+$0x65F0] =	vst v19;
	v19 =	vmul.f32 v32, v12  }
0x1f7: {  	v24 =	vmul.f32 v60, v13;
	[tilespmem:s22+$0x64A0] =	vst v21;
	v18 =	vadd.f32 v18, v7  }
0x1f8: {  	v37 =	vmul.f32 v32, v10;
	[tilespmem:s22+$0x6610] =	vst v20;
	v19 =	vadd.f32 v19, v4  }
0x1f9: {  	v44 =	vbroadcast v17, $0x6;
	v22 =	vadd.f32 v24, v5;
	[tilespmem:s22+$0x6600] =	vst v18;
	v18 =	vmul.f32 v32, v11  }
0x1fa: {  	v20 =	vadd.f32 v37, v2;
	[tilespmem:s22+$0x6630] =	vst v19;
	v19 =	vmul.f32 v32, v8  }
0x1fb: {  	v51 =	vmul.f32 v44, v9;
	[tilespmem:s22+$0x6520] =	vst v22;
	v18 =	vadd.f32 v18, v3  }
0x1fc: {  	v41 =	vmul.f32 v38, v14;
	[tilespmem:s22+$0x6650] =	vst v20;
	v19 =	vadd.f32 v19, v0  }
0x1fd: {  	v52 =	vadd.f32 v51, v1;
	[tilespmem:s22+$0x6640] =	vst v18;
	v18 =	vmul.f32 v38, v15  }
0x1fe: {  	v20 =	vadd.f32 v41, v6;
	[tilespmem:s22+$0x6670] =	vst v19;
	v19 =	vmul.f32 v38, v12  }
0x1ff: {  	v30 =	vmul.f32 v26, v13;
	[tilespmem:s22+$0x6760] =	vst v52;
	v18 =	vadd.f32 v18, v7  }
0x200: {  	v43 =	vmul.f32 v38, v10;
	[tilespmem:s22+$0x6690] =	vst v20;
	v19 =	vadd.f32 v19, v4  }
0x201: {  	v21 =	vadd.f32 v30, v5;
	[tilespmem:s22+$0x6680] =	vst v18;
	v18 =	vmul.f32 v38, v11  }
0x202: {  	v20 =	vadd.f32 v43, v2;
	[tilespmem:s22+$0x66B0] =	vst v19;
	v19 =	vmul.f32 v38, v8  }
0x203: {  	v36 =	vmul.f32 v32, v13;
	[tilespmem:s22+$0x65A0] =	vst v21;
	v18 =	vadd.f32 v18, v3  }
0x204: {  	v47 =	vmul.f32 v44, v14;
	[tilespmem:s22+$0x66D0] =	vst v20;
	v19 =	vadd.f32 v19, v0  }
0x205: {  	v50 =	vbroadcast v17, $0x7;
	v22 =	vadd.f32 v36, v5;
	[tilespmem:s22+$0x66C0] =	vst v18;
	v18 =	vmul.f32 v44, v15  }
0x206: {  	v20 =	vadd.f32 v47, v6;
	[tilespmem:s22+$0x66F0] =	vst v19;
	v19 =	vmul.f32 v44, v12  }
0x207: {  	v57 =	vmul.f32 v50, v9;
	[tilespmem:s22+$0x6620] =	vst v22;
	v18 =	vadd.f32 v18, v7  }
0x208: {  	v49 =	vmul.f32 v44, v10;
	[tilespmem:s22+$0x6710] =	vst v20;
	v19 =	vadd.f32 v19, v4  }
0x209: {  	v58 =	vadd.f32 v57, v1;
	[tilespmem:s22+$0x6700] =	vst v18;
	v18 =	vmul.f32 v44, v11  }
0x20a: {  	v20 =	vadd.f32 v49, v2;
	[tilespmem:s22+$0x6730] =	vst v19;
	v19 =	vmul.f32 v44, v8  }
0x20b: {  	v42 =	vmul.f32 v38, v13;
	[tilespmem:s22+$0x67E0] =	vst v58;
	v18 =	vadd.f32 v18, v3  }
0x20c: {  	v53 =	vmul.f32 v50, v14;
	[tilespmem:s22+$0x6750] =	vst v20;
	v19 =	vadd.f32 v19, v0  }
0x20d: {  	v21 =	vadd.f32 v42, v5;
	[tilespmem:s22+$0x6740] =	vst v18;
	v18 =	vmul.f32 v50, v15  }
0x20e: {  	v20 =	vadd.f32 v53, v6;
	[tilespmem:s22+$0x6770] =	vst v19;
	v19 =	vmul.f32 v50, v12  }
0x20f: {  	v48 =	vmul.f32 v44, v13;
	[tilespmem:s22+$0x66A0] =	vst v21;
	v18 =	vadd.f32 v18, v7  }
0x210: {  	v55 =	vmul.f32 v50, v10;
	[tilespmem:s22+$0x6790] =	vst v20;
	v19 =	vadd.f32 v19, v4  }
0x211: {  	v22 =	vadd.f32 v48, v5;
	[tilespmem:s22+$0x6780] =	vst v18;
	v18 =	vmul.f32 v50, v11  }
0x212: {  	v56 =	vbroadcast v17, $0x8;
	v20 =	vadd.f32 v55, v2;
	[tilespmem:s22+$0x67B0] =	vst v19;
	v19 =	vmul.f32 v50, v8  }
0x213: {  	v54 =	vmul.f32 v50, v13;
	[tilespmem:s22+$0x6720] =	vst v22;
	v18 =	vadd.f32 v18, v3  }
0x214: {  	v59 =	vmul.f32 v56, v14;
	[tilespmem:s22+$0x67D0] =	vst v20;
	v19 =	vadd.f32 v19, v0  }
0x215: {  	v21 =	vadd.f32 v54, v5;
	[tilespmem:s22+$0x67C0] =	vst v18;
	v18 =	vmul.f32 v56, v15  }
0x216: {  	v20 =	vadd.f32 v59, v6;
	[tilespmem:s22+$0x67F0] =	vst v19;
	v19 =	vmul.f32 v56, v12  }
0x217: {  	v63 =	vmul.f32 v56, v9;
	[tilespmem:s22+$0x67A0] =	vst v21;
	v18 =	vadd.f32 v18, v7  }
0x218: {  	v61 =	vmul.f32 v56, v10;
	[tilespmem:s22+$0x6810] =	vst v20;
	v19 =	vadd.f32 v19, v4  }
0x219: {  	v62 =	vbroadcast v17, $0x9;
	v24 =	vadd.f32 v63, v1;
	[tilespmem:s22+$0x6800] =	vst v18;
	v18 =	vmul.f32 v56, v11  }
0x21a: {  	v20 =	vadd.f32 v61, v2;
	[tilespmem:s22+$0x6830] =	vst v19;
	v19 =	vmul.f32 v56, v8  }
0x21b: {  	[tilespmem:s22+$0x6860] =	vst v24;
	v29 =	vmul.f32 v62, v9;
	v18 =	vadd.f32 v18, v3  }
0x21c: {  	v25 =	vmul.f32 v62, v14;
	[tilespmem:s22+$0x6850] =	vst v20;
	v19 =	vadd.f32 v19, v0  }
0x21d: {  	v28 =	vbroadcast v17, $0xA;
	v30 =	vadd.f32 v29, v1;
	[tilespmem:s22+$0x6840] =	vst v18;
	v18 =	vmul.f32 v62, v15  }
0x21e: {  	v20 =	vadd.f32 v25, v6;
	[tilespmem:s22+$0x6870] =	vst v19;
	v19 =	vmul.f32 v62, v12  }
0x21f: {  	[tilespmem:s22+$0x68E0] =	vst v30;
	v35 =	vmul.f32 v28, v9;
	v18 =	vadd.f32 v18, v7  }
0x220: {  	v27 =	vmul.f32 v62, v10;
	[tilespmem:s22+$0x6890] =	vst v20;
	v19 =	vadd.f32 v19, v4  }
0x221: {  	v36 =	vadd.f32 v35, v1;
	[tilespmem:s22+$0x6880] =	vst v18;
	v18 =	vmul.f32 v62, v11  }
0x222: {  	v20 =	vadd.f32 v27, v2;
	[tilespmem:s22+$0x68B0] =	vst v19;
	v19 =	vmul.f32 v62, v8  }
0x223: {  	v60 =	vmul.f32 v56, v13;
	[tilespmem:s22+$0x6960] =	vst v36;
	v18 =	vadd.f32 v18, v3  }
0x224: {  	v31 =	vmul.f32 v28, v14;
	[tilespmem:s22+$0x68D0] =	vst v20;
	v19 =	vadd.f32 v19, v0  }
0x225: {  	v34 =	vbroadcast v17, $0xB;
	v22 =	vadd.f32 v60, v5;
	[tilespmem:s22+$0x68C0] =	vst v18;
	v18 =	vmul.f32 v28, v15  }
0x226: {  	v20 =	vadd.f32 v31, v6;
	[tilespmem:s22+$0x68F0] =	vst v19;
	v19 =	vmul.f32 v28, v12  }
0x227: {  	v41 =	vmul.f32 v34, v9;
	[tilespmem:s22+$0x6820] =	vst v22;
	v18 =	vadd.f32 v18, v7  }
0x228: {  	v33 =	vmul.f32 v28, v10;
	[tilespmem:s22+$0x6910] =	vst v20;
	v19 =	vadd.f32 v19, v4  }
0x229: {  	v40 =	vbroadcast v17, $0xC;
	v42 =	vadd.f32 v41, v1;
	[tilespmem:s22+$0x6900] =	vst v18;
	v18 =	vmul.f32 v28, v11  }
0x22a: {  	v20 =	vadd.f32 v33, v2;
	[tilespmem:s22+$0x6930] =	vst v19;
	v19 =	vmul.f32 v28, v8  }
0x22b: {  	[tilespmem:s22+$0x69E0] =	vst v42;
	v47 =	vmul.f32 v40, v9;
	v18 =	vadd.f32 v18, v3  }
0x22c: {  	v37 =	vmul.f32 v34, v14;
	[tilespmem:s22+$0x6950] =	vst v20;
	v19 =	vadd.f32 v19, v0  }
0x22d: {  	v48 =	vadd.f32 v47, v1;
	[tilespmem:s22+$0x6940] =	vst v18;
	v18 =	vmul.f32 v34, v15  }
0x22e: {  	v20 =	vadd.f32 v37, v6;
	[tilespmem:s22+$0x6970] =	vst v19;
	v19 =	vmul.f32 v34, v12  }
0x22f: {  	v26 =	vmul.f32 v62, v13;
	[tilespmem:s22+$0x6A60] =	vst v48;
	v18 =	vadd.f32 v18, v7  }
0x230: {  	v39 =	vmul.f32 v34, v10;
	[tilespmem:s22+$0x6990] =	vst v20;
	v19 =	vadd.f32 v19, v4  }
0x231: {  	v46 =	vbroadcast v17, $0xD;
	v21 =	vadd.f32 v26, v5;
	[tilespmem:s22+$0x6980] =	vst v18;
	v18 =	vmul.f32 v34, v11  }
0x232: {  	v20 =	vadd.f32 v39, v2;
	[tilespmem:s22+$0x69B0] =	vst v19;
	v19 =	vmul.f32 v34, v8  }
0x233: {  	v53 =	vmul.f32 v46, v9;
	[tilespmem:s22+$0x68A0] =	vst v21;
	v18 =	vadd.f32 v18, v3  }
0x234: {  	v43 =	vmul.f32 v40, v14;
	[tilespmem:s22+$0x69D0] =	vst v20;
	v19 =	vadd.f32 v19, v0  }
0x235: {  	v52 =	vbroadcast v17, $0xE;
	v54 =	vadd.f32 v53, v1;
	[tilespmem:s22+$0x69C0] =	vst v18;
	v18 =	vmul.f32 v40, v15  }
0x236: {  	v20 =	vadd.f32 v43, v6;
	[tilespmem:s22+$0x69F0] =	vst v19;
	v19 =	vmul.f32 v40, v12  }
0x237: {  	v58 =	vmul.f32 v52, v9;
	[tilespmem:s22+$0x6AE0] =	vst v54;
	v18 =	vadd.f32 v18, v7  }
0x238: {  	v45 =	vmul.f32 v40, v10;
	[tilespmem:s22+$0x6A10] =	vst v20;
	v19 =	vadd.f32 v19, v4  }
0x239: {  	v59 =	vadd.f32 v58, v1;
	[tilespmem:s22+$0x6A00] =	vst v18;
	v18 =	vmul.f32 v40, v11  }
0x23a: {  	v20 =	vadd.f32 v45, v2;
	[tilespmem:s22+$0x6A30] =	vst v19;
	v19 =	vmul.f32 v40, v8  }
0x23b: {  	v32 =	vmul.f32 v28, v13;
	[tilespmem:s22+$0x6B60] =	vst v59;
	v18 =	vadd.f32 v18, v3  }
0x23c: {  	v49 =	vmul.f32 v46, v14;
	[tilespmem:s22+$0x6A50] =	vst v20;
	v19 =	vadd.f32 v19, v0  }
0x23d: {  	v22 =	vadd.f32 v32, v5;
	[tilespmem:s22+$0x6A40] =	vst v18;
	v18 =	vmul.f32 v46, v15  }
0x23e: {  	v20 =	vadd.f32 v49, v6;
	[tilespmem:s22+$0x6A70] =	vst v19;
	v19 =	vmul.f32 v46, v12  }
0x23f: {  	[tilespmem:s22+$0x6920] =	vst v22;
	v38 =	vmul.f32 v34, v13;
	v18 =	vadd.f32 v18, v7  }
0x240: {  	v51 =	vmul.f32 v46, v10;
	[tilespmem:s22+$0x6A90] =	vst v20;
	v19 =	vadd.f32 v19, v4  }
0x241: {  	v21 =	vadd.f32 v38, v5;
	[tilespmem:s22+$0x6A80] =	vst v18;
	v18 =	vmul.f32 v46, v11  }
0x242: {  	v20 =	vadd.f32 v51, v2;
	[tilespmem:s22+$0x6AB0] =	vst v19;
	v19 =	vmul.f32 v46, v8  }
0x243: {  	[tilespmem:s22+$0x69A0] =	vst v21;
	v44 =	vmul.f32 v40, v13;
	v18 =	vadd.f32 v18, v3  }
0x244: {  	v55 =	vmul.f32 v52, v14;
	[tilespmem:s22+$0x6AD0] =	vst v20;
	v19 =	vadd.f32 v19, v0  }
0x245: {  	v22 =	vadd.f32 v44, v5;
	[tilespmem:s22+$0x6AC0] =	vst v18;
	v18 =	vmul.f32 v52, v15  }
0x246: {  	v20 =	vadd.f32 v55, v6;
	[tilespmem:s22+$0x6AF0] =	vst v19;
	v19 =	vmul.f32 v52, v12  }
0x247: {  	v57 =	vmul.f32 v52, v10;
	[tilespmem:s22+$0x6A20] =	vst v22;
	v18 =	vadd.f32 v18, v7  }
0x248: {  	[tilespmem:s22+$0x6B10] =	vst v20;
	v50 =	vmul.f32 v46, v13;
	v19 =	vadd.f32 v19, v4  }
0x249: {  	v17 =	vbroadcast v17, $0xF;
	v20 =	vadd.f32 v57, v2;
	[tilespmem:s22+$0x6B00] =	vst v18;
	v18 =	vmul.f32 v52, v11  }
0x24a: {  	v21 =	vadd.f32 v50, v5;
	[tilespmem:s22+$0x6B30] =	vst v19;
	v19 =	vmul.f32 v52, v8  }
0x24b: {  	v60 =	vmul.f32 v17, v14;
	[tilespmem:s22+$0x6B50] =	vst v20;
	v18 =	vadd.f32 v18, v3  }
0x24c: {  	v61 =	vmul.f32 v17, v13;
	[tilespmem:s22+$0x6AA0] =	vst v21;
	v19 =	vadd.f32 v19, v0  }
0x24d: {  	v20 =	vadd.f32 v60, v6;
	[tilespmem:s22+$0x6B40] =	vst v18;
	v18 =	vmul.f32 v17, v15  }
0x24e: {  	v21 =	vadd.f32 v61, v5;
	[tilespmem:s22+$0x6B70] =	vst v19;
	v19 =	vmul.f32 v17, v12  }
0x24f: {  	[tilespmem:s22+$0x6B90] =	vst v20;
	v56 =	vmul.f32 v52, v13;
	v18 =	vadd.f32 v18, v7  }
0x250: {  	[tilespmem:s22+$0x6BA0] =	vst v21;
	v62 =	vmul.f32 v17, v10;
	v19 =	vadd.f32 v19, v4  }
0x251: {  	v22 =	vadd.f32 v56, v5;
	[tilespmem:s22+$0x6B80] =	vst v18;
	v18 =	vmul.f32 v17, v11  }
0x252: {  	p1 =	slt.u32 s21, $0x8;
	v63 =	vmul.f32 v17, v9;
	[tilespmem:s22+$0x6BB0] =	vst v19;
	v19 =	vadd.f32 v62, v2;
	v17 =	vmul.f32 v17, v8  }
.Ltmp5:
0x253: {  	[tilespmem:s22+$0x6B20] =	vst v22;
	v18 =	vadd.f32 v18, v3;
	(pc) =	sbr.rel @p1 .LBB2_8-.Ltmp5, $4  }
0x254: {  	[tilespmem:s22+$0x6BD0] =	vst v19;
	v17 =	vadd.f32 v17, v0  }
0x255: {  	[tilespmem:s22+$0x6BC0] =	vst v18;
	v18 =	vadd.f32 v63, v1  }
0x256: {  	[tilespmem:s22+$0x6BF0] =	vst v17  }
0x257: {  	s21 =	sadd.s32 $0x4, s21;
	[tilespmem:s22+$0x6BE0] =	vst v18  }
0x258: {  	v16 =	vld [tilespmem:s20+$0xB8];
	_ =	sdelay $0x4  }
0x259: {  	v16 =	vcvt.s32.f32 v16;
	_ =	sdelay $0x1  }
0x25a: {  	v17 =	vbroadcast v16, $0x0;
	_ =	sdelay $0x1  }
0x25b: {  	v18 =	vmul.f32 v17, v15  }
0x25c: {  	v19 =	vmul.f32 v17, v14  }
0x25d: {  	v20 =	vmul.f32 v17, v13;
	v18 =	vadd.f32 v18, v7  }
0x25e: {  	v21 =	vmul.f32 v17, v12;
	v19 =	vadd.f32 v19, v6  }
0x25f: {  	v32 =	vmul.f32 v17, v11;
	[tilespmem:$0xC000] =	vst v18;
	v18 =	vadd.f32 v20, v5  }
0x260: {  	v33 =	vmul.f32 v17, v10;
	[tilespmem:$0xC010] =	vst v19;
	v19 =	vadd.f32 v21, v4  }
0x261: {  	v22 =	vbroadcast v16, $0x1;
	v34 =	vmul.f32 v17, v9;
	[tilespmem:$0xC020] =	vst v18;
	v18 =	vadd.f32 v32, v3  }
0x262: {  	v17 =	vmul.f32 v17, v8;
	[tilespmem:$0xC030] =	vst v19;
	v19 =	vadd.f32 v33, v2  }
0x263: {  	v35 =	vmul.f32 v22, v15;
	[tilespmem:$0xC040] =	vst v18;
	v18 =	vadd.f32 v34, v1  }
0x264: {  	v17 =	vadd.f32 v17, v0;
	[tilespmem:$0xC050] =	vst v19;
	v19 =	vmul.f32 v22, v14  }
0x265: {  	v36 =	vmul.f32 v22, v13;
	[tilespmem:$0xC060] =	vst v18;
	v18 =	vadd.f32 v35, v7  }
0x266: {  	[tilespmem:$0xC070] =	vst v17;
	v17 =	vadd.f32 v19, v6;
	v19 =	vmul.f32 v22, v12  }
0x267: {  	v37 =	vmul.f32 v22, v11;
	[tilespmem:$0xC080] =	vst v18;
	v18 =	vadd.f32 v36, v5  }
0x268: {  	[tilespmem:$0xC090] =	vst v17;
	v17 =	vadd.f32 v19, v4;
	v19 =	vmul.f32 v22, v10  }
0x269: {  	v39 =	vbroadcast v16, $0x2;
	v38 =	vmul.f32 v22, v9;
	[tilespmem:$0xC0A0] =	vst v18;
	v18 =	vadd.f32 v37, v3  }
0x26a: {  	[tilespmem:$0xC0B0] =	vst v17;
	v17 =	vadd.f32 v19, v2;
	v19 =	vmul.f32 v22, v8  }
0x26b: {  	v40 =	vmul.f32 v39, v15;
	[tilespmem:$0xC0C0] =	vst v18;
	v18 =	vadd.f32 v38, v1  }
0x26c: {  	[tilespmem:$0xC0D0] =	vst v17;
	v17 =	vadd.f32 v19, v0;
	v19 =	vmul.f32 v39, v14  }
0x26d: {  	v41 =	vmul.f32 v39, v13;
	[tilespmem:$0xC0E0] =	vst v18;
	v18 =	vadd.f32 v40, v7  }
0x26e: {  	[tilespmem:$0xC0F0] =	vst v17;
	v17 =	vadd.f32 v19, v6;
	v19 =	vmul.f32 v39, v12  }
0x26f: {  	v42 =	vmul.f32 v39, v11;
	[tilespmem:$0xC100] =	vst v18;
	v18 =	vadd.f32 v41, v5  }
0x270: {  	[tilespmem:$0xC110] =	vst v17;
	v17 =	vadd.f32 v19, v4;
	v19 =	vmul.f32 v39, v10  }
0x271: {  	v44 =	vbroadcast v16, $0x3;
	v43 =	vmul.f32 v39, v9;
	[tilespmem:$0xC120] =	vst v18;
	v18 =	vadd.f32 v42, v3  }
0x272: {  	[tilespmem:$0xC130] =	vst v17;
	v17 =	vadd.f32 v19, v2;
	v19 =	vmul.f32 v39, v8  }
0x273: {  	v45 =	vmul.f32 v44, v15;
	[tilespmem:$0xC140] =	vst v18;
	v18 =	vadd.f32 v43, v1  }
0x274: {  	[tilespmem:$0xC150] =	vst v17;
	v17 =	vadd.f32 v19, v0;
	v19 =	vmul.f32 v44, v14  }
0x275: {  	v46 =	vmul.f32 v44, v13;
	[tilespmem:$0xC160] =	vst v18;
	v18 =	vadd.f32 v45, v7  }
0x276: {  	[tilespmem:$0xC170] =	vst v17;
	v17 =	vadd.f32 v19, v6;
	v19 =	vmul.f32 v44, v12  }
0x277: {  	v47 =	vmul.f32 v44, v11;
	[tilespmem:$0xC180] =	vst v18;
	v18 =	vadd.f32 v46, v5  }
0x278: {  	[tilespmem:$0xC190] =	vst v17;
	v17 =	vadd.f32 v19, v4;
	v19 =	vmul.f32 v44, v10  }
0x279: {  	v49 =	vbroadcast v16, $0x4;
	v48 =	vmul.f32 v44, v9;
	[tilespmem:$0xC1A0] =	vst v18;
	v18 =	vadd.f32 v47, v3  }
0x27a: {  	[tilespmem:$0xC1B0] =	vst v17;
	v17 =	vadd.f32 v19, v2;
	v19 =	vmul.f32 v44, v8  }
0x27b: {  	v50 =	vmul.f32 v49, v15;
	[tilespmem:$0xC1C0] =	vst v18;
	v18 =	vadd.f32 v48, v1  }
0x27c: {  	[tilespmem:$0xC1D0] =	vst v17;
	v17 =	vadd.f32 v19, v0;
	v19 =	vmul.f32 v49, v14  }
0x27d: {  	v51 =	vmul.f32 v49, v13;
	[tilespmem:$0xC1E0] =	vst v18;
	v18 =	vadd.f32 v50, v7  }
0x27e: {  	[tilespmem:$0xC1F0] =	vst v17;
	v17 =	vadd.f32 v19, v6;
	v19 =	vmul.f32 v49, v12  }
0x27f: {  	v52 =	vmul.f32 v49, v11;
	[tilespmem:$0xC200] =	vst v18;
	v18 =	vadd.f32 v51, v5  }
0x280: {  	[tilespmem:$0xC210] =	vst v17;
	v17 =	vadd.f32 v19, v4;
	v19 =	vmul.f32 v49, v10  }
0x281: {  	v54 =	vbroadcast v16, $0x5;
	v53 =	vmul.f32 v49, v9;
	[tilespmem:$0xC220] =	vst v18;
	v18 =	vadd.f32 v52, v3  }
0x282: {  	[tilespmem:$0xC230] =	vst v17;
	v17 =	vadd.f32 v19, v2;
	v19 =	vmul.f32 v49, v8  }
0x283: {  	v55 =	vmul.f32 v54, v15;
	[tilespmem:$0xC240] =	vst v18;
	v18 =	vadd.f32 v53, v1  }
0x284: {  	[tilespmem:$0xC250] =	vst v17;
	v17 =	vadd.f32 v19, v0;
	v19 =	vmul.f32 v54, v14  }
0x285: {  	v56 =	vmul.f32 v54, v13;
	[tilespmem:$0xC260] =	vst v18;
	v18 =	vadd.f32 v55, v7  }
0x286: {  	[tilespmem:$0xC270] =	vst v17;
	v17 =	vadd.f32 v19, v6;
	v19 =	vmul.f32 v54, v12  }
0x287: {  	v57 =	vmul.f32 v54, v11;
	[tilespmem:$0xC280] =	vst v18;
	v18 =	vadd.f32 v56, v5  }
0x288: {  	[tilespmem:$0xC290] =	vst v17;
	v17 =	vadd.f32 v19, v4;
	v19 =	vmul.f32 v54, v10  }
0x289: {  	v59 =	vbroadcast v16, $0x6;
	v58 =	vmul.f32 v54, v9;
	[tilespmem:$0xC2A0] =	vst v18;
	v18 =	vadd.f32 v57, v3  }
0x28a: {  	[tilespmem:$0xC2B0] =	vst v17;
	v17 =	vadd.f32 v19, v2;
	v19 =	vmul.f32 v54, v8  }
0x28b: {  	v60 =	vmul.f32 v59, v15;
	[tilespmem:$0xC2C0] =	vst v18;
	v18 =	vadd.f32 v58, v1  }
0x28c: {  	[tilespmem:$0xC2D0] =	vst v17;
	v17 =	vadd.f32 v19, v0;
	v19 =	vmul.f32 v59, v14  }
0x28d: {  	v61 =	vmul.f32 v59, v13;
	[tilespmem:$0xC2E0] =	vst v18;
	v18 =	vadd.f32 v60, v7  }
0x28e: {  	[tilespmem:$0xC2F0] =	vst v17;
	v17 =	vadd.f32 v19, v6;
	v19 =	vmul.f32 v59, v12  }
0x28f: {  	v62 =	vmul.f32 v59, v11;
	[tilespmem:$0xC300] =	vst v18;
	v18 =	vadd.f32 v61, v5  }
0x290: {  	[tilespmem:$0xC310] =	vst v17;
	v17 =	vadd.f32 v19, v4;
	v19 =	vmul.f32 v59, v10  }
0x291: {  	v24 =	vbroadcast v16, $0x7;
	v63 =	vmul.f32 v59, v9;
	[tilespmem:$0xC320] =	vst v18;
	v18 =	vadd.f32 v62, v3  }
0x292: {  	[tilespmem:$0xC330] =	vst v17;
	v17 =	vadd.f32 v19, v2;
	v19 =	vmul.f32 v59, v8  }
0x293: {  	v25 =	vmul.f32 v24, v15;
	[tilespmem:$0xC340] =	vst v18;
	v18 =	vadd.f32 v63, v1  }
0x294: {  	[tilespmem:$0xC350] =	vst v17;
	v17 =	vadd.f32 v19, v0;
	v19 =	vmul.f32 v24, v14  }
0x295: {  	v26 =	vmul.f32 v24, v13;
	[tilespmem:$0xC360] =	vst v18;
	v18 =	vadd.f32 v25, v7  }
0x296: {  	[tilespmem:$0xC370] =	vst v17;
	v17 =	vadd.f32 v19, v6;
	v19 =	vmul.f32 v24, v12  }
0x297: {  	v27 =	vmul.f32 v24, v11;
	[tilespmem:$0xC380] =	vst v18;
	v18 =	vadd.f32 v26, v5  }
0x298: {  	[tilespmem:$0xC390] =	vst v17;
	v17 =	vadd.f32 v19, v4;
	v19 =	vmul.f32 v24, v10  }
0x299: {  	v29 =	vbroadcast v16, $0x8;
	v28 =	vmul.f32 v24, v9;
	[tilespmem:$0xC3A0] =	vst v18;
	v18 =	vadd.f32 v27, v3  }
0x29a: {  	[tilespmem:$0xC3B0] =	vst v17;
	v17 =	vadd.f32 v19, v2;
	v19 =	vmul.f32 v24, v8  }
0x29b: {  	v30 =	vmul.f32 v29, v15;
	[tilespmem:$0xC3C0] =	vst v18;
	v18 =	vadd.f32 v28, v1  }
0x29c: {  	[tilespmem:$0xC3D0] =	vst v17;
	v17 =	vadd.f32 v19, v0;
	v19 =	vmul.f32 v29, v14  }
0x29d: {  	v31 =	vmul.f32 v29, v13;
	[tilespmem:$0xC3E0] =	vst v18;
	v18 =	vadd.f32 v30, v7  }
0x29e: {  	[tilespmem:$0xC3F0] =	vst v17;
	v17 =	vadd.f32 v19, v6;
	v19 =	vmul.f32 v29, v12  }
0x29f: {  	v32 =	vmul.f32 v29, v11;
	[tilespmem:$0xC400] =	vst v18;
	v18 =	vadd.f32 v31, v5  }
0x2a0: {  	[tilespmem:$0xC410] =	vst v17;
	v17 =	vadd.f32 v19, v4;
	v19 =	vmul.f32 v29, v10  }
0x2a1: {  	v33 =	vmul.f32 v29, v9;
	v34 =	vbroadcast v16, $0x9;
	[tilespmem:$0xC420] =	vst v18;
	v18 =	vadd.f32 v32, v3  }
0x2a2: {  	[tilespmem:$0xC430] =	vst v17;
	v17 =	vadd.f32 v19, v2;
	v19 =	vmul.f32 v29, v8  }
0x2a3: {  	v35 =	vmul.f32 v34, v15;
	[tilespmem:$0xC440] =	vst v18;
	v18 =	vadd.f32 v33, v1  }
0x2a4: {  	[tilespmem:$0xC450] =	vst v17;
	v17 =	vadd.f32 v19, v0;
	v19 =	vmul.f32 v34, v14  }
0x2a5: {  	v36 =	vmul.f32 v34, v13;
	[tilespmem:$0xC460] =	vst v18;
	v18 =	vadd.f32 v35, v7  }
0x2a6: {  	[tilespmem:$0xC470] =	vst v17;
	v17 =	vadd.f32 v19, v6;
	v19 =	vmul.f32 v34, v12  }
0x2a7: {  	v37 =	vmul.f32 v34, v11;
	[tilespmem:$0xC480] =	vst v18;
	v18 =	vadd.f32 v36, v5  }
0x2a8: {  	[tilespmem:$0xC490] =	vst v17;
	v17 =	vadd.f32 v19, v4;
	v19 =	vmul.f32 v34, v10  }
0x2a9: {  	v38 =	vmul.f32 v34, v9;
	v39 =	vbroadcast v16, $0xA;
	[tilespmem:$0xC4A0] =	vst v18;
	v18 =	vadd.f32 v37, v3  }
0x2aa: {  	[tilespmem:$0xC4B0] =	vst v17;
	v17 =	vadd.f32 v19, v2;
	v19 =	vmul.f32 v34, v8  }
0x2ab: {  	v40 =	vmul.f32 v39, v15;
	[tilespmem:$0xC4C0] =	vst v18;
	v18 =	vadd.f32 v38, v1  }
0x2ac: {  	[tilespmem:$0xC4D0] =	vst v17;
	v17 =	vadd.f32 v19, v0;
	v19 =	vmul.f32 v39, v14  }
0x2ad: {  	v41 =	vmul.f32 v39, v13;
	[tilespmem:$0xC4E0] =	vst v18;
	v18 =	vadd.f32 v40, v7  }
0x2ae: {  	[tilespmem:$0xC4F0] =	vst v17;
	v17 =	vadd.f32 v19, v6;
	v19 =	vmul.f32 v39, v12  }
0x2af: {  	v42 =	vmul.f32 v39, v11;
	[tilespmem:$0xC500] =	vst v18;
	v18 =	vadd.f32 v41, v5  }
0x2b0: {  	[tilespmem:$0xC510] =	vst v17;
	v17 =	vadd.f32 v19, v4;
	v19 =	vmul.f32 v39, v10  }
0x2b1: {  	v43 =	vmul.f32 v39, v9;
	v44 =	vbroadcast v16, $0xB;
	[tilespmem:$0xC520] =	vst v18;
	v18 =	vadd.f32 v42, v3  }
0x2b2: {  	[tilespmem:$0xC530] =	vst v17;
	v17 =	vadd.f32 v19, v2;
	v19 =	vmul.f32 v39, v8  }
0x2b3: {  	v45 =	vmul.f32 v44, v15;
	[tilespmem:$0xC540] =	vst v18;
	v18 =	vadd.f32 v43, v1  }
0x2b4: {  	[tilespmem:$0xC550] =	vst v17;
	v17 =	vadd.f32 v19, v0;
	v19 =	vmul.f32 v44, v14  }
0x2b5: {  	v46 =	vmul.f32 v44, v13;
	[tilespmem:$0xC560] =	vst v18;
	v18 =	vadd.f32 v45, v7  }
0x2b6: {  	[tilespmem:$0xC570] =	vst v17;
	v17 =	vadd.f32 v19, v6;
	v19 =	vmul.f32 v44, v12  }
0x2b7: {  	v47 =	vmul.f32 v44, v11;
	[tilespmem:$0xC580] =	vst v18;
	v18 =	vadd.f32 v46, v5  }
0x2b8: {  	[tilespmem:$0xC590] =	vst v17;
	v17 =	vadd.f32 v19, v4;
	v19 =	vmul.f32 v44, v10  }
0x2b9: {  	v48 =	vmul.f32 v44, v9;
	v49 =	vbroadcast v16, $0xC;
	[tilespmem:$0xC5A0] =	vst v18;
	v18 =	vadd.f32 v47, v3  }
0x2ba: {  	[tilespmem:$0xC5B0] =	vst v17;
	v17 =	vadd.f32 v19, v2;
	v19 =	vmul.f32 v44, v8  }
0x2bb: {  	v50 =	vmul.f32 v49, v15;
	[tilespmem:$0xC5C0] =	vst v18;
	v18 =	vadd.f32 v48, v1  }
0x2bc: {  	[tilespmem:$0xC5D0] =	vst v17;
	v17 =	vadd.f32 v19, v0;
	v19 =	vmul.f32 v49, v14  }
0x2bd: {  	v51 =	vmul.f32 v49, v13;
	[tilespmem:$0xC5E0] =	vst v18;
	v18 =	vadd.f32 v50, v7  }
0x2be: {  	[tilespmem:$0xC5F0] =	vst v17;
	v17 =	vadd.f32 v19, v6;
	v19 =	vmul.f32 v49, v12  }
0x2bf: {  	v52 =	vmul.f32 v49, v11;
	[tilespmem:$0xC600] =	vst v18;
	v18 =	vadd.f32 v51, v5  }
0x2c0: {  	[tilespmem:$0xC610] =	vst v17;
	v17 =	vadd.f32 v19, v4;
	v19 =	vmul.f32 v49, v10  }
0x2c1: {  	v53 =	vmul.f32 v49, v9;
	v54 =	vbroadcast v16, $0xD;
	[tilespmem:$0xC620] =	vst v18;
	v18 =	vadd.f32 v52, v3  }
0x2c2: {  	[tilespmem:$0xC630] =	vst v17;
	v17 =	vadd.f32 v19, v2;
	v19 =	vmul.f32 v49, v8  }
0x2c3: {  	v55 =	vmul.f32 v54, v15;
	[tilespmem:$0xC640] =	vst v18;
	v18 =	vadd.f32 v53, v1  }
0x2c4: {  	[tilespmem:$0xC650] =	vst v17;
	v17 =	vadd.f32 v19, v0;
	v19 =	vmul.f32 v54, v14  }
0x2c5: {  	v56 =	vmul.f32 v54, v13;
	[tilespmem:$0xC660] =	vst v18;
	v18 =	vadd.f32 v55, v7  }
0x2c6: {  	[tilespmem:$0xC670] =	vst v17;
	v17 =	vadd.f32 v19, v6;
	v19 =	vmul.f32 v54, v12  }
0x2c7: {  	v57 =	vmul.f32 v54, v11;
	[tilespmem:$0xC680] =	vst v18;
	v18 =	vadd.f32 v56, v5  }
0x2c8: {  	[tilespmem:$0xC690] =	vst v17;
	v17 =	vadd.f32 v19, v4;
	v19 =	vmul.f32 v54, v10  }
0x2c9: {  	v58 =	vmul.f32 v54, v9;
	v59 =	vbroadcast v16, $0xE;
	[tilespmem:$0xC6A0] =	vst v18;
	v18 =	vadd.f32 v57, v3  }
0x2ca: {  	[tilespmem:$0xC6B0] =	vst v17;
	v17 =	vadd.f32 v19, v2;
	v19 =	vmul.f32 v54, v8  }
0x2cb: {  	v16 =	vbroadcast v16, $0xF;
	v60 =	vmul.f32 v59, v15;
	[tilespmem:$0xC6C0] =	vst v18;
	v18 =	vadd.f32 v58, v1  }
0x2cc: {  	[tilespmem:$0xC6D0] =	vst v17;
	v17 =	vadd.f32 v19, v0;
	v19 =	vmul.f32 v59, v14  }
0x2cd: {  	v15 =	vmul.f32 v16, v15;
	[tilespmem:$0xC6E0] =	vst v18;
	v18 =	vadd.f32 v60, v7  }
0x2ce: {  	v14 =	vmul.f32 v16, v14;
	[tilespmem:$0xC6F0] =	vst v17;
	v17 =	vadd.f32 v19, v6  }
0x2cf: {  	v61 =	vmul.f32 v59, v13;
	v7 =	vadd.f32 v15, v7;
	[tilespmem:$0xC700] =	vst v18  }
0x2d0: {  	v19 =	vmul.f32 v59, v12;
	v6 =	vadd.f32 v14, v6;
	[tilespmem:$0xC710] =	vst v17  }
0x2d1: {  	v13 =	vmul.f32 v16, v13;
	v18 =	vadd.f32 v61, v5;
	[tilespmem:$0xC780] =	vst v7  }
0x2d2: {  	v12 =	vmul.f32 v16, v12;
	v17 =	vadd.f32 v19, v4;
	[tilespmem:$0xC790] =	vst v6  }
0x2d3: {  	v62 =	vmul.f32 v59, v11;
	v5 =	vadd.f32 v13, v5;
	[tilespmem:$0xC720] =	vst v18  }
0x2d4: {  	v19 =	vmul.f32 v59, v10;
	v4 =	vadd.f32 v12, v4;
	[tilespmem:$0xC730] =	vst v17  }
0x2d5: {  	v7 =	vmul.f32 v16, v11;
	v18 =	vadd.f32 v62, v3;
	[tilespmem:$0xC7A0] =	vst v5  }
0x2d6: {  	v6 =	vmul.f32 v16, v10;
	v17 =	vadd.f32 v19, v2;
	[tilespmem:$0xC7B0] =	vst v4  }
0x2d7: {  	v63 =	vmul.f32 v59, v9;
	v3 =	vadd.f32 v7, v3;
	[tilespmem:$0xC740] =	vst v18  }
0x2d8: {  	v19 =	vmul.f32 v59, v8;
	v2 =	vadd.f32 v6, v2;
	[tilespmem:$0xC750] =	vst v17  }
0x2d9: {  	v5 =	vmul.f32 v16, v9;
	v18 =	vadd.f32 v63, v1;
	[tilespmem:$0xC7C0] =	vst v3  }
0x2da: {  	v4 =	vmul.f32 v16, v8;
	v17 =	vadd.f32 v19, v0;
	[tilespmem:$0xC7D0] =	vst v2  }
0x2db: {  	v1 =	vadd.f32 v5, v1;
	[tilespmem:$0xC760] =	vst v18  }
0x2dc: {  	s21 =	smul.u32 $0xC80, s19;
	v0 =	vadd.f32 v4, v0;
	[tilespmem:$0xC770] =	vst v17  }
0x2dd: {  	[tilespmem:$0xC7E0] =	vst v1  }
0x2de: {  	s21 =	sadd.s32 s2, s21;
	[tilespmem:$0xC7F0] =	vst v0  }
0x2df: {  	[hbm4b:s21+s3] =	stream.linear.scatter [tilespmem:s13], [sflag:$0x3], $0x6400, $0x38;
	[tilespmem:$0x12D00] =	vst v63  }
0x2e0: {  	s21 =	simm.s32 @!p0 $0x4  }
0x2e1: {  	_ =	swait.ge @!p0 [sflag:s21], $0x6400  }
0x2e2: {  	[sflag:s21] =	ssyncset.done @!p0 $0x0  }
0x2e3: {  	[sflag:s21] =	ssyncadd.s32 @!p0 $0xFFFF9C00  }
0x2e4: {  	v7 =	vld [tilespmem:$0x12C00]  }
0x2e5: {  	v6 =	vld [tilespmem:$0x12C10]  }
0x2e6: {  	v5 =	vld [tilespmem:$0x12C20]  }
0x2e7: {  	v4 =	vld [tilespmem:$0x12C30]  }
0x2e8: {  	v3 =	vld [tilespmem:$0x12C40]  }
0x2e9: {  	v2 =	vld [tilespmem:$0x12C50]  }
0x2ea: {  	v1 =	vld [tilespmem:$0x12C60]  }
0x2eb: {  	v0 =	vld [tilespmem:$0x12C70]  }
0x2ec: {  	v15 =	vld [tilespmem:$0x12C80]  }
0x2ed: {  	v14 =	vld [tilespmem:$0x12C90]  }
0x2ee: {  	v13 =	vld [tilespmem:$0x12CA0]  }
0x2ef: {  	s22 =	sadd.s32 $0xC8, s20;
	v12 =	vld [tilespmem:$0x12CB0]  }
0x2f0: {  	v16 =	vmov s22;
	v11 =	vld [tilespmem:$0x12CC0]  }
0x2f1: {  	v10 =	vld [tilespmem:$0x12CD0]  }
0x2f2: {  	v9 =	vld [tilespmem:$0x12CE0]  }
0x2f3: {  	s21 =	simm.s32 $0x0;
	v8 =	vld [tilespmem:$0x12CF0]  }
.LBB2_10:
0x2f4: {  	s22 =	sshll.u32 s21, $0x4  }
0x2f5: {  	v17 =	vld.idx.msk [tilespmem:v16+s22+$0x0 ss:$0x1], $0xffff;
	_ =	sdelay $0x4  }
0x2f6: {  	v17 =	vcvt.s32.f32 v17;
	_ =	sdelay $0x1  }
0x2f7: {  	v18 =	vbroadcast v17, $0x0;
	_ =	sdelay $0x1  }
0x2f8: {  	v19 =	vmul.f32 v18, v15  }
0x2f9: {  	v20 =	vmul.f32 v18, v14  }
0x2fa: {  	s23 =	sshll.u32 s21, $0xB;
	v21 =	vmul.f32 v18, v13;
	v19 =	vadd.f32 v19, v7  }
0x2fb: {  	s23 =	sand.u32 $0x3FFFF800, s23;
	v22 =	vmul.f32 v18, v12;
	v20 =	vadd.f32 v20, v6  }
0x2fc: {  	v37 =	vmul.f32 v18, v11;
	[tilespmem:s23+$0xC800] =	vst v19;
	v19 =	vadd.f32 v21, v5  }
0x2fd: {  	v39 =	vmul.f32 v18, v10;
	v38 =	vadd.f32 v22, v4;
	[tilespmem:s23+$0xC810] =	vst v20  }
0x2fe: {  	v23 =	vbroadcast v17, $0x1;
	v40 =	vmul.f32 v18, v9;
	[tilespmem:s23+$0xC820] =	vst v19;
	v19 =	vadd.f32 v37, v3  }
0x2ff: {  	v18 =	vmul.f32 v18, v8;
	v41 =	vadd.f32 v39, v2;
	[tilespmem:s23+$0xC830] =	vst v38  }
0x300: {  	v42 =	vmul.f32 v23, v15;
	[tilespmem:s23+$0xC840] =	vst v19;
	v19 =	vadd.f32 v40, v1  }
0x301: {  	v43 =	vmul.f32 v23, v14;
	v18 =	vadd.f32 v18, v0;
	[tilespmem:s23+$0xC850] =	vst v41  }
0x302: {  	v44 =	vmul.f32 v23, v13;
	[tilespmem:s23+$0xC860] =	vst v19;
	v19 =	vadd.f32 v42, v7  }
0x303: {  	v45 =	vmul.f32 v23, v12;
	[tilespmem:s23+$0xC870] =	vst v18;
	v18 =	vadd.f32 v43, v6  }
0x304: {  	v46 =	vmul.f32 v23, v11;
	[tilespmem:s23+$0xC880] =	vst v19;
	v19 =	vadd.f32 v44, v5  }
0x305: {  	v47 =	vmul.f32 v23, v10;
	[tilespmem:s23+$0xC890] =	vst v18;
	v18 =	vadd.f32 v45, v4  }
0x306: {  	v49 =	vbroadcast v17, $0x2;
	v48 =	vmul.f32 v23, v9;
	[tilespmem:s23+$0xC8A0] =	vst v19;
	v19 =	vadd.f32 v46, v3  }
0x307: {  	v50 =	vmul.f32 v23, v8;
	[tilespmem:s23+$0xC8B0] =	vst v18;
	v18 =	vadd.f32 v47, v2  }
0x308: {  	v51 =	vmul.f32 v49, v15;
	[tilespmem:s23+$0xC8C0] =	vst v19;
	v19 =	vadd.f32 v48, v1  }
0x309: {  	v52 =	vmul.f32 v49, v14;
	[tilespmem:s23+$0xC8D0] =	vst v18;
	v18 =	vadd.f32 v50, v0  }
0x30a: {  	v53 =	vmul.f32 v49, v13;
	[tilespmem:s23+$0xC8E0] =	vst v19;
	v19 =	vadd.f32 v51, v7  }
0x30b: {  	v54 =	vmul.f32 v49, v12;
	[tilespmem:s23+$0xC8F0] =	vst v18;
	v18 =	vadd.f32 v52, v6  }
0x30c: {  	v55 =	vmul.f32 v49, v11;
	[tilespmem:s23+$0xC900] =	vst v19;
	v19 =	vadd.f32 v53, v5  }
0x30d: {  	v56 =	vmul.f32 v49, v10;
	[tilespmem:s23+$0xC910] =	vst v18;
	v18 =	vadd.f32 v54, v4  }
0x30e: {  	v58 =	vbroadcast v17, $0x3;
	v57 =	vmul.f32 v49, v9;
	[tilespmem:s23+$0xC920] =	vst v19;
	v19 =	vadd.f32 v55, v3  }
0x30f: {  	v59 =	vmul.f32 v49, v8;
	[tilespmem:s23+$0xC930] =	vst v18;
	v18 =	vadd.f32 v56, v2  }
0x310: {  	v60 =	vmul.f32 v58, v15;
	[tilespmem:s23+$0xC940] =	vst v19;
	v19 =	vadd.f32 v57, v1  }
0x311: {  	v61 =	vmul.f32 v58, v14;
	[tilespmem:s23+$0xC950] =	vst v18;
	v18 =	vadd.f32 v59, v0  }
0x312: {  	v62 =	vmul.f32 v58, v13;
	[tilespmem:s23+$0xC960] =	vst v19;
	v19 =	vadd.f32 v60, v7  }
0x313: {  	v63 =	vmul.f32 v58, v12;
	[tilespmem:s23+$0xC970] =	vst v18;
	v18 =	vadd.f32 v61, v6  }
0x314: {  	v24 =	vmul.f32 v58, v11;
	[tilespmem:s23+$0xC980] =	vst v19;
	v19 =	vadd.f32 v62, v5  }
0x315: {  	v25 =	vmul.f32 v58, v10;
	[tilespmem:s23+$0xC990] =	vst v18;
	v18 =	vadd.f32 v63, v4  }
0x316: {  	v27 =	vbroadcast v17, $0x4;
	v26 =	vmul.f32 v58, v9;
	[tilespmem:s23+$0xC9A0] =	vst v19;
	v19 =	vadd.f32 v24, v3  }
0x317: {  	v28 =	vmul.f32 v58, v8;
	[tilespmem:s23+$0xC9B0] =	vst v18;
	v18 =	vadd.f32 v25, v2  }
0x318: {  	v29 =	vmul.f32 v27, v15;
	[tilespmem:s23+$0xC9C0] =	vst v19;
	v19 =	vadd.f32 v26, v1  }
0x319: {  	v30 =	vmul.f32 v27, v14;
	[tilespmem:s23+$0xC9D0] =	vst v18;
	v18 =	vadd.f32 v28, v0  }
0x31a: {  	v31 =	vmul.f32 v27, v13;
	[tilespmem:s23+$0xC9E0] =	vst v19;
	v19 =	vadd.f32 v29, v7  }
0x31b: {  	v32 =	vmul.f32 v27, v12;
	[tilespmem:s23+$0xC9F0] =	vst v18;
	v18 =	vadd.f32 v30, v6  }
0x31c: {  	v33 =	vmul.f32 v27, v11;
	[tilespmem:s23+$0xCA00] =	vst v19;
	v19 =	vadd.f32 v31, v5  }
0x31d: {  	v34 =	vmul.f32 v27, v10;
	[tilespmem:s23+$0xCA10] =	vst v18;
	v18 =	vadd.f32 v32, v4  }
0x31e: {  	v36 =	vbroadcast v17, $0x5;
	v35 =	vmul.f32 v27, v9;
	[tilespmem:s23+$0xCA20] =	vst v19;
	v19 =	vadd.f32 v33, v3  }
0x31f: {  	v37 =	vmul.f32 v27, v8;
	[tilespmem:s23+$0xCA30] =	vst v18;
	v18 =	vadd.f32 v34, v2  }
0x320: {  	v38 =	vmul.f32 v36, v15;
	[tilespmem:s23+$0xCA40] =	vst v19;
	v19 =	vadd.f32 v35, v1  }
0x321: {  	v39 =	vmul.f32 v36, v14;
	[tilespmem:s23+$0xCA50] =	vst v18;
	v18 =	vadd.f32 v37, v0  }
0x322: {  	v40 =	vmul.f32 v36, v13;
	[tilespmem:s23+$0xCA60] =	vst v19;
	v19 =	vadd.f32 v38, v7  }
0x323: {  	v41 =	vmul.f32 v36, v12;
	[tilespmem:s23+$0xCA70] =	vst v18;
	v18 =	vadd.f32 v39, v6  }
0x324: {  	v42 =	vmul.f32 v36, v11;
	[tilespmem:s23+$0xCA80] =	vst v19;
	v19 =	vadd.f32 v40, v5  }
0x325: {  	v43 =	vmul.f32 v36, v10;
	[tilespmem:s23+$0xCA90] =	vst v18;
	v18 =	vadd.f32 v41, v4  }
0x326: {  	v45 =	vbroadcast v17, $0x6;
	v44 =	vmul.f32 v36, v9;
	[tilespmem:s23+$0xCAA0] =	vst v19;
	v19 =	vadd.f32 v42, v3  }
0x327: {  	v46 =	vmul.f32 v36, v8;
	[tilespmem:s23+$0xCAB0] =	vst v18;
	v18 =	vadd.f32 v43, v2  }
0x328: {  	v47 =	vmul.f32 v45, v15;
	[tilespmem:s23+$0xCAC0] =	vst v19;
	v19 =	vadd.f32 v44, v1  }
0x329: {  	v48 =	vmul.f32 v45, v14;
	[tilespmem:s23+$0xCAD0] =	vst v18;
	v18 =	vadd.f32 v46, v0  }
0x32a: {  	v49 =	vmul.f32 v45, v13;
	[tilespmem:s23+$0xCAE0] =	vst v19;
	v19 =	vadd.f32 v47, v7  }
0x32b: {  	v50 =	vmul.f32 v45, v12;
	[tilespmem:s23+$0xCAF0] =	vst v18;
	v18 =	vadd.f32 v48, v6  }
0x32c: {  	v51 =	vmul.f32 v45, v11;
	[tilespmem:s23+$0xCB00] =	vst v19;
	v19 =	vadd.f32 v49, v5  }
0x32d: {  	v52 =	vmul.f32 v45, v10;
	[tilespmem:s23+$0xCB10] =	vst v18;
	v18 =	vadd.f32 v50, v4  }
0x32e: {  	v53 =	vmul.f32 v45, v9;
	v54 =	vbroadcast v17, $0x7;
	[tilespmem:s23+$0xCB20] =	vst v19;
	v19 =	vadd.f32 v51, v3  }
0x32f: {  	v55 =	vmul.f32 v45, v8;
	[tilespmem:s23+$0xCB30] =	vst v18;
	v18 =	vadd.f32 v52, v2  }
0x330: {  	v56 =	vmul.f32 v54, v15;
	[tilespmem:s23+$0xCB40] =	vst v19;
	v19 =	vadd.f32 v53, v1  }
0x331: {  	v57 =	vmul.f32 v54, v14;
	[tilespmem:s23+$0xCB50] =	vst v18;
	v18 =	vadd.f32 v55, v0  }
0x332: {  	v58 =	vmul.f32 v54, v13;
	[tilespmem:s23+$0xCB60] =	vst v19;
	v19 =	vadd.f32 v56, v7  }
0x333: {  	v59 =	vmul.f32 v54, v12;
	[tilespmem:s23+$0xCB70] =	vst v18;
	v18 =	vadd.f32 v57, v6  }
0x334: {  	v60 =	vmul.f32 v54, v11;
	[tilespmem:s23+$0xCB80] =	vst v19;
	v19 =	vadd.f32 v58, v5  }
0x335: {  	v61 =	vmul.f32 v54, v10;
	[tilespmem:s23+$0xCB90] =	vst v18;
	v18 =	vadd.f32 v59, v4  }
0x336: {  	v62 =	vmul.f32 v54, v9;
	v63 =	vbroadcast v17, $0x8;
	[tilespmem:s23+$0xCBA0] =	vst v19;
	v19 =	vadd.f32 v60, v3  }
0x337: {  	v24 =	vmul.f32 v54, v8;
	[tilespmem:s23+$0xCBB0] =	vst v18;
	v18 =	vadd.f32 v61, v2  }
0x338: {  	v25 =	vmul.f32 v63, v15;
	[tilespmem:s23+$0xCBC0] =	vst v19;
	v19 =	vadd.f32 v62, v1  }
0x339: {  	v26 =	vmul.f32 v63, v14;
	[tilespmem:s23+$0xCBD0] =	vst v18;
	v18 =	vadd.f32 v24, v0  }
0x33a: {  	v27 =	vmul.f32 v63, v13;
	[tilespmem:s23+$0xCBE0] =	vst v19;
	v19 =	vadd.f32 v25, v7  }
0x33b: {  	v28 =	vmul.f32 v63, v12;
	[tilespmem:s23+$0xCBF0] =	vst v18;
	v18 =	vadd.f32 v26, v6  }
0x33c: {  	v29 =	vmul.f32 v63, v11;
	[tilespmem:s23+$0xCC00] =	vst v19;
	v19 =	vadd.f32 v27, v5  }
0x33d: {  	v30 =	vmul.f32 v63, v10;
	[tilespmem:s23+$0xCC10] =	vst v18;
	v18 =	vadd.f32 v28, v4  }
0x33e: {  	v31 =	vmul.f32 v63, v9;
	v32 =	vbroadcast v17, $0x9;
	[tilespmem:s23+$0xCC20] =	vst v19;
	v19 =	vadd.f32 v29, v3  }
0x33f: {  	v33 =	vmul.f32 v63, v8;
	[tilespmem:s23+$0xCC30] =	vst v18;
	v18 =	vadd.f32 v30, v2  }
0x340: {  	v34 =	vmul.f32 v32, v15;
	[tilespmem:s23+$0xCC40] =	vst v19;
	v19 =	vadd.f32 v31, v1  }
0x341: {  	v35 =	vmul.f32 v32, v14;
	[tilespmem:s23+$0xCC50] =	vst v18;
	v18 =	vadd.f32 v33, v0  }
0x342: {  	v36 =	vmul.f32 v32, v13;
	[tilespmem:s23+$0xCC60] =	vst v19;
	v19 =	vadd.f32 v34, v7  }
0x343: {  	v37 =	vmul.f32 v32, v12;
	[tilespmem:s23+$0xCC70] =	vst v18;
	v18 =	vadd.f32 v35, v6  }
0x344: {  	v38 =	vmul.f32 v32, v11;
	[tilespmem:s23+$0xCC80] =	vst v19;
	v19 =	vadd.f32 v36, v5  }
0x345: {  	v39 =	vmul.f32 v32, v10;
	[tilespmem:s23+$0xCC90] =	vst v18;
	v18 =	vadd.f32 v37, v4  }
0x346: {  	v40 =	vmul.f32 v32, v9;
	v41 =	vbroadcast v17, $0xA;
	[tilespmem:s23+$0xCCA0] =	vst v19;
	v19 =	vadd.f32 v38, v3  }
0x347: {  	v42 =	vmul.f32 v32, v8;
	[tilespmem:s23+$0xCCB0] =	vst v18;
	v18 =	vadd.f32 v39, v2  }
0x348: {  	v43 =	vmul.f32 v41, v15;
	[tilespmem:s23+$0xCCC0] =	vst v19;
	v19 =	vadd.f32 v40, v1  }
0x349: {  	v44 =	vmul.f32 v41, v14;
	[tilespmem:s23+$0xCCD0] =	vst v18;
	v18 =	vadd.f32 v42, v0  }
0x34a: {  	v45 =	vmul.f32 v41, v13;
	[tilespmem:s23+$0xCCE0] =	vst v19;
	v19 =	vadd.f32 v43, v7  }
0x34b: {  	v46 =	vmul.f32 v41, v12;
	[tilespmem:s23+$0xCCF0] =	vst v18;
	v18 =	vadd.f32 v44, v6  }
0x34c: {  	v47 =	vmul.f32 v41, v11;
	[tilespmem:s23+$0xCD00] =	vst v19;
	v19 =	vadd.f32 v45, v5  }
0x34d: {  	v48 =	vmul.f32 v41, v10;
	[tilespmem:s23+$0xCD10] =	vst v18;
	v18 =	vadd.f32 v46, v4  }
0x34e: {  	v49 =	vmul.f32 v41, v9;
	v50 =	vbroadcast v17, $0xB;
	[tilespmem:s23+$0xCD20] =	vst v19;
	v19 =	vadd.f32 v47, v3  }
0x34f: {  	v51 =	vmul.f32 v41, v8;
	[tilespmem:s23+$0xCD30] =	vst v18;
	v18 =	vadd.f32 v48, v2  }
0x350: {  	v52 =	vmul.f32 v50, v15;
	[tilespmem:s23+$0xCD40] =	vst v19;
	v19 =	vadd.f32 v49, v1  }
0x351: {  	v53 =	vmul.f32 v50, v14;
	[tilespmem:s23+$0xCD50] =	vst v18;
	v18 =	vadd.f32 v51, v0  }
0x352: {  	v54 =	vmul.f32 v50, v13;
	[tilespmem:s23+$0xCD60] =	vst v19;
	v19 =	vadd.f32 v52, v7  }
0x353: {  	v55 =	vmul.f32 v50, v12;
	[tilespmem:s23+$0xCD70] =	vst v18;
	v18 =	vadd.f32 v53, v6  }
0x354: {  	v56 =	vmul.f32 v50, v11;
	[tilespmem:s23+$0xCD80] =	vst v19;
	v19 =	vadd.f32 v54, v5  }
0x355: {  	v57 =	vmul.f32 v50, v10;
	[tilespmem:s23+$0xCD90] =	vst v18;
	v18 =	vadd.f32 v55, v4  }
0x356: {  	v58 =	vmul.f32 v50, v9;
	v59 =	vbroadcast v17, $0xC;
	[tilespmem:s23+$0xCDA0] =	vst v19;
	v19 =	vadd.f32 v56, v3  }
0x357: {  	v60 =	vmul.f32 v50, v8;
	[tilespmem:s23+$0xCDB0] =	vst v18;
	v18 =	vadd.f32 v57, v2  }
0x358: {  	v61 =	vmul.f32 v59, v15;
	[tilespmem:s23+$0xCDC0] =	vst v19;
	v19 =	vadd.f32 v58, v1  }
0x359: {  	v62 =	vmul.f32 v59, v14;
	[tilespmem:s23+$0xCDD0] =	vst v18;
	v18 =	vadd.f32 v60, v0  }
0x35a: {  	v63 =	vmul.f32 v59, v13;
	[tilespmem:s23+$0xCDE0] =	vst v19;
	v19 =	vadd.f32 v61, v7  }
0x35b: {  	v24 =	vmul.f32 v59, v12;
	[tilespmem:s23+$0xCDF0] =	vst v18;
	v18 =	vadd.f32 v62, v6  }
0x35c: {  	v25 =	vmul.f32 v59, v11;
	[tilespmem:s23+$0xCE00] =	vst v19;
	v19 =	vadd.f32 v63, v5  }
0x35d: {  	v26 =	vmul.f32 v59, v10;
	[tilespmem:s23+$0xCE10] =	vst v18;
	v18 =	vadd.f32 v24, v4  }
0x35e: {  	v27 =	vmul.f32 v59, v9;
	v28 =	vbroadcast v17, $0xD;
	[tilespmem:s23+$0xCE20] =	vst v19;
	v19 =	vadd.f32 v25, v3  }
0x35f: {  	v29 =	vmul.f32 v59, v8;
	[tilespmem:s23+$0xCE30] =	vst v18;
	v18 =	vadd.f32 v26, v2  }
0x360: {  	v30 =	vmul.f32 v28, v15;
	[tilespmem:s23+$0xCE40] =	vst v19;
	v19 =	vadd.f32 v27, v1  }
0x361: {  	v31 =	vmul.f32 v28, v14;
	[tilespmem:s23+$0xCE50] =	vst v18;
	v18 =	vadd.f32 v29, v0  }
0x362: {  	v32 =	vmul.f32 v28, v13;
	[tilespmem:s23+$0xCE60] =	vst v19;
	v19 =	vadd.f32 v30, v7  }
0x363: {  	v33 =	vmul.f32 v28, v12;
	[tilespmem:s23+$0xCE70] =	vst v18;
	v18 =	vadd.f32 v31, v6  }
0x364: {  	v34 =	vmul.f32 v28, v11;
	[tilespmem:s23+$0xCE80] =	vst v19;
	v19 =	vadd.f32 v32, v5  }
0x365: {  	v35 =	vmul.f32 v28, v10;
	[tilespmem:s23+$0xCE90] =	vst v18;
	v18 =	vadd.f32 v33, v4  }
0x366: {  	v36 =	vmul.f32 v28, v9;
	v37 =	vbroadcast v17, $0xE;
	[tilespmem:s23+$0xCEA0] =	vst v19;
	v19 =	vadd.f32 v34, v3  }
0x367: {  	v38 =	vmul.f32 v28, v8;
	[tilespmem:s23+$0xCEB0] =	vst v18;
	v18 =	vadd.f32 v35, v2  }
0x368: {  	v39 =	vmul.f32 v37, v15;
	[tilespmem:s23+$0xCEC0] =	vst v19;
	v19 =	vadd.f32 v36, v1  }
0x369: {  	v40 =	vmul.f32 v37, v14;
	[tilespmem:s23+$0xCED0] =	vst v18;
	v18 =	vadd.f32 v38, v0  }
0x36a: {  	v41 =	vmul.f32 v37, v13;
	[tilespmem:s23+$0xCEE0] =	vst v19;
	v19 =	vadd.f32 v39, v7  }
0x36b: {  	v42 =	vmul.f32 v37, v12;
	[tilespmem:s23+$0xCEF0] =	vst v18;
	v18 =	vadd.f32 v40, v6  }
0x36c: {  	v43 =	vmul.f32 v37, v11;
	[tilespmem:s23+$0xCF00] =	vst v19;
	v19 =	vadd.f32 v41, v5  }
0x36d: {  	v44 =	vmul.f32 v37, v10;
	[tilespmem:s23+$0xCF10] =	vst v18;
	v18 =	vadd.f32 v42, v4  }
0x36e: {  	s24 =	sor.u32 $0x10, s22;
	v45 =	vmul.f32 v37, v9;
	v46 =	vbroadcast v17, $0xF;
	[tilespmem:s23+$0xCF20] =	vst v19;
	v19 =	vadd.f32 v43, v3  }
0x36f: {  	v17 =	vadd.f32 v44, v2;
	v47 =	vld.idx.msk [tilespmem:v16+s24+$0x0 ss:$0x1], $0xffff;
	[tilespmem:s23+$0xCF30] =	vst v18;
	v18 =	vmul.f32 v37, v8  }
0x370: {  	v48 =	vmul.f32 v46, v15;
	[tilespmem:s23+$0xCF40] =	vst v19;
	v19 =	vadd.f32 v45, v1  }
0x371: {  	[tilespmem:s23+$0xCF50] =	vst v17;
	v17 =	vadd.f32 v18, v0;
	v18 =	vmul.f32 v46, v14  }
0x372: {  	v49 =	vmul.f32 v46, v13;
	[tilespmem:s23+$0xCF60] =	vst v19;
	v19 =	vadd.f32 v48, v7  }
0x373: {  	v50 =	vmul.f32 v46, v12;
	[tilespmem:s23+$0xCF70] =	vst v17;
	v18 =	vadd.f32 v18, v6  }
0x374: {  	v51 =	vmul.f32 v46, v11;
	v17 =	vcvt.s32.f32 v47;
	[tilespmem:s23+$0xCF80] =	vst v19;
	v19 =	vadd.f32 v49, v5  }
0x375: {  	v52 =	vmul.f32 v46, v10;
	[tilespmem:s23+$0xCF90] =	vst v18;
	v18 =	vadd.f32 v50, v4  }
0x376: {  	v53 =	vmul.f32 v46, v9;
	v54 =	vbroadcast v17, $0x0;
	[tilespmem:s23+$0xCFA0] =	vst v19;
	v19 =	vadd.f32 v51, v3  }
0x377: {  	v55 =	vmul.f32 v46, v8;
	[tilespmem:s23+$0xCFB0] =	vst v18;
	v18 =	vadd.f32 v52, v2  }
0x378: {  	v56 =	vmul.f32 v54, v15;
	[tilespmem:s23+$0xCFC0] =	vst v19;
	v19 =	vadd.f32 v53, v1  }
0x379: {  	v57 =	vmul.f32 v54, v14;
	[tilespmem:s23+$0xCFD0] =	vst v18;
	v18 =	vadd.f32 v55, v0  }
0x37a: {  	s24 =	sshll.u32 s24, $0x7;
	v58 =	vmul.f32 v54, v13;
	[tilespmem:s23+$0xCFE0] =	vst v19;
	v19 =	vadd.f32 v56, v7  }
0x37b: {  	s29 =	sand.u32 $0x3FFFF800, s24;
	v59 =	vmul.f32 v54, v12;
	[tilespmem:s23+$0xCFF0] =	vst v18;
	v18 =	vadd.f32 v57, v6  }
0x37c: {  	v60 =	vmul.f32 v54, v11;
	[tilespmem:s29+$0xC800] =	vst v19;
	v19 =	vadd.f32 v58, v5  }
0x37d: {  	v61 =	vmul.f32 v54, v10;
	[tilespmem:s29+$0xC810] =	vst v18;
	v18 =	vadd.f32 v59, v4  }
0x37e: {  	v63 =	vbroadcast v17, $0x1;
	v62 =	vmul.f32 v54, v9;
	[tilespmem:s29+$0xC820] =	vst v19;
	v19 =	vadd.f32 v60, v3  }
0x37f: {  	v24 =	vmul.f32 v54, v8;
	[tilespmem:s29+$0xC830] =	vst v18;
	v18 =	vadd.f32 v61, v2  }
0x380: {  	v25 =	vmul.f32 v63, v15;
	[tilespmem:s29+$0xC840] =	vst v19;
	v19 =	vadd.f32 v62, v1  }
0x381: {  	v26 =	vmul.f32 v63, v14;
	[tilespmem:s29+$0xC850] =	vst v18;
	v18 =	vadd.f32 v24, v0  }
0x382: {  	v27 =	vmul.f32 v63, v13;
	[tilespmem:s29+$0xC860] =	vst v19;
	v19 =	vadd.f32 v25, v7  }
0x383: {  	v28 =	vmul.f32 v63, v12;
	[tilespmem:s29+$0xC870] =	vst v18;
	v18 =	vadd.f32 v26, v6  }
0x384: {  	v29 =	vmul.f32 v63, v11;
	[tilespmem:s29+$0xC880] =	vst v19;
	v19 =	vadd.f32 v27, v5  }
0x385: {  	v30 =	vmul.f32 v63, v10;
	[tilespmem:s29+$0xC890] =	vst v18;
	v18 =	vadd.f32 v28, v4  }
0x386: {  	v32 =	vbroadcast v17, $0x2;
	v31 =	vmul.f32 v63, v9;
	[tilespmem:s29+$0xC8A0] =	vst v19;
	v19 =	vadd.f32 v29, v3  }
0x387: {  	v33 =	vmul.f32 v63, v8;
	[tilespmem:s29+$0xC8B0] =	vst v18;
	v18 =	vadd.f32 v30, v2  }
0x388: {  	v34 =	vmul.f32 v32, v15;
	[tilespmem:s29+$0xC8C0] =	vst v19;
	v19 =	vadd.f32 v31, v1  }
0x389: {  	v35 =	vmul.f32 v32, v14;
	[tilespmem:s29+$0xC8D0] =	vst v18;
	v18 =	vadd.f32 v33, v0  }
0x38a: {  	v36 =	vmul.f32 v32, v13;
	[tilespmem:s29+$0xC8E0] =	vst v19;
	v19 =	vadd.f32 v34, v7  }
0x38b: {  	v37 =	vmul.f32 v32, v12;
	[tilespmem:s29+$0xC8F0] =	vst v18;
	v18 =	vadd.f32 v35, v6  }
0x38c: {  	v38 =	vmul.f32 v32, v11;
	[tilespmem:s29+$0xC900] =	vst v19;
	v19 =	vadd.f32 v36, v5  }
0x38d: {  	v39 =	vmul.f32 v32, v10;
	[tilespmem:s29+$0xC910] =	vst v18;
	v18 =	vadd.f32 v37, v4  }
0x38e: {  	v41 =	vbroadcast v17, $0x3;
	v40 =	vmul.f32 v32, v9;
	[tilespmem:s29+$0xC920] =	vst v19;
	v19 =	vadd.f32 v38, v3  }
0x38f: {  	v42 =	vmul.f32 v32, v8;
	[tilespmem:s29+$0xC930] =	vst v18;
	v18 =	vadd.f32 v39, v2  }
0x390: {  	v43 =	vmul.f32 v41, v15;
	[tilespmem:s29+$0xC940] =	vst v19;
	v19 =	vadd.f32 v40, v1  }
0x391: {  	v44 =	vmul.f32 v41, v14;
	[tilespmem:s29+$0xC950] =	vst v18;
	v18 =	vadd.f32 v42, v0  }
0x392: {  	v45 =	vmul.f32 v41, v13;
	[tilespmem:s29+$0xC960] =	vst v19;
	v19 =	vadd.f32 v43, v7  }
0x393: {  	v46 =	vmul.f32 v41, v12;
	[tilespmem:s29+$0xC970] =	vst v18;
	v18 =	vadd.f32 v44, v6  }
0x394: {  	v47 =	vmul.f32 v41, v11;
	[tilespmem:s29+$0xC980] =	vst v19;
	v19 =	vadd.f32 v45, v5  }
0x395: {  	v48 =	vmul.f32 v41, v10;
	[tilespmem:s29+$0xC990] =	vst v18;
	v18 =	vadd.f32 v46, v4  }
0x396: {  	v50 =	vbroadcast v17, $0x4;
	v49 =	vmul.f32 v41, v9;
	[tilespmem:s29+$0xC9A0] =	vst v19;
	v19 =	vadd.f32 v47, v3  }
0x397: {  	v51 =	vmul.f32 v41, v8;
	[tilespmem:s29+$0xC9B0] =	vst v18;
	v18 =	vadd.f32 v48, v2  }
0x398: {  	v52 =	vmul.f32 v50, v15;
	[tilespmem:s29+$0xC9C0] =	vst v19;
	v19 =	vadd.f32 v49, v1  }
0x399: {  	v53 =	vmul.f32 v50, v14;
	[tilespmem:s29+$0xC9D0] =	vst v18;
	v18 =	vadd.f32 v51, v0  }
0x39a: {  	v54 =	vmul.f32 v50, v13;
	[tilespmem:s29+$0xC9E0] =	vst v19;
	v19 =	vadd.f32 v52, v7  }
0x39b: {  	v55 =	vmul.f32 v50, v12;
	[tilespmem:s29+$0xC9F0] =	vst v18;
	v18 =	vadd.f32 v53, v6  }
0x39c: {  	v56 =	vmul.f32 v50, v11;
	[tilespmem:s29+$0xCA00] =	vst v19;
	v19 =	vadd.f32 v54, v5  }
0x39d: {  	v57 =	vmul.f32 v50, v10;
	[tilespmem:s29+$0xCA10] =	vst v18;
	v18 =	vadd.f32 v55, v4  }
0x39e: {  	v58 =	vmul.f32 v50, v9;
	v59 =	vbroadcast v17, $0x5;
	[tilespmem:s29+$0xCA20] =	vst v19;
	v19 =	vadd.f32 v56, v3  }
0x39f: {  	v60 =	vmul.f32 v50, v8;
	[tilespmem:s29+$0xCA30] =	vst v18;
	v18 =	vadd.f32 v57, v2  }
0x3a0: {  	v61 =	vmul.f32 v59, v15;
	[tilespmem:s29+$0xCA40] =	vst v19;
	v19 =	vadd.f32 v58, v1  }
0x3a1: {  	v62 =	vmul.f32 v59, v14;
	[tilespmem:s29+$0xCA50] =	vst v18;
	v18 =	vadd.f32 v60, v0  }
0x3a2: {  	v63 =	vmul.f32 v59, v13;
	[tilespmem:s29+$0xCA60] =	vst v19;
	v19 =	vadd.f32 v61, v7  }
0x3a3: {  	v24 =	vmul.f32 v59, v12;
	[tilespmem:s29+$0xCA70] =	vst v18;
	v18 =	vadd.f32 v62, v6  }
0x3a4: {  	v25 =	vmul.f32 v59, v11;
	[tilespmem:s29+$0xCA80] =	vst v19;
	v19 =	vadd.f32 v63, v5  }
0x3a5: {  	v26 =	vmul.f32 v59, v10;
	[tilespmem:s29+$0xCA90] =	vst v18;
	v18 =	vadd.f32 v24, v4  }
0x3a6: {  	v27 =	vmul.f32 v59, v9;
	v28 =	vbroadcast v17, $0x6;
	[tilespmem:s29+$0xCAA0] =	vst v19;
	v19 =	vadd.f32 v25, v3  }
0x3a7: {  	v29 =	vmul.f32 v59, v8;
	[tilespmem:s29+$0xCAB0] =	vst v18;
	v18 =	vadd.f32 v26, v2  }
0x3a8: {  	v30 =	vmul.f32 v28, v15;
	[tilespmem:s29+$0xCAC0] =	vst v19;
	v19 =	vadd.f32 v27, v1  }
0x3a9: {  	v31 =	vmul.f32 v28, v14;
	[tilespmem:s29+$0xCAD0] =	vst v18;
	v18 =	vadd.f32 v29, v0  }
0x3aa: {  	v32 =	vmul.f32 v28, v13;
	[tilespmem:s29+$0xCAE0] =	vst v19;
	v19 =	vadd.f32 v30, v7  }
0x3ab: {  	v33 =	vmul.f32 v28, v12;
	[tilespmem:s29+$0xCAF0] =	vst v18;
	v18 =	vadd.f32 v31, v6  }
0x3ac: {  	v34 =	vmul.f32 v28, v11;
	[tilespmem:s29+$0xCB00] =	vst v19;
	v19 =	vadd.f32 v32, v5  }
0x3ad: {  	v35 =	vmul.f32 v28, v10;
	[tilespmem:s29+$0xCB10] =	vst v18;
	v18 =	vadd.f32 v33, v4  }
0x3ae: {  	v36 =	vmul.f32 v28, v9;
	v37 =	vbroadcast v17, $0x7;
	[tilespmem:s29+$0xCB20] =	vst v19;
	v19 =	vadd.f32 v34, v3  }
0x3af: {  	v38 =	vmul.f32 v28, v8;
	[tilespmem:s29+$0xCB30] =	vst v18;
	v18 =	vadd.f32 v35, v2  }
0x3b0: {  	v39 =	vmul.f32 v37, v15;
	[tilespmem:s29+$0xCB40] =	vst v19;
	v19 =	vadd.f32 v36, v1  }
0x3b1: {  	v40 =	vmul.f32 v37, v14;
	[tilespmem:s29+$0xCB50] =	vst v18;
	v18 =	vadd.f32 v38, v0  }
0x3b2: {  	v41 =	vmul.f32 v37, v13;
	[tilespmem:s29+$0xCB60] =	vst v19;
	v19 =	vadd.f32 v39, v7  }
0x3b3: {  	v42 =	vmul.f32 v37, v12;
	[tilespmem:s29+$0xCB70] =	vst v18;
	v18 =	vadd.f32 v40, v6  }
0x3b4: {  	v43 =	vmul.f32 v37, v11;
	[tilespmem:s29+$0xCB80] =	vst v19;
	v19 =	vadd.f32 v41, v5  }
0x3b5: {  	v44 =	vmul.f32 v37, v10;
	[tilespmem:s29+$0xCB90] =	vst v18;
	v18 =	vadd.f32 v42, v4  }
0x3b6: {  	v45 =	vmul.f32 v37, v9;
	v46 =	vbroadcast v17, $0x8;
	[tilespmem:s29+$0xCBA0] =	vst v19;
	v19 =	vadd.f32 v43, v3  }
0x3b7: {  	v47 =	vmul.f32 v37, v8;
	[tilespmem:s29+$0xCBB0] =	vst v18;
	v18 =	vadd.f32 v44, v2  }
0x3b8: {  	v48 =	vmul.f32 v46, v15;
	[tilespmem:s29+$0xCBC0] =	vst v19;
	v19 =	vadd.f32 v45, v1  }
0x3b9: {  	v49 =	vmul.f32 v46, v14;
	[tilespmem:s29+$0xCBD0] =	vst v18;
	v18 =	vadd.f32 v47, v0  }
0x3ba: {  	v50 =	vmul.f32 v46, v13;
	[tilespmem:s29+$0xCBE0] =	vst v19;
	v19 =	vadd.f32 v48, v7  }
0x3bb: {  	v51 =	vmul.f32 v46, v12;
	[tilespmem:s29+$0xCBF0] =	vst v18;
	v18 =	vadd.f32 v49, v6  }
0x3bc: {  	v52 =	vmul.f32 v46, v11;
	[tilespmem:s29+$0xCC00] =	vst v19;
	v19 =	vadd.f32 v50, v5  }
0x3bd: {  	v53 =	vmul.f32 v46, v10;
	[tilespmem:s29+$0xCC10] =	vst v18;
	v18 =	vadd.f32 v51, v4  }
0x3be: {  	v54 =	vmul.f32 v46, v9;
	v55 =	vbroadcast v17, $0x9;
	[tilespmem:s29+$0xCC20] =	vst v19;
	v19 =	vadd.f32 v52, v3  }
0x3bf: {  	v56 =	vmul.f32 v46, v8;
	[tilespmem:s29+$0xCC30] =	vst v18;
	v18 =	vadd.f32 v53, v2  }
0x3c0: {  	v57 =	vmul.f32 v55, v15;
	[tilespmem:s29+$0xCC40] =	vst v19;
	v19 =	vadd.f32 v54, v1  }
0x3c1: {  	v58 =	vmul.f32 v55, v14;
	[tilespmem:s29+$0xCC50] =	vst v18;
	v18 =	vadd.f32 v56, v0  }
0x3c2: {  	v59 =	vmul.f32 v55, v13;
	[tilespmem:s29+$0xCC60] =	vst v19;
	v19 =	vadd.f32 v57, v7  }
0x3c3: {  	v60 =	vmul.f32 v55, v12;
	[tilespmem:s29+$0xCC70] =	vst v18;
	v18 =	vadd.f32 v58, v6  }
0x3c4: {  	v61 =	vmul.f32 v55, v11;
	[tilespmem:s29+$0xCC80] =	vst v19;
	v19 =	vadd.f32 v59, v5  }
0x3c5: {  	v62 =	vmul.f32 v55, v10;
	[tilespmem:s29+$0xCC90] =	vst v18;
	v18 =	vadd.f32 v60, v4  }
0x3c6: {  	v63 =	vmul.f32 v55, v9;
	v24 =	vbroadcast v17, $0xA;
	[tilespmem:s29+$0xCCA0] =	vst v19;
	v19 =	vadd.f32 v61, v3  }
0x3c7: {  	v25 =	vmul.f32 v55, v8;
	[tilespmem:s29+$0xCCB0] =	vst v18;
	v18 =	vadd.f32 v62, v2  }
0x3c8: {  	v26 =	vmul.f32 v24, v15;
	[tilespmem:s29+$0xCCC0] =	vst v19;
	v19 =	vadd.f32 v63, v1  }
0x3c9: {  	v27 =	vmul.f32 v24, v14;
	[tilespmem:s29+$0xCCD0] =	vst v18;
	v18 =	vadd.f32 v25, v0  }
0x3ca: {  	v28 =	vmul.f32 v24, v13;
	[tilespmem:s29+$0xCCE0] =	vst v19;
	v19 =	vadd.f32 v26, v7  }
0x3cb: {  	v29 =	vmul.f32 v24, v12;
	[tilespmem:s29+$0xCCF0] =	vst v18;
	v18 =	vadd.f32 v27, v6  }
0x3cc: {  	v30 =	vmul.f32 v24, v11;
	[tilespmem:s29+$0xCD00] =	vst v19;
	v19 =	vadd.f32 v28, v5  }
0x3cd: {  	v31 =	vmul.f32 v24, v10;
	[tilespmem:s29+$0xCD10] =	vst v18;
	v18 =	vadd.f32 v29, v4  }
0x3ce: {  	v32 =	vmul.f32 v24, v9;
	v33 =	vbroadcast v17, $0xB;
	[tilespmem:s29+$0xCD20] =	vst v19;
	v19 =	vadd.f32 v30, v3  }
0x3cf: {  	v34 =	vmul.f32 v24, v8;
	[tilespmem:s29+$0xCD30] =	vst v18;
	v18 =	vadd.f32 v31, v2  }
0x3d0: {  	v35 =	vmul.f32 v33, v15;
	[tilespmem:s29+$0xCD40] =	vst v19;
	v19 =	vadd.f32 v32, v1  }
0x3d1: {  	v36 =	vmul.f32 v33, v14;
	[tilespmem:s29+$0xCD50] =	vst v18;
	v18 =	vadd.f32 v34, v0  }
0x3d2: {  	v37 =	vmul.f32 v33, v13;
	[tilespmem:s29+$0xCD60] =	vst v19;
	v19 =	vadd.f32 v35, v7  }
0x3d3: {  	v38 =	vmul.f32 v33, v12;
	[tilespmem:s29+$0xCD70] =	vst v18;
	v18 =	vadd.f32 v36, v6  }
0x3d4: {  	v39 =	vmul.f32 v33, v11;
	[tilespmem:s29+$0xCD80] =	vst v19;
	v19 =	vadd.f32 v37, v5  }
0x3d5: {  	v40 =	vmul.f32 v33, v10;
	[tilespmem:s29+$0xCD90] =	vst v18;
	v18 =	vadd.f32 v38, v4  }
0x3d6: {  	v41 =	vmul.f32 v33, v9;
	v42 =	vbroadcast v17, $0xC;
	[tilespmem:s29+$0xCDA0] =	vst v19;
	v19 =	vadd.f32 v39, v3  }
0x3d7: {  	v43 =	vmul.f32 v33, v8;
	[tilespmem:s29+$0xCDB0] =	vst v18;
	v18 =	vadd.f32 v40, v2  }
0x3d8: {  	v44 =	vmul.f32 v42, v15;
	[tilespmem:s29+$0xCDC0] =	vst v19;
	v19 =	vadd.f32 v41, v1  }
0x3d9: {  	v45 =	vmul.f32 v42, v14;
	[tilespmem:s29+$0xCDD0] =	vst v18;
	v18 =	vadd.f32 v43, v0  }
0x3da: {  	v46 =	vmul.f32 v42, v13;
	[tilespmem:s29+$0xCDE0] =	vst v19;
	v19 =	vadd.f32 v44, v7  }
0x3db: {  	v47 =	vmul.f32 v42, v12;
	[tilespmem:s29+$0xCDF0] =	vst v18;
	v18 =	vadd.f32 v45, v6  }
0x3dc: {  	v48 =	vmul.f32 v42, v11;
	[tilespmem:s29+$0xCE00] =	vst v19;
	v19 =	vadd.f32 v46, v5  }
0x3dd: {  	v49 =	vmul.f32 v42, v10;
	[tilespmem:s29+$0xCE10] =	vst v18;
	v18 =	vadd.f32 v47, v4  }
0x3de: {  	v50 =	vmul.f32 v42, v9;
	v51 =	vbroadcast v17, $0xD;
	[tilespmem:s29+$0xCE20] =	vst v19;
	v19 =	vadd.f32 v48, v3  }
0x3df: {  	v52 =	vmul.f32 v42, v8;
	[tilespmem:s29+$0xCE30] =	vst v18;
	v18 =	vadd.f32 v49, v2  }
0x3e0: {  	v53 =	vmul.f32 v51, v15;
	[tilespmem:s29+$0xCE40] =	vst v19;
	v19 =	vadd.f32 v50, v1  }
0x3e1: {  	v54 =	vmul.f32 v51, v14;
	[tilespmem:s29+$0xCE50] =	vst v18;
	v18 =	vadd.f32 v52, v0  }
0x3e2: {  	v55 =	vmul.f32 v51, v13;
	[tilespmem:s29+$0xCE60] =	vst v19;
	v19 =	vadd.f32 v53, v7  }
0x3e3: {  	v56 =	vmul.f32 v51, v12;
	[tilespmem:s29+$0xCE70] =	vst v18;
	v18 =	vadd.f32 v54, v6  }
0x3e4: {  	v57 =	vmul.f32 v51, v11;
	[tilespmem:s29+$0xCE80] =	vst v19;
	v19 =	vadd.f32 v55, v5  }
0x3e5: {  	v58 =	vmul.f32 v51, v10;
	[tilespmem:s29+$0xCE90] =	vst v18;
	v18 =	vadd.f32 v56, v4  }
0x3e6: {  	v59 =	vmul.f32 v51, v9;
	v60 =	vbroadcast v17, $0xE;
	[tilespmem:s29+$0xCEA0] =	vst v19;
	v19 =	vadd.f32 v57, v3  }
0x3e7: {  	v61 =	vmul.f32 v51, v8;
	[tilespmem:s29+$0xCEB0] =	vst v18;
	v18 =	vadd.f32 v58, v2  }
0x3e8: {  	v62 =	vmul.f32 v60, v15;
	[tilespmem:s29+$0xCEC0] =	vst v19;
	v19 =	vadd.f32 v59, v1  }
0x3e9: {  	v63 =	vmul.f32 v60, v14;
	[tilespmem:s29+$0xCED0] =	vst v18;
	v18 =	vadd.f32 v61, v0  }
0x3ea: {  	v24 =	vmul.f32 v60, v13;
	[tilespmem:s29+$0xCEE0] =	vst v19;
	v19 =	vadd.f32 v62, v7  }
0x3eb: {  	v25 =	vmul.f32 v60, v12;
	[tilespmem:s29+$0xCEF0] =	vst v18;
	v18 =	vadd.f32 v63, v6  }
0x3ec: {  	v26 =	vmul.f32 v60, v11;
	[tilespmem:s29+$0xCF00] =	vst v19;
	v19 =	vadd.f32 v24, v5  }
0x3ed: {  	v27 =	vmul.f32 v60, v10;
	[tilespmem:s29+$0xCF10] =	vst v18;
	v18 =	vadd.f32 v25, v4  }
0x3ee: {  	s30 =	sor.u32 $0x20, s22;
	v28 =	vmul.f32 v60, v9;
	v29 =	vbroadcast v17, $0xF;
	[tilespmem:s29+$0xCF20] =	vst v19;
	v19 =	vadd.f32 v26, v3  }
0x3ef: {  	v17 =	vadd.f32 v27, v2;
	v30 =	vld.idx.msk [tilespmem:v16+s30+$0x0 ss:$0x1], $0xffff;
	[tilespmem:s29+$0xCF30] =	vst v18;
	v18 =	vmul.f32 v60, v8  }
0x3f0: {  	v31 =	vmul.f32 v29, v15;
	[tilespmem:s29+$0xCF40] =	vst v19;
	v19 =	vadd.f32 v28, v1  }
0x3f1: {  	[tilespmem:s29+$0xCF50] =	vst v17;
	v17 =	vadd.f32 v18, v0;
	v18 =	vmul.f32 v29, v14  }
0x3f2: {  	v32 =	vmul.f32 v29, v13;
	[tilespmem:s29+$0xCF60] =	vst v19;
	v19 =	vadd.f32 v31, v7  }
0x3f3: {  	v33 =	vmul.f32 v29, v12;
	[tilespmem:s29+$0xCF70] =	vst v17;
	v18 =	vadd.f32 v18, v6  }
0x3f4: {  	v34 =	vmul.f32 v29, v11;
	v17 =	vcvt.s32.f32 v30;
	[tilespmem:s29+$0xCF80] =	vst v19;
	v19 =	vadd.f32 v32, v5  }
0x3f5: {  	v35 =	vmul.f32 v29, v10;
	[tilespmem:s29+$0xCF90] =	vst v18;
	v18 =	vadd.f32 v33, v4  }
0x3f6: {  	v36 =	vmul.f32 v29, v9;
	v37 =	vbroadcast v17, $0x0;
	[tilespmem:s29+$0xCFA0] =	vst v19;
	v19 =	vadd.f32 v34, v3  }
0x3f7: {  	v38 =	vmul.f32 v29, v8;
	[tilespmem:s29+$0xCFB0] =	vst v18;
	v18 =	vadd.f32 v35, v2  }
0x3f8: {  	v39 =	vmul.f32 v37, v15;
	[tilespmem:s29+$0xCFC0] =	vst v19;
	v19 =	vadd.f32 v36, v1  }
0x3f9: {  	v40 =	vmul.f32 v37, v14;
	[tilespmem:s29+$0xCFD0] =	vst v18;
	v18 =	vadd.f32 v38, v0  }
0x3fa: {  	s24 =	sshll.u32 s30, $0x7;
	v41 =	vmul.f32 v37, v13;
	[tilespmem:s29+$0xCFE0] =	vst v19;
	v19 =	vadd.f32 v39, v7  }
0x3fb: {  	s31 =	sand.u32 $0x3FFFF800, s24;
	v42 =	vmul.f32 v37, v12;
	[tilespmem:s29+$0xCFF0] =	vst v18;
	v18 =	vadd.f32 v40, v6  }
0x3fc: {  	v43 =	vmul.f32 v37, v11;
	[tilespmem:s31+$0xC800] =	vst v19;
	v19 =	vadd.f32 v41, v5  }
0x3fd: {  	v44 =	vmul.f32 v37, v10;
	[tilespmem:s31+$0xC810] =	vst v18;
	v18 =	vadd.f32 v42, v4  }
0x3fe: {  	v46 =	vbroadcast v17, $0x1;
	v45 =	vmul.f32 v37, v9;
	[tilespmem:s31+$0xC820] =	vst v19;
	v19 =	vadd.f32 v43, v3  }
0x3ff: {  	v47 =	vmul.f32 v37, v8;
	[tilespmem:s31+$0xC830] =	vst v18;
	v18 =	vadd.f32 v44, v2  }
0x400: {  	v48 =	vmul.f32 v46, v15;
	[tilespmem:s31+$0xC840] =	vst v19;
	v19 =	vadd.f32 v45, v1  }
0x401: {  	v49 =	vmul.f32 v46, v14;
	[tilespmem:s31+$0xC850] =	vst v18;
	v18 =	vadd.f32 v47, v0  }
0x402: {  	v50 =	vmul.f32 v46, v13;
	[tilespmem:s31+$0xC860] =	vst v19;
	v19 =	vadd.f32 v48, v7  }
0x403: {  	v51 =	vmul.f32 v46, v12;
	[tilespmem:s31+$0xC870] =	vst v18;
	v18 =	vadd.f32 v49, v6  }
0x404: {  	v52 =	vmul.f32 v46, v11;
	[tilespmem:s31+$0xC880] =	vst v19;
	v19 =	vadd.f32 v50, v5  }
0x405: {  	v53 =	vmul.f32 v46, v10;
	[tilespmem:s31+$0xC890] =	vst v18;
	v18 =	vadd.f32 v51, v4  }
0x406: {  	v55 =	vbroadcast v17, $0x2;
	v54 =	vmul.f32 v46, v9;
	[tilespmem:s31+$0xC8A0] =	vst v19;
	v19 =	vadd.f32 v52, v3  }
0x407: {  	v56 =	vmul.f32 v46, v8;
	[tilespmem:s31+$0xC8B0] =	vst v18;
	v18 =	vadd.f32 v53, v2  }
0x408: {  	v57 =	vmul.f32 v55, v15;
	[tilespmem:s31+$0xC8C0] =	vst v19;
	v19 =	vadd.f32 v54, v1  }
0x409: {  	v58 =	vmul.f32 v55, v14;
	[tilespmem:s31+$0xC8D0] =	vst v18;
	v18 =	vadd.f32 v56, v0  }
0x40a: {  	v59 =	vmul.f32 v55, v13;
	[tilespmem:s31+$0xC8E0] =	vst v19;
	v19 =	vadd.f32 v57, v7  }
0x40b: {  	v60 =	vmul.f32 v55, v12;
	[tilespmem:s31+$0xC8F0] =	vst v18;
	v18 =	vadd.f32 v58, v6  }
0x40c: {  	v21 =	vadd.f32 v59, v5;
	[tilespmem:s31+$0xC900] =	vst v19;
	v19 =	vmul.f32 v55, v11  }
0x40d: {  	v61 =	vmul.f32 v55, v10;
	[tilespmem:s31+$0xC910] =	vst v18;
	v18 =	vadd.f32 v60, v4  }
0x40e: {  	v62 =	vbroadcast v17, $0x3;
	v63 =	vmul.f32 v55, v9;
	[tilespmem:s31+$0xC920] =	vst v21;
	v19 =	vadd.f32 v19, v3  }
0x40f: {  	v24 =	vmul.f32 v55, v8;
	[tilespmem:s31+$0xC930] =	vst v18;
	v18 =	vadd.f32 v61, v2  }
0x410: {  	v25 =	vadd.f32 v63, v1;
	[tilespmem:s31+$0xC940] =	vst v19;
	v19 =	vmul.f32 v62, v15  }
0x411: {  	v26 =	vmul.f32 v62, v14;
	[tilespmem:s31+$0xC950] =	vst v18;
	v18 =	vadd.f32 v24, v0  }
0x412: {  	v27 =	vmul.f32 v62, v13;
	[tilespmem:s31+$0xC960] =	vst v25;
	v19 =	vadd.f32 v19, v7  }
0x413: {  	v28 =	vmul.f32 v62, v12;
	[tilespmem:s31+$0xC970] =	vst v18;
	v18 =	vadd.f32 v26, v6  }
0x414: {  	v22 =	vadd.f32 v27, v5;
	[tilespmem:s31+$0xC980] =	vst v19;
	v19 =	vmul.f32 v62, v11  }
0x415: {  	v29 =	vmul.f32 v62, v10;
	[tilespmem:s31+$0xC990] =	vst v18;
	v18 =	vadd.f32 v28, v4  }
0x416: {  	v30 =	vbroadcast v17, $0x4;
	v31 =	vmul.f32 v62, v9;
	[tilespmem:s31+$0xC9A0] =	vst v22;
	v19 =	vadd.f32 v19, v3  }
0x417: {  	v32 =	vmul.f32 v62, v8;
	[tilespmem:s31+$0xC9B0] =	vst v18;
	v18 =	vadd.f32 v29, v2  }
0x418: {  	v33 =	vadd.f32 v31, v1;
	[tilespmem:s31+$0xC9C0] =	vst v19;
	v19 =	vmul.f32 v30, v15  }
0x419: {  	v34 =	vmul.f32 v30, v14;
	[tilespmem:s31+$0xC9D0] =	vst v18;
	v18 =	vadd.f32 v32, v0  }
0x41a: {  	v35 =	vmul.f32 v30, v13;
	[tilespmem:s31+$0xC9E0] =	vst v33;
	v19 =	vadd.f32 v19, v7  }
0x41b: {  	v36 =	vmul.f32 v30, v12;
	[tilespmem:s31+$0xC9F0] =	vst v18;
	v18 =	vadd.f32 v34, v6  }
0x41c: {  	v21 =	vadd.f32 v35, v5;
	[tilespmem:s31+$0xCA00] =	vst v19;
	v19 =	vmul.f32 v30, v11  }
0x41d: {  	v37 =	vmul.f32 v30, v10;
	[tilespmem:s31+$0xCA10] =	vst v18;
	v18 =	vadd.f32 v36, v4  }
0x41e: {  	v38 =	vbroadcast v17, $0x5;
	v39 =	vmul.f32 v30, v9;
	[tilespmem:s31+$0xCA20] =	vst v21;
	v19 =	vadd.f32 v19, v3  }
0x41f: {  	v40 =	vmul.f32 v30, v8;
	[tilespmem:s31+$0xCA30] =	vst v18;
	v18 =	vadd.f32 v37, v2  }
0x420: {  	v41 =	vadd.f32 v39, v1;
	[tilespmem:s31+$0xCA40] =	vst v19;
	v19 =	vmul.f32 v38, v15  }
0x421: {  	v42 =	vmul.f32 v38, v14;
	[tilespmem:s31+$0xCA50] =	vst v18;
	v18 =	vadd.f32 v40, v0  }
0x422: {  	[tilespmem:s31+$0xCA60] =	vst v41;
	v43 =	vmul.f32 v38, v13;
	v19 =	vadd.f32 v19, v7  }
0x423: {  	v44 =	vmul.f32 v38, v12;
	[tilespmem:s31+$0xCA70] =	vst v18;
	v18 =	vadd.f32 v42, v6  }
0x424: {  	v22 =	vadd.f32 v43, v5;
	[tilespmem:s31+$0xCA80] =	vst v19;
	v19 =	vmul.f32 v38, v11  }
0x425: {  	v45 =	vmul.f32 v38, v10;
	[tilespmem:s31+$0xCA90] =	vst v18;
	v18 =	vadd.f32 v44, v4  }
0x426: {  	v46 =	vbroadcast v17, $0x6;
	v47 =	vmul.f32 v38, v9;
	[tilespmem:s31+$0xCAA0] =	vst v22;
	v19 =	vadd.f32 v19, v3  }
0x427: {  	v48 =	vmul.f32 v38, v8;
	[tilespmem:s31+$0xCAB0] =	vst v18;
	v18 =	vadd.f32 v45, v2  }
0x428: {  	v49 =	vadd.f32 v47, v1;
	[tilespmem:s31+$0xCAC0] =	vst v19;
	v19 =	vmul.f32 v46, v15  }
0x429: {  	v50 =	vmul.f32 v46, v14;
	[tilespmem:s31+$0xCAD0] =	vst v18;
	v18 =	vadd.f32 v48, v0  }
0x42a: {  	[tilespmem:s31+$0xCAE0] =	vst v49;
	v51 =	vmul.f32 v46, v13;
	v19 =	vadd.f32 v19, v7  }
0x42b: {  	v52 =	vmul.f32 v46, v12;
	[tilespmem:s31+$0xCAF0] =	vst v18;
	v18 =	vadd.f32 v50, v6  }
0x42c: {  	v21 =	vadd.f32 v51, v5;
	v54 =	vbroadcast v17, $0x7;
	[tilespmem:s31+$0xCB00] =	vst v19;
	v19 =	vmul.f32 v46, v11  }
0x42d: {  	v53 =	vmul.f32 v46, v10;
	[tilespmem:s31+$0xCB10] =	vst v18;
	v18 =	vadd.f32 v52, v4  }
0x42e: {  	[tilespmem:s31+$0xCB20] =	vst v21;
	v59 =	vmul.f32 v54, v13;
	v19 =	vadd.f32 v19, v3  }
0x42f: {  	v56 =	vmul.f32 v46, v8;
	[tilespmem:s31+$0xCB30] =	vst v18;
	v18 =	vadd.f32 v53, v2  }
0x430: {  	v22 =	vadd.f32 v59, v5;
	[tilespmem:s31+$0xCB40] =	vst v19;
	v19 =	vmul.f32 v54, v15  }
0x431: {  	v58 =	vmul.f32 v54, v14;
	[tilespmem:s31+$0xCB50] =	vst v18;
	v18 =	vadd.f32 v56, v0  }
0x432: {  	v63 =	vmul.f32 v54, v9;
	[tilespmem:s31+$0xCBA0] =	vst v22;
	v19 =	vadd.f32 v19, v7  }
0x433: {  	v60 =	vmul.f32 v54, v12;
	[tilespmem:s31+$0xCB70] =	vst v18;
	v18 =	vadd.f32 v58, v6  }
0x434: {  	v25 =	vadd.f32 v63, v1;
	[tilespmem:s31+$0xCB80] =	vst v19;
	v19 =	vmul.f32 v54, v11  }
0x435: {  	v61 =	vmul.f32 v54, v10;
	[tilespmem:s31+$0xCB90] =	vst v18;
	v18 =	vadd.f32 v60, v4  }
0x436: {  	v55 =	vmul.f32 v46, v9;
	[tilespmem:s31+$0xCBE0] =	vst v25;
	v62 =	vbroadcast v17, $0x8;
	v19 =	vadd.f32 v19, v3  }
0x437: {  	v24 =	vmul.f32 v54, v8;
	[tilespmem:s31+$0xCBB0] =	vst v18;
	v18 =	vadd.f32 v61, v2  }
0x438: {  	v57 =	vadd.f32 v55, v1;
	[tilespmem:s31+$0xCBC0] =	vst v19;
	v19 =	vmul.f32 v62, v15  }
0x439: {  	v26 =	vmul.f32 v62, v14;
	[tilespmem:s31+$0xCBD0] =	vst v18;
	v18 =	vadd.f32 v24, v0  }
0x43a: {  	[tilespmem:s31+$0xCB60] =	vst v57;
	v27 =	vmul.f32 v62, v13;
	v19 =	vadd.f32 v19, v7  }
0x43b: {  	v28 =	vmul.f32 v62, v12;
	[tilespmem:s31+$0xCBF0] =	vst v18;
	v18 =	vadd.f32 v26, v6  }
0x43c: {  	v21 =	vadd.f32 v27, v5;
	[tilespmem:s31+$0xCC00] =	vst v19;
	v19 =	vmul.f32 v62, v11  }
0x43d: {  	v29 =	vmul.f32 v62, v10;
	[tilespmem:s31+$0xCC10] =	vst v18;
	v18 =	vadd.f32 v28, v4  }
0x43e: {  	v31 =	vmul.f32 v62, v9;
	[tilespmem:s31+$0xCC20] =	vst v21;
	v30 =	vbroadcast v17, $0x9;
	v19 =	vadd.f32 v19, v3  }
0x43f: {  	v32 =	vmul.f32 v62, v8;
	[tilespmem:s31+$0xCC30] =	vst v18;
	v18 =	vadd.f32 v29, v2  }
0x440: {  	v33 =	vadd.f32 v31, v1;
	[tilespmem:s31+$0xCC40] =	vst v19;
	v19 =	vmul.f32 v30, v15  }
0x441: {  	v34 =	vmul.f32 v30, v14;
	[tilespmem:s31+$0xCC50] =	vst v18;
	v18 =	vadd.f32 v32, v0  }
0x442: {  	[tilespmem:s31+$0xCC60] =	vst v33;
	v35 =	vmul.f32 v30, v13;
	v19 =	vadd.f32 v19, v7  }
0x443: {  	v36 =	vmul.f32 v30, v12;
	[tilespmem:s31+$0xCC70] =	vst v18;
	v18 =	vadd.f32 v34, v6  }
0x444: {  	v22 =	vadd.f32 v35, v5;
	[tilespmem:s31+$0xCC80] =	vst v19;
	v19 =	vmul.f32 v30, v11  }
0x445: {  	v37 =	vmul.f32 v30, v10;
	[tilespmem:s31+$0xCC90] =	vst v18;
	v18 =	vadd.f32 v36, v4  }
0x446: {  	v39 =	vmul.f32 v30, v9;
	[tilespmem:s31+$0xCCA0] =	vst v22;
	v38 =	vbroadcast v17, $0xA;
	v19 =	vadd.f32 v19, v3  }
0x447: {  	v40 =	vmul.f32 v30, v8;
	[tilespmem:s31+$0xCCB0] =	vst v18;
	v18 =	vadd.f32 v37, v2  }
0x448: {  	v41 =	vadd.f32 v39, v1;
	[tilespmem:s31+$0xCCC0] =	vst v19;
	v19 =	vmul.f32 v38, v15  }
0x449: {  	v42 =	vmul.f32 v38, v14;
	[tilespmem:s31+$0xCCD0] =	vst v18;
	v18 =	vadd.f32 v40, v0  }
0x44a: {  	[tilespmem:s31+$0xCCE0] =	vst v41;
	v43 =	vmul.f32 v38, v13;
	v19 =	vadd.f32 v19, v7  }
0x44b: {  	v44 =	vmul.f32 v38, v12;
	[tilespmem:s31+$0xCCF0] =	vst v18;
	v18 =	vadd.f32 v42, v6  }
0x44c: {  	v21 =	vadd.f32 v43, v5;
	[tilespmem:s31+$0xCD00] =	vst v19;
	v19 =	vmul.f32 v38, v11  }
0x44d: {  	v45 =	vmul.f32 v38, v10;
	[tilespmem:s31+$0xCD10] =	vst v18;
	v18 =	vadd.f32 v44, v4  }
0x44e: {  	v47 =	vmul.f32 v38, v9;
	[tilespmem:s31+$0xCD20] =	vst v21;
	v46 =	vbroadcast v17, $0xB;
	v19 =	vadd.f32 v19, v3  }
0x44f: {  	v48 =	vmul.f32 v38, v8;
	[tilespmem:s31+$0xCD30] =	vst v18;
	v18 =	vadd.f32 v45, v2  }
0x450: {  	v49 =	vadd.f32 v47, v1;
	[tilespmem:s31+$0xCD40] =	vst v19;
	v19 =	vmul.f32 v46, v15  }
0x451: {  	v50 =	vmul.f32 v46, v14;
	[tilespmem:s31+$0xCD50] =	vst v18;
	v18 =	vadd.f32 v48, v0  }
0x452: {  	[tilespmem:s31+$0xCD60] =	vst v49;
	v51 =	vmul.f32 v46, v13;
	v19 =	vadd.f32 v19, v7  }
0x453: {  	v52 =	vmul.f32 v46, v12;
	[tilespmem:s31+$0xCD70] =	vst v18;
	v18 =	vadd.f32 v50, v6  }
0x454: {  	v22 =	vadd.f32 v51, v5;
	[tilespmem:s31+$0xCD80] =	vst v19;
	v19 =	vmul.f32 v46, v11  }
0x455: {  	v53 =	vmul.f32 v46, v10;
	[tilespmem:s31+$0xCD90] =	vst v18;
	v18 =	vadd.f32 v52, v4  }
0x456: {  	v55 =	vmul.f32 v46, v9;
	[tilespmem:s31+$0xCDA0] =	vst v22;
	v54 =	vbroadcast v17, $0xC;
	v19 =	vadd.f32 v19, v3  }
0x457: {  	v56 =	vmul.f32 v46, v8;
	[tilespmem:s31+$0xCDB0] =	vst v18;
	v18 =	vadd.f32 v53, v2  }
0x458: {  	v57 =	vadd.f32 v55, v1;
	[tilespmem:s31+$0xCDC0] =	vst v19;
	v19 =	vmul.f32 v54, v15  }
0x459: {  	v58 =	vmul.f32 v54, v14;
	[tilespmem:s31+$0xCDD0] =	vst v18;
	v18 =	vadd.f32 v56, v0  }
0x45a: {  	[tilespmem:s31+$0xCDE0] =	vst v57;
	v59 =	vmul.f32 v54, v13;
	v19 =	vadd.f32 v19, v7  }
0x45b: {  	v60 =	vmul.f32 v54, v12;
	[tilespmem:s31+$0xCDF0] =	vst v18;
	v18 =	vadd.f32 v58, v6  }
0x45c: {  	v21 =	vadd.f32 v59, v5;
	[tilespmem:s31+$0xCE00] =	vst v19;
	v19 =	vmul.f32 v54, v11  }
0x45d: {  	v61 =	vmul.f32 v54, v10;
	[tilespmem:s31+$0xCE10] =	vst v18;
	v18 =	vadd.f32 v60, v4  }
0x45e: {  	v63 =	vmul.f32 v54, v9;
	[tilespmem:s31+$0xCE20] =	vst v21;
	v62 =	vbroadcast v17, $0xD;
	v19 =	vadd.f32 v19, v3  }
0x45f: {  	v24 =	vmul.f32 v54, v8;
	[tilespmem:s31+$0xCE30] =	vst v18;
	v18 =	vadd.f32 v61, v2  }
0x460: {  	v25 =	vadd.f32 v63, v1;
	[tilespmem:s31+$0xCE40] =	vst v19;
	v19 =	vmul.f32 v62, v15  }
0x461: {  	v26 =	vmul.f32 v62, v14;
	[tilespmem:s31+$0xCE50] =	vst v18;
	v18 =	vadd.f32 v24, v0  }
0x462: {  	[tilespmem:s31+$0xCE60] =	vst v25;
	v27 =	vmul.f32 v62, v13;
	v19 =	vadd.f32 v19, v7  }
0x463: {  	v28 =	vmul.f32 v62, v12;
	[tilespmem:s31+$0xCE70] =	vst v18;
	v18 =	vadd.f32 v26, v6  }
0x464: {  	v22 =	vadd.f32 v27, v5;
	[tilespmem:s31+$0xCE80] =	vst v19;
	v19 =	vmul.f32 v62, v11  }
0x465: {  	v29 =	vmul.f32 v62, v10;
	[tilespmem:s31+$0xCE90] =	vst v18;
	v18 =	vadd.f32 v28, v4  }
0x466: {  	v31 =	vmul.f32 v62, v9;
	[tilespmem:s31+$0xCEA0] =	vst v22;
	v30 =	vbroadcast v17, $0xE;
	v19 =	vadd.f32 v19, v3  }
0x467: {  	v32 =	vmul.f32 v62, v8;
	[tilespmem:s31+$0xCEB0] =	vst v18;
	v18 =	vadd.f32 v29, v2  }
0x468: {  	v33 =	vadd.f32 v31, v1;
	[tilespmem:s31+$0xCEC0] =	vst v19;
	v19 =	vmul.f32 v30, v15  }
0x469: {  	v34 =	vmul.f32 v30, v14;
	[tilespmem:s31+$0xCED0] =	vst v18;
	v18 =	vadd.f32 v32, v0  }
0x46a: {  	[tilespmem:s31+$0xCEE0] =	vst v33;
	v35 =	vmul.f32 v30, v13;
	v19 =	vadd.f32 v19, v7  }
0x46b: {  	v36 =	vmul.f32 v30, v12;
	[tilespmem:s31+$0xCEF0] =	vst v18;
	v18 =	vadd.f32 v34, v6  }
0x46c: {  	v21 =	vadd.f32 v35, v5;
	[tilespmem:s31+$0xCF00] =	vst v19;
	v19 =	vmul.f32 v30, v11  }
0x46d: {  	v37 =	vmul.f32 v30, v10;
	[tilespmem:s31+$0xCF10] =	vst v18;
	v18 =	vadd.f32 v36, v4  }
0x46e: {  	s22 =	sor.u32 $0x30, s22;
	[tilespmem:s31+$0xCF20] =	vst v21;
	v38 =	vbroadcast v17, $0xF;
	v17 =	vmul.f32 v30, v9;
	v19 =	vadd.f32 v19, v3  }
0x46f: {  	v39 =	vmul.f32 v30, v8;
	v40 =	vadd.f32 v37, v2;
	[tilespmem:s31+$0xCF30] =	vst v18;
	v18 =	vld.idx.msk [tilespmem:v16+s22+$0x0 ss:$0x1], $0xffff  }
0x470: {  	v17 =	vadd.f32 v17, v1;
	[tilespmem:s31+$0xCF40] =	vst v19;
	v19 =	vmul.f32 v38, v15  }
0x471: {  	[tilespmem:s31+$0xCF50] =	vst v40;
	v21 =	vadd.f32 v39, v0;
	v41 =	vmul.f32 v38, v14  }
0x472: {  	[tilespmem:s31+$0xCF60] =	vst v17;
	v17 =	vadd.f32 v19, v7;
	v19 =	vmul.f32 v38, v13  }
0x473: {  	[tilespmem:s31+$0xCF70] =	vst v21;
	v43 =	vmul.f32 v38, v12;
	v42 =	vadd.f32 v41, v6  }
0x474: {  	v19 =	vadd.f32 v19, v5;
	[tilespmem:s31+$0xCF80] =	vst v17;
	v17 =	vcvt.s32.f32 v18;
	v18 =	vmul.f32 v38, v11  }
0x475: {  	v45 =	vmul.f32 v38, v10;
	v44 =	vadd.f32 v43, v4;
	[tilespmem:s31+$0xCF90] =	vst v42  }
0x476: {  	v20 =	vmul.f32 v38, v8;
	v18 =	vadd.f32 v18, v3;
	[tilespmem:s31+$0xCFA0] =	vst v19;
	v19 =	vbroadcast v17, $0x0  }
0x477: {  	v47 =	vadd.f32 v45, v2;
	[tilespmem:s31+$0xCFB0] =	vst v44;
	v46 =	vmul.f32 v38, v9  }
0x478: {  	v20 =	vadd.f32 v20, v0;
	[tilespmem:s31+$0xCFC0] =	vst v18;
	v18 =	vmul.f32 v19, v15  }
0x479: {  	[tilespmem:s31+$0xCFD0] =	vst v47;
	v48 =	vadd.f32 v46, v1;
	v49 =	vmul.f32 v19, v14  }
0x47a: {  	[tilespmem:s31+$0xCFF0] =	vst v20;
	s22 =	sshll.u32 s22, $0x7;
	v50 =	vmul.f32 v19, v13;
	v18 =	vadd.f32 v18, v7  }
0x47b: {  	[tilespmem:s31+$0xCFE0] =	vst v48;
	s22 =	sand.u32 $0x3FFFF800, s22;
	v51 =	vmul.f32 v19, v12;
	v21 =	vadd.f32 v49, v6  }
0x47c: {  	v52 =	vmul.f32 v19, v10;
	v22 =	vadd.f32 v50, v5;
	[tilespmem:s22+$0xC800] =	vst v18  }
0x47d: {  	v53 =	vbroadcast v17, $0x1;
	v20 =	vadd.f32 v51, v4;
	v18 =	vmul.f32 v19, v11;
	[tilespmem:s22+$0xC810] =	vst v21  }
0x47e: {  	v54 =	vmul.f32 v19, v9;
	v55 =	vadd.f32 v52, v2;
	[tilespmem:s22+$0xC820] =	vst v22;
	v19 =	vmul.f32 v19, v8  }
0x47f: {  	[tilespmem:s22+$0xC830] =	vst v20;
	v18 =	vadd.f32 v18, v3  }
0x480: {  	v57 =	vmul.f32 v53, v14;
	[tilespmem:s22+$0xC850] =	vst v55;
	v19 =	vadd.f32 v19, v0  }
0x481: {  	v56 =	vadd.f32 v54, v1;
	[tilespmem:s22+$0xC840] =	vst v18;
	v18 =	vmul.f32 v53, v15  }
0x482: {  	v20 =	vadd.f32 v57, v6;
	[tilespmem:s22+$0xC870] =	vst v19;
	v19 =	vmul.f32 v53, v12  }
0x483: {  	v61 =	vmul.f32 v53, v9;
	[tilespmem:s22+$0xC860] =	vst v56;
	v18 =	vadd.f32 v18, v7  }
0x484: {  	v59 =	vmul.f32 v53, v10;
	[tilespmem:s22+$0xC890] =	vst v20;
	v19 =	vadd.f32 v19, v4  }
0x485: {  	v60 =	vbroadcast v17, $0x2;
	v62 =	vadd.f32 v61, v1;
	[tilespmem:s22+$0xC880] =	vst v18;
	v18 =	vmul.f32 v53, v11  }
0x486: {  	v20 =	vadd.f32 v59, v2;
	[tilespmem:s22+$0xC8B0] =	vst v19;
	v19 =	vmul.f32 v53, v8  }
0x487: {  	v27 =	vmul.f32 v60, v9;
	[tilespmem:s22+$0xC8E0] =	vst v62;
	v18 =	vadd.f32 v18, v3  }
0x488: {  	v63 =	vmul.f32 v60, v14;
	[tilespmem:s22+$0xC8D0] =	vst v20;
	v19 =	vadd.f32 v19, v0  }
0x489: {  	v26 =	vbroadcast v17, $0x3;
	v28 =	vadd.f32 v27, v1;
	[tilespmem:s22+$0xC8C0] =	vst v18;
	v18 =	vmul.f32 v60, v15  }
0x48a: {  	v20 =	vadd.f32 v63, v6;
	[tilespmem:s22+$0xC8F0] =	vst v19;
	v19 =	vmul.f32 v60, v12  }
0x48b: {  	v33 =	vmul.f32 v26, v9;
	[tilespmem:s22+$0xC960] =	vst v28;
	v18 =	vadd.f32 v18, v7  }
0x48c: {  	v25 =	vmul.f32 v60, v10;
	[tilespmem:s22+$0xC910] =	vst v20;
	v19 =	vadd.f32 v19, v4  }
0x48d: {  	v32 =	vbroadcast v17, $0x4;
	v34 =	vadd.f32 v33, v1;
	[tilespmem:s22+$0xC900] =	vst v18;
	v18 =	vmul.f32 v60, v11  }
0x48e: {  	v20 =	vadd.f32 v25, v2;
	[tilespmem:s22+$0xC930] =	vst v19;
	v19 =	vmul.f32 v60, v8  }
0x48f: {  	v39 =	vmul.f32 v32, v9;
	[tilespmem:s22+$0xC9E0] =	vst v34;
	v18 =	vadd.f32 v18, v3  }
0x490: {  	v29 =	vmul.f32 v26, v14;
	[tilespmem:s22+$0xC950] =	vst v20;
	v19 =	vadd.f32 v19, v0  }
0x491: {  	v38 =	vbroadcast v17, $0x5;
	v40 =	vadd.f32 v39, v1;
	[tilespmem:s22+$0xC940] =	vst v18;
	v18 =	vmul.f32 v26, v15  }
0x492: {  	v20 =	vadd.f32 v29, v6;
	[tilespmem:s22+$0xC970] =	vst v19;
	v19 =	vmul.f32 v26, v12  }
0x493: {  	v45 =	vmul.f32 v38, v9;
	[tilespmem:s22+$0xCA60] =	vst v40;
	v18 =	vadd.f32 v18, v7  }
0x494: {  	v31 =	vmul.f32 v26, v10;
	[tilespmem:s22+$0xC990] =	vst v20;
	v19 =	vadd.f32 v19, v4  }
0x495: {  	v46 =	vadd.f32 v45, v1;
	[tilespmem:s22+$0xC980] =	vst v18;
	v18 =	vmul.f32 v26, v11  }
0x496: {  	v20 =	vadd.f32 v31, v2;
	[tilespmem:s22+$0xC9B0] =	vst v19;
	v19 =	vmul.f32 v26, v8  }
0x497: {  	v58 =	vmul.f32 v53, v13;
	[tilespmem:s22+$0xCAE0] =	vst v46;
	v18 =	vadd.f32 v18, v3  }
0x498: {  	v35 =	vmul.f32 v32, v14;
	[tilespmem:s22+$0xC9D0] =	vst v20;
	v19 =	vadd.f32 v19, v0  }
0x499: {  	v21 =	vadd.f32 v58, v5;
	[tilespmem:s22+$0xC9C0] =	vst v18;
	v18 =	vmul.f32 v32, v15  }
0x49a: {  	v20 =	vadd.f32 v35, v6;
	[tilespmem:s22+$0xC9F0] =	vst v19;
	v19 =	vmul.f32 v32, v12  }
0x49b: {  	v24 =	vmul.f32 v60, v13;
	[tilespmem:s22+$0xC8A0] =	vst v21;
	v18 =	vadd.f32 v18, v7  }
0x49c: {  	v37 =	vmul.f32 v32, v10;
	[tilespmem:s22+$0xCA10] =	vst v20;
	v19 =	vadd.f32 v19, v4  }
0x49d: {  	v44 =	vbroadcast v17, $0x6;
	v22 =	vadd.f32 v24, v5;
	[tilespmem:s22+$0xCA00] =	vst v18;
	v18 =	vmul.f32 v32, v11  }
0x49e: {  	v20 =	vadd.f32 v37, v2;
	[tilespmem:s22+$0xCA30] =	vst v19;
	v19 =	vmul.f32 v32, v8  }
0x49f: {  	v51 =	vmul.f32 v44, v9;
	[tilespmem:s22+$0xC920] =	vst v22;
	v18 =	vadd.f32 v18, v3  }
0x4a0: {  	v41 =	vmul.f32 v38, v14;
	[tilespmem:s22+$0xCA50] =	vst v20;
	v19 =	vadd.f32 v19, v0  }
0x4a1: {  	v52 =	vadd.f32 v51, v1;
	[tilespmem:s22+$0xCA40] =	vst v18;
	v18 =	vmul.f32 v38, v15  }
0x4a2: {  	v20 =	vadd.f32 v41, v6;
	[tilespmem:s22+$0xCA70] =	vst v19;
	v19 =	vmul.f32 v38, v12  }
0x4a3: {  	v30 =	vmul.f32 v26, v13;
	[tilespmem:s22+$0xCB60] =	vst v52;
	v18 =	vadd.f32 v18, v7  }
0x4a4: {  	v43 =	vmul.f32 v38, v10;
	[tilespmem:s22+$0xCA90] =	vst v20;
	v19 =	vadd.f32 v19, v4  }
0x4a5: {  	v21 =	vadd.f32 v30, v5;
	[tilespmem:s22+$0xCA80] =	vst v18;
	v18 =	vmul.f32 v38, v11  }
0x4a6: {  	v20 =	vadd.f32 v43, v2;
	[tilespmem:s22+$0xCAB0] =	vst v19;
	v19 =	vmul.f32 v38, v8  }
0x4a7: {  	v36 =	vmul.f32 v32, v13;
	[tilespmem:s22+$0xC9A0] =	vst v21;
	v18 =	vadd.f32 v18, v3  }
0x4a8: {  	v47 =	vmul.f32 v44, v14;
	[tilespmem:s22+$0xCAD0] =	vst v20;
	v19 =	vadd.f32 v19, v0  }
0x4a9: {  	v50 =	vbroadcast v17, $0x7;
	v22 =	vadd.f32 v36, v5;
	[tilespmem:s22+$0xCAC0] =	vst v18;
	v18 =	vmul.f32 v44, v15  }
0x4aa: {  	v20 =	vadd.f32 v47, v6;
	[tilespmem:s22+$0xCAF0] =	vst v19;
	v19 =	vmul.f32 v44, v12  }
0x4ab: {  	v57 =	vmul.f32 v50, v9;
	[tilespmem:s22+$0xCA20] =	vst v22;
	v18 =	vadd.f32 v18, v7  }
0x4ac: {  	v49 =	vmul.f32 v44, v10;
	[tilespmem:s22+$0xCB10] =	vst v20;
	v19 =	vadd.f32 v19, v4  }
0x4ad: {  	v58 =	vadd.f32 v57, v1;
	[tilespmem:s22+$0xCB00] =	vst v18;
	v18 =	vmul.f32 v44, v11  }
0x4ae: {  	v20 =	vadd.f32 v49, v2;
	[tilespmem:s22+$0xCB30] =	vst v19;
	v19 =	vmul.f32 v44, v8  }
0x4af: {  	v42 =	vmul.f32 v38, v13;
	[tilespmem:s22+$0xCBE0] =	vst v58;
	v18 =	vadd.f32 v18, v3  }
0x4b0: {  	v53 =	vmul.f32 v50, v14;
	[tilespmem:s22+$0xCB50] =	vst v20;
	v19 =	vadd.f32 v19, v0  }
0x4b1: {  	v21 =	vadd.f32 v42, v5;
	[tilespmem:s22+$0xCB40] =	vst v18;
	v18 =	vmul.f32 v50, v15  }
0x4b2: {  	v20 =	vadd.f32 v53, v6;
	[tilespmem:s22+$0xCB70] =	vst v19;
	v19 =	vmul.f32 v50, v12  }
0x4b3: {  	v48 =	vmul.f32 v44, v13;
	[tilespmem:s22+$0xCAA0] =	vst v21;
	v18 =	vadd.f32 v18, v7  }
0x4b4: {  	v55 =	vmul.f32 v50, v10;
	[tilespmem:s22+$0xCB90] =	vst v20;
	v19 =	vadd.f32 v19, v4  }
0x4b5: {  	v22 =	vadd.f32 v48, v5;
	[tilespmem:s22+$0xCB80] =	vst v18;
	v18 =	vmul.f32 v50, v11  }
0x4b6: {  	v56 =	vbroadcast v17, $0x8;
	v20 =	vadd.f32 v55, v2;
	[tilespmem:s22+$0xCBB0] =	vst v19;
	v19 =	vmul.f32 v50, v8  }
0x4b7: {  	v54 =	vmul.f32 v50, v13;
	[tilespmem:s22+$0xCB20] =	vst v22;
	v18 =	vadd.f32 v18, v3  }
0x4b8: {  	v59 =	vmul.f32 v56, v14;
	[tilespmem:s22+$0xCBD0] =	vst v20;
	v19 =	vadd.f32 v19, v0  }
0x4b9: {  	v21 =	vadd.f32 v54, v5;
	[tilespmem:s22+$0xCBC0] =	vst v18;
	v18 =	vmul.f32 v56, v15  }
0x4ba: {  	v20 =	vadd.f32 v59, v6;
	[tilespmem:s22+$0xCBF0] =	vst v19;
	v19 =	vmul.f32 v56, v12  }
0x4bb: {  	v63 =	vmul.f32 v56, v9;
	[tilespmem:s22+$0xCBA0] =	vst v21;
	v18 =	vadd.f32 v18, v7  }
0x4bc: {  	v61 =	vmul.f32 v56, v10;
	[tilespmem:s22+$0xCC10] =	vst v20;
	v19 =	vadd.f32 v19, v4  }
0x4bd: {  	v62 =	vbroadcast v17, $0x9;
	v24 =	vadd.f32 v63, v1;
	[tilespmem:s22+$0xCC00] =	vst v18;
	v18 =	vmul.f32 v56, v11  }
0x4be: {  	v20 =	vadd.f32 v61, v2;
	[tilespmem:s22+$0xCC30] =	vst v19;
	v19 =	vmul.f32 v56, v8  }
0x4bf: {  	[tilespmem:s22+$0xCC60] =	vst v24;
	v29 =	vmul.f32 v62, v9;
	v18 =	vadd.f32 v18, v3  }
0x4c0: {  	v25 =	vmul.f32 v62, v14;
	[tilespmem:s22+$0xCC50] =	vst v20;
	v19 =	vadd.f32 v19, v0  }
0x4c1: {  	v28 =	vbroadcast v17, $0xA;
	v30 =	vadd.f32 v29, v1;
	[tilespmem:s22+$0xCC40] =	vst v18;
	v18 =	vmul.f32 v62, v15  }
0x4c2: {  	v20 =	vadd.f32 v25, v6;
	[tilespmem:s22+$0xCC70] =	vst v19;
	v19 =	vmul.f32 v62, v12  }
0x4c3: {  	[tilespmem:s22+$0xCCE0] =	vst v30;
	v35 =	vmul.f32 v28, v9;
	v18 =	vadd.f32 v18, v7  }
0x4c4: {  	v27 =	vmul.f32 v62, v10;
	[tilespmem:s22+$0xCC90] =	vst v20;
	v19 =	vadd.f32 v19, v4  }
0x4c5: {  	v36 =	vadd.f32 v35, v1;
	[tilespmem:s22+$0xCC80] =	vst v18;
	v18 =	vmul.f32 v62, v11  }
0x4c6: {  	v20 =	vadd.f32 v27, v2;
	[tilespmem:s22+$0xCCB0] =	vst v19;
	v19 =	vmul.f32 v62, v8  }
0x4c7: {  	v60 =	vmul.f32 v56, v13;
	[tilespmem:s22+$0xCD60] =	vst v36;
	v18 =	vadd.f32 v18, v3  }
0x4c8: {  	v31 =	vmul.f32 v28, v14;
	[tilespmem:s22+$0xCCD0] =	vst v20;
	v19 =	vadd.f32 v19, v0  }
0x4c9: {  	v34 =	vbroadcast v17, $0xB;
	v22 =	vadd.f32 v60, v5;
	[tilespmem:s22+$0xCCC0] =	vst v18;
	v18 =	vmul.f32 v28, v15  }
0x4ca: {  	v20 =	vadd.f32 v31, v6;
	[tilespmem:s22+$0xCCF0] =	vst v19;
	v19 =	vmul.f32 v28, v12  }
0x4cb: {  	v41 =	vmul.f32 v34, v9;
	[tilespmem:s22+$0xCC20] =	vst v22;
	v18 =	vadd.f32 v18, v7  }
0x4cc: {  	v33 =	vmul.f32 v28, v10;
	[tilespmem:s22+$0xCD10] =	vst v20;
	v19 =	vadd.f32 v19, v4  }
0x4cd: {  	v40 =	vbroadcast v17, $0xC;
	v42 =	vadd.f32 v41, v1;
	[tilespmem:s22+$0xCD00] =	vst v18;
	v18 =	vmul.f32 v28, v11  }
0x4ce: {  	v20 =	vadd.f32 v33, v2;
	[tilespmem:s22+$0xCD30] =	vst v19;
	v19 =	vmul.f32 v28, v8  }
0x4cf: {  	[tilespmem:s22+$0xCDE0] =	vst v42;
	v47 =	vmul.f32 v40, v9;
	v18 =	vadd.f32 v18, v3  }
0x4d0: {  	v37 =	vmul.f32 v34, v14;
	[tilespmem:s22+$0xCD50] =	vst v20;
	v19 =	vadd.f32 v19, v0  }
0x4d1: {  	v48 =	vadd.f32 v47, v1;
	[tilespmem:s22+$0xCD40] =	vst v18;
	v18 =	vmul.f32 v34, v15  }
0x4d2: {  	v20 =	vadd.f32 v37, v6;
	[tilespmem:s22+$0xCD70] =	vst v19;
	v19 =	vmul.f32 v34, v12  }
0x4d3: {  	v26 =	vmul.f32 v62, v13;
	[tilespmem:s22+$0xCE60] =	vst v48;
	v18 =	vadd.f32 v18, v7  }
0x4d4: {  	v39 =	vmul.f32 v34, v10;
	[tilespmem:s22+$0xCD90] =	vst v20;
	v19 =	vadd.f32 v19, v4  }
0x4d5: {  	v46 =	vbroadcast v17, $0xD;
	v21 =	vadd.f32 v26, v5;
	[tilespmem:s22+$0xCD80] =	vst v18;
	v18 =	vmul.f32 v34, v11  }
0x4d6: {  	v20 =	vadd.f32 v39, v2;
	[tilespmem:s22+$0xCDB0] =	vst v19;
	v19 =	vmul.f32 v34, v8  }
0x4d7: {  	v53 =	vmul.f32 v46, v9;
	[tilespmem:s22+$0xCCA0] =	vst v21;
	v18 =	vadd.f32 v18, v3  }
0x4d8: {  	v43 =	vmul.f32 v40, v14;
	[tilespmem:s22+$0xCDD0] =	vst v20;
	v19 =	vadd.f32 v19, v0  }
0x4d9: {  	v52 =	vbroadcast v17, $0xE;
	v54 =	vadd.f32 v53, v1;
	[tilespmem:s22+$0xCDC0] =	vst v18;
	v18 =	vmul.f32 v40, v15  }
0x4da: {  	v20 =	vadd.f32 v43, v6;
	[tilespmem:s22+$0xCDF0] =	vst v19;
	v19 =	vmul.f32 v40, v12  }
0x4db: {  	v58 =	vmul.f32 v52, v9;
	[tilespmem:s22+$0xCEE0] =	vst v54;
	v18 =	vadd.f32 v18, v7  }
0x4dc: {  	v45 =	vmul.f32 v40, v10;
	[tilespmem:s22+$0xCE10] =	vst v20;
	v19 =	vadd.f32 v19, v4  }
0x4dd: {  	v59 =	vadd.f32 v58, v1;
	[tilespmem:s22+$0xCE00] =	vst v18;
	v18 =	vmul.f32 v40, v11  }
0x4de: {  	v20 =	vadd.f32 v45, v2;
	[tilespmem:s22+$0xCE30] =	vst v19;
	v19 =	vmul.f32 v40, v8  }
0x4df: {  	v32 =	vmul.f32 v28, v13;
	[tilespmem:s22+$0xCF60] =	vst v59;
	v18 =	vadd.f32 v18, v3  }
0x4e0: {  	v49 =	vmul.f32 v46, v14;
	[tilespmem:s22+$0xCE50] =	vst v20;
	v19 =	vadd.f32 v19, v0  }
0x4e1: {  	v22 =	vadd.f32 v32, v5;
	[tilespmem:s22+$0xCE40] =	vst v18;
	v18 =	vmul.f32 v46, v15  }
0x4e2: {  	v20 =	vadd.f32 v49, v6;
	[tilespmem:s22+$0xCE70] =	vst v19;
	v19 =	vmul.f32 v46, v12  }
0x4e3: {  	[tilespmem:s22+$0xCD20] =	vst v22;
	v38 =	vmul.f32 v34, v13;
	v18 =	vadd.f32 v18, v7  }
0x4e4: {  	v51 =	vmul.f32 v46, v10;
	[tilespmem:s22+$0xCE90] =	vst v20;
	v19 =	vadd.f32 v19, v4  }
0x4e5: {  	v21 =	vadd.f32 v38, v5;
	[tilespmem:s22+$0xCE80] =	vst v18;
	v18 =	vmul.f32 v46, v11  }
0x4e6: {  	v20 =	vadd.f32 v51, v2;
	[tilespmem:s22+$0xCEB0] =	vst v19;
	v19 =	vmul.f32 v46, v8  }
0x4e7: {  	[tilespmem:s22+$0xCDA0] =	vst v21;
	v44 =	vmul.f32 v40, v13;
	v18 =	vadd.f32 v18, v3  }
0x4e8: {  	v55 =	vmul.f32 v52, v14;
	[tilespmem:s22+$0xCED0] =	vst v20;
	v19 =	vadd.f32 v19, v0  }
0x4e9: {  	v22 =	vadd.f32 v44, v5;
	[tilespmem:s22+$0xCEC0] =	vst v18;
	v18 =	vmul.f32 v52, v15  }
0x4ea: {  	v20 =	vadd.f32 v55, v6;
	[tilespmem:s22+$0xCEF0] =	vst v19;
	v19 =	vmul.f32 v52, v12  }
0x4eb: {  	v57 =	vmul.f32 v52, v10;
	[tilespmem:s22+$0xCE20] =	vst v22;
	v18 =	vadd.f32 v18, v7  }
0x4ec: {  	[tilespmem:s22+$0xCF10] =	vst v20;
	v50 =	vmul.f32 v46, v13;
	v19 =	vadd.f32 v19, v4  }
0x4ed: {  	v17 =	vbroadcast v17, $0xF;
	v20 =	vadd.f32 v57, v2;
	[tilespmem:s22+$0xCF00] =	vst v18;
	v18 =	vmul.f32 v52, v11  }
0x4ee: {  	v21 =	vadd.f32 v50, v5;
	[tilespmem:s22+$0xCF30] =	vst v19;
	v19 =	vmul.f32 v52, v8  }
0x4ef: {  	v60 =	vmul.f32 v17, v14;
	[tilespmem:s22+$0xCF50] =	vst v20;
	v18 =	vadd.f32 v18, v3  }
0x4f0: {  	v61 =	vmul.f32 v17, v13;
	[tilespmem:s22+$0xCEA0] =	vst v21;
	v19 =	vadd.f32 v19, v0  }
0x4f1: {  	v20 =	vadd.f32 v60, v6;
	[tilespmem:s22+$0xCF40] =	vst v18;
	v18 =	vmul.f32 v17, v15  }
0x4f2: {  	v21 =	vadd.f32 v61, v5;
	[tilespmem:s22+$0xCF70] =	vst v19;
	v19 =	vmul.f32 v17, v12  }
0x4f3: {  	[tilespmem:s22+$0xCF90] =	vst v20;
	v56 =	vmul.f32 v52, v13;
	v18 =	vadd.f32 v18, v7  }
0x4f4: {  	[tilespmem:s22+$0xCFA0] =	vst v21;
	v62 =	vmul.f32 v17, v10;
	v19 =	vadd.f32 v19, v4  }
0x4f5: {  	v22 =	vadd.f32 v56, v5;
	[tilespmem:s22+$0xCF80] =	vst v18;
	v18 =	vmul.f32 v17, v11  }
0x4f6: {  	p0 =	slt.u32 s21, $0x8;
	v63 =	vmul.f32 v17, v9;
	[tilespmem:s22+$0xCFB0] =	vst v19;
	v19 =	vadd.f32 v62, v2;
	v17 =	vmul.f32 v17, v8  }
.Ltmp6:
0x4f7: {  	[tilespmem:s22+$0xCF20] =	vst v22;
	v18 =	vadd.f32 v18, v3;
	(pc) =	sbr.rel @p0 .LBB2_10-.Ltmp6, $4  }
0x4f8: {  	[tilespmem:s22+$0xCFD0] =	vst v19;
	v17 =	vadd.f32 v17, v0  }
0x4f9: {  	[tilespmem:s22+$0xCFC0] =	vst v18;
	v18 =	vadd.f32 v63, v1  }
0x4fa: {  	[tilespmem:s22+$0xCFF0] =	vst v17  }
0x4fb: {  	s21 =	sadd.s32 $0x4, s21;
	[tilespmem:s22+$0xCFE0] =	vst v18  }
0x4fc: {  	s21 =	sadd.s32 $0x180, s20  }
0x4fd: {  	s31 =	sand.u32 $0x70, s20;
	s21 =	sand.u32 $0xFF80, s21  }
0x4fe: {  	s20 =	sor.u32 s31, s21  }
0x4ff: {  	v16 =	vld [tilespmem:s20+$0x0];
	_ =	sdelay $0x4  }
0x500: {  	v16 =	vcvt.s32.f32 v16;
	_ =	sdelay $0x1  }
0x501: {  	v17 =	vbroadcast v16, $0x0;
	_ =	sdelay $0x1  }
0x502: {  	v18 =	vmul.f32 v17, v15  }
0x503: {  	v19 =	vmul.f32 v17, v14  }
0x504: {  	v20 =	vmul.f32 v17, v13;
	v18 =	vadd.f32 v18, v7  }
0x505: {  	v21 =	vmul.f32 v17, v12;
	v19 =	vadd.f32 v19, v6  }
0x506: {  	v44 =	vmul.f32 v17, v11;
	v43 =	vadd.f32 v20, v5;
	[tilespmem:$0x12400] =	vst v18  }
0x507: {  	v46 =	vmul.f32 v17, v10;
	v45 =	vadd.f32 v21, v4;
	[tilespmem:$0x12410] =	vst v19  }
0x508: {  	v22 =	vbroadcast v16, $0x1;
	v48 =	vmul.f32 v17, v9;
	v47 =	vadd.f32 v44, v3;
	[tilespmem:$0x12420] =	vst v43  }
0x509: {  	v17 =	vmul.f32 v17, v8;
	v49 =	vadd.f32 v46, v2;
	[tilespmem:$0x12430] =	vst v45  }
0x50a: {  	v51 =	vmul.f32 v22, v15;
	v50 =	vadd.f32 v48, v1;
	[tilespmem:$0x12440] =	vst v47  }
0x50b: {  	v52 =	vmul.f32 v22, v14;
	v17 =	vadd.f32 v17, v0;
	[tilespmem:$0x12450] =	vst v49  }
0x50c: {  	v54 =	vmul.f32 v22, v13;
	v53 =	vadd.f32 v51, v7;
	[tilespmem:$0x12460] =	vst v50  }
0x50d: {  	v56 =	vmul.f32 v22, v12;
	v55 =	vadd.f32 v52, v6;
	[tilespmem:$0x12470] =	vst v17  }
0x50e: {  	v58 =	vmul.f32 v22, v11;
	v57 =	vadd.f32 v54, v5;
	[tilespmem:$0x12480] =	vst v53  }
0x50f: {  	v60 =	vmul.f32 v22, v10;
	v59 =	vadd.f32 v56, v4;
	[tilespmem:$0x12490] =	vst v55  }
0x510: {  	v63 =	vbroadcast v16, $0x2;
	v62 =	vmul.f32 v22, v9;
	v61 =	vadd.f32 v58, v3;
	[tilespmem:$0x124A0] =	vst v57  }
0x511: {  	v25 =	vmul.f32 v22, v8;
	v24 =	vadd.f32 v60, v2;
	[tilespmem:$0x124B0] =	vst v59  }
0x512: {  	v27 =	vmul.f32 v63, v15;
	v26 =	vadd.f32 v62, v1;
	[tilespmem:$0x124C0] =	vst v61  }
0x513: {  	v29 =	vmul.f32 v63, v14;
	v28 =	vadd.f32 v25, v0;
	[tilespmem:$0x124D0] =	vst v24  }
0x514: {  	v31 =	vmul.f32 v63, v13;
	v30 =	vadd.f32 v27, v7;
	[tilespmem:$0x124E0] =	vst v26  }
0x515: {  	v33 =	vmul.f32 v63, v12;
	v32 =	vadd.f32 v29, v6;
	[tilespmem:$0x124F0] =	vst v28  }
0x516: {  	v35 =	vmul.f32 v63, v11;
	v34 =	vadd.f32 v31, v5;
	[tilespmem:$0x12500] =	vst v30  }
0x517: {  	v37 =	vmul.f32 v63, v10;
	v36 =	vadd.f32 v33, v4;
	[tilespmem:$0x12510] =	vst v32  }
0x518: {  	v40 =	vbroadcast v16, $0x3;
	v39 =	vmul.f32 v63, v9;
	v38 =	vadd.f32 v35, v3;
	[tilespmem:$0x12520] =	vst v34  }
0x519: {  	v42 =	vmul.f32 v63, v8;
	v41 =	vadd.f32 v37, v2;
	[tilespmem:$0x12530] =	vst v36  }
0x51a: {  	v44 =	vmul.f32 v40, v15;
	[tilespmem:$0x12540] =	vst v38;
	v43 =	vadd.f32 v39, v1  }
0x51b: {  	v46 =	vmul.f32 v40, v14;
	[tilespmem:$0x12550] =	vst v41;
	v45 =	vadd.f32 v42, v0  }
0x51c: {  	v48 =	vmul.f32 v40, v13;
	v47 =	vadd.f32 v44, v7;
	[tilespmem:$0x12560] =	vst v43  }
0x51d: {  	v52 =	vmul.f32 v40, v11;
	v49 =	vadd.f32 v46, v6;
	[tilespmem:$0x12570] =	vst v45  }
0x51e: {  	v54 =	vmul.f32 v40, v10;
	v51 =	vadd.f32 v48, v5;
	[tilespmem:$0x12580] =	vst v47  }
0x51f: {  	v56 =	vmul.f32 v40, v9;
	v55 =	vadd.f32 v52, v3;
	[tilespmem:$0x12590] =	vst v49  }
0x520: {  	v50 =	vmul.f32 v40, v12;
	v57 =	vbroadcast v16, $0x4;
	v58 =	vadd.f32 v54, v2;
	[tilespmem:$0x125A0] =	vst v51  }
0x521: {  	v59 =	vmul.f32 v40, v8;
	v60 =	vadd.f32 v56, v1;
	[tilespmem:$0x125C0] =	vst v55  }
0x522: {  	v53 =	vadd.f32 v50, v4;
	v61 =	vmul.f32 v57, v15;
	[tilespmem:$0x125D0] =	vst v58  }
0x523: {  	v62 =	vadd.f32 v59, v0;
	v63 =	vmul.f32 v57, v14;
	[tilespmem:$0x125E0] =	vst v60  }
0x524: {  	v25 =	vmul.f32 v57, v13;
	[tilespmem:$0x125B0] =	vst v53;
	v24 =	vadd.f32 v61, v7  }
0x525: {  	v27 =	vmul.f32 v57, v12;
	[tilespmem:$0x125F0] =	vst v62;
	v26 =	vadd.f32 v63, v6  }
0x526: {  	v29 =	vmul.f32 v57, v11;
	v28 =	vadd.f32 v25, v5;
	[tilespmem:$0x12600] =	vst v24  }
0x527: {  	v31 =	vmul.f32 v57, v10;
	v30 =	vadd.f32 v27, v4;
	[tilespmem:$0x12610] =	vst v26  }
0x528: {  	v34 =	vbroadcast v16, $0x5;
	v33 =	vmul.f32 v57, v9;
	v32 =	vadd.f32 v29, v3;
	[tilespmem:$0x12620] =	vst v28  }
0x529: {  	v36 =	vmul.f32 v57, v8;
	v35 =	vadd.f32 v31, v2;
	[tilespmem:$0x12630] =	vst v30  }
0x52a: {  	v38 =	vmul.f32 v34, v15;
	v37 =	vadd.f32 v33, v1;
	[tilespmem:$0x12640] =	vst v32  }
0x52b: {  	v40 =	vmul.f32 v34, v14;
	v39 =	vadd.f32 v36, v0;
	[tilespmem:$0x12650] =	vst v35  }
0x52c: {  	v42 =	vmul.f32 v34, v13;
	v41 =	vadd.f32 v38, v7;
	[tilespmem:$0x12660] =	vst v37  }
0x52d: {  	v44 =	vmul.f32 v34, v12;
	v43 =	vadd.f32 v40, v6;
	[tilespmem:$0x12670] =	vst v39  }
0x52e: {  	v46 =	vmul.f32 v34, v11;
	v45 =	vadd.f32 v42, v5;
	[tilespmem:$0x12680] =	vst v41  }
0x52f: {  	v48 =	vmul.f32 v34, v10;
	v47 =	vadd.f32 v44, v4;
	[tilespmem:$0x12690] =	vst v43  }
0x530: {  	v50 =	vmul.f32 v34, v9;
	v51 =	vbroadcast v16, $0x6;
	v49 =	vadd.f32 v46, v3;
	[tilespmem:$0x126A0] =	vst v45  }
0x531: {  	v52 =	vadd.f32 v48, v2;
	v53 =	vmul.f32 v34, v8;
	[tilespmem:$0x126B0] =	vst v47  }
0x532: {  	v54 =	vadd.f32 v50, v1;
	v55 =	vmul.f32 v51, v15;
	[tilespmem:$0x126C0] =	vst v49  }
0x533: {  	v57 =	vmul.f32 v51, v14;
	[tilespmem:$0x126D0] =	vst v52;
	v56 =	vadd.f32 v53, v0  }
0x534: {  	v59 =	vmul.f32 v51, v13;
	[tilespmem:$0x126E0] =	vst v54;
	v58 =	vadd.f32 v55, v7  }
0x535: {  	v61 =	vmul.f32 v51, v12;
	v60 =	vadd.f32 v57, v6;
	[tilespmem:$0x126F0] =	vst v56  }
0x536: {  	v63 =	vmul.f32 v51, v11;
	v62 =	vadd.f32 v59, v5;
	[tilespmem:$0x12700] =	vst v58  }
0x537: {  	v25 =	vmul.f32 v51, v10;
	v24 =	vadd.f32 v61, v4;
	[tilespmem:$0x12710] =	vst v60  }
0x538: {  	v27 =	vmul.f32 v51, v9;
	v26 =	vadd.f32 v63, v3;
	v28 =	vbroadcast v16, $0x7;
	[tilespmem:$0x12720] =	vst v62  }
0x539: {  	v29 =	vadd.f32 v25, v2;
	v30 =	vmul.f32 v51, v8;
	[tilespmem:$0x12730] =	vst v24  }
0x53a: {  	v31 =	vadd.f32 v27, v1;
	[tilespmem:$0x12740] =	vst v26;
	v32 =	vmul.f32 v28, v15  }
0x53b: {  	[tilespmem:$0x12750] =	vst v29;
	v33 =	vadd.f32 v30, v0;
	v34 =	vmul.f32 v28, v14  }
0x53c: {  	[tilespmem:$0x12760] =	vst v31;
	v36 =	vmul.f32 v28, v13;
	v35 =	vadd.f32 v32, v7  }
0x53d: {  	v38 =	vmul.f32 v28, v12;
	[tilespmem:$0x12770] =	vst v33;
	v37 =	vadd.f32 v34, v6  }
0x53e: {  	v40 =	vmul.f32 v28, v11;
	v39 =	vadd.f32 v36, v5;
	[tilespmem:$0x12780] =	vst v35  }
0x53f: {  	v42 =	vmul.f32 v28, v10;
	v41 =	vadd.f32 v38, v4;
	[tilespmem:$0x12790] =	vst v37  }
0x540: {  	v45 =	vbroadcast v16, $0x8;
	v44 =	vmul.f32 v28, v9;
	v43 =	vadd.f32 v40, v3;
	[tilespmem:$0x127A0] =	vst v39  }
0x541: {  	v47 =	vmul.f32 v28, v8;
	v46 =	vadd.f32 v42, v2;
	[tilespmem:$0x127B0] =	vst v41  }
0x542: {  	v49 =	vmul.f32 v45, v15;
	v48 =	vadd.f32 v44, v1;
	[tilespmem:$0x127C0] =	vst v43  }
0x543: {  	v51 =	vmul.f32 v45, v14;
	v50 =	vadd.f32 v47, v0;
	[tilespmem:$0x127D0] =	vst v46  }
0x544: {  	v53 =	vmul.f32 v45, v13;
	v52 =	vadd.f32 v49, v7;
	[tilespmem:$0x127E0] =	vst v48  }
0x545: {  	v55 =	vmul.f32 v45, v12;
	v54 =	vadd.f32 v51, v6;
	[tilespmem:$0x127F0] =	vst v50  }
0x546: {  	v57 =	vmul.f32 v45, v11;
	v56 =	vadd.f32 v53, v5;
	[tilespmem:$0x12800] =	vst v52  }
0x547: {  	v59 =	vmul.f32 v45, v10;
	v58 =	vadd.f32 v55, v4;
	[tilespmem:$0x12810] =	vst v54  }
0x548: {  	v61 =	vmul.f32 v45, v9;
	v62 =	vbroadcast v16, $0x9;
	v60 =	vadd.f32 v57, v3;
	[tilespmem:$0x12820] =	vst v56  }
0x549: {  	v24 =	vmul.f32 v45, v8;
	v63 =	vadd.f32 v59, v2;
	[tilespmem:$0x12830] =	vst v58  }
0x54a: {  	v25 =	vadd.f32 v61, v1;
	v26 =	vmul.f32 v62, v15;
	[tilespmem:$0x12840] =	vst v60  }
0x54b: {  	v27 =	vadd.f32 v24, v0;
	v28 =	vmul.f32 v62, v14;
	[tilespmem:$0x12850] =	vst v63  }
0x54c: {  	v30 =	vmul.f32 v62, v13;
	[tilespmem:$0x12860] =	vst v25;
	v29 =	vadd.f32 v26, v7  }
0x54d: {  	v32 =	vmul.f32 v62, v12;
	[tilespmem:$0x12870] =	vst v27;
	v31 =	vadd.f32 v28, v6  }
0x54e: {  	v34 =	vmul.f32 v62, v11;
	v33 =	vadd.f32 v30, v5;
	[tilespmem:$0x12880] =	vst v29  }
0x54f: {  	v36 =	vmul.f32 v62, v10;
	v35 =	vadd.f32 v32, v4;
	[tilespmem:$0x12890] =	vst v31  }
0x550: {  	v38 =	vmul.f32 v62, v9;
	v37 =	vadd.f32 v34, v3;
	v39 =	vbroadcast v16, $0xA;
	[tilespmem:$0x128A0] =	vst v33  }
0x551: {  	v40 =	vadd.f32 v36, v2;
	v41 =	vmul.f32 v62, v8;
	[tilespmem:$0x128B0] =	vst v35  }
0x552: {  	v42 =	vadd.f32 v38, v1;
	[tilespmem:$0x128C0] =	vst v37;
	v43 =	vmul.f32 v39, v15  }
0x553: {  	[tilespmem:$0x128D0] =	vst v40;
	v44 =	vadd.f32 v41, v0;
	v45 =	vmul.f32 v39, v14  }
0x554: {  	[tilespmem:$0x128E0] =	vst v42;
	v47 =	vmul.f32 v39, v13;
	v46 =	vadd.f32 v43, v7  }
0x555: {  	v49 =	vmul.f32 v39, v12;
	[tilespmem:$0x128F0] =	vst v44;
	v48 =	vadd.f32 v45, v6  }
0x556: {  	v51 =	vmul.f32 v39, v11;
	v50 =	vadd.f32 v47, v5;
	[tilespmem:$0x12900] =	vst v46  }
0x557: {  	v53 =	vmul.f32 v39, v10;
	v52 =	vadd.f32 v49, v4;
	[tilespmem:$0x12910] =	vst v48  }
0x558: {  	v56 =	vbroadcast v16, $0xB;
	v55 =	vmul.f32 v39, v9;
	v54 =	vadd.f32 v51, v3;
	[tilespmem:$0x12920] =	vst v50  }
0x559: {  	v58 =	vmul.f32 v39, v8;
	v57 =	vadd.f32 v53, v2;
	[tilespmem:$0x12930] =	vst v52  }
0x55a: {  	v60 =	vmul.f32 v56, v15;
	v59 =	vadd.f32 v55, v1;
	[tilespmem:$0x12940] =	vst v54  }
0x55b: {  	v62 =	vmul.f32 v56, v14;
	v61 =	vadd.f32 v58, v0;
	[tilespmem:$0x12950] =	vst v57  }
0x55c: {  	v24 =	vmul.f32 v56, v13;
	v63 =	vadd.f32 v60, v7;
	[tilespmem:$0x12960] =	vst v59  }
0x55d: {  	v26 =	vmul.f32 v56, v12;
	v25 =	vadd.f32 v62, v6;
	[tilespmem:$0x12970] =	vst v61  }
0x55e: {  	v28 =	vmul.f32 v56, v11;
	v27 =	vadd.f32 v24, v5;
	[tilespmem:$0x12980] =	vst v63  }
0x55f: {  	v30 =	vmul.f32 v56, v10;
	v29 =	vadd.f32 v26, v4;
	[tilespmem:$0x12990] =	vst v25  }
0x560: {  	v32 =	vmul.f32 v56, v9;
	v33 =	vbroadcast v16, $0xC;
	v31 =	vadd.f32 v28, v3;
	[tilespmem:$0x129A0] =	vst v27  }
0x561: {  	v35 =	vmul.f32 v56, v8;
	v34 =	vadd.f32 v30, v2;
	[tilespmem:$0x129B0] =	vst v29  }
0x562: {  	v36 =	vadd.f32 v32, v1;
	v37 =	vmul.f32 v33, v15;
	[tilespmem:$0x129C0] =	vst v31  }
0x563: {  	v38 =	vadd.f32 v35, v0;
	v39 =	vmul.f32 v33, v14;
	[tilespmem:$0x129D0] =	vst v34  }
0x564: {  	v41 =	vmul.f32 v33, v13;
	[tilespmem:$0x129E0] =	vst v36;
	v40 =	vadd.f32 v37, v7  }
0x565: {  	v43 =	vmul.f32 v33, v12;
	[tilespmem:$0x129F0] =	vst v38;
	v42 =	vadd.f32 v39, v6  }
0x566: {  	v45 =	vmul.f32 v33, v11;
	v44 =	vadd.f32 v41, v5;
	[tilespmem:$0x12A00] =	vst v40  }
0x567: {  	v47 =	vmul.f32 v33, v10;
	v46 =	vadd.f32 v43, v4;
	[tilespmem:$0x12A10] =	vst v42  }
0x568: {  	v49 =	vmul.f32 v33, v9;
	v48 =	vadd.f32 v45, v3;
	v50 =	vbroadcast v16, $0xD;
	[tilespmem:$0x12A20] =	vst v44  }
0x569: {  	v51 =	vadd.f32 v47, v2;
	v52 =	vmul.f32 v33, v8;
	[tilespmem:$0x12A30] =	vst v46  }
0x56a: {  	v53 =	vadd.f32 v49, v1;
	[tilespmem:$0x12A40] =	vst v48;
	v54 =	vmul.f32 v50, v15  }
0x56b: {  	[tilespmem:$0x12A50] =	vst v51;
	v55 =	vadd.f32 v52, v0;
	v56 =	vmul.f32 v50, v14  }
0x56c: {  	[tilespmem:$0x12A60] =	vst v53;
	v58 =	vmul.f32 v50, v13;
	v57 =	vadd.f32 v54, v7  }
0x56d: {  	v60 =	vmul.f32 v50, v12;
	[tilespmem:$0x12A70] =	vst v55;
	v59 =	vadd.f32 v56, v6  }
0x56e: {  	v62 =	vmul.f32 v50, v11;
	v61 =	vadd.f32 v58, v5;
	[tilespmem:$0x12A80] =	vst v57  }
0x56f: {  	v24 =	vmul.f32 v50, v10;
	v63 =	vadd.f32 v60, v4;
	[tilespmem:$0x12A90] =	vst v59  }
0x570: {  	v27 =	vbroadcast v16, $0xE;
	v26 =	vmul.f32 v50, v9;
	v25 =	vadd.f32 v62, v3;
	[tilespmem:$0x12AA0] =	vst v61  }
0x571: {  	v29 =	vmul.f32 v50, v8;
	v28 =	vadd.f32 v24, v2;
	[tilespmem:$0x12AB0] =	vst v63  }
0x572: {  	v31 =	vmul.f32 v27, v15;
	v30 =	vadd.f32 v26, v1;
	[tilespmem:$0x12AC0] =	vst v25  }
0x573: {  	v33 =	vmul.f32 v27, v14;
	v32 =	vadd.f32 v29, v0;
	[tilespmem:$0x12AD0] =	vst v28  }
0x574: {  	v35 =	vmul.f32 v27, v13;
	v34 =	vadd.f32 v31, v7;
	[tilespmem:$0x12AE0] =	vst v30  }
0x575: {  	v37 =	vmul.f32 v27, v12;
	v36 =	vadd.f32 v33, v6;
	[tilespmem:$0x12AF0] =	vst v32  }
0x576: {  	v39 =	vmul.f32 v27, v11;
	v38 =	vadd.f32 v35, v5;
	[tilespmem:$0x12B00] =	vst v34  }
0x577: {  	v41 =	vmul.f32 v27, v10;
	v40 =	vadd.f32 v37, v4;
	[tilespmem:$0x12B10] =	vst v36  }
0x578: {  	v16 =	vbroadcast v16, $0xF;
	v43 =	vmul.f32 v27, v9;
	v42 =	vadd.f32 v39, v3;
	[tilespmem:$0x12B20] =	vst v38  }
0x579: {  	v45 =	vmul.f32 v27, v8;
	v44 =	vadd.f32 v41, v2;
	[tilespmem:$0x12B30] =	vst v40  }
0x57a: {  	v47 =	vmul.f32 v16, v15;
	v46 =	vadd.f32 v43, v1;
	[tilespmem:$0x12B40] =	vst v42  }
0x57b: {  	v49 =	vmul.f32 v16, v14;
	v48 =	vadd.f32 v45, v0;
	[tilespmem:$0x12B50] =	vst v44  }
0x57c: {  	v51 =	vmul.f32 v16, v13;
	v50 =	vadd.f32 v47, v7;
	[tilespmem:$0x12B60] =	vst v46  }
0x57d: {  	v53 =	vmul.f32 v16, v12;
	v52 =	vadd.f32 v49, v6;
	[tilespmem:$0x12B70] =	vst v48  }
0x57e: {  	v54 =	vadd.f32 v51, v5;
	v55 =	vmul.f32 v16, v11;
	[tilespmem:$0x12B80] =	vst v50  }
0x57f: {  	v56 =	vadd.f32 v53, v4;
	[tilespmem:$0x12B90] =	vst v52;
	v57 =	vmul.f32 v16, v10  }
0x580: {  	s18 =	sadd.s32 $0x1, s18;
	[tilespmem:$0x12BA0] =	vst v54;
	v58 =	vadd.f32 v55, v3;
	v59 =	vmul.f32 v16, v9  }
0x581: {  	s19 =	smul.u32 $0x6400, s19;
	p0 =	sne.s32 s18, $0x100;
	[tilespmem:$0x12BB0] =	vst v56;
	v61 =	vmul.f32 v16, v8;
	v60 =	vadd.f32 v57, v2  }
.Ltmp7:
0x582: {  	[tilespmem:$0x12BC0] =	vst v58;
	v62 =	vadd.f32 v59, v1;
	(pc) =	sbr.rel @p0 .LBB2_2-.Ltmp7, $4  }
.Ltmp8:
0x583: {  	s19 =	sshrl.u32 s19, $0x3;
	v63 =	vadd.f32 v61, v0;
	[tilespmem:$0x12BD0] =	vst v60;
	(pc) =	sbr.rel @!p0 .LBB2_12-.Ltmp8, $4  }
0x584: {  	s19 =	sadd.s32 s2, s19;
	[tilespmem:$0x12BE0] =	vst v62  }
0x585: {  	s19 =	sadd.s32 $0xC80, s19;
	[tilespmem:$0x12BF0] =	vst v63  }
0x586: {  	[hbm4b:s19+s3] =	stream.linear.scatter [tilespmem:s14], [sflag:$0x4], $0x6400, $0x38;
	[tilespmem:$0x12D00] =	vst v63  }
0x587: {  	_ = 	snop  }
.LBB2_6:
.Ltmp9:
0x588: {  	(pc) =	sbr.rel .LBB2_7-.Ltmp9, $2  }
0x589: {  	_ =	sdelay $0x2  }
0x58a: {  	p0 =	por $0x1, $0x1  }
.LBB2_13:
0x58b: {  	_ =	sfence.sel $0x180000  }
0x58c: {  	[bflag:$0x0] =	sbarrier.arrive $0xFFFF  }
0x58d: {  	p0 =	sne.s32 s1, $0x0;
	_ =	strace $0x90000047  }
0x58e: {  	s0 =	sadd.s32 @!p0 $0x100000, s0;
	[bflag:$0x2] =	sbarrier.arrive $0xFFFF  }
0x58f: {  	[sflag:s0] =	ssyncadd.tile.s32 @!p0 $0x1;
	_ =	shalt  }
.Lfunc_end2:
_tile_overlayer_lowered:
.L_overlay_start_2:
0x590: {  	(tag) =	ssettag $0x2  }
0x591: {  	s0 =	rddreg [dreg:$0x0];
	s2 =	stileid.u32  }
0x592: {  	s1 =	rddreg [dreg:$0x1];
	p0 =	sne.s32 s2, $0x0  }
0x593: {  	s3 =	rddreg [dreg:$0x2];
	[bflag:$0x3] =	sbarrier.arrive $0xFFFF;
	s2 =	simm.s32 @!p0 $0x1C05  }
0x594: {  	[timem:s3], [sflag:s2] =	dma.local @!p0 [hbm:s0], s1  }
0x595: {  	s0 =	simm.s32 @!p0 $0x5  }
0x596: {  	_ =	swait.ge @!p0 [sflag:s0], s1  }
0x597: {  	s1 =	ssub.s32 @!p0 $0x0, s1;
	[sflag:s0] =	ssyncset.done @!p0 $0x0  }
0x598: {  	[sflag:s0] =	ssyncadd.s32 @!p0 s1  }
0x599: {  	[bflag:$0x3] =	sbarrier.arrive $0xFFFF  }
0x59a: {  	_ =	shalt  }

</sc_bundles>
